<compile_context>
chip_gen: v7x
topology: tpu7x:2x2x1
jax: 0.10.2.dev20260603
libtpu: 0.0.44.dev20260713+nightly
codegen_flags: <defaults>
</compile_context>

<pallas_src>
import functools

import jax
import jax.numpy as jnp
from jax import lax
from jax.experimental import pallas as pl
from jax.experimental.pallas import tpu as pltpu
from jax.experimental.pallas import tpu_sc as plsc

_N = 10000
_E = 320000
_D = 128
_NT = 32
_CH = 128
_GB = 16
_K = _GB * (-(-_E // (_NT * _CH * _GB)))
_KG = _K // _GB
_EP = _NT * _K * _CH
_NP = 10240
_RPT = _NP // 16
_NS = _RPT // _CH
_HR = _NP // _D
_L = 16

_f32 = jnp.float32


def _agg_body(h_hbm, srcm, dstm, z128, acc_out,
              src_v, dst_v, rows0, rows1,
              acc_sh, sem_g0, sem_g1, sem_s0, sem_s1):
    c = lax.axis_index("c")
    s = lax.axis_index("s")
    base = s * _RPT
    rows = (rows0, rows1)
    sem_g = (sem_g0, sem_g1)
    sem_s = (sem_s0, sem_s1)
    start = (s * 2 + c) * _K

    pltpu.sync_copy(z128, rows0)
    for i in range(_NS):
        pltpu.sync_copy(rows0, acc_sh.at[pl.ds(base + i * _CH, _CH)])
    plsc.subcore_barrier()

    @pl.loop(0, _KG)
    def _group(g):
        pltpu.sync_copy(srcm.at[pl.ds(start + g * _GB, _GB)], src_v)
        pltpu.sync_copy(dstm.at[pl.ds(start + g * _GB, _GB)], dst_v)
        gat = [None, None]
        sca = [None, None]
        gat[0] = pltpu.async_copy(h_hbm.at[src_v.at[0]], rows[0], sem_g[0])
        for j in range(_GB):
            b = j & 1
            nb = b ^ 1
            if j + 1 < _GB:
                if sca[nb] is not None:
                    sca[nb].wait()
                gat[nb] = pltpu.async_copy(
                    h_hbm.at[src_v.at[j + 1]], rows[nb], sem_g[nb])
            gat[b].wait()
            sca[b] = pltpu.async_copy(
                rows[b], acc_sh.at[dst_v.at[j]], sem_s[b], add=True)
        sca[0].wait()
        sca[1].wait()

    plsc.subcore_barrier()
    for i in range(_NS):
        pltpu.sync_copy(acc_sh.at[pl.ds(base + i * _CH, _CH)], rows0)
        pltpu.sync_copy(rows0, acc_out.at[c, pl.ds(base + i * _CH, _CH)])


def _deg_body(dstm, z128, ones128, deg_out, dst_v, ones_v, acc_sh):
    c = lax.axis_index("c")
    s = lax.axis_index("s")
    t = s * 2 + c
    base = s * _RPT

    pltpu.sync_copy(z128, ones_v)
    for i in range(_NS):
        pltpu.sync_copy(ones_v, acc_sh.at[pl.ds(base + i * _CH, _CH)])
    pltpu.sync_copy(ones128, ones_v)
    plsc.subcore_barrier()

    @pl.loop(0, _KG)
    def _group(g):
        pltpu.sync_copy(dstm.at[pl.ds((t * _KG + g) * _GB, _GB)], dst_v)
        for j in range(_GB):
            pltpu.sync_copy(ones_v, acc_sh.at[dst_v.at[j]], add=True)

    plsc.subcore_barrier()
    for i in range(_NS):
        pltpu.sync_copy(acc_sh.at[pl.ds(base + i * _CH, _CH)], ones_v)
        pltpu.sync_copy(ones_v, deg_out.at[c, pl.ds(base + i * _CH, _CH)])


_sc_mesh = plsc.VectorSubcoreMesh(core_axis_name="c", subcore_axis_name="s")

_agg = pl.kernel(
    _agg_body,
    out_type=jax.ShapeDtypeStruct((2, _NP, _D), _f32),
    mesh=_sc_mesh,
    scratch_types=[
        pltpu.VMEM((_GB, _CH), jnp.int32),
        pltpu.VMEM((_GB, _CH), jnp.int32),
        pltpu.VMEM((_CH, _D), _f32),
        pltpu.VMEM((_CH, _D), _f32),
        pltpu.VMEM_SHARED((_NP, _D), _f32),
        pltpu.SemaphoreType.DMA,
        pltpu.SemaphoreType.DMA,
        pltpu.SemaphoreType.DMA,
        pltpu.SemaphoreType.DMA,
    ],
)

_deg_count = pl.kernel(
    _deg_body,
    out_type=jax.ShapeDtypeStruct((2, _NP, _D), _f32),
    mesh=_sc_mesh,
    scratch_types=[
        pltpu.VMEM((_GB, _CH), jnp.int32),
        pltpu.VMEM((_CH, _D), _f32),
        pltpu.VMEM_SHARED((_NP, _D), _f32),
    ],
)


_BN = 2048
_BH = _BN // _D


def _log1p_body(x_ref, o_ref):
    o_ref[...] = jnp.log(x_ref[...] + 1.0)


def _neigh_mean(acc_ref, deg_ref):
    a = acc_ref[0] + acc_ref[1]
    deg = deg_ref[0, :, 0:1] + deg_ref[1, :, 0:1]
    return a / jnp.maximum(deg, 1.0)


def _dense1_body(h_ref, acc_ref, deg_ref, ws_ref, wn_ref, b_ref, o_ref):
    hn = _neigh_mean(acc_ref, deg_ref)
    z = (jnp.dot(h_ref[...], ws_ref[...], preferred_element_type=_f32)
         + jnp.dot(hn, wn_ref[...], preferred_element_type=_f32)
         + b_ref[...])
    z = jnp.maximum(z, 0.0)
    nrm = jnp.sqrt(jnp.sum(z * z, axis=1, keepdims=True))
    o_ref[...] = z / jnp.maximum(nrm, 1e-12)


def _dense2_body(h_ref, acc_ref, deg_ref, ws_ref, wn_ref, b_ref,
                 wmu_ref, bmu_ref, wvar_ref, bvar_ref, eps_ref,
                 out_ref, mu_ref, var_ref):
    hn = _neigh_mean(acc_ref, deg_ref)
    h2 = (jnp.dot(h_ref[...], ws_ref[...], preferred_element_type=_f32)
          + jnp.dot(hn, wn_ref[...], preferred_element_type=_f32)
          + b_ref[...])
    mu = jnp.dot(h2, wmu_ref[...], preferred_element_type=_f32) + bmu_ref[...]
    var = jnp.dot(h2, wvar_ref[...], preferred_element_type=_f32) + bvar_ref[...]
    mu_ref[...] = mu
    var_ref[...] = var
    out_ref[...] = mu + jnp.sqrt(jnp.exp(var) + 1e-8) * eps_ref[...]


_row_spec = pl.BlockSpec((_BN, _D), lambda i: (i, 0))
_acc_spec = pl.BlockSpec((2, _BN, _D), lambda i: (0, i, 0))
_deg_spec = pl.BlockSpec((2, _BN, _D), lambda i: (0, i, 0))
_w_spec = pl.BlockSpec((_D, _D), lambda i: (0, 0))
_b_spec = pl.BlockSpec((1, _D), lambda i: (0, 0))
_GRID = (-(-_N // _BN),)

_log1p = pl.pallas_call(
    _log1p_body,
    grid=_GRID,
    in_specs=[_row_spec],
    out_specs=_row_spec,
    out_shape=jax.ShapeDtypeStruct((_N, _D), _f32),
)

_dense1 = pl.pallas_call(
    _dense1_body,
    grid=_GRID,
    in_specs=[_row_spec, _acc_spec, _deg_spec, _w_spec, _w_spec, _b_spec],
    out_specs=_row_spec,
    out_shape=jax.ShapeDtypeStruct((_N, _D), _f32),
)

_dense2 = pl.pallas_call(
    _dense2_body,
    grid=_GRID,
    in_specs=[_row_spec, _acc_spec, _deg_spec, _w_spec, _w_spec, _b_spec,
              _w_spec, _b_spec, _w_spec, _b_spec, _row_spec],
    out_specs=[_row_spec, _row_spec, _row_spec],
    out_shape=[jax.ShapeDtypeStruct((_N, _D), _f32)] * 3,
)


def kernel(x, edge_index, W_self1, W_neigh1, b1, W_self2, W_neigh2, b2,
           W_mu, b_mu, W_var, b_var, eps):
    src = edge_index[0].astype(jnp.int32)
    dst = edge_index[1].astype(jnp.int32)
    pad = _EP - _E
    srcm = jnp.concatenate([src, jnp.zeros((pad,), jnp.int32)]).reshape(_NT * _K, _CH)
    dstm = jnp.concatenate([dst, jnp.full((pad,), _N, jnp.int32)]).reshape(_NT * _K, _CH)

    z128 = jnp.zeros((_CH, _D), _f32)
    ones128 = jnp.ones((_CH, _D), _f32)

    b1r = b1.reshape(1, _D)
    b2r = b2.reshape(1, _D)
    bmur = b_mu.reshape(1, _D)
    bvarr = b_var.reshape(1, _D)

    h0 = _log1p(x)
    deg = _deg_count(dstm, z128, ones128)
    acc1 = _agg(h0, srcm, dstm, z128)
    h1 = _dense1(h0, acc1, deg, W_self1, W_neigh1, b1r)
    acc2 = _agg(h1, srcm, dstm, z128)
    h_out, mu, var = _dense2(h1, acc2, deg, W_self2, W_neigh2, b2r,
                             W_mu, bmur, W_var, bvarr, eps)
    return (h_out, mu, var)

# --- scband reference (transcript-rebuilt; emitter-appended) ---
"""Pipeline reference for scband-sage-37443524887269 (READ-ONLY COPY).

The authoritative reference and input builder live on the scoring server;
editing this copy changes nothing except your own understanding.
"""

import jax, jax.numpy as jnp
import numpy as np

N = 10000
E = 320000
D = 128
H = 128


def setup_inputs(seed: int = 0) -> dict:
    key = jax.random.key(seed)
    ks = jax.random.split(key, 14)
    x = jax.random.uniform(ks[0], (N, D), dtype=jnp.float32)
    edge_index = jax.random.randint(ks[1], (2, E), 0, N)
    s = 1.0 / np.sqrt(D)
    sh = 1.0 / np.sqrt(H)
    W_self1 = jax.random.normal(ks[2], (D, H), dtype=jnp.float32) * s
    W_neigh1 = jax.random.normal(ks[3], (D, H), dtype=jnp.float32) * s
    b1 = jnp.zeros((H,), dtype=jnp.float32)
    W_self2 = jax.random.normal(ks[4], (H, H), dtype=jnp.float32) * sh
    W_neigh2 = jax.random.normal(ks[5], (H, H), dtype=jnp.float32) * sh
    b2 = jnp.zeros((H,), dtype=jnp.float32)
    W_mu = jax.random.normal(ks[6], (H, H), dtype=jnp.float32) * sh
    b_mu = jnp.zeros((H,), dtype=jnp.float32)
    W_var = jax.random.normal(ks[7], (H, H), dtype=jnp.float32) * sh
    b_var = jnp.zeros((H,), dtype=jnp.float32)
    eps = jax.random.normal(ks[8], (N, H), dtype=jnp.float32)
    return {"x": x, "edge_index": edge_index,
            "W_self1": W_self1, "W_neigh1": W_neigh1, "b1": b1,
            "W_self2": W_self2, "W_neigh2": W_neigh2, "b2": b2,
            "W_mu": W_mu, "b_mu": b_mu, "W_var": W_var, "b_var": b_var,
            "eps": eps}


def _sage_conv(h, src, dst, W_self, W_neigh, b):
    # DGL SAGEConv with aggregator_type='mean':
    # h_neigh = mean over in-neighbors of h_src; rst = fc_self(h) + fc_neigh(h_neigh) + bias
    msg = h[src]                                            # gather (SparseCore)
    summed = jax.ops.segment_sum(msg, dst, num_segments=N)  # scatter-add
    deg = jax.ops.segment_sum(jnp.ones((src.shape[0], 1), dtype=h.dtype), dst, num_segments=N)
    h_neigh = summed / jnp.maximum(deg, 1.0)
    return h @ W_self + h_neigh @ W_neigh + b


def _l2_normalize(h):
    # F.normalize(h, p=2, dim=1)
    n = jnp.linalg.norm(h, axis=1, keepdims=True)
    return h / jnp.maximum(n, 1e-12)


def reference(x, edge_index, W_self1, W_neigh1, b1, W_self2, W_neigh2, b2,
              W_mu, b_mu, W_var, b_var, eps):
    src = edge_index[0]
    dst = edge_index[1]
    h = jnp.log(x + 1.0)
    # layer 0: SAGEConv(in_feats, n_hidden, 'mean', activation=relu, norm=F.normalize)
    h = _sage_conv(h, src, dst, W_self1, W_neigh1, b1)
    h = jax.nn.relu(h)
    h = _l2_normalize(h)
    # final layer: SAGEConv(n_hidden, n_hidden, 'mean', feat_drop=0.2) (dropout identity at eval)
    h = _sage_conv(h, src, dst, W_self2, W_neigh2, b2)
    mu = h @ W_mu + b_mu
    var = h @ W_var + b_var
    # reparameterize_gaussian(mu, exp(var)+1e-8): mu + sqrt(var_) * eps
    h_out = mu + jnp.sqrt(jnp.exp(var) + 1e-8) * eps
    return (h_out, mu, var)

if __name__ == "__main__":
    import jax
    _d = setup_inputs()
    print(jax.jit(kernel)(*tuple(_d.values())))

</pallas_src>

<mosaic_0001>
#map = affine_map<(d0, d1) -> (0, 0)>
#map1 = affine_map<(d0, d1) -> (0, 0, 0)>
module attributes {stable_mosaic.version = 14 : i64} {
  func.func @_agg_body(%arg0: i32, %arg1: i32, %arg2: memref<10000x128xf32, #tpu.memory_space<hbm>>, %arg3: memref<2560x128xi32, #tpu.memory_space<hbm>>, %arg4: memref<2560x128xi32, #tpu.memory_space<hbm>>, %arg5: memref<128x128xf32, #tpu.memory_space<hbm>>, %arg6: memref<2x10240x128xf32, #tpu.memory_space<hbm>>, %arg7: memref<16x128xi32, #tpu.memory_space<vmem>>, %arg8: memref<16x128xi32, #tpu.memory_space<vmem>>, %arg9: memref<128x128xf32, #tpu.memory_space<vmem>>, %arg10: memref<128x128xf32, #tpu.memory_space<vmem>>, %arg11: memref<10240x128xf32, #tpu.memory_space<vmem_shared>>, %arg12: memref<!tpu.dma_semaphore, #tpu.memory_space<semaphore_mem>>, %arg13: memref<!tpu.dma_semaphore, #tpu.memory_space<semaphore_mem>>, %arg14: memref<!tpu.dma_semaphore, #tpu.memory_space<semaphore_mem>>, %arg15: memref<!tpu.dma_semaphore, #tpu.memory_space<semaphore_mem>>) attributes {dimension_semantics = [#tpu.dimension_semantics<core_parallel>, #tpu.dimension_semantics<subcore_parallel>], iteration_bounds = array<i64: 2, 16>, scalar_prefetch = 0 : i64, scratch_operands = 9 : i64, tpu.core_type = #tpu.core_type<sc_vector_subcore>, window_params = [{transform_indices = #map}, {transform_indices = #map}, {transform_indices = #map}, {transform_indices = #map}, {transform_indices = #map1}]} {
    %mul3A = arith.constant 640 : i32
    %mul3A_0 = arith.muli %arg1, %mul3A : i32
    %mul3A_1 = arith.constant 2 : i32
    %mul3A_2 = arith.muli %arg1, %mul3A_1 : i32
    %add3A = arith.addi %mul3A_2, %arg0 : i32
    %mul3A_3 = arith.constant 80 : i32
    %mul3A_4 = arith.muli %add3A, %mul3A_3 : i32
    "tpu.region"() ({
      %run_scoped3A = tpu.sem_alloc : memref<!tpu.dma_semaphore, #tpu.memory_space<semaphore_mem>>
      tpu.enqueue_dma source(%arg5 : memref<128x128xf32, #tpu.memory_space<hbm>>) target(%arg9 : memref<128x128xf32, #tpu.memory_space<vmem>>) target_semaphore(%run_scoped3A : memref<!tpu.dma_semaphore, #tpu.memory_space<semaphore_mem>>)
      tpu.wait_dma2 semaphore(%run_scoped3A : memref<!tpu.dma_semaphore, #tpu.memory_space<semaphore_mem>>) src(%arg5 : memref<128x128xf32, #tpu.memory_space<hbm>>) dst(%arg9 : memref<128x128xf32, #tpu.memory_space<vmem>>)
      tpu.yield
    }) : () -> ()
    %add3A_5 = arith.constant 0 : i32
    %add3A_6 = arith.addi %mul3A_0, %add3A_5 : i32
    "tpu.region"() ({
      %run_scoped3A = tpu.sem_alloc : memref<!tpu.dma_semaphore, #tpu.memory_space<semaphore_mem>>
      %dma_start3A = arith.constant 0 : i32
      %dma_start3A_40 = tpu.memref_slice %arg11[%add3A_6, %dma_start3A] : memref<10240x128xf32, #tpu.memory_space<vmem_shared>> -> memref<128x128xf32, #tpu.memory_space<vmem_shared>>
      %dma_start3A_41 = arith.constant 0 : i32
      %dma_start3A_42 = tpu.memref_slice %arg11[%add3A_6, %dma_start3A_41] : memref<10240x128xf32, #tpu.memory_space<vmem_shared>> -> memref<128x128xf32, #tpu.memory_space<vmem_shared>>
      tpu.enqueue_dma source(%arg9 : memref<128x128xf32, #tpu.memory_space<vmem>>) target(%dma_start3A_42 : memref<128x128xf32, #tpu.memory_space<vmem_shared>>) target_semaphore(%run_scoped3A : memref<!tpu.dma_semaphore, #tpu.memory_space<semaphore_mem>>)
      %dma_wait3A = arith.constant 0 : i32
      %dma_wait3A_43 = tpu.memref_slice %arg11[%add3A_6, %dma_wait3A] : memref<10240x128xf32, #tpu.memory_space<vmem_shared>> -> memref<128x128xf32, #tpu.memory_space<vmem_shared>>
      %dma_wait3A_44 = arith.constant 0 : i32
      %dma_wait3A_45 = tpu.memref_slice %arg11[%add3A_6, %dma_wait3A_44] : memref<10240x128xf32, #tpu.memory_space<vmem_shared>> -> memref<128x128xf32, #tpu.memory_space<vmem_shared>>
      tpu.wait_dma2 semaphore(%run_scoped3A : memref<!tpu.dma_semaphore, #tpu.memory_space<semaphore_mem>>) src(%arg9 : memref<128x128xf32, #tpu.memory_space<vmem>>) dst(%dma_wait3A_45 : memref<128x128xf32, #tpu.memory_space<vmem_shared>>)
      tpu.yield
    }) : () -> ()
    %add3A_7 = arith.constant 128 : i32
    %add3A_8 = arith.addi %mul3A_0, %add3A_7 : i32
    "tpu.region"() ({
      %run_scoped3A = tpu.sem_alloc : memref<!tpu.dma_semaphore, #tpu.memory_space<semaphore_mem>>
      %dma_start3A = arith.constant 0 : i32
      %dma_start3A_40 = tpu.memref_slice %arg11[%add3A_8, %dma_start3A] : memref<10240x128xf32, #tpu.memory_space<vmem_shared>> -> memref<128x128xf32, #tpu.memory_space<vmem_shared>>
      %dma_start3A_41 = arith.constant 0 : i32
      %dma_start3A_42 = tpu.memref_slice %arg11[%add3A_8, %dma_start3A_41] : memref<10240x128xf32, #tpu.memory_space<vmem_shared>> -> memref<128x128xf32, #tpu.memory_space<vmem_shared>>
      tpu.enqueue_dma source(%arg9 : memref<128x128xf32, #tpu.memory_space<vmem>>) target(%dma_start3A_42 : memref<128x128xf32, #tpu.memory_space<vmem_shared>>) target_semaphore(%run_scoped3A : memref<!tpu.dma_semaphore, #tpu.memory_space<semaphore_mem>>)
      %dma_wait3A = arith.constant 0 : i32
      %dma_wait3A_43 = tpu.memref_slice %arg11[%add3A_8, %dma_wait3A] : memref<10240x128xf32, #tpu.memory_space<vmem_shared>> -> memref<128x128xf32, #tpu.memory_space<vmem_shared>>
      %dma_wait3A_44 = arith.constant 0 : i32
      %dma_wait3A_45 = tpu.memref_slice %arg11[%add3A_8, %dma_wait3A_44] : memref<10240x128xf32, #tpu.memory_space<vmem_shared>> -> memref<128x128xf32, #tpu.memory_space<vmem_shared>>
      tpu.wait_dma2 semaphore(%run_scoped3A : memref<!tpu.dma_semaphore, #tpu.memory_space<semaphore_mem>>) src(%arg9 : memref<128x128xf32, #tpu.memory_space<vmem>>) dst(%dma_wait3A_45 : memref<128x128xf32, #tpu.memory_space<vmem_shared>>)
      tpu.yield
    }) : () -> ()
    %add3A_9 = arith.constant 256 : i32
    %add3A_10 = arith.addi %mul3A_0, %add3A_9 : i32
    "tpu.region"() ({
      %run_scoped3A = tpu.sem_alloc : memref<!tpu.dma_semaphore, #tpu.memory_space<semaphore_mem>>
      %dma_start3A = arith.constant 0 : i32
      %dma_start3A_40 = tpu.memref_slice %arg11[%add3A_10, %dma_start3A] : memref<10240x128xf32, #tpu.memory_space<vmem_shared>> -> memref<128x128xf32, #tpu.memory_space<vmem_shared>>
      %dma_start3A_41 = arith.constant 0 : i32
      %dma_start3A_42 = tpu.memref_slice %arg11[%add3A_10, %dma_start3A_41] : memref<10240x128xf32, #tpu.memory_space<vmem_shared>> -> memref<128x128xf32, #tpu.memory_space<vmem_shared>>
      tpu.enqueue_dma source(%arg9 : memref<128x128xf32, #tpu.memory_space<vmem>>) target(%dma_start3A_42 : memref<128x128xf32, #tpu.memory_space<vmem_shared>>) target_semaphore(%run_scoped3A : memref<!tpu.dma_semaphore, #tpu.memory_space<semaphore_mem>>)
      %dma_wait3A = arith.constant 0 : i32
      %dma_wait3A_43 = tpu.memref_slice %arg11[%add3A_10, %dma_wait3A] : memref<10240x128xf32, #tpu.memory_space<vmem_shared>> -> memref<128x128xf32, #tpu.memory_space<vmem_shared>>
      %dma_wait3A_44 = arith.constant 0 : i32
      %dma_wait3A_45 = tpu.memref_slice %arg11[%add3A_10, %dma_wait3A_44] : memref<10240x128xf32, #tpu.memory_space<vmem_shared>> -> memref<128x128xf32, #tpu.memory_space<vmem_shared>>
      tpu.wait_dma2 semaphore(%run_scoped3A : memref<!tpu.dma_semaphore, #tpu.memory_space<semaphore_mem>>) src(%arg9 : memref<128x128xf32, #tpu.memory_space<vmem>>) dst(%dma_wait3A_45 : memref<128x128xf32, #tpu.memory_space<vmem_shared>>)
      tpu.yield
    }) : () -> ()
    %add3A_11 = arith.constant 384 : i32
    %add3A_12 = arith.addi %mul3A_0, %add3A_11 : i32
    "tpu.region"() ({
      %run_scoped3A = tpu.sem_alloc : memref<!tpu.dma_semaphore, #tpu.memory_space<semaphore_mem>>
      %dma_start3A = arith.constant 0 : i32
      %dma_start3A_40 = tpu.memref_slice %arg11[%add3A_12, %dma_start3A] : memref<10240x128xf32, #tpu.memory_space<vmem_shared>> -> memref<128x128xf32, #tpu.memory_space<vmem_shared>>
      %dma_start3A_41 = arith.constant 0 : i32
      %dma_start3A_42 = tpu.memref_slice %arg11[%add3A_12, %dma_start3A_41] : memref<10240x128xf32, #tpu.memory_space<vmem_shared>> -> memref<128x128xf32, #tpu.memory_space<vmem_shared>>
      tpu.enqueue_dma source(%arg9 : memref<128x128xf32, #tpu.memory_space<vmem>>) target(%dma_start3A_42 : memref<128x128xf32, #tpu.memory_space<vmem_shared>>) target_semaphore(%run_scoped3A : memref<!tpu.dma_semaphore, #tpu.memory_space<semaphore_mem>>)
      %dma_wait3A = arith.constant 0 : i32
      %dma_wait3A_43 = tpu.memref_slice %arg11[%add3A_12, %dma_wait3A] : memref<10240x128xf32, #tpu.memory_space<vmem_shared>> -> memref<128x128xf32, #tpu.memory_space<vmem_shared>>
      %dma_wait3A_44 = arith.constant 0 : i32
      %dma_wait3A_45 = tpu.memref_slice %arg11[%add3A_12, %dma_wait3A_44] : memref<10240x128xf32, #tpu.memory_space<vmem_shared>> -> memref<128x128xf32, #tpu.memory_space<vmem_shared>>
      tpu.wait_dma2 semaphore(%run_scoped3A : memref<!tpu.dma_semaphore, #tpu.memory_space<semaphore_mem>>) src(%arg9 : memref<128x128xf32, #tpu.memory_space<vmem>>) dst(%dma_wait3A_45 : memref<128x128xf32, #tpu.memory_space<vmem_shared>>)
      tpu.yield
    }) : () -> ()
    %add3A_13 = arith.constant 512 : i32
    %add3A_14 = arith.addi %mul3A_0, %add3A_13 : i32
    "tpu.region"() ({
      %run_scoped3A = tpu.sem_alloc : memref<!tpu.dma_semaphore, #tpu.memory_space<semaphore_mem>>
      %dma_start3A = arith.constant 0 : i32
      %dma_start3A_40 = tpu.memref_slice %arg11[%add3A_14, %dma_start3A] : memref<10240x128xf32, #tpu.memory_space<vmem_shared>> -> memref<128x128xf32, #tpu.memory_space<vmem_shared>>
      %dma_start3A_41 = arith.constant 0 : i32
      %dma_start3A_42 = tpu.memref_slice %arg11[%add3A_14, %dma_start3A_41] : memref<10240x128xf32, #tpu.memory_space<vmem_shared>> -> memref<128x128xf32, #tpu.memory_space<vmem_shared>>
      tpu.enqueue_dma source(%arg9 : memref<128x128xf32, #tpu.memory_space<vmem>>) target(%dma_start3A_42 : memref<128x128xf32, #tpu.memory_space<vmem_shared>>) target_semaphore(%run_scoped3A : memref<!tpu.dma_semaphore, #tpu.memory_space<semaphore_mem>>)
      %dma_wait3A = arith.constant 0 : i32
      %dma_wait3A_43 = tpu.memref_slice %arg11[%add3A_14, %dma_wait3A] : memref<10240x128xf32, #tpu.memory_space<vmem_shared>> -> memref<128x128xf32, #tpu.memory_space<vmem_shared>>
      %dma_wait3A_44 = arith.constant 0 : i32
      %dma_wait3A_45 = tpu.memref_slice %arg11[%add3A_14, %dma_wait3A_44] : memref<10240x128xf32, #tpu.memory_space<vmem_shared>> -> memref<128x128xf32, #tpu.memory_space<vmem_shared>>
      tpu.wait_dma2 semaphore(%run_scoped3A : memref<!tpu.dma_semaphore, #tpu.memory_space<semaphore_mem>>) src(%arg9 : memref<128x128xf32, #tpu.memory_space<vmem>>) dst(%dma_wait3A_45 : memref<128x128xf32, #tpu.memory_space<vmem_shared>>)
      tpu.yield
    }) : () -> ()
    %barrier3A = arith.constant 0 : index
    tpu.barrier barrier_id(%barrier3A)
    %scan3A = arith.constant 0 : i32
    %scan3A_15 = arith.constant 5 : i32
    %scan3A_16 = arith.addi %scan3A, %scan3A_15 : i32
    %scan3A_17 = arith.constant 1 : i32
    scf.for %scan3A_40 = %scan3A to %scan3A_16 step %scan3A_17  : i32 {
      %mul3A_41 = arith.constant 1 : i32
      %mul3A_42 = arith.muli %scan3A_40, %mul3A_41 : i32
      %add3A_43 = arith.constant 0 : i32
      %add3A_44 = arith.addi %add3A_43, %mul3A_42 : i32
      %mul3A_45 = arith.constant 16 : i32
      %mul3A_46 = arith.muli %add3A_44, %mul3A_45 : i32
      %add3A_47 = arith.addi %mul3A_4, %mul3A_46 : i32
      "tpu.region"() ({
        %run_scoped3A = tpu.sem_alloc : memref<!tpu.dma_semaphore, #tpu.memory_space<semaphore_mem>>
        %dma_start3A_497 = arith.constant 0 : i32
        %dma_start3A_498 = tpu.memref_slice %arg3[%add3A_47, %dma_start3A_497] : memref<2560x128xi32, #tpu.memory_space<hbm>> -> memref<16x128xi32, #tpu.memory_space<hbm>>
        %dma_start3A_499 = arith.constant 0 : i32
        %dma_start3A_500 = tpu.memref_slice %arg3[%add3A_47, %dma_start3A_499] : memref<2560x128xi32, #tpu.memory_space<hbm>> -> memref<16x128xi32, #tpu.memory_space<hbm>>
        tpu.enqueue_dma source(%dma_start3A_500 : memref<16x128xi32, #tpu.memory_space<hbm>>) target(%arg7 : memref<16x128xi32, #tpu.memory_space<vmem>>) target_semaphore(%run_scoped3A : memref<!tpu.dma_semaphore, #tpu.memory_space<semaphore_mem>>)
        %dma_wait3A_501 = arith.constant 0 : i32
        %dma_wait3A_502 = tpu.memref_slice %arg3[%add3A_47, %dma_wait3A_501] : memref<2560x128xi32, #tpu.memory_space<hbm>> -> memref<16x128xi32, #tpu.memory_space<hbm>>
        %dma_wait3A_503 = arith.constant 0 : i32
        %dma_wait3A_504 = tpu.memref_slice %arg3[%add3A_47, %dma_wait3A_503] : memref<2560x128xi32, #tpu.memory_space<hbm>> -> memref<16x128xi32, #tpu.memory_space<hbm>>
        tpu.wait_dma2 semaphore(%run_scoped3A : memref<!tpu.dma_semaphore, #tpu.memory_space<semaphore_mem>>) src(%dma_wait3A_504 : memref<16x128xi32, #tpu.memory_space<hbm>>) dst(%arg7 : memref<16x128xi32, #tpu.memory_space<vmem>>)
        tpu.yield
      }) : () -> ()
      %mul3A_48 = arith.constant 16 : i32
      %mul3A_49 = arith.muli %add3A_44, %mul3A_48 : i32
      %add3A_50 = arith.addi %mul3A_4, %mul3A_49 : i32
      "tpu.region"() ({
        %run_scoped3A = tpu.sem_alloc : memref<!tpu.dma_semaphore, #tpu.memory_space<semaphore_mem>>
        %dma_start3A_497 = arith.constant 0 : i32
        %dma_start3A_498 = tpu.memref_slice %arg4[%add3A_50, %dma_start3A_497] : memref<2560x128xi32, #tpu.memory_space<hbm>> -> memref<16x128xi32, #tpu.memory_space<hbm>>
        %dma_start3A_499 = arith.constant 0 : i32
        %dma_start3A_500 = tpu.memref_slice %arg4[%add3A_50, %dma_start3A_499] : memref<2560x128xi32, #tpu.memory_space<hbm>> -> memref<16x128xi32, #tpu.memory_space<hbm>>
        tpu.enqueue_dma source(%dma_start3A_500 : memref<16x128xi32, #tpu.memory_space<hbm>>) target(%arg8 : memref<16x128xi32, #tpu.memory_space<vmem>>) target_semaphore(%run_scoped3A : memref<!tpu.dma_semaphore, #tpu.memory_space<semaphore_mem>>)
        %dma_wait3A_501 = arith.constant 0 : i32
        %dma_wait3A_502 = tpu.memref_slice %arg4[%add3A_50, %dma_wait3A_501] : memref<2560x128xi32, #tpu.memory_space<hbm>> -> memref<16x128xi32, #tpu.memory_space<hbm>>
        %dma_wait3A_503 = arith.constant 0 : i32
        %dma_wait3A_504 = tpu.memref_slice %arg4[%add3A_50, %dma_wait3A_503] : memref<2560x128xi32, #tpu.memory_space<hbm>> -> memref<16x128xi32, #tpu.memory_space<hbm>>
        tpu.wait_dma2 semaphore(%run_scoped3A : memref<!tpu.dma_semaphore, #tpu.memory_space<semaphore_mem>>) src(%dma_wait3A_504 : memref<16x128xi32, #tpu.memory_space<hbm>>) dst(%arg8 : memref<16x128xi32, #tpu.memory_space<vmem>>)
        tpu.yield
      }) : () -> ()
      %dma_start3A = arith.constant 0 : i32
      %dma_start3A_51 = arith.constant 0 : i32
      %dma_start3A_52 = tpu.memref_slice %arg7[%dma_start3A, %dma_start3A_51] : memref<16x128xi32, #tpu.memory_space<vmem>> -> memref<1x128xi32, #tpu.memory_space<vmem>>
      %dma_start3A_53 = tpu.memref_squeeze %dma_start3A_52 : memref<1x128xi32, #tpu.memory_space<vmem>> -> memref<128xi32, #tpu.memory_space<vmem>>
      %dma_start3A_54 = arith.constant 0 : i32
      %dma_start3A_55 = arith.constant 0 : i32
      %dma_start3A_56 = tpu.memref_slice %arg2[%dma_start3A_54, %dma_start3A_55] : memref<10000x128xf32, #tpu.memory_space<hbm>> -> memref<10000x128xf32, #tpu.memory_space<hbm>>
      tpu.enqueue_indirect_dma source(%dma_start3A_56 : memref<10000x128xf32, #tpu.memory_space<hbm>>) target(%arg9 : memref<128x128xf32, #tpu.memory_space<vmem>>) offsets(%dma_start3A_53 : memref<128xi32, #tpu.memory_space<vmem>>) semaphore(%arg12 : memref<!tpu.dma_semaphore, #tpu.memory_space<semaphore_mem>>)
      %dma_start3A_57 = arith.constant 1 : i32
      %dma_start3A_58 = arith.constant 0 : i32
      %dma_start3A_59 = tpu.memref_slice %arg7[%dma_start3A_57, %dma_start3A_58] : memref<16x128xi32, #tpu.memory_space<vmem>> -> memref<1x128xi32, #tpu.memory_space<vmem>>
      %dma_start3A_60 = tpu.memref_squeeze %dma_start3A_59 : memref<1x128xi32, #tpu.memory_space<vmem>> -> memref<128xi32, #tpu.memory_space<vmem>>
      %dma_start3A_61 = arith.constant 0 : i32
      %dma_start3A_62 = arith.constant 0 : i32
      %dma_start3A_63 = tpu.memref_slice %arg2[%dma_start3A_61, %dma_start3A_62] : memref<10000x128xf32, #tpu.memory_space<hbm>> -> memref<10000x128xf32, #tpu.memory_space<hbm>>
      tpu.enqueue_indirect_dma source(%dma_start3A_63 : memref<10000x128xf32, #tpu.memory_space<hbm>>) target(%arg10 : memref<128x128xf32, #tpu.memory_space<vmem>>) offsets(%dma_start3A_60 : memref<128xi32, #tpu.memory_space<vmem>>) semaphore(%arg13 : memref<!tpu.dma_semaphore, #tpu.memory_space<semaphore_mem>>)
      %dma_wait3A = arith.constant 0 : i32
      %dma_wait3A_64 = arith.constant 0 : i32
      %dma_wait3A_65 = tpu.memref_slice %arg7[%dma_wait3A, %dma_wait3A_64] : memref<16x128xi32, #tpu.memory_space<vmem>> -> memref<1x128xi32, #tpu.memory_space<vmem>>
      %dma_wait3A_66 = tpu.memref_squeeze %dma_wait3A_65 : memref<1x128xi32, #tpu.memory_space<vmem>> -> memref<128xi32, #tpu.memory_space<vmem>>
      %dma_wait3A_67 = arith.constant 0 : i32
      %dma_wait3A_68 = arith.constant 0 : i32
      %dma_wait3A_69 = tpu.memref_slice %arg2[%dma_wait3A_67, %dma_wait3A_68] : memref<10000x128xf32, #tpu.memory_space<hbm>> -> memref<10000x128xf32, #tpu.memory_space<hbm>>
      tpu.wait_indirect_dma semaphore(%arg12 : memref<!tpu.dma_semaphore, #tpu.memory_space<semaphore_mem>>) src(%dma_wait3A_69 : memref<10000x128xf32, #tpu.memory_space<hbm>>) dst(%arg9 : memref<128x128xf32, #tpu.memory_space<vmem>>)
      %dma_start3A_70 = arith.constant 0 : i32
      %dma_start3A_71 = arith.constant 0 : i32
      %dma_start3A_72 = tpu.memref_slice %arg8[%dma_start3A_70, %dma_start3A_71] : memref<16x128xi32, #tpu.memory_space<vmem>> -> memref<1x128xi32, #tpu.memory_space<vmem>>
      %dma_start3A_73 = tpu.memref_squeeze %dma_start3A_72 : memref<1x128xi32, #tpu.memory_space<vmem>> -> memref<128xi32, #tpu.memory_space<vmem>>
      %dma_start3A_74 = arith.constant 0 : i32
      %dma_start3A_75 = arith.constant 0 : i32
      %dma_start3A_76 = tpu.memref_slice %arg11[%dma_start3A_74, %dma_start3A_75] : memref<10240x128xf32, #tpu.memory_space<vmem_shared>> -> memref<10240x128xf32, #tpu.memory_space<vmem_shared>>
      tpu.enqueue_indirect_dma source(%arg9 : memref<128x128xf32, #tpu.memory_space<vmem>>) target(%dma_start3A_76 : memref<10240x128xf32, #tpu.memory_space<vmem_shared>>) offsets(%dma_start3A_73 : memref<128xi32, #tpu.memory_space<vmem>>) semaphore(%arg14 : memref<!tpu.dma_semaphore, #tpu.memory_space<semaphore_mem>>) {add = true}
      %dma_wait3A_77 = arith.constant 0 : i32
      %dma_wait3A_78 = arith.constant 0 : i32
      %dma_wait3A_79 = tpu.memref_slice %arg8[%dma_wait3A_77, %dma_wait3A_78] : memref<16x128xi32, #tpu.memory_space<vmem>> -> memref<1x128xi32, #tpu.memory_space<vmem>>
      %dma_wait3A_80 = tpu.memref_squeeze %dma_wait3A_79 : memref<1x128xi32, #tpu.memory_space<vmem>> -> memref<128xi32, #tpu.memory_space<vmem>>
      %dma_wait3A_81 = arith.constant 0 : i32
      %dma_wait3A_82 = arith.constant 0 : i32
      %dma_wait3A_83 = tpu.memref_slice %arg11[%dma_wait3A_81, %dma_wait3A_82] : memref<10240x128xf32, #tpu.memory_space<vmem_shared>> -> memref<10240x128xf32, #tpu.memory_space<vmem_shared>>
      tpu.wait_indirect_dma semaphore(%arg14 : memref<!tpu.dma_semaphore, #tpu.memory_space<semaphore_mem>>) src(%arg9 : memref<128x128xf32, #tpu.memory_space<vmem>>) dst(%dma_wait3A_83 : memref<10240x128xf32, #tpu.memory_space<vmem_shared>>)
      %dma_start3A_84 = arith.constant 2 : i32
      %dma_start3A_85 = arith.constant 0 : i32
      %dma_start3A_86 = tpu.memref_slice %arg7[%dma_start3A_84, %dma_start3A_85] : memref<16x128xi32, #tpu.memory_space<vmem>> -> memref<1x128xi32, #tpu.memory_space<vmem>>
      %dma_start3A_87 = tpu.memref_squeeze %dma_start3A_86 : memref<1x128xi32, #tpu.memory_space<vmem>> -> memref<128xi32, #tpu.memory_space<vmem>>
      %dma_start3A_88 = arith.constant 0 : i32
      %dma_start3A_89 = arith.constant 0 : i32
      %dma_start3A_90 = tpu.memref_slice %arg2[%dma_start3A_88, %dma_start3A_89] : memref<10000x128xf32, #tpu.memory_space<hbm>> -> memref<10000x128xf32, #tpu.memory_space<hbm>>
      tpu.enqueue_indirect_dma source(%dma_start3A_90 : memref<10000x128xf32, #tpu.memory_space<hbm>>) target(%arg9 : memref<128x128xf32, #tpu.memory_space<vmem>>) offsets(%dma_start3A_87 : memref<128xi32, #tpu.memory_space<vmem>>) semaphore(%arg12 : memref<!tpu.dma_semaphore, #tpu.memory_space<semaphore_mem>>)
      %dma_wait3A_91 = arith.constant 1 : i32
      %dma_wait3A_92 = arith.constant 0 : i32
      %dma_wait3A_93 = tpu.memref_slice %arg7[%dma_wait3A_91, %dma_wait3A_92] : memref<16x128xi32, #tpu.memory_space<vmem>> -> memref<1x128xi32, #tpu.memory_space<vmem>>
      %dma_wait3A_94 = tpu.memref_squeeze %dma_wait3A_93 : memref<1x128xi32, #tpu.memory_space<vmem>> -> memref<128xi32, #tpu.memory_space<vmem>>
      %dma_wait3A_95 = arith.constant 0 : i32
      %dma_wait3A_96 = arith.constant 0 : i32
      %dma_wait3A_97 = tpu.memref_slice %arg2[%dma_wait3A_95, %dma_wait3A_96] : memref<10000x128xf32, #tpu.memory_space<hbm>> -> memref<10000x128xf32, #tpu.memory_space<hbm>>
      tpu.wait_indirect_dma semaphore(%arg13 : memref<!tpu.dma_semaphore, #tpu.memory_space<semaphore_mem>>) src(%dma_wait3A_97 : memref<10000x128xf32, #tpu.memory_space<hbm>>) dst(%arg10 : memref<128x128xf32, #tpu.memory_space<vmem>>)
      %dma_start3A_98 = arith.constant 1 : i32
      %dma_start3A_99 = arith.constant 0 : i32
      %dma_start3A_100 = tpu.memref_slice %arg8[%dma_start3A_98, %dma_start3A_99] : memref<16x128xi32, #tpu.memory_space<vmem>> -> memref<1x128xi32, #tpu.memory_space<vmem>>
      %dma_start3A_101 = tpu.memref_squeeze %dma_start3A_100 : memref<1x128xi32, #tpu.memory_space<vmem>> -> memref<128xi32, #tpu.memory_space<vmem>>
      %dma_start3A_102 = arith.constant 0 : i32
      %dma_start3A_103 = arith.constant 0 : i32
      %dma_start3A_104 = tpu.memref_slice %arg11[%dma_start3A_102, %dma_start3A_103] : memref<10240x128xf32, #tpu.memory_space<vmem_shared>> -> memref<10240x128xf32, #tpu.memory_space<vmem_shared>>
      tpu.enqueue_indirect_dma source(%arg10 : memref<128x128xf32, #tpu.memory_space<vmem>>) target(%dma_start3A_104 : memref<10240x128xf32, #tpu.memory_space<vmem_shared>>) offsets(%dma_start3A_101 : memref<128xi32, #tpu.memory_space<vmem>>) semaphore(%arg15 : memref<!tpu.dma_semaphore, #tpu.memory_space<semaphore_mem>>) {add = true}
      %dma_wait3A_105 = arith.constant 1 : i32
      %dma_wait3A_106 = arith.constant 0 : i32
      %dma_wait3A_107 = tpu.memref_slice %arg8[%dma_wait3A_105, %dma_wait3A_106] : memref<16x128xi32, #tpu.memory_space<vmem>> -> memref<1x128xi32, #tpu.memory_space<vmem>>
      %dma_wait3A_108 = tpu.memref_squeeze %dma_wait3A_107 : memref<1x128xi32, #tpu.memory_space<vmem>> -> memref<128xi32, #tpu.memory_space<vmem>>
      %dma_wait3A_109 = arith.constant 0 : i32
      %dma_wait3A_110 = arith.constant 0 : i32
      %dma_wait3A_111 = tpu.memref_slice %arg11[%dma_wait3A_109, %dma_wait3A_110] : memref<10240x128xf32, #tpu.memory_space<vmem_shared>> -> memref<10240x128xf32, #tpu.memory_space<vmem_shared>>
      tpu.wait_indirect_dma semaphore(%arg15 : memref<!tpu.dma_semaphore, #tpu.memory_space<semaphore_mem>>) src(%arg10 : memref<128x128xf32, #tpu.memory_space<vmem>>) dst(%dma_wait3A_111 : memref<10240x128xf32, #tpu.memory_space<vmem_shared>>)
      %dma_start3A_112 = arith.constant 3 : i32
      %dma_start3A_113 = arith.constant 0 : i32
      %dma_start3A_114 = tpu.memref_slice %arg7[%dma_start3A_112, %dma_start3A_113] : memref<16x128xi32, #tpu.memory_space<vmem>> -> memref<1x128xi32, #tpu.memory_space<vmem>>
      %dma_start3A_115 = tpu.memref_squeeze %dma_start3A_114 : memref<1x128xi32, #tpu.memory_space<vmem>> -> memref<128xi32, #tpu.memory_space<vmem>>
      %dma_start3A_116 = arith.constant 0 : i32
      %dma_start3A_117 = arith.constant 0 : i32
      %dma_start3A_118 = tpu.memref_slice %arg2[%dma_start3A_116, %dma_start3A_117] : memref<10000x128xf32, #tpu.memory_space<hbm>> -> memref<10000x128xf32, #tpu.memory_space<hbm>>
      tpu.enqueue_indirect_dma source(%dma_start3A_118 : memref<10000x128xf32, #tpu.memory_space<hbm>>) target(%arg10 : memref<128x128xf32, #tpu.memory_space<vmem>>) offsets(%dma_start3A_115 : memref<128xi32, #tpu.memory_space<vmem>>) semaphore(%arg13 : memref<!tpu.dma_semaphore, #tpu.memory_space<semaphore_mem>>)
      %dma_wait3A_119 = arith.constant 2 : i32
      %dma_wait3A_120 = arith.constant 0 : i32
      %dma_wait3A_121 = tpu.memref_slice %arg7[%dma_wait3A_119, %dma_wait3A_120] : memref<16x128xi32, #tpu.memory_space<vmem>> -> memref<1x128xi32, #tpu.memory_space<vmem>>
      %dma_wait3A_122 = tpu.memref_squeeze %dma_wait3A_121 : memref<1x128xi32, #tpu.memory_space<vmem>> -> memref<128xi32, #tpu.memory_space<vmem>>
      %dma_wait3A_123 = arith.constant 0 : i32
      %dma_wait3A_124 = arith.constant 0 : i32
      %dma_wait3A_125 = tpu.memref_slice %arg2[%dma_wait3A_123, %dma_wait3A_124] : memref<10000x128xf32, #tpu.memory_space<hbm>> -> memref<10000x128xf32, #tpu.memory_space<hbm>>
      tpu.wait_indirect_dma semaphore(%arg12 : memref<!tpu.dma_semaphore, #tpu.memory_space<semaphore_mem>>) src(%dma_wait3A_125 : memref<10000x128xf32, #tpu.memory_space<hbm>>) dst(%arg9 : memref<128x128xf32, #tpu.memory_space<vmem>>)
      %dma_start3A_126 = arith.constant 2 : i32
      %dma_start3A_127 = arith.constant 0 : i32
      %dma_start3A_128 = tpu.memref_slice %arg8[%dma_start3A_126, %dma_start3A_127] : memref<16x128xi32, #tpu.memory_space<vmem>> -> memref<1x128xi32, #tpu.memory_space<vmem>>
      %dma_start3A_129 = tpu.memref_squeeze %dma_start3A_128 : memref<1x128xi32, #tpu.memory_space<vmem>> -> memref<128xi32, #tpu.memory_space<vmem>>
      %dma_start3A_130 = arith.constant 0 : i32
      %dma_start3A_131 = arith.constant 0 : i32
      %dma_start3A_132 = tpu.memref_slice %arg11[%dma_start3A_130, %dma_start3A_131] : memref<10240x128xf32, #tpu.memory_space<vmem_shared>> -> memref<10240x128xf32, #tpu.memory_space<vmem_shared>>
      tpu.enqueue_indirect_dma source(%arg9 : memref<128x128xf32, #tpu.memory_space<vmem>>) target(%dma_start3A_132 : memref<10240x128xf32, #tpu.memory_space<vmem_shared>>) offsets(%dma_start3A_129 : memref<128xi32, #tpu.memory_space<vmem>>) semaphore(%arg14 : memref<!tpu.dma_semaphore, #tpu.memory_space<semaphore_mem>>) {add = true}
      %dma_wait3A_133 = arith.constant 2 : i32
      %dma_wait3A_134 = arith.constant 0 : i32
      %dma_wait3A_135 = tpu.memref_slice %arg8[%dma_wait3A_133, %dma_wait3A_134] : memref<16x128xi32, #tpu.memory_space<vmem>> -> memref<1x128xi32, #tpu.memory_space<vmem>>
      %dma_wait3A_136 = tpu.memref_squeeze %dma_wait3A_135 : memref<1x128xi32, #tpu.memory_space<vmem>> -> memref<128xi32, #tpu.memory_space<vmem>>
      %dma_wait3A_137 = arith.constant 0 : i32
      %dma_wait3A_138 = arith.constant 0 : i32
      %dma_wait3A_139 = tpu.memref_slice %arg11[%dma_wait3A_137, %dma_wait3A_138] : memref<10240x128xf32, #tpu.memory_space<vmem_shared>> -> memref<10240x128xf32, #tpu.memory_space<vmem_shared>>
      tpu.wait_indirect_dma semaphore(%arg14 : memref<!tpu.dma_semaphore, #tpu.memory_space<semaphore_mem>>) src(%arg9 : memref<128x128xf32, #tpu.memory_space<vmem>>) dst(%dma_wait3A_139 : memref<10240x128xf32, #tpu.memory_space<vmem_shared>>)
      %dma_start3A_140 = arith.constant 4 : i32
      %dma_start3A_141 = arith.constant 0 : i32
      %dma_start3A_142 = tpu.memref_slice %arg7[%dma_start3A_140, %dma_start3A_141] : memref<16x128xi32, #tpu.memory_space<vmem>> -> memref<1x128xi32, #tpu.memory_space<vmem>>
      %dma_start3A_143 = tpu.memref_squeeze %dma_start3A_142 : memref<1x128xi32, #tpu.memory_space<vmem>> -> memref<128xi32, #tpu.memory_space<vmem>>
      %dma_start3A_144 = arith.constant 0 : i32
      %dma_start3A_145 = arith.constant 0 : i32
      %dma_start3A_146 = tpu.memref_slice %arg2[%dma_start3A_144, %dma_start3A_145] : memref<10000x128xf32, #tpu.memory_space<hbm>> -> memref<10000x128xf32, #tpu.memory_space<hbm>>
      tpu.enqueue_indirect_dma source(%dma_start3A_146 : memref<10000x128xf32, #tpu.memory_space<hbm>>) target(%arg9 : memref<128x128xf32, #tpu.memory_space<vmem>>) offsets(%dma_start3A_143 : memref<128xi32, #tpu.memory_space<vmem>>) semaphore(%arg12 : memref<!tpu.dma_semaphore, #tpu.memory_space<semaphore_mem>>)
      %dma_wait3A_147 = arith.constant 3 : i32
      %dma_wait3A_148 = arith.constant 0 : i32
      %dma_wait3A_149 = tpu.memref_slice %arg7[%dma_wait3A_147, %dma_wait3A_148] : memref<16x128xi32, #tpu.memory_space<vmem>> -> memref<1x128xi32, #tpu.memory_space<vmem>>
      %dma_wait3A_150 = tpu.memref_squeeze %dma_wait3A_149 : memref<1x128xi32, #tpu.memory_space<vmem>> -> memref<128xi32, #tpu.memory_space<vmem>>
      %dma_wait3A_151 = arith.constant 0 : i32
      %dma_wait3A_152 = arith.constant 0 : i32
      %dma_wait3A_153 = tpu.memref_slice %arg2[%dma_wait3A_151, %dma_wait3A_152] : memref<10000x128xf32, #tpu.memory_space<hbm>> -> memref<10000x128xf32, #tpu.memory_space<hbm>>
      tpu.wait_indirect_dma semaphore(%arg13 : memref<!tpu.dma_semaphore, #tpu.memory_space<semaphore_mem>>) src(%dma_wait3A_153 : memref<10000x128xf32, #tpu.memory_space<hbm>>) dst(%arg10 : memref<128x128xf32, #tpu.memory_space<vmem>>)
      %dma_start3A_154 = arith.constant 3 : i32
      %dma_start3A_155 = arith.constant 0 : i32
      %dma_start3A_156 = tpu.memref_slice %arg8[%dma_start3A_154, %dma_start3A_155] : memref<16x128xi32, #tpu.memory_space<vmem>> -> memref<1x128xi32, #tpu.memory_space<vmem>>
      %dma_start3A_157 = tpu.memref_squeeze %dma_start3A_156 : memref<1x128xi32, #tpu.memory_space<vmem>> -> memref<128xi32, #tpu.memory_space<vmem>>
      %dma_start3A_158 = arith.constant 0 : i32
      %dma_start3A_159 = arith.constant 0 : i32
      %dma_start3A_160 = tpu.memref_slice %arg11[%dma_start3A_158, %dma_start3A_159] : memref<10240x128xf32, #tpu.memory_space<vmem_shared>> -> memref<10240x128xf32, #tpu.memory_space<vmem_shared>>
      tpu.enqueue_indirect_dma source(%arg10 : memref<128x128xf32, #tpu.memory_space<vmem>>) target(%dma_start3A_160 : memref<10240x128xf32, #tpu.memory_space<vmem_shared>>) offsets(%dma_start3A_157 : memref<128xi32, #tpu.memory_space<vmem>>) semaphore(%arg15 : memref<!tpu.dma_semaphore, #tpu.memory_space<semaphore_mem>>) {add = true}
      %dma_wait3A_161 = arith.constant 3 : i32
      %dma_wait3A_162 = arith.constant 0 : i32
      %dma_wait3A_163 = tpu.memref_slice %arg8[%dma_wait3A_161, %dma_wait3A_162] : memref<16x128xi32, #tpu.memory_space<vmem>> -> memref<1x128xi32, #tpu.memory_space<vmem>>
      %dma_wait3A_164 = tpu.memref_squeeze %dma_wait3A_163 : memref<1x128xi32, #tpu.memory_space<vmem>> -> memref<128xi32, #tpu.memory_space<vmem>>
      %dma_wait3A_165 = arith.constant 0 : i32
      %dma_wait3A_166 = arith.constant 0 : i32
      %dma_wait3A_167 = tpu.memref_slice %arg11[%dma_wait3A_165, %dma_wait3A_166] : memref<10240x128xf32, #tpu.memory_space<vmem_shared>> -> memref<10240x128xf32, #tpu.memory_space<vmem_shared>>
      tpu.wait_indirect_dma semaphore(%arg15 : memref<!tpu.dma_semaphore, #tpu.memory_space<semaphore_mem>>) src(%arg10 : memref<128x128xf32, #tpu.memory_space<vmem>>) dst(%dma_wait3A_167 : memref<10240x128xf32, #tpu.memory_space<vmem_shared>>)
      %dma_start3A_168 = arith.constant 5 : i32
      %dma_start3A_169 = arith.constant 0 : i32
      %dma_start3A_170 = tpu.memref_slice %arg7[%dma_start3A_168, %dma_start3A_169] : memref<16x128xi32, #tpu.memory_space<vmem>> -> memref<1x128xi32, #tpu.memory_space<vmem>>
      %dma_start3A_171 = tpu.memref_squeeze %dma_start3A_170 : memref<1x128xi32, #tpu.memory_space<vmem>> -> memref<128xi32, #tpu.memory_space<vmem>>
      %dma_start3A_172 = arith.constant 0 : i32
      %dma_start3A_173 = arith.constant 0 : i32
      %dma_start3A_174 = tpu.memref_slice %arg2[%dma_start3A_172, %dma_start3A_173] : memref<10000x128xf32, #tpu.memory_space<hbm>> -> memref<10000x128xf32, #tpu.memory_space<hbm>>
      tpu.enqueue_indirect_dma source(%dma_start3A_174 : memref<10000x128xf32, #tpu.memory_space<hbm>>) target(%arg10 : memref<128x128xf32, #tpu.memory_space<vmem>>) offsets(%dma_start3A_171 : memref<128xi32, #tpu.memory_space<vmem>>) semaphore(%arg13 : memref<!tpu.dma_semaphore, #tpu.memory_space<semaphore_mem>>)
      %dma_wait3A_175 = arith.constant 4 : i32
      %dma_wait3A_176 = arith.constant 0 : i32
      %dma_wait3A_177 = tpu.memref_slice %arg7[%dma_wait3A_175, %dma_wait3A_176] : memref<16x128xi32, #tpu.memory_space<vmem>> -> memref<1x128xi32, #tpu.memory_space<vmem>>
      %dma_wait3A_178 = tpu.memref_squeeze %dma_wait3A_177 : memref<1x128xi32, #tpu.memory_space<vmem>> -> memref<128xi32, #tpu.memory_space<vmem>>
      %dma_wait3A_179 = arith.constant 0 : i32
      %dma_wait3A_180 = arith.constant 0 : i32
      %dma_wait3A_181 = tpu.memref_slice %arg2[%dma_wait3A_179, %dma_wait3A_180] : memref<10000x128xf32, #tpu.memory_space<hbm>> -> memref<10000x128xf32, #tpu.memory_space<hbm>>
      tpu.wait_indirect_dma semaphore(%arg12 : memref<!tpu.dma_semaphore, #tpu.memory_space<semaphore_mem>>) src(%dma_wait3A_181 : memref<10000x128xf32, #tpu.memory_space<hbm>>) dst(%arg9 : memref<128x128xf32, #tpu.memory_space<vmem>>)
      %dma_start3A_182 = arith.constant 4 : i32
      %dma_start3A_183 = arith.constant 0 : i32
      %dma_start3A_184 = tpu.memref_slice %arg8[%dma_start3A_182, %dma_start3A_183] : memref<16x128xi32, #tpu.memory_space<vmem>> -> memref<1x128xi32, #tpu.memory_space<vmem>>
      %dma_start3A_185 = tpu.memref_squeeze %dma_start3A_184 : memref<1x128xi32, #tpu.memory_space<vmem>> -> memref<128xi32, #tpu.memory_space<vmem>>
      %dma_start3A_186 = arith.constant 0 : i32
      %dma_start3A_187 = arith.constant 0 : i32
      %dma_start3A_188 = tpu.memref_slice %arg11[%dma_start3A_186, %dma_start3A_187] : memref<10240x128xf32, #tpu.memory_space<vmem_shared>> -> memref<10240x128xf32, #tpu.memory_space<vmem_shared>>
      tpu.enqueue_indirect_dma source(%arg9 : memref<128x128xf32, #tpu.memory_space<vmem>>) target(%dma_start3A_188 : memref<10240x128xf32, #tpu.memory_space<vmem_shared>>) offsets(%dma_start3A_185 : memref<128xi32, #tpu.memory_space<vmem>>) semaphore(%arg14 : memref<!tpu.dma_semaphore, #tpu.memory_space<semaphore_mem>>) {add = true}
      %dma_wait3A_189 = arith.constant 4 : i32
      %dma_wait3A_190 = arith.constant 0 : i32
      %dma_wait3A_191 = tpu.memref_slice %arg8[%dma_wait3A_189, %dma_wait3A_190] : memref<16x128xi32, #tpu.memory_space<vmem>> -> memref<1x128xi32, #tpu.memory_space<vmem>>
      %dma_wait3A_192 = tpu.memref_squeeze %dma_wait3A_191 : memref<1x128xi32, #tpu.memory_space<vmem>> -> memref<128xi32, #tpu.memory_space<vmem>>
      %dma_wait3A_193 = arith.constant 0 : i32
      %dma_wait3A_194 = arith.constant 0 : i32
      %dma_wait3A_195 = tpu.memref_slice %arg11[%dma_wait3A_193, %dma_wait3A_194] : memref<10240x128xf32, #tpu.memory_space<vmem_shared>> -> memref<10240x128xf32, #tpu.memory_space<vmem_shared>>
      tpu.wait_indirect_dma semaphore(%arg14 : memref<!tpu.dma_semaphore, #tpu.memory_space<semaphore_mem>>) src(%arg9 : memref<128x128xf32, #tpu.memory_space<vmem>>) dst(%dma_wait3A_195 : memref<10240x128xf32, #tpu.memory_space<vmem_shared>>)
      %dma_start3A_196 = arith.constant 6 : i32
      %dma_start3A_197 = arith.constant 0 : i32
      %dma_start3A_198 = tpu.memref_slice %arg7[%dma_start3A_196, %dma_start3A_197] : memref<16x128xi32, #tpu.memory_space<vmem>> -> memref<1x128xi32, #tpu.memory_space<vmem>>
      %dma_start3A_199 = tpu.memref_squeeze %dma_start3A_198 : memref<1x128xi32, #tpu.memory_space<vmem>> -> memref<128xi32, #tpu.memory_space<vmem>>
      %dma_start3A_200 = arith.constant 0 : i32
      %dma_start3A_201 = arith.constant 0 : i32
      %dma_start3A_202 = tpu.memref_slice %arg2[%dma_start3A_200, %dma_start3A_201] : memref<10000x128xf32, #tpu.memory_space<hbm>> -> memref<10000x128xf32, #tpu.memory_space<hbm>>
      tpu.enqueue_indirect_dma source(%dma_start3A_202 : memref<10000x128xf32, #tpu.memory_space<hbm>>) target(%arg9 : memref<128x128xf32, #tpu.memory_space<vmem>>) offsets(%dma_start3A_199 : memref<128xi32, #tpu.memory_space<vmem>>) semaphore(%arg12 : memref<!tpu.dma_semaphore, #tpu.memory_space<semaphore_mem>>)
      %dma_wait3A_203 = arith.constant 5 : i32
      %dma_wait3A_204 = arith.constant 0 : i32
      %dma_wait3A_205 = tpu.memref_slice %arg7[%dma_wait3A_203, %dma_wait3A_204] : memref<16x128xi32, #tpu.memory_space<vmem>> -> memref<1x128xi32, #tpu.memory_space<vmem>>
      %dma_wait3A_206 = tpu.memref_squeeze %dma_wait3A_205 : memref<1x128xi32, #tpu.memory_space<vmem>> -> memref<128xi32, #tpu.memory_space<vmem>>
      %dma_wait3A_207 = arith.constant 0 : i32
      %dma_wait3A_208 = arith.constant 0 : i32
      %dma_wait3A_209 = tpu.memref_slice %arg2[%dma_wait3A_207, %dma_wait3A_208] : memref<10000x128xf32, #tpu.memory_space<hbm>> -> memref<10000x128xf32, #tpu.memory_space<hbm>>
      tpu.wait_indirect_dma semaphore(%arg13 : memref<!tpu.dma_semaphore, #tpu.memory_space<semaphore_mem>>) src(%dma_wait3A_209 : memref<10000x128xf32, #tpu.memory_space<hbm>>) dst(%arg10 : memref<128x128xf32, #tpu.memory_space<vmem>>)
      %dma_start3A_210 = arith.constant 5 : i32
      %dma_start3A_211 = arith.constant 0 : i32
      %dma_start3A_212 = tpu.memref_slice %arg8[%dma_start3A_210, %dma_start3A_211] : memref<16x128xi32, #tpu.memory_space<vmem>> -> memref<1x128xi32, #tpu.memory_space<vmem>>
      %dma_start3A_213 = tpu.memref_squeeze %dma_start3A_212 : memref<1x128xi32, #tpu.memory_space<vmem>> -> memref<128xi32, #tpu.memory_space<vmem>>
      %dma_start3A_214 = arith.constant 0 : i32
      %dma_start3A_215 = arith.constant 0 : i32
      %dma_start3A_216 = tpu.memref_slice %arg11[%dma_start3A_214, %dma_start3A_215] : memref<10240x128xf32, #tpu.memory_space<vmem_shared>> -> memref<10240x128xf32, #tpu.memory_space<vmem_shared>>
      tpu.enqueue_indirect_dma source(%arg10 : memref<128x128xf32, #tpu.memory_space<vmem>>) target(%dma_start3A_216 : memref<10240x128xf32, #tpu.memory_space<vmem_shared>>) offsets(%dma_start3A_213 : memref<128xi32, #tpu.memory_space<vmem>>) semaphore(%arg15 : memref<!tpu.dma_semaphore, #tpu.memory_space<semaphore_mem>>) {add = true}
      %dma_wait3A_217 = arith.constant 5 : i32
      %dma_wait3A_218 = arith.constant 0 : i32
      %dma_wait3A_219 = tpu.memref_slice %arg8[%dma_wait3A_217, %dma_wait3A_218] : memref<16x128xi32, #tpu.memory_space<vmem>> -> memref<1x128xi32, #tpu.memory_space<vmem>>
      %dma_wait3A_220 = tpu.memref_squeeze %dma_wait3A_219 : memref<1x128xi32, #tpu.memory_space<vmem>> -> memref<128xi32, #tpu.memory_space<vmem>>
      %dma_wait3A_221 = arith.constant 0 : i32
      %dma_wait3A_222 = arith.constant 0 : i32
      %dma_wait3A_223 = tpu.memref_slice %arg11[%dma_wait3A_221, %dma_wait3A_222] : memref<10240x128xf32, #tpu.memory_space<vmem_shared>> -> memref<10240x128xf32, #tpu.memory_space<vmem_shared>>
      tpu.wait_indirect_dma semaphore(%arg15 : memref<!tpu.dma_semaphore, #tpu.memory_space<semaphore_mem>>) src(%arg10 : memref<128x128xf32, #tpu.memory_space<vmem>>) dst(%dma_wait3A_223 : memref<10240x128xf32, #tpu.memory_space<vmem_shared>>)
      %dma_start3A_224 = arith.constant 7 : i32
      %dma_start3A_225 = arith.constant 0 : i32
      %dma_start3A_226 = tpu.memref_slice %arg7[%dma_start3A_224, %dma_start3A_225] : memref<16x128xi32, #tpu.memory_space<vmem>> -> memref<1x128xi32, #tpu.memory_space<vmem>>
      %dma_start3A_227 = tpu.memref_squeeze %dma_start3A_226 : memref<1x128xi32, #tpu.memory_space<vmem>> -> memref<128xi32, #tpu.memory_space<vmem>>
      %dma_start3A_228 = arith.constant 0 : i32
      %dma_start3A_229 = arith.constant 0 : i32
      %dma_start3A_230 = tpu.memref_slice %arg2[%dma_start3A_228, %dma_start3A_229] : memref<10000x128xf32, #tpu.memory_space<hbm>> -> memref<10000x128xf32, #tpu.memory_space<hbm>>
      tpu.enqueue_indirect_dma source(%dma_start3A_230 : memref<10000x128xf32, #tpu.memory_space<hbm>>) target(%arg10 : memref<128x128xf32, #tpu.memory_space<vmem>>) offsets(%dma_start3A_227 : memref<128xi32, #tpu.memory_space<vmem>>) semaphore(%arg13 : memref<!tpu.dma_semaphore, #tpu.memory_space<semaphore_mem>>)
      %dma_wait3A_231 = arith.constant 6 : i32
      %dma_wait3A_232 = arith.constant 0 : i32
      %dma_wait3A_233 = tpu.memref_slice %arg7[%dma_wait3A_231, %dma_wait3A_232] : memref<16x128xi32, #tpu.memory_space<vmem>> -> memref<1x128xi32, #tpu.memory_space<vmem>>
      %dma_wait3A_234 = tpu.memref_squeeze %dma_wait3A_233 : memref<1x128xi32, #tpu.memory_space<vmem>> -> memref<128xi32, #tpu.memory_space<vmem>>
      %dma_wait3A_235 = arith.constant 0 : i32
      %dma_wait3A_236 = arith.constant 0 : i32
      %dma_wait3A_237 = tpu.memref_slice %arg2[%dma_wait3A_235, %dma_wait3A_236] : memref<10000x128xf32, #tpu.memory_space<hbm>> -> memref<10000x128xf32, #tpu.memory_space<hbm>>
      tpu.wait_indirect_dma semaphore(%arg12 : memref<!tpu.dma_semaphore, #tpu.memory_space<semaphore_mem>>) src(%dma_wait3A_237 : memref<10000x128xf32, #tpu.memory_space<hbm>>) dst(%arg9 : memref<128x128xf32, #tpu.memory_space<vmem>>)
      %dma_start3A_238 = arith.constant 6 : i32
      %dma_start3A_239 = arith.constant 0 : i32
      %dma_start3A_240 = tpu.memref_slice %arg8[%dma_start3A_238, %dma_start3A_239] : memref<16x128xi32, #tpu.memory_space<vmem>> -> memref<1x128xi32, #tpu.memory_space<vmem>>
      %dma_start3A_241 = tpu.memref_squeeze %dma_start3A_240 : memref<1x128xi32, #tpu.memory_space<vmem>> -> memref<128xi32, #tpu.memory_space<vmem>>
      %dma_start3A_242 = arith.constant 0 : i32
      %dma_start3A_243 = arith.constant 0 : i32
      %dma_start3A_244 = tpu.memref_slice %arg11[%dma_start3A_242, %dma_start3A_243] : memref<10240x128xf32, #tpu.memory_space<vmem_shared>> -> memref<10240x128xf32, #tpu.memory_space<vmem_shared>>
      tpu.enqueue_indirect_dma source(%arg9 : memref<128x128xf32, #tpu.memory_space<vmem>>) target(%dma_start3A_244 : memref<10240x128xf32, #tpu.memory_space<vmem_shared>>) offsets(%dma_start3A_241 : memref<128xi32, #tpu.memory_space<vmem>>) semaphore(%arg14 : memref<!tpu.dma_semaphore, #tpu.memory_space<semaphore_mem>>) {add = true}
      %dma_wait3A_245 = arith.constant 6 : i32
      %dma_wait3A_246 = arith.constant 0 : i32
      %dma_wait3A_247 = tpu.memref_slice %arg8[%dma_wait3A_245, %dma_wait3A_246] : memref<16x128xi32, #tpu.memory_space<vmem>> -> memref<1x128xi32, #tpu.memory_space<vmem>>
      %dma_wait3A_248 = tpu.memref_squeeze %dma_wait3A_247 : memref<1x128xi32, #tpu.memory_space<vmem>> -> memref<128xi32, #tpu.memory_space<vmem>>
      %dma_wait3A_249 = arith.constant 0 : i32
      %dma_wait3A_250 = arith.constant 0 : i32
      %dma_wait3A_251 = tpu.memref_slice %arg11[%dma_wait3A_249, %dma_wait3A_250] : memref<10240x128xf32, #tpu.memory_space<vmem_shared>> -> memref<10240x128xf32, #tpu.memory_space<vmem_shared>>
      tpu.wait_indirect_dma semaphore(%arg14 : memref<!tpu.dma_semaphore, #tpu.memory_space<semaphore_mem>>) src(%arg9 : memref<128x128xf32, #tpu.memory_space<vmem>>) dst(%dma_wait3A_251 : memref<10240x128xf32, #tpu.memory_space<vmem_shared>>)
      %dma_start3A_252 = arith.constant 8 : i32
      %dma_start3A_253 = arith.constant 0 : i32
      %dma_start3A_254 = tpu.memref_slice %arg7[%dma_start3A_252, %dma_start3A_253] : memref<16x128xi32, #tpu.memory_space<vmem>> -> memref<1x128xi32, #tpu.memory_space<vmem>>
      %dma_start3A_255 = tpu.memref_squeeze %dma_start3A_254 : memref<1x128xi32, #tpu.memory_space<vmem>> -> memref<128xi32, #tpu.memory_space<vmem>>
      %dma_start3A_256 = arith.constant 0 : i32
      %dma_start3A_257 = arith.constant 0 : i32
      %dma_start3A_258 = tpu.memref_slice %arg2[%dma_start3A_256, %dma_start3A_257] : memref<10000x128xf32, #tpu.memory_space<hbm>> -> memref<10000x128xf32, #tpu.memory_space<hbm>>
      tpu.enqueue_indirect_dma source(%dma_start3A_258 : memref<10000x128xf32, #tpu.memory_space<hbm>>) target(%arg9 : memref<128x128xf32, #tpu.memory_space<vmem>>) offsets(%dma_start3A_255 : memref<128xi32, #tpu.memory_space<vmem>>) semaphore(%arg12 : memref<!tpu.dma_semaphore, #tpu.memory_space<semaphore_mem>>)
      %dma_wait3A_259 = arith.constant 7 : i32
      %dma_wait3A_260 = arith.constant 0 : i32
      %dma_wait3A_261 = tpu.memref_slice %arg7[%dma_wait3A_259, %dma_wait3A_260] : memref<16x128xi32, #tpu.memory_space<vmem>> -> memref<1x128xi32, #tpu.memory_space<vmem>>
      %dma_wait3A_262 = tpu.memref_squeeze %dma_wait3A_261 : memref<1x128xi32, #tpu.memory_space<vmem>> -> memref<128xi32, #tpu.memory_space<vmem>>
      %dma_wait3A_263 = arith.constant 0 : i32
      %dma_wait3A_264 = arith.constant 0 : i32
      %dma_wait3A_265 = tpu.memref_slice %arg2[%dma_wait3A_263, %dma_wait3A_264] : memref<10000x128xf32, #tpu.memory_space<hbm>> -> memref<10000x128xf32, #tpu.memory_space<hbm>>
      tpu.wait_indirect_dma semaphore(%arg13 : memref<!tpu.dma_semaphore, #tpu.memory_space<semaphore_mem>>) src(%dma_wait3A_265 : memref<10000x128xf32, #tpu.memory_space<hbm>>) dst(%arg10 : memref<128x128xf32, #tpu.memory_space<vmem>>)
      %dma_start3A_266 = arith.constant 7 : i32
      %dma_start3A_267 = arith.constant 0 : i32
      %dma_start3A_268 = tpu.memref_slice %arg8[%dma_start3A_266, %dma_start3A_267] : memref<16x128xi32, #tpu.memory_space<vmem>> -> memref<1x128xi32, #tpu.memory_space<vmem>>
      %dma_start3A_269 = tpu.memref_squeeze %dma_start3A_268 : memref<1x128xi32, #tpu.memory_space<vmem>> -> memref<128xi32, #tpu.memory_space<vmem>>
      %dma_start3A_270 = arith.constant 0 : i32
      %dma_start3A_271 = arith.constant 0 : i32
      %dma_start3A_272 = tpu.memref_slice %arg11[%dma_start3A_270, %dma_start3A_271] : memref<10240x128xf32, #tpu.memory_space<vmem_shared>> -> memref<10240x128xf32, #tpu.memory_space<vmem_shared>>
      tpu.enqueue_indirect_dma source(%arg10 : memref<128x128xf32, #tpu.memory_space<vmem>>) target(%dma_start3A_272 : memref<10240x128xf32, #tpu.memory_space<vmem_shared>>) offsets(%dma_start3A_269 : memref<128xi32, #tpu.memory_space<vmem>>) semaphore(%arg15 : memref<!tpu.dma_semaphore, #tpu.memory_space<semaphore_mem>>) {add = true}
      %dma_wait3A_273 = arith.constant 7 : i32
      %dma_wait3A_274 = arith.constant 0 : i32
      %dma_wait3A_275 = tpu.memref_slice %arg8[%dma_wait3A_273, %dma_wait3A_274] : memref<16x128xi32, #tpu.memory_space<vmem>> -> memref<1x128xi32, #tpu.memory_space<vmem>>
      %dma_wait3A_276 = tpu.memref_squeeze %dma_wait3A_275 : memref<1x128xi32, #tpu.memory_space<vmem>> -> memref<128xi32, #tpu.memory_space<vmem>>
      %dma_wait3A_277 = arith.constant 0 : i32
      %dma_wait3A_278 = arith.constant 0 : i32
      %dma_wait3A_279 = tpu.memref_slice %arg11[%dma_wait3A_277, %dma_wait3A_278] : memref<10240x128xf32, #tpu.memory_space<vmem_shared>> -> memref<10240x128xf32, #tpu.memory_space<vmem_shared>>
      tpu.wait_indirect_dma semaphore(%arg15 : memref<!tpu.dma_semaphore, #tpu.memory_space<semaphore_mem>>) src(%arg10 : memref<128x128xf32, #tpu.memory_space<vmem>>) dst(%dma_wait3A_279 : memref<10240x128xf32, #tpu.memory_space<vmem_shared>>)
      %dma_start3A_280 = arith.constant 9 : i32
      %dma_start3A_281 = arith.constant 0 : i32
      %dma_start3A_282 = tpu.memref_slice %arg7[%dma_start3A_280, %dma_start3A_281] : memref<16x128xi32, #tpu.memory_space<vmem>> -> memref<1x128xi32, #tpu.memory_space<vmem>>
      %dma_start3A_283 = tpu.memref_squeeze %dma_start3A_282 : memref<1x128xi32, #tpu.memory_space<vmem>> -> memref<128xi32, #tpu.memory_space<vmem>>
      %dma_start3A_284 = arith.constant 0 : i32
      %dma_start3A_285 = arith.constant 0 : i32
      %dma_start3A_286 = tpu.memref_slice %arg2[%dma_start3A_284, %dma_start3A_285] : memref<10000x128xf32, #tpu.memory_space<hbm>> -> memref<10000x128xf32, #tpu.memory_space<hbm>>
      tpu.enqueue_indirect_dma source(%dma_start3A_286 : memref<10000x128xf32, #tpu.memory_space<hbm>>) target(%arg10 : memref<128x128xf32, #tpu.memory_space<vmem>>) offsets(%dma_start3A_283 : memref<128xi32, #tpu.memory_space<vmem>>) semaphore(%arg13 : memref<!tpu.dma_semaphore, #tpu.memory_space<semaphore_mem>>)
      %dma_wait3A_287 = arith.constant 8 : i32
      %dma_wait3A_288 = arith.constant 0 : i32
      %dma_wait3A_289 = tpu.memref_slice %arg7[%dma_wait3A_287, %dma_wait3A_288] : memref<16x128xi32, #tpu.memory_space<vmem>> -> memref<1x128xi32, #tpu.memory_space<vmem>>
      %dma_wait3A_290 = tpu.memref_squeeze %dma_wait3A_289 : memref<1x128xi32, #tpu.memory_space<vmem>> -> memref<128xi32, #tpu.memory_space<vmem>>
      %dma_wait3A_291 = arith.constant 0 : i32
      %dma_wait3A_292 = arith.constant 0 : i32
      %dma_wait3A_293 = tpu.memref_slice %arg2[%dma_wait3A_291, %dma_wait3A_292] : memref<10000x128xf32, #tpu.memory_space<hbm>> -> memref<10000x128xf32, #tpu.memory_space<hbm>>
      tpu.wait_indirect_dma semaphore(%arg12 : memref<!tpu.dma_semaphore, #tpu.memory_space<semaphore_mem>>) src(%dma_wait3A_293 : memref<10000x128xf32, #tpu.memory_space<hbm>>) dst(%arg9 : memref<128x128xf32, #tpu.memory_space<vmem>>)
      %dma_start3A_294 = arith.constant 8 : i32
      %dma_start3A_295 = arith.constant 0 : i32
      %dma_start3A_296 = tpu.memref_slice %arg8[%dma_start3A_294, %dma_start3A_295] : memref<16x128xi32, #tpu.memory_space<vmem>> -> memref<1x128xi32, #tpu.memory_space<vmem>>
      %dma_start3A_297 = tpu.memref_squeeze %dma_start3A_296 : memref<1x128xi32, #tpu.memory_space<vmem>> -> memref<128xi32, #tpu.memory_space<vmem>>
      %dma_start3A_298 = arith.constant 0 : i32
      %dma_start3A_299 = arith.constant 0 : i32
      %dma_start3A_300 = tpu.memref_slice %arg11[%dma_start3A_298, %dma_start3A_299] : memref<10240x128xf32, #tpu.memory_space<vmem_shared>> -> memref<10240x128xf32, #tpu.memory_space<vmem_shared>>
      tpu.enqueue_indirect_dma source(%arg9 : memref<128x128xf32, #tpu.memory_space<vmem>>) target(%dma_start3A_300 : memref<10240x128xf32, #tpu.memory_space<vmem_shared>>) offsets(%dma_start3A_297 : memref<128xi32, #tpu.memory_space<vmem>>) semaphore(%arg14 : memref<!tpu.dma_semaphore, #tpu.memory_space<semaphore_mem>>) {add = true}
      %dma_wait3A_301 = arith.constant 8 : i32
      %dma_wait3A_302 = arith.constant 0 : i32
      %dma_wait3A_303 = tpu.memref_slice %arg8[%dma_wait3A_301, %dma_wait3A_302] : memref<16x128xi32, #tpu.memory_space<vmem>> -> memref<1x128xi32, #tpu.memory_space<vmem>>
      %dma_wait3A_304 = tpu.memref_squeeze %dma_wait3A_303 : memref<1x128xi32, #tpu.memory_space<vmem>> -> memref<128xi32, #tpu.memory_space<vmem>>
      %dma_wait3A_305 = arith.constant 0 : i32
      %dma_wait3A_306 = arith.constant 0 : i32
      %dma_wait3A_307 = tpu.memref_slice %arg11[%dma_wait3A_305, %dma_wait3A_306] : memref<10240x128xf32, #tpu.memory_space<vmem_shared>> -> memref<10240x128xf32, #tpu.memory_space<vmem_shared>>
      tpu.wait_indirect_dma semaphore(%arg14 : memref<!tpu.dma_semaphore, #tpu.memory_space<semaphore_mem>>) src(%arg9 : memref<128x128xf32, #tpu.memory_space<vmem>>) dst(%dma_wait3A_307 : memref<10240x128xf32, #tpu.memory_space<vmem_shared>>)
      %dma_start3A_308 = arith.constant 10 : i32
      %dma_start3A_309 = arith.constant 0 : i32
      %dma_start3A_310 = tpu.memref_slice %arg7[%dma_start3A_308, %dma_start3A_309] : memref<16x128xi32, #tpu.memory_space<vmem>> -> memref<1x128xi32, #tpu.memory_space<vmem>>
      %dma_start3A_311 = tpu.memref_squeeze %dma_start3A_310 : memref<1x128xi32, #tpu.memory_space<vmem>> -> memref<128xi32, #tpu.memory_space<vmem>>
      %dma_start3A_312 = arith.constant 0 : i32
      %dma_start3A_313 = arith.constant 0 : i32
      %dma_start3A_314 = tpu.memref_slice %arg2[%dma_start3A_312, %dma_start3A_313] : memref<10000x128xf32, #tpu.memory_space<hbm>> -> memref<10000x128xf32, #tpu.memory_space<hbm>>
      tpu.enqueue_indirect_dma source(%dma_start3A_314 : memref<10000x128xf32, #tpu.memory_space<hbm>>) target(%arg9 : memref<128x128xf32, #tpu.memory_space<vmem>>) offsets(%dma_start3A_311 : memref<128xi32, #tpu.memory_space<vmem>>) semaphore(%arg12 : memref<!tpu.dma_semaphore, #tpu.memory_space<semaphore_mem>>)
      %dma_wait3A_315 = arith.constant 9 : i32
      %dma_wait3A_316 = arith.constant 0 : i32
      %dma_wait3A_317 = tpu.memref_slice %arg7[%dma_wait3A_315, %dma_wait3A_316] : memref<16x128xi32, #tpu.memory_space<vmem>> -> memref<1x128xi32, #tpu.memory_space<vmem>>
      %dma_wait3A_318 = tpu.memref_squeeze %dma_wait3A_317 : memref<1x128xi32, #tpu.memory_space<vmem>> -> memref<128xi32, #tpu.memory_space<vmem>>
      %dma_wait3A_319 = arith.constant 0 : i32
      %dma_wait3A_320 = arith.constant 0 : i32
      %dma_wait3A_321 = tpu.memref_slice %arg2[%dma_wait3A_319, %dma_wait3A_320] : memref<10000x128xf32, #tpu.memory_space<hbm>> -> memref<10000x128xf32, #tpu.memory_space<hbm>>
      tpu.wait_indirect_dma semaphore(%arg13 : memref<!tpu.dma_semaphore, #tpu.memory_space<semaphore_mem>>) src(%dma_wait3A_321 : memref<10000x128xf32, #tpu.memory_space<hbm>>) dst(%arg10 : memref<128x128xf32, #tpu.memory_space<vmem>>)
      %dma_start3A_322 = arith.constant 9 : i32
      %dma_start3A_323 = arith.constant 0 : i32
      %dma_start3A_324 = tpu.memref_slice %arg8[%dma_start3A_322, %dma_start3A_323] : memref<16x128xi32, #tpu.memory_space<vmem>> -> memref<1x128xi32, #tpu.memory_space<vmem>>
      %dma_start3A_325 = tpu.memref_squeeze %dma_start3A_324 : memref<1x128xi32, #tpu.memory_space<vmem>> -> memref<128xi32, #tpu.memory_space<vmem>>
      %dma_start3A_326 = arith.constant 0 : i32
      %dma_start3A_327 = arith.constant 0 : i32
      %dma_start3A_328 = tpu.memref_slice %arg11[%dma_start3A_326, %dma_start3A_327] : memref<10240x128xf32, #tpu.memory_space<vmem_shared>> -> memref<10240x128xf32, #tpu.memory_space<vmem_shared>>
      tpu.enqueue_indirect_dma source(%arg10 : memref<128x128xf32, #tpu.memory_space<vmem>>) target(%dma_start3A_328 : memref<10240x128xf32, #tpu.memory_space<vmem_shared>>) offsets(%dma_start3A_325 : memref<128xi32, #tpu.memory_space<vmem>>) semaphore(%arg15 : memref<!tpu.dma_semaphore, #tpu.memory_space<semaphore_mem>>) {add = true}
      %dma_wait3A_329 = arith.constant 9 : i32
      %dma_wait3A_330 = arith.constant 0 : i32
      %dma_wait3A_331 = tpu.memref_slice %arg8[%dma_wait3A_329, %dma_wait3A_330] : memref<16x128xi32, #tpu.memory_space<vmem>> -> memref<1x128xi32, #tpu.memory_space<vmem>>
      %dma_wait3A_332 = tpu.memref_squeeze %dma_wait3A_331 : memref<1x128xi32, #tpu.memory_space<vmem>> -> memref<128xi32, #tpu.memory_space<vmem>>
      %dma_wait3A_333 = arith.constant 0 : i32
      %dma_wait3A_334 = arith.constant 0 : i32
      %dma_wait3A_335 = tpu.memref_slice %arg11[%dma_wait3A_333, %dma_wait3A_334] : memref<10240x128xf32, #tpu.memory_space<vmem_shared>> -> memref<10240x128xf32, #tpu.memory_space<vmem_shared>>
      tpu.wait_indirect_dma semaphore(%arg15 : memref<!tpu.dma_semaphore, #tpu.memory_space<semaphore_mem>>) src(%arg10 : memref<128x128xf32, #tpu.memory_space<vmem>>) dst(%dma_wait3A_335 : memref<10240x128xf32, #tpu.memory_space<vmem_shared>>)
      %dma_start3A_336 = arith.constant 11 : i32
      %dma_start3A_337 = arith.constant 0 : i32
      %dma_start3A_338 = tpu.memref_slice %arg7[%dma_start3A_336, %dma_start3A_337] : memref<16x128xi32, #tpu.memory_space<vmem>> -> memref<1x128xi32, #tpu.memory_space<vmem>>
      %dma_start3A_339 = tpu.memref_squeeze %dma_start3A_338 : memref<1x128xi32, #tpu.memory_space<vmem>> -> memref<128xi32, #tpu.memory_space<vmem>>
      %dma_start3A_340 = arith.constant 0 : i32
      %dma_start3A_341 = arith.constant 0 : i32
      %dma_start3A_342 = tpu.memref_slice %arg2[%dma_start3A_340, %dma_start3A_341] : memref<10000x128xf32, #tpu.memory_space<hbm>> -> memref<10000x128xf32, #tpu.memory_space<hbm>>
      tpu.enqueue_indirect_dma source(%dma_start3A_342 : memref<10000x128xf32, #tpu.memory_space<hbm>>) target(%arg10 : memref<128x128xf32, #tpu.memory_space<vmem>>) offsets(%dma_start3A_339 : memref<128xi32, #tpu.memory_space<vmem>>) semaphore(%arg13 : memref<!tpu.dma_semaphore, #tpu.memory_space<semaphore_mem>>)
      %dma_wait3A_343 = arith.constant 10 : i32
      %dma_wait3A_344 = arith.constant 0 : i32
      %dma_wait3A_345 = tpu.memref_slice %arg7[%dma_wait3A_343, %dma_wait3A_344] : memref<16x128xi32, #tpu.memory_space<vmem>> -> memref<1x128xi32, #tpu.memory_space<vmem>>
      %dma_wait3A_346 = tpu.memref_squeeze %dma_wait3A_345 : memref<1x128xi32, #tpu.memory_space<vmem>> -> memref<128xi32, #tpu.memory_space<vmem>>
      %dma_wait3A_347 = arith.constant 0 : i32
      %dma_wait3A_348 = arith.constant 0 : i32
      %dma_wait3A_349 = tpu.memref_slice %arg2[%dma_wait3A_347, %dma_wait3A_348] : memref<10000x128xf32, #tpu.memory_space<hbm>> -> memref<10000x128xf32, #tpu.memory_space<hbm>>
      tpu.wait_indirect_dma semaphore(%arg12 : memref<!tpu.dma_semaphore, #tpu.memory_space<semaphore_mem>>) src(%dma_wait3A_349 : memref<10000x128xf32, #tpu.memory_space<hbm>>) dst(%arg9 : memref<128x128xf32, #tpu.memory_space<vmem>>)
      %dma_start3A_350 = arith.constant 10 : i32
      %dma_start3A_351 = arith.constant 0 : i32
      %dma_start3A_352 = tpu.memref_slice %arg8[%dma_start3A_350, %dma_start3A_351] : memref<16x128xi32, #tpu.memory_space<vmem>> -> memref<1x128xi32, #tpu.memory_space<vmem>>
      %dma_start3A_353 = tpu.memref_squeeze %dma_start3A_352 : memref<1x128xi32, #tpu.memory_space<vmem>> -> memref<128xi32, #tpu.memory_space<vmem>>
      %dma_start3A_354 = arith.constant 0 : i32
      %dma_start3A_355 = arith.constant 0 : i32
      %dma_start3A_356 = tpu.memref_slice %arg11[%dma_start3A_354, %dma_start3A_355] : memref<10240x128xf32, #tpu.memory_space<vmem_shared>> -> memref<10240x128xf32, #tpu.memory_space<vmem_shared>>
      tpu.enqueue_indirect_dma source(%arg9 : memref<128x128xf32, #tpu.memory_space<vmem>>) target(%dma_start3A_356 : memref<10240x128xf32, #tpu.memory_space<vmem_shared>>) offsets(%dma_start3A_353 : memref<128xi32, #tpu.memory_space<vmem>>) semaphore(%arg14 : memref<!tpu.dma_semaphore, #tpu.memory_space<semaphore_mem>>) {add = true}
      %dma_wait3A_357 = arith.constant 10 : i32
      %dma_wait3A_358 = arith.constant 0 : i32
      %dma_wait3A_359 = tpu.memref_slice %arg8[%dma_wait3A_357, %dma_wait3A_358] : memref<16x128xi32, #tpu.memory_space<vmem>> -> memref<1x128xi32, #tpu.memory_space<vmem>>
      %dma_wait3A_360 = tpu.memref_squeeze %dma_wait3A_359 : memref<1x128xi32, #tpu.memory_space<vmem>> -> memref<128xi32, #tpu.memory_space<vmem>>
      %dma_wait3A_361 = arith.constant 0 : i32
      %dma_wait3A_362 = arith.constant 0 : i32
      %dma_wait3A_363 = tpu.memref_slice %arg11[%dma_wait3A_361, %dma_wait3A_362] : memref<10240x128xf32, #tpu.memory_space<vmem_shared>> -> memref<10240x128xf32, #tpu.memory_space<vmem_shared>>
      tpu.wait_indirect_dma semaphore(%arg14 : memref<!tpu.dma_semaphore, #tpu.memory_space<semaphore_mem>>) src(%arg9 : memref<128x128xf32, #tpu.memory_space<vmem>>) dst(%dma_wait3A_363 : memref<10240x128xf32, #tpu.memory_space<vmem_shared>>)
      %dma_start3A_364 = arith.constant 12 : i32
      %dma_start3A_365 = arith.constant 0 : i32
      %dma_start3A_366 = tpu.memref_slice %arg7[%dma_start3A_364, %dma_start3A_365] : memref<16x128xi32, #tpu.memory_space<vmem>> -> memref<1x128xi32, #tpu.memory_space<vmem>>
      %dma_start3A_367 = tpu.memref_squeeze %dma_start3A_366 : memref<1x128xi32, #tpu.memory_space<vmem>> -> memref<128xi32, #tpu.memory_space<vmem>>
      %dma_start3A_368 = arith.constant 0 : i32
      %dma_start3A_369 = arith.constant 0 : i32
      %dma_start3A_370 = tpu.memref_slice %arg2[%dma_start3A_368, %dma_start3A_369] : memref<10000x128xf32, #tpu.memory_space<hbm>> -> memref<10000x128xf32, #tpu.memory_space<hbm>>
      tpu.enqueue_indirect_dma source(%dma_start3A_370 : memref<10000x128xf32, #tpu.memory_space<hbm>>) target(%arg9 : memref<128x128xf32, #tpu.memory_space<vmem>>) offsets(%dma_start3A_367 : memref<128xi32, #tpu.memory_space<vmem>>) semaphore(%arg12 : memref<!tpu.dma_semaphore, #tpu.memory_space<semaphore_mem>>)
      %dma_wait3A_371 = arith.constant 11 : i32
      %dma_wait3A_372 = arith.constant 0 : i32
      %dma_wait3A_373 = tpu.memref_slice %arg7[%dma_wait3A_371, %dma_wait3A_372] : memref<16x128xi32, #tpu.memory_space<vmem>> -> memref<1x128xi32, #tpu.memory_space<vmem>>
      %dma_wait3A_374 = tpu.memref_squeeze %dma_wait3A_373 : memref<1x128xi32, #tpu.memory_space<vmem>> -> memref<128xi32, #tpu.memory_space<vmem>>
      %dma_wait3A_375 = arith.constant 0 : i32
      %dma_wait3A_376 = arith.constant 0 : i32
      %dma_wait3A_377 = tpu.memref_slice %arg2[%dma_wait3A_375, %dma_wait3A_376] : memref<10000x128xf32, #tpu.memory_space<hbm>> -> memref<10000x128xf32, #tpu.memory_space<hbm>>
      tpu.wait_indirect_dma semaphore(%arg13 : memref<!tpu.dma_semaphore, #tpu.memory_space<semaphore_mem>>) src(%dma_wait3A_377 : memref<10000x128xf32, #tpu.memory_space<hbm>>) dst(%arg10 : memref<128x128xf32, #tpu.memory_space<vmem>>)
      %dma_start3A_378 = arith.constant 11 : i32
      %dma_start3A_379 = arith.constant 0 : i32
      %dma_start3A_380 = tpu.memref_slice %arg8[%dma_start3A_378, %dma_start3A_379] : memref<16x128xi32, #tpu.memory_space<vmem>> -> memref<1x128xi32, #tpu.memory_space<vmem>>
      %dma_start3A_381 = tpu.memref_squeeze %dma_start3A_380 : memref<1x128xi32, #tpu.memory_space<vmem>> -> memref<128xi32, #tpu.memory_space<vmem>>
      %dma_start3A_382 = arith.constant 0 : i32
      %dma_start3A_383 = arith.constant 0 : i32
      %dma_start3A_384 = tpu.memref_slice %arg11[%dma_start3A_382, %dma_start3A_383] : memref<10240x128xf32, #tpu.memory_space<vmem_shared>> -> memref<10240x128xf32, #tpu.memory_space<vmem_shared>>
      tpu.enqueue_indirect_dma source(%arg10 : memref<128x128xf32, #tpu.memory_space<vmem>>) target(%dma_start3A_384 : memref<10240x128xf32, #tpu.memory_space<vmem_shared>>) offsets(%dma_start3A_381 : memref<128xi32, #tpu.memory_space<vmem>>) semaphore(%arg15 : memref<!tpu.dma_semaphore, #tpu.memory_space<semaphore_mem>>) {add = true}
      %dma_wait3A_385 = arith.constant 11 : i32
      %dma_wait3A_386 = arith.constant 0 : i32
      %dma_wait3A_387 = tpu.memref_slice %arg8[%dma_wait3A_385, %dma_wait3A_386] : memref<16x128xi32, #tpu.memory_space<vmem>> -> memref<1x128xi32, #tpu.memory_space<vmem>>
      %dma_wait3A_388 = tpu.memref_squeeze %dma_wait3A_387 : memref<1x128xi32, #tpu.memory_space<vmem>> -> memref<128xi32, #tpu.memory_space<vmem>>
      %dma_wait3A_389 = arith.constant 0 : i32
      %dma_wait3A_390 = arith.constant 0 : i32
      %dma_wait3A_391 = tpu.memref_slice %arg11[%dma_wait3A_389, %dma_wait3A_390] : memref<10240x128xf32, #tpu.memory_space<vmem_shared>> -> memref<10240x128xf32, #tpu.memory_space<vmem_shared>>
      tpu.wait_indirect_dma semaphore(%arg15 : memref<!tpu.dma_semaphore, #tpu.memory_space<semaphore_mem>>) src(%arg10 : memref<128x128xf32, #tpu.memory_space<vmem>>) dst(%dma_wait3A_391 : memref<10240x128xf32, #tpu.memory_space<vmem_shared>>)
      %dma_start3A_392 = arith.constant 13 : i32
      %dma_start3A_393 = arith.constant 0 : i32
      %dma_start3A_394 = tpu.memref_slice %arg7[%dma_start3A_392, %dma_start3A_393] : memref<16x128xi32, #tpu.memory_space<vmem>> -> memref<1x128xi32, #tpu.memory_space<vmem>>
      %dma_start3A_395 = tpu.memref_squeeze %dma_start3A_394 : memref<1x128xi32, #tpu.memory_space<vmem>> -> memref<128xi32, #tpu.memory_space<vmem>>
      %dma_start3A_396 = arith.constant 0 : i32
      %dma_start3A_397 = arith.constant 0 : i32
      %dma_start3A_398 = tpu.memref_slice %arg2[%dma_start3A_396, %dma_start3A_397] : memref<10000x128xf32, #tpu.memory_space<hbm>> -> memref<10000x128xf32, #tpu.memory_space<hbm>>
      tpu.enqueue_indirect_dma source(%dma_start3A_398 : memref<10000x128xf32, #tpu.memory_space<hbm>>) target(%arg10 : memref<128x128xf32, #tpu.memory_space<vmem>>) offsets(%dma_start3A_395 : memref<128xi32, #tpu.memory_space<vmem>>) semaphore(%arg13 : memref<!tpu.dma_semaphore, #tpu.memory_space<semaphore_mem>>)
      %dma_wait3A_399 = arith.constant 12 : i32
      %dma_wait3A_400 = arith.constant 0 : i32
      %dma_wait3A_401 = tpu.memref_slice %arg7[%dma_wait3A_399, %dma_wait3A_400] : memref<16x128xi32, #tpu.memory_space<vmem>> -> memref<1x128xi32, #tpu.memory_space<vmem>>
      %dma_wait3A_402 = tpu.memref_squeeze %dma_wait3A_401 : memref<1x128xi32, #tpu.memory_space<vmem>> -> memref<128xi32, #tpu.memory_space<vmem>>
      %dma_wait3A_403 = arith.constant 0 : i32
      %dma_wait3A_404 = arith.constant 0 : i32
      %dma_wait3A_405 = tpu.memref_slice %arg2[%dma_wait3A_403, %dma_wait3A_404] : memref<10000x128xf32, #tpu.memory_space<hbm>> -> memref<10000x128xf32, #tpu.memory_space<hbm>>
      tpu.wait_indirect_dma semaphore(%arg12 : memref<!tpu.dma_semaphore, #tpu.memory_space<semaphore_mem>>) src(%dma_wait3A_405 : memref<10000x128xf32, #tpu.memory_space<hbm>>) dst(%arg9 : memref<128x128xf32, #tpu.memory_space<vmem>>)
      %dma_start3A_406 = arith.constant 12 : i32
      %dma_start3A_407 = arith.constant 0 : i32
      %dma_start3A_408 = tpu.memref_slice %arg8[%dma_start3A_406, %dma_start3A_407] : memref<16x128xi32, #tpu.memory_space<vmem>> -> memref<1x128xi32, #tpu.memory_space<vmem>>
      %dma_start3A_409 = tpu.memref_squeeze %dma_start3A_408 : memref<1x128xi32, #tpu.memory_space<vmem>> -> memref<128xi32, #tpu.memory_space<vmem>>
      %dma_start3A_410 = arith.constant 0 : i32
      %dma_start3A_411 = arith.constant 0 : i32
      %dma_start3A_412 = tpu.memref_slice %arg11[%dma_start3A_410, %dma_start3A_411] : memref<10240x128xf32, #tpu.memory_space<vmem_shared>> -> memref<10240x128xf32, #tpu.memory_space<vmem_shared>>
      tpu.enqueue_indirect_dma source(%arg9 : memref<128x128xf32, #tpu.memory_space<vmem>>) target(%dma_start3A_412 : memref<10240x128xf32, #tpu.memory_space<vmem_shared>>) offsets(%dma_start3A_409 : memref<128xi32, #tpu.memory_space<vmem>>) semaphore(%arg14 : memref<!tpu.dma_semaphore, #tpu.memory_space<semaphore_mem>>) {add = true}
      %dma_wait3A_413 = arith.constant 12 : i32
      %dma_wait3A_414 = arith.constant 0 : i32
      %dma_wait3A_415 = tpu.memref_slice %arg8[%dma_wait3A_413, %dma_wait3A_414] : memref<16x128xi32, #tpu.memory_space<vmem>> -> memref<1x128xi32, #tpu.memory_space<vmem>>
      %dma_wait3A_416 = tpu.memref_squeeze %dma_wait3A_415 : memref<1x128xi32, #tpu.memory_space<vmem>> -> memref<128xi32, #tpu.memory_space<vmem>>
      %dma_wait3A_417 = arith.constant 0 : i32
      %dma_wait3A_418 = arith.constant 0 : i32
      %dma_wait3A_419 = tpu.memref_slice %arg11[%dma_wait3A_417, %dma_wait3A_418] : memref<10240x128xf32, #tpu.memory_space<vmem_shared>> -> memref<10240x128xf32, #tpu.memory_space<vmem_shared>>
      tpu.wait_indirect_dma semaphore(%arg14 : memref<!tpu.dma_semaphore, #tpu.memory_space<semaphore_mem>>) src(%arg9 : memref<128x128xf32, #tpu.memory_space<vmem>>) dst(%dma_wait3A_419 : memref<10240x128xf32, #tpu.memory_space<vmem_shared>>)
      %dma_start3A_420 = arith.constant 14 : i32
      %dma_start3A_421 = arith.constant 0 : i32
      %dma_start3A_422 = tpu.memref_slice %arg7[%dma_start3A_420, %dma_start3A_421] : memref<16x128xi32, #tpu.memory_space<vmem>> -> memref<1x128xi32, #tpu.memory_space<vmem>>
      %dma_start3A_423 = tpu.memref_squeeze %dma_start3A_422 : memref<1x128xi32, #tpu.memory_space<vmem>> -> memref<128xi32, #tpu.memory_space<vmem>>
      %dma_start3A_424 = arith.constant 0 : i32
      %dma_start3A_425 = arith.constant 0 : i32
      %dma_start3A_426 = tpu.memref_slice %arg2[%dma_start3A_424, %dma_start3A_425] : memref<10000x128xf32, #tpu.memory_space<hbm>> -> memref<10000x128xf32, #tpu.memory_space<hbm>>
      tpu.enqueue_indirect_dma source(%dma_start3A_426 : memref<10000x128xf32, #tpu.memory_space<hbm>>) target(%arg9 : memref<128x128xf32, #tpu.memory_space<vmem>>) offsets(%dma_start3A_423 : memref<128xi32, #tpu.memory_space<vmem>>) semaphore(%arg12 : memref<!tpu.dma_semaphore, #tpu.memory_space<semaphore_mem>>)
      %dma_wait3A_427 = arith.constant 13 : i32
      %dma_wait3A_428 = arith.constant 0 : i32
      %dma_wait3A_429 = tpu.memref_slice %arg7[%dma_wait3A_427, %dma_wait3A_428] : memref<16x128xi32, #tpu.memory_space<vmem>> -> memref<1x128xi32, #tpu.memory_space<vmem>>
      %dma_wait3A_430 = tpu.memref_squeeze %dma_wait3A_429 : memref<1x128xi32, #tpu.memory_space<vmem>> -> memref<128xi32, #tpu.memory_space<vmem>>
      %dma_wait3A_431 = arith.constant 0 : i32
      %dma_wait3A_432 = arith.constant 0 : i32
      %dma_wait3A_433 = tpu.memref_slice %arg2[%dma_wait3A_431, %dma_wait3A_432] : memref<10000x128xf32, #tpu.memory_space<hbm>> -> memref<10000x128xf32, #tpu.memory_space<hbm>>
      tpu.wait_indirect_dma semaphore(%arg13 : memref<!tpu.dma_semaphore, #tpu.memory_space<semaphore_mem>>) src(%dma_wait3A_433 : memref<10000x128xf32, #tpu.memory_space<hbm>>) dst(%arg10 : memref<128x128xf32, #tpu.memory_space<vmem>>)
      %dma_start3A_434 = arith.constant 13 : i32
      %dma_start3A_435 = arith.constant 0 : i32
      %dma_start3A_436 = tpu.memref_slice %arg8[%dma_start3A_434, %dma_start3A_435] : memref<16x128xi32, #tpu.memory_space<vmem>> -> memref<1x128xi32, #tpu.memory_space<vmem>>
      %dma_start3A_437 = tpu.memref_squeeze %dma_start3A_436 : memref<1x128xi32, #tpu.memory_space<vmem>> -> memref<128xi32, #tpu.memory_space<vmem>>
      %dma_start3A_438 = arith.constant 0 : i32
      %dma_start3A_439 = arith.constant 0 : i32
      %dma_start3A_440 = tpu.memref_slice %arg11[%dma_start3A_438, %dma_start3A_439] : memref<10240x128xf32, #tpu.memory_space<vmem_shared>> -> memref<10240x128xf32, #tpu.memory_space<vmem_shared>>
      tpu.enqueue_indirect_dma source(%arg10 : memref<128x128xf32, #tpu.memory_space<vmem>>) target(%dma_start3A_440 : memref<10240x128xf32, #tpu.memory_space<vmem_shared>>) offsets(%dma_start3A_437 : memref<128xi32, #tpu.memory_space<vmem>>) semaphore(%arg15 : memref<!tpu.dma_semaphore, #tpu.memory_space<semaphore_mem>>) {add = true}
      %dma_wait3A_441 = arith.constant 13 : i32
      %dma_wait3A_442 = arith.constant 0 : i32
      %dma_wait3A_443 = tpu.memref_slice %arg8[%dma_wait3A_441, %dma_wait3A_442] : memref<16x128xi32, #tpu.memory_space<vmem>> -> memref<1x128xi32, #tpu.memory_space<vmem>>
      %dma_wait3A_444 = tpu.memref_squeeze %dma_wait3A_443 : memref<1x128xi32, #tpu.memory_space<vmem>> -> memref<128xi32, #tpu.memory_space<vmem>>
      %dma_wait3A_445 = arith.constant 0 : i32
      %dma_wait3A_446 = arith.constant 0 : i32
      %dma_wait3A_447 = tpu.memref_slice %arg11[%dma_wait3A_445, %dma_wait3A_446] : memref<10240x128xf32, #tpu.memory_space<vmem_shared>> -> memref<10240x128xf32, #tpu.memory_space<vmem_shared>>
      tpu.wait_indirect_dma semaphore(%arg15 : memref<!tpu.dma_semaphore, #tpu.memory_space<semaphore_mem>>) src(%arg10 : memref<128x128xf32, #tpu.memory_space<vmem>>) dst(%dma_wait3A_447 : memref<10240x128xf32, #tpu.memory_space<vmem_shared>>)
      %dma_start3A_448 = arith.constant 15 : i32
      %dma_start3A_449 = arith.constant 0 : i32
      %dma_start3A_450 = tpu.memref_slice %arg7[%dma_start3A_448, %dma_start3A_449] : memref<16x128xi32, #tpu.memory_space<vmem>> -> memref<1x128xi32, #tpu.memory_space<vmem>>
      %dma_start3A_451 = tpu.memref_squeeze %dma_start3A_450 : memref<1x128xi32, #tpu.memory_space<vmem>> -> memref<128xi32, #tpu.memory_space<vmem>>
      %dma_start3A_452 = arith.constant 0 : i32
      %dma_start3A_453 = arith.constant 0 : i32
      %dma_start3A_454 = tpu.memref_slice %arg2[%dma_start3A_452, %dma_start3A_453] : memref<10000x128xf32, #tpu.memory_space<hbm>> -> memref<10000x128xf32, #tpu.memory_space<hbm>>
      tpu.enqueue_indirect_dma source(%dma_start3A_454 : memref<10000x128xf32, #tpu.memory_space<hbm>>) target(%arg10 : memref<128x128xf32, #tpu.memory_space<vmem>>) offsets(%dma_start3A_451 : memref<128xi32, #tpu.memory_space<vmem>>) semaphore(%arg13 : memref<!tpu.dma_semaphore, #tpu.memory_space<semaphore_mem>>)
      %dma_wait3A_455 = arith.constant 14 : i32
      %dma_wait3A_456 = arith.constant 0 : i32
      %dma_wait3A_457 = tpu.memref_slice %arg7[%dma_wait3A_455, %dma_wait3A_456] : memref<16x128xi32, #tpu.memory_space<vmem>> -> memref<1x128xi32, #tpu.memory_space<vmem>>
      %dma_wait3A_458 = tpu.memref_squeeze %dma_wait3A_457 : memref<1x128xi32, #tpu.memory_space<vmem>> -> memref<128xi32, #tpu.memory_space<vmem>>
      %dma_wait3A_459 = arith.constant 0 : i32
      %dma_wait3A_460 = arith.constant 0 : i32
      %dma_wait3A_461 = tpu.memref_slice %arg2[%dma_wait3A_459, %dma_wait3A_460] : memref<10000x128xf32, #tpu.memory_space<hbm>> -> memref<10000x128xf32, #tpu.memory_space<hbm>>
      tpu.wait_indirect_dma semaphore(%arg12 : memref<!tpu.dma_semaphore, #tpu.memory_space<semaphore_mem>>) src(%dma_wait3A_461 : memref<10000x128xf32, #tpu.memory_space<hbm>>) dst(%arg9 : memref<128x128xf32, #tpu.memory_space<vmem>>)
      %dma_start3A_462 = arith.constant 14 : i32
      %dma_start3A_463 = arith.constant 0 : i32
      %dma_start3A_464 = tpu.memref_slice %arg8[%dma_start3A_462, %dma_start3A_463] : memref<16x128xi32, #tpu.memory_space<vmem>> -> memref<1x128xi32, #tpu.memory_space<vmem>>
      %dma_start3A_465 = tpu.memref_squeeze %dma_start3A_464 : memref<1x128xi32, #tpu.memory_space<vmem>> -> memref<128xi32, #tpu.memory_space<vmem>>
      %dma_start3A_466 = arith.constant 0 : i32
      %dma_start3A_467 = arith.constant 0 : i32
      %dma_start3A_468 = tpu.memref_slice %arg11[%dma_start3A_466, %dma_start3A_467] : memref<10240x128xf32, #tpu.memory_space<vmem_shared>> -> memref<10240x128xf32, #tpu.memory_space<vmem_shared>>
      tpu.enqueue_indirect_dma source(%arg9 : memref<128x128xf32, #tpu.memory_space<vmem>>) target(%dma_start3A_468 : memref<10240x128xf32, #tpu.memory_space<vmem_shared>>) offsets(%dma_start3A_465 : memref<128xi32, #tpu.memory_space<vmem>>) semaphore(%arg14 : memref<!tpu.dma_semaphore, #tpu.memory_space<semaphore_mem>>) {add = true}
      %dma_wait3A_469 = arith.constant 15 : i32
      %dma_wait3A_470 = arith.constant 0 : i32
      %dma_wait3A_471 = tpu.memref_slice %arg7[%dma_wait3A_469, %dma_wait3A_470] : memref<16x128xi32, #tpu.memory_space<vmem>> -> memref<1x128xi32, #tpu.memory_space<vmem>>
      %dma_wait3A_472 = tpu.memref_squeeze %dma_wait3A_471 : memref<1x128xi32, #tpu.memory_space<vmem>> -> memref<128xi32, #tpu.memory_space<vmem>>
      %dma_wait3A_473 = arith.constant 0 : i32
      %dma_wait3A_474 = arith.constant 0 : i32
      %dma_wait3A_475 = tpu.memref_slice %arg2[%dma_wait3A_473, %dma_wait3A_474] : memref<10000x128xf32, #tpu.memory_space<hbm>> -> memref<10000x128xf32, #tpu.memory_space<hbm>>
      tpu.wait_indirect_dma semaphore(%arg13 : memref<!tpu.dma_semaphore, #tpu.memory_space<semaphore_mem>>) src(%dma_wait3A_475 : memref<10000x128xf32, #tpu.memory_space<hbm>>) dst(%arg10 : memref<128x128xf32, #tpu.memory_space<vmem>>)
      %dma_start3A_476 = arith.constant 15 : i32
      %dma_start3A_477 = arith.constant 0 : i32
      %dma_start3A_478 = tpu.memref_slice %arg8[%dma_start3A_476, %dma_start3A_477] : memref<16x128xi32, #tpu.memory_space<vmem>> -> memref<1x128xi32, #tpu.memory_space<vmem>>
      %dma_start3A_479 = tpu.memref_squeeze %dma_start3A_478 : memref<1x128xi32, #tpu.memory_space<vmem>> -> memref<128xi32, #tpu.memory_space<vmem>>
      %dma_start3A_480 = arith.constant 0 : i32
      %dma_start3A_481 = arith.constant 0 : i32
      %dma_start3A_482 = tpu.memref_slice %arg11[%dma_start3A_480, %dma_start3A_481] : memref<10240x128xf32, #tpu.memory_space<vmem_shared>> -> memref<10240x128xf32, #tpu.memory_space<vmem_shared>>
      tpu.enqueue_indirect_dma source(%arg10 : memref<128x128xf32, #tpu.memory_space<vmem>>) target(%dma_start3A_482 : memref<10240x128xf32, #tpu.memory_space<vmem_shared>>) offsets(%dma_start3A_479 : memref<128xi32, #tpu.memory_space<vmem>>) semaphore(%arg15 : memref<!tpu.dma_semaphore, #tpu.memory_space<semaphore_mem>>) {add = true}
      %dma_wait3A_483 = arith.constant 14 : i32
      %dma_wait3A_484 = arith.constant 0 : i32
      %dma_wait3A_485 = tpu.memref_slice %arg8[%dma_wait3A_483, %dma_wait3A_484] : memref<16x128xi32, #tpu.memory_space<vmem>> -> memref<1x128xi32, #tpu.memory_space<vmem>>
      %dma_wait3A_486 = tpu.memref_squeeze %dma_wait3A_485 : memref<1x128xi32, #tpu.memory_space<vmem>> -> memref<128xi32, #tpu.memory_space<vmem>>
      %dma_wait3A_487 = arith.constant 0 : i32
      %dma_wait3A_488 = arith.constant 0 : i32
      %dma_wait3A_489 = tpu.memref_slice %arg11[%dma_wait3A_487, %dma_wait3A_488] : memref<10240x128xf32, #tpu.memory_space<vmem_shared>> -> memref<10240x128xf32, #tpu.memory_space<vmem_shared>>
      tpu.wait_indirect_dma semaphore(%arg14 : memref<!tpu.dma_semaphore, #tpu.memory_space<semaphore_mem>>) src(%arg9 : memref<128x128xf32, #tpu.memory_space<vmem>>) dst(%dma_wait3A_489 : memref<10240x128xf32, #tpu.memory_space<vmem_shared>>)
      %dma_wait3A_490 = arith.constant 15 : i32
      %dma_wait3A_491 = arith.constant 0 : i32
      %dma_wait3A_492 = tpu.memref_slice %arg8[%dma_wait3A_490, %dma_wait3A_491] : memref<16x128xi32, #tpu.memory_space<vmem>> -> memref<1x128xi32, #tpu.memory_space<vmem>>
      %dma_wait3A_493 = tpu.memref_squeeze %dma_wait3A_492 : memref<1x128xi32, #tpu.memory_space<vmem>> -> memref<128xi32, #tpu.memory_space<vmem>>
      %dma_wait3A_494 = arith.constant 0 : i32
      %dma_wait3A_495 = arith.constant 0 : i32
      %dma_wait3A_496 = tpu.memref_slice %arg11[%dma_wait3A_494, %dma_wait3A_495] : memref<10240x128xf32, #tpu.memory_space<vmem_shared>> -> memref<10240x128xf32, #tpu.memory_space<vmem_shared>>
      tpu.wait_indirect_dma semaphore(%arg15 : memref<!tpu.dma_semaphore, #tpu.memory_space<semaphore_mem>>) src(%arg10 : memref<128x128xf32, #tpu.memory_space<vmem>>) dst(%dma_wait3A_496 : memref<10240x128xf32, #tpu.memory_space<vmem_shared>>)
    }
    %scan3A_18 = arith.constant 5 : i32
    %barrier3A_19 = arith.constant 0 : index
    tpu.barrier barrier_id(%barrier3A_19)
    %add3A_20 = arith.constant 0 : i32
    %add3A_21 = arith.addi %mul3A_0, %add3A_20 : i32
    "tpu.region"() ({
      %run_scoped3A = tpu.sem_alloc : memref<!tpu.dma_semaphore, #tpu.memory_space<semaphore_mem>>
      %dma_start3A = arith.constant 0 : i32
      %dma_start3A_40 = tpu.memref_slice %arg11[%add3A_21, %dma_start3A] : memref<10240x128xf32, #tpu.memory_space<vmem_shared>> -> memref<128x128xf32, #tpu.memory_space<vmem_shared>>
      %dma_start3A_41 = arith.constant 0 : i32
      %dma_start3A_42 = tpu.memref_slice %arg11[%add3A_21, %dma_start3A_41] : memref<10240x128xf32, #tpu.memory_space<vmem_shared>> -> memref<128x128xf32, #tpu.memory_space<vmem_shared>>
      tpu.enqueue_dma source(%dma_start3A_42 : memref<128x128xf32, #tpu.memory_space<vmem_shared>>) target(%arg9 : memref<128x128xf32, #tpu.memory_space<vmem>>) target_semaphore(%run_scoped3A : memref<!tpu.dma_semaphore, #tpu.memory_space<semaphore_mem>>)
      %dma_wait3A = arith.constant 0 : i32
      %dma_wait3A_43 = tpu.memref_slice %arg11[%add3A_21, %dma_wait3A] : memref<10240x128xf32, #tpu.memory_space<vmem_shared>> -> memref<128x128xf32, #tpu.memory_space<vmem_shared>>
      %dma_wait3A_44 = arith.constant 0 : i32
      %dma_wait3A_45 = tpu.memref_slice %arg11[%add3A_21, %dma_wait3A_44] : memref<10240x128xf32, #tpu.memory_space<vmem_shared>> -> memref<128x128xf32, #tpu.memory_space<vmem_shared>>
      tpu.wait_dma2 semaphore(%run_scoped3A : memref<!tpu.dma_semaphore, #tpu.memory_space<semaphore_mem>>) src(%dma_wait3A_45 : memref<128x128xf32, #tpu.memory_space<vmem_shared>>) dst(%arg9 : memref<128x128xf32, #tpu.memory_space<vmem>>)
      tpu.yield
    }) : () -> ()
    %add3A_22 = arith.constant 0 : i32
    %add3A_23 = arith.addi %mul3A_0, %add3A_22 : i32
    "tpu.region"() ({
      %run_scoped3A = tpu.sem_alloc : memref<!tpu.dma_semaphore, #tpu.memory_space<semaphore_mem>>
      %dma_start3A = arith.constant 0 : i32
      %dma_start3A_40 = tpu.memref_slice %arg6[%arg0, %add3A_23, %dma_start3A] : memref<2x10240x128xf32, #tpu.memory_space<hbm>> -> memref<1x128x128xf32, #tpu.memory_space<hbm>>
      %dma_start3A_41 = tpu.memref_squeeze %dma_start3A_40 : memref<1x128x128xf32, #tpu.memory_space<hbm>> -> memref<128x128xf32, #tpu.memory_space<hbm>>
      %dma_start3A_42 = arith.constant 0 : i32
      %dma_start3A_43 = tpu.memref_slice %arg6[%arg0, %add3A_23, %dma_start3A_42] : memref<2x10240x128xf32, #tpu.memory_space<hbm>> -> memref<1x128x128xf32, #tpu.memory_space<hbm>>
      %dma_start3A_44 = tpu.memref_squeeze %dma_start3A_43 : memref<1x128x128xf32, #tpu.memory_space<hbm>> -> memref<128x128xf32, #tpu.memory_space<hbm>>
      tpu.enqueue_dma source(%arg9 : memref<128x128xf32, #tpu.memory_space<vmem>>) target(%dma_start3A_44 : memref<128x128xf32, #tpu.memory_space<hbm>>) target_semaphore(%run_scoped3A : memref<!tpu.dma_semaphore, #tpu.memory_space<semaphore_mem>>)
      %dma_wait3A = arith.constant 0 : i32
      %dma_wait3A_45 = tpu.memref_slice %arg6[%arg0, %add3A_23, %dma_wait3A] : memref<2x10240x128xf32, #tpu.memory_space<hbm>> -> memref<1x128x128xf32, #tpu.memory_space<hbm>>
      %dma_wait3A_46 = tpu.memref_squeeze %dma_wait3A_45 : memref<1x128x128xf32, #tpu.memory_space<hbm>> -> memref<128x128xf32, #tpu.memory_space<hbm>>
      %dma_wait3A_47 = arith.constant 0 : i32
      %dma_wait3A_48 = tpu.memref_slice %arg6[%arg0, %add3A_23, %dma_wait3A_47] : memref<2x10240x128xf32, #tpu.memory_space<hbm>> -> memref<1x128x128xf32, #tpu.memory_space<hbm>>
      %dma_wait3A_49 = tpu.memref_squeeze %dma_wait3A_48 : memref<1x128x128xf32, #tpu.memory_space<hbm>> -> memref<128x128xf32, #tpu.memory_space<hbm>>
      tpu.wait_dma2 semaphore(%run_scoped3A : memref<!tpu.dma_semaphore, #tpu.memory_space<semaphore_mem>>) src(%arg9 : memref<128x128xf32, #tpu.memory_space<vmem>>) dst(%dma_wait3A_49 : memref<128x128xf32, #tpu.memory_space<hbm>>)
      tpu.yield
    }) : () -> ()
    %add3A_24 = arith.constant 128 : i32
    %add3A_25 = arith.addi %mul3A_0, %add3A_24 : i32
    "tpu.region"() ({
      %run_scoped3A = tpu.sem_alloc : memref<!tpu.dma_semaphore, #tpu.memory_space<semaphore_mem>>
      %dma_start3A = arith.constant 0 : i32
      %dma_start3A_40 = tpu.memref_slice %arg11[%add3A_25, %dma_start3A] : memref<10240x128xf32, #tpu.memory_space<vmem_shared>> -> memref<128x128xf32, #tpu.memory_space<vmem_shared>>
      %dma_start3A_41 = arith.constant 0 : i32
      %dma_start3A_42 = tpu.memref_slice %arg11[%add3A_25, %dma_start3A_41] : memref<10240x128xf32, #tpu.memory_space<vmem_shared>> -> memref<128x128xf32, #tpu.memory_space<vmem_shared>>
      tpu.enqueue_dma source(%dma_start3A_42 : memref<128x128xf32, #tpu.memory_space<vmem_shared>>) target(%arg9 : memref<128x128xf32, #tpu.memory_space<vmem>>) target_semaphore(%run_scoped3A : memref<!tpu.dma_semaphore, #tpu.memory_space<semaphore_mem>>)
      %dma_wait3A = arith.constant 0 : i32
      %dma_wait3A_43 = tpu.memref_slice %arg11[%add3A_25, %dma_wait3A] : memref<10240x128xf32, #tpu.memory_space<vmem_shared>> -> memref<128x128xf32, #tpu.memory_space<vmem_shared>>
      %dma_wait3A_44 = arith.constant 0 : i32
      %dma_wait3A_45 = tpu.memref_slice %arg11[%add3A_25, %dma_wait3A_44] : memref<10240x128xf32, #tpu.memory_space<vmem_shared>> -> memref<128x128xf32, #tpu.memory_space<vmem_shared>>
      tpu.wait_dma2 semaphore(%run_scoped3A : memref<!tpu.dma_semaphore, #tpu.memory_space<semaphore_mem>>) src(%dma_wait3A_45 : memref<128x128xf32, #tpu.memory_space<vmem_shared>>) dst(%arg9 : memref<128x128xf32, #tpu.memory_space<vmem>>)
      tpu.yield
    }) : () -> ()
    %add3A_26 = arith.constant 128 : i32
    %add3A_27 = arith.addi %mul3A_0, %add3A_26 : i32
    "tpu.region"() ({
      %run_scoped3A = tpu.sem_alloc : memref<!tpu.dma_semaphore, #tpu.memory_space<semaphore_mem>>
      %dma_start3A = arith.constant 0 : i32
      %dma_start3A_40 = tpu.memref_slice %arg6[%arg0, %add3A_27, %dma_start3A] : memref<2x10240x128xf32, #tpu.memory_space<hbm>> -> memref<1x128x128xf32, #tpu.memory_space<hbm>>
      %dma_start3A_41 = tpu.memref_squeeze %dma_start3A_40 : memref<1x128x128xf32, #tpu.memory_space<hbm>> -> memref<128x128xf32, #tpu.memory_space<hbm>>
      %dma_start3A_42 = arith.constant 0 : i32
      %dma_start3A_43 = tpu.memref_slice %arg6[%arg0, %add3A_27, %dma_start3A_42] : memref<2x10240x128xf32, #tpu.memory_space<hbm>> -> memref<1x128x128xf32, #tpu.memory_space<hbm>>
      %dma_start3A_44 = tpu.memref_squeeze %dma_start3A_43 : memref<1x128x128xf32, #tpu.memory_space<hbm>> -> memref<128x128xf32, #tpu.memory_space<hbm>>
      tpu.enqueue_dma source(%arg9 : memref<128x128xf32, #tpu.memory_space<vmem>>) target(%dma_start3A_44 : memref<128x128xf32, #tpu.memory_space<hbm>>) target_semaphore(%run_scoped3A : memref<!tpu.dma_semaphore, #tpu.memory_space<semaphore_mem>>)
      %dma_wait3A = arith.constant 0 : i32
      %dma_wait3A_45 = tpu.memref_slice %arg6[%arg0, %add3A_27, %dma_wait3A] : memref<2x10240x128xf32, #tpu.memory_space<hbm>> -> memref<1x128x128xf32, #tpu.memory_space<hbm>>
      %dma_wait3A_46 = tpu.memref_squeeze %dma_wait3A_45 : memref<1x128x128xf32, #tpu.memory_space<hbm>> -> memref<128x128xf32, #tpu.memory_space<hbm>>
      %dma_wait3A_47 = arith.constant 0 : i32
      %dma_wait3A_48 = tpu.memref_slice %arg6[%arg0, %add3A_27, %dma_wait3A_47] : memref<2x10240x128xf32, #tpu.memory_space<hbm>> -> memref<1x128x128xf32, #tpu.memory_space<hbm>>
      %dma_wait3A_49 = tpu.memref_squeeze %dma_wait3A_48 : memref<1x128x128xf32, #tpu.memory_space<hbm>> -> memref<128x128xf32, #tpu.memory_space<hbm>>
      tpu.wait_dma2 semaphore(%run_scoped3A : memref<!tpu.dma_semaphore, #tpu.memory_space<semaphore_mem>>) src(%arg9 : memref<128x128xf32, #tpu.memory_space<vmem>>) dst(%dma_wait3A_49 : memref<128x128xf32, #tpu.memory_space<hbm>>)
      tpu.yield
    }) : () -> ()
    %add3A_28 = arith.constant 256 : i32
    %add3A_29 = arith.addi %mul3A_0, %add3A_28 : i32
    "tpu.region"() ({
      %run_scoped3A = tpu.sem_alloc : memref<!tpu.dma_semaphore, #tpu.memory_space<semaphore_mem>>
      %dma_start3A = arith.constant 0 : i32
      %dma_start3A_40 = tpu.memref_slice %arg11[%add3A_29, %dma_start3A] : memref<10240x128xf32, #tpu.memory_space<vmem_shared>> -> memref<128x128xf32, #tpu.memory_space<vmem_shared>>
      %dma_start3A_41 = arith.constant 0 : i32
      %dma_start3A_42 = tpu.memref_slice %arg11[%add3A_29, %dma_start3A_41] : memref<10240x128xf32, #tpu.memory_space<vmem_shared>> -> memref<128x128xf32, #tpu.memory_space<vmem_shared>>
      tpu.enqueue_dma source(%dma_start3A_42 : memref<128x128xf32, #tpu.memory_space<vmem_shared>>) target(%arg9 : memref<128x128xf32, #tpu.memory_space<vmem>>) target_semaphore(%run_scoped3A : memref<!tpu.dma_semaphore, #tpu.memory_space<semaphore_mem>>)
      %dma_wait3A = arith.constant 0 : i32
      %dma_wait3A_43 = tpu.memref_slice %arg11[%add3A_29, %dma_wait3A] : memref<10240x128xf32, #tpu.memory_space<vmem_shared>> -> memref<128x128xf32, #tpu.memory_space<vmem_shared>>
      %dma_wait3A_44 = arith.constant 0 : i32
      %dma_wait3A_45 = tpu.memref_slice %arg11[%add3A_29, %dma_wait3A_44] : memref<10240x128xf32, #tpu.memory_space<vmem_shared>> -> memref<128x128xf32, #tpu.memory_space<vmem_shared>>
      tpu.wait_dma2 semaphore(%run_scoped3A : memref<!tpu.dma_semaphore, #tpu.memory_space<semaphore_mem>>) src(%dma_wait3A_45 : memref<128x128xf32, #tpu.memory_space<vmem_shared>>) dst(%arg9 : memref<128x128xf32, #tpu.memory_space<vmem>>)
      tpu.yield
    }) : () -> ()
    %add3A_30 = arith.constant 256 : i32
    %add3A_31 = arith.addi %mul3A_0, %add3A_30 : i32
    "tpu.region"() ({
      %run_scoped3A = tpu.sem_alloc : memref<!tpu.dma_semaphore, #tpu.memory_space<semaphore_mem>>
      %dma_start3A = arith.constant 0 : i32
      %dma_start3A_40 = tpu.memref_slice %arg6[%arg0, %add3A_31, %dma_start3A] : memref<2x10240x128xf32, #tpu.memory_space<hbm>> -> memref<1x128x128xf32, #tpu.memory_space<hbm>>
      %dma_start3A_41 = tpu.memref_squeeze %dma_start3A_40 : memref<1x128x128xf32, #tpu.memory_space<hbm>> -> memref<128x128xf32, #tpu.memory_space<hbm>>
      %dma_start3A_42 = arith.constant 0 : i32
      %dma_start3A_43 = tpu.memref_slice %arg6[%arg0, %add3A_31, %dma_start3A_42] : memref<2x10240x128xf32, #tpu.memory_space<hbm>> -> memref<1x128x128xf32, #tpu.memory_space<hbm>>
      %dma_start3A_44 = tpu.memref_squeeze %dma_start3A_43 : memref<1x128x128xf32, #tpu.memory_space<hbm>> -> memref<128x128xf32, #tpu.memory_space<hbm>>
      tpu.enqueue_dma source(%arg9 : memref<128x128xf32, #tpu.memory_space<vmem>>) target(%dma_start3A_44 : memref<128x128xf32, #tpu.memory_space<hbm>>) target_semaphore(%run_scoped3A : memref<!tpu.dma_semaphore, #tpu.memory_space<semaphore_mem>>)
      %dma_wait3A = arith.constant 0 : i32
      %dma_wait3A_45 = tpu.memref_slice %arg6[%arg0, %add3A_31, %dma_wait3A] : memref<2x10240x128xf32, #tpu.memory_space<hbm>> -> memref<1x128x128xf32, #tpu.memory_space<hbm>>
      %dma_wait3A_46 = tpu.memref_squeeze %dma_wait3A_45 : memref<1x128x128xf32, #tpu.memory_space<hbm>> -> memref<128x128xf32, #tpu.memory_space<hbm>>
      %dma_wait3A_47 = arith.constant 0 : i32
      %dma_wait3A_48 = tpu.memref_slice %arg6[%arg0, %add3A_31, %dma_wait3A_47] : memref<2x10240x128xf32, #tpu.memory_space<hbm>> -> memref<1x128x128xf32, #tpu.memory_space<hbm>>
      %dma_wait3A_49 = tpu.memref_squeeze %dma_wait3A_48 : memref<1x128x128xf32, #tpu.memory_space<hbm>> -> memref<128x128xf32, #tpu.memory_space<hbm>>
      tpu.wait_dma2 semaphore(%run_scoped3A : memref<!tpu.dma_semaphore, #tpu.memory_space<semaphore_mem>>) src(%arg9 : memref<128x128xf32, #tpu.memory_space<vmem>>) dst(%dma_wait3A_49 : memref<128x128xf32, #tpu.memory_space<hbm>>)
      tpu.yield
    }) : () -> ()
    %add3A_32 = arith.constant 384 : i32
    %add3A_33 = arith.addi %mul3A_0, %add3A_32 : i32
    "tpu.region"() ({
      %run_scoped3A = tpu.sem_alloc : memref<!tpu.dma_semaphore, #tpu.memory_space<semaphore_mem>>
      %dma_start3A = arith.constant 0 : i32
      %dma_start3A_40 = tpu.memref_slice %arg11[%add3A_33, %dma_start3A] : memref<10240x128xf32, #tpu.memory_space<vmem_shared>> -> memref<128x128xf32, #tpu.memory_space<vmem_shared>>
      %dma_start3A_41 = arith.constant 0 : i32
      %dma_start3A_42 = tpu.memref_slice %arg11[%add3A_33, %dma_start3A_41] : memref<10240x128xf32, #tpu.memory_space<vmem_shared>> -> memref<128x128xf32, #tpu.memory_space<vmem_shared>>
      tpu.enqueue_dma source(%dma_start3A_42 : memref<128x128xf32, #tpu.memory_space<vmem_shared>>) target(%arg9 : memref<128x128xf32, #tpu.memory_space<vmem>>) target_semaphore(%run_scoped3A : memref<!tpu.dma_semaphore, #tpu.memory_space<semaphore_mem>>)
      %dma_wait3A = arith.constant 0 : i32
      %dma_wait3A_43 = tpu.memref_slice %arg11[%add3A_33, %dma_wait3A] : memref<10240x128xf32, #tpu.memory_space<vmem_shared>> -> memref<128x128xf32, #tpu.memory_space<vmem_shared>>
      %dma_wait3A_44 = arith.constant 0 : i32
      %dma_wait3A_45 = tpu.memref_slice %arg11[%add3A_33, %dma_wait3A_44] : memref<10240x128xf32, #tpu.memory_space<vmem_shared>> -> memref<128x128xf32, #tpu.memory_space<vmem_shared>>
      tpu.wait_dma2 semaphore(%run_scoped3A : memref<!tpu.dma_semaphore, #tpu.memory_space<semaphore_mem>>) src(%dma_wait3A_45 : memref<128x128xf32, #tpu.memory_space<vmem_shared>>) dst(%arg9 : memref<128x128xf32, #tpu.memory_space<vmem>>)
      tpu.yield
    }) : () -> ()
    %add3A_34 = arith.constant 384 : i32
    %add3A_35 = arith.addi %mul3A_0, %add3A_34 : i32
    "tpu.region"() ({
      %run_scoped3A = tpu.sem_alloc : memref<!tpu.dma_semaphore, #tpu.memory_space<semaphore_mem>>
      %dma_start3A = arith.constant 0 : i32
      %dma_start3A_40 = tpu.memref_slice %arg6[%arg0, %add3A_35, %dma_start3A] : memref<2x10240x128xf32, #tpu.memory_space<hbm>> -> memref<1x128x128xf32, #tpu.memory_space<hbm>>
      %dma_start3A_41 = tpu.memref_squeeze %dma_start3A_40 : memref<1x128x128xf32, #tpu.memory_space<hbm>> -> memref<128x128xf32, #tpu.memory_space<hbm>>
      %dma_start3A_42 = arith.constant 0 : i32
      %dma_start3A_43 = tpu.memref_slice %arg6[%arg0, %add3A_35, %dma_start3A_42] : memref<2x10240x128xf32, #tpu.memory_space<hbm>> -> memref<1x128x128xf32, #tpu.memory_space<hbm>>
      %dma_start3A_44 = tpu.memref_squeeze %dma_start3A_43 : memref<1x128x128xf32, #tpu.memory_space<hbm>> -> memref<128x128xf32, #tpu.memory_space<hbm>>
      tpu.enqueue_dma source(%arg9 : memref<128x128xf32, #tpu.memory_space<vmem>>) target(%dma_start3A_44 : memref<128x128xf32, #tpu.memory_space<hbm>>) target_semaphore(%run_scoped3A : memref<!tpu.dma_semaphore, #tpu.memory_space<semaphore_mem>>)
      %dma_wait3A = arith.constant 0 : i32
      %dma_wait3A_45 = tpu.memref_slice %arg6[%arg0, %add3A_35, %dma_wait3A] : memref<2x10240x128xf32, #tpu.memory_space<hbm>> -> memref<1x128x128xf32, #tpu.memory_space<hbm>>
      %dma_wait3A_46 = tpu.memref_squeeze %dma_wait3A_45 : memref<1x128x128xf32, #tpu.memory_space<hbm>> -> memref<128x128xf32, #tpu.memory_space<hbm>>
      %dma_wait3A_47 = arith.constant 0 : i32
      %dma_wait3A_48 = tpu.memref_slice %arg6[%arg0, %add3A_35, %dma_wait3A_47] : memref<2x10240x128xf32, #tpu.memory_space<hbm>> -> memref<1x128x128xf32, #tpu.memory_space<hbm>>
      %dma_wait3A_49 = tpu.memref_squeeze %dma_wait3A_48 : memref<1x128x128xf32, #tpu.memory_space<hbm>> -> memref<128x128xf32, #tpu.memory_space<hbm>>
      tpu.wait_dma2 semaphore(%run_scoped3A : memref<!tpu.dma_semaphore, #tpu.memory_space<semaphore_mem>>) src(%arg9 : memref<128x128xf32, #tpu.memory_space<vmem>>) dst(%dma_wait3A_49 : memref<128x128xf32, #tpu.memory_space<hbm>>)
      tpu.yield
    }) : () -> ()
    %add3A_36 = arith.constant 512 : i32
    %add3A_37 = arith.addi %mul3A_0, %add3A_36 : i32
    "tpu.region"() ({
      %run_scoped3A = tpu.sem_alloc : memref<!tpu.dma_semaphore, #tpu.memory_space<semaphore_mem>>
      %dma_start3A = arith.constant 0 : i32
      %dma_start3A_40 = tpu.memref_slice %arg11[%add3A_37, %dma_start3A] : memref<10240x128xf32, #tpu.memory_space<vmem_shared>> -> memref<128x128xf32, #tpu.memory_space<vmem_shared>>
      %dma_start3A_41 = arith.constant 0 : i32
      %dma_start3A_42 = tpu.memref_slice %arg11[%add3A_37, %dma_start3A_41] : memref<10240x128xf32, #tpu.memory_space<vmem_shared>> -> memref<128x128xf32, #tpu.memory_space<vmem_shared>>
      tpu.enqueue_dma source(%dma_start3A_42 : memref<128x128xf32, #tpu.memory_space<vmem_shared>>) target(%arg9 : memref<128x128xf32, #tpu.memory_space<vmem>>) target_semaphore(%run_scoped3A : memref<!tpu.dma_semaphore, #tpu.memory_space<semaphore_mem>>)
      %dma_wait3A = arith.constant 0 : i32
      %dma_wait3A_43 = tpu.memref_slice %arg11[%add3A_37, %dma_wait3A] : memref<10240x128xf32, #tpu.memory_space<vmem_shared>> -> memref<128x128xf32, #tpu.memory_space<vmem_shared>>
      %dma_wait3A_44 = arith.constant 0 : i32
      %dma_wait3A_45 = tpu.memref_slice %arg11[%add3A_37, %dma_wait3A_44] : memref<10240x128xf32, #tpu.memory_space<vmem_shared>> -> memref<128x128xf32, #tpu.memory_space<vmem_shared>>
      tpu.wait_dma2 semaphore(%run_scoped3A : memref<!tpu.dma_semaphore, #tpu.memory_space<semaphore_mem>>) src(%dma_wait3A_45 : memref<128x128xf32, #tpu.memory_space<vmem_shared>>) dst(%arg9 : memref<128x128xf32, #tpu.memory_space<vmem>>)
      tpu.yield
    }) : () -> ()
    %add3A_38 = arith.constant 512 : i32
    %add3A_39 = arith.addi %mul3A_0, %add3A_38 : i32
    "tpu.region"() ({
      %run_scoped3A = tpu.sem_alloc : memref<!tpu.dma_semaphore, #tpu.memory_space<semaphore_mem>>
      %dma_start3A = arith.constant 0 : i32
      %dma_start3A_40 = tpu.memref_slice %arg6[%arg0, %add3A_39, %dma_start3A] : memref<2x10240x128xf32, #tpu.memory_space<hbm>> -> memref<1x128x128xf32, #tpu.memory_space<hbm>>
      %dma_start3A_41 = tpu.memref_squeeze %dma_start3A_40 : memref<1x128x128xf32, #tpu.memory_space<hbm>> -> memref<128x128xf32, #tpu.memory_space<hbm>>
      %dma_start3A_42 = arith.constant 0 : i32
      %dma_start3A_43 = tpu.memref_slice %arg6[%arg0, %add3A_39, %dma_start3A_42] : memref<2x10240x128xf32, #tpu.memory_space<hbm>> -> memref<1x128x128xf32, #tpu.memory_space<hbm>>
      %dma_start3A_44 = tpu.memref_squeeze %dma_start3A_43 : memref<1x128x128xf32, #tpu.memory_space<hbm>> -> memref<128x128xf32, #tpu.memory_space<hbm>>
      tpu.enqueue_dma source(%arg9 : memref<128x128xf32, #tpu.memory_space<vmem>>) target(%dma_start3A_44 : memref<128x128xf32, #tpu.memory_space<hbm>>) target_semaphore(%run_scoped3A : memref<!tpu.dma_semaphore, #tpu.memory_space<semaphore_mem>>)
      %dma_wait3A = arith.constant 0 : i32
      %dma_wait3A_45 = tpu.memref_slice %arg6[%arg0, %add3A_39, %dma_wait3A] : memref<2x10240x128xf32, #tpu.memory_space<hbm>> -> memref<1x128x128xf32, #tpu.memory_space<hbm>>
      %dma_wait3A_46 = tpu.memref_squeeze %dma_wait3A_45 : memref<1x128x128xf32, #tpu.memory_space<hbm>> -> memref<128x128xf32, #tpu.memory_space<hbm>>
      %dma_wait3A_47 = arith.constant 0 : i32
      %dma_wait3A_48 = tpu.memref_slice %arg6[%arg0, %add3A_39, %dma_wait3A_47] : memref<2x10240x128xf32, #tpu.memory_space<hbm>> -> memref<1x128x128xf32, #tpu.memory_space<hbm>>
      %dma_wait3A_49 = tpu.memref_squeeze %dma_wait3A_48 : memref<1x128x128xf32, #tpu.memory_space<hbm>> -> memref<128x128xf32, #tpu.memory_space<hbm>>
      tpu.wait_dma2 semaphore(%run_scoped3A : memref<!tpu.dma_semaphore, #tpu.memory_space<semaphore_mem>>) src(%arg9 : memref<128x128xf32, #tpu.memory_space<vmem>>) dst(%dma_wait3A_49 : memref<128x128xf32, #tpu.memory_space<hbm>>)
      tpu.yield
    }) : () -> ()
    return
  }
}

#map = affine_map<(d0, d1) -> (0, 0)>
#map1 = affine_map<(d0, d1) -> (0, 0, 0)>
module attributes {stable_mosaic.version = 14 : i64} {
  func.func @_deg_body(%arg0: i32, %arg1: i32, %arg2: memref<2560x128xi32, #tpu.memory_space<hbm>>, %arg3: memref<128x128xf32, #tpu.memory_space<hbm>>, %arg4: memref<128x128xf32, #tpu.memory_space<hbm>>, %arg5: memref<2x10240x128xf32, #tpu.memory_space<hbm>>, %arg6: memref<16x128xi32, #tpu.memory_space<vmem>>, %arg7: memref<128x128xf32, #tpu.memory_space<vmem>>, %arg8: memref<10240x128xf32, #tpu.memory_space<vmem_shared>>) attributes {dimension_semantics = [#tpu.dimension_semantics<core_parallel>, #tpu.dimension_semantics<subcore_parallel>], iteration_bounds = array<i64: 2, 16>, scalar_prefetch = 0 : i64, scratch_operands = 3 : i64, tpu.core_type = #tpu.core_type<sc_vector_subcore>, window_params = [{transform_indices = #map}, {transform_indices = #map}, {transform_indices = #map}, {transform_indices = #map1}]} {
    %mul3A = arith.constant 2 : i32
    %mul3A_0 = arith.muli %arg1, %mul3A : i32
    %add3A = arith.addi %mul3A_0, %arg0 : i32
    %mul3A_1 = arith.constant 640 : i32
    %mul3A_2 = arith.muli %arg1, %mul3A_1 : i32
    "tpu.region"() ({
      %run_scoped3A = tpu.sem_alloc : memref<!tpu.dma_semaphore, #tpu.memory_space<semaphore_mem>>
      tpu.enqueue_dma source(%arg3 : memref<128x128xf32, #tpu.memory_space<hbm>>) target(%arg7 : memref<128x128xf32, #tpu.memory_space<vmem>>) target_semaphore(%run_scoped3A : memref<!tpu.dma_semaphore, #tpu.memory_space<semaphore_mem>>)
      tpu.wait_dma2 semaphore(%run_scoped3A : memref<!tpu.dma_semaphore, #tpu.memory_space<semaphore_mem>>) src(%arg3 : memref<128x128xf32, #tpu.memory_space<hbm>>) dst(%arg7 : memref<128x128xf32, #tpu.memory_space<vmem>>)
      tpu.yield
    }) : () -> ()
    %add3A_3 = arith.constant 0 : i32
    %add3A_4 = arith.addi %mul3A_2, %add3A_3 : i32
    "tpu.region"() ({
      %run_scoped3A = tpu.sem_alloc : memref<!tpu.dma_semaphore, #tpu.memory_space<semaphore_mem>>
      %dma_start3A = arith.constant 0 : i32
      %dma_start3A_38 = tpu.memref_slice %arg8[%add3A_4, %dma_start3A] : memref<10240x128xf32, #tpu.memory_space<vmem_shared>> -> memref<128x128xf32, #tpu.memory_space<vmem_shared>>
      %dma_start3A_39 = arith.constant 0 : i32
      %dma_start3A_40 = tpu.memref_slice %arg8[%add3A_4, %dma_start3A_39] : memref<10240x128xf32, #tpu.memory_space<vmem_shared>> -> memref<128x128xf32, #tpu.memory_space<vmem_shared>>
      tpu.enqueue_dma source(%arg7 : memref<128x128xf32, #tpu.memory_space<vmem>>) target(%dma_start3A_40 : memref<128x128xf32, #tpu.memory_space<vmem_shared>>) target_semaphore(%run_scoped3A : memref<!tpu.dma_semaphore, #tpu.memory_space<semaphore_mem>>)
      %dma_wait3A = arith.constant 0 : i32
      %dma_wait3A_41 = tpu.memref_slice %arg8[%add3A_4, %dma_wait3A] : memref<10240x128xf32, #tpu.memory_space<vmem_shared>> -> memref<128x128xf32, #tpu.memory_space<vmem_shared>>
      %dma_wait3A_42 = arith.constant 0 : i32
      %dma_wait3A_43 = tpu.memref_slice %arg8[%add3A_4, %dma_wait3A_42] : memref<10240x128xf32, #tpu.memory_space<vmem_shared>> -> memref<128x128xf32, #tpu.memory_space<vmem_shared>>
      tpu.wait_dma2 semaphore(%run_scoped3A : memref<!tpu.dma_semaphore, #tpu.memory_space<semaphore_mem>>) src(%arg7 : memref<128x128xf32, #tpu.memory_space<vmem>>) dst(%dma_wait3A_43 : memref<128x128xf32, #tpu.memory_space<vmem_shared>>)
      tpu.yield
    }) : () -> ()
    %add3A_5 = arith.constant 128 : i32
    %add3A_6 = arith.addi %mul3A_2, %add3A_5 : i32
    "tpu.region"() ({
      %run_scoped3A = tpu.sem_alloc : memref<!tpu.dma_semaphore, #tpu.memory_space<semaphore_mem>>
      %dma_start3A = arith.constant 0 : i32
      %dma_start3A_38 = tpu.memref_slice %arg8[%add3A_6, %dma_start3A] : memref<10240x128xf32, #tpu.memory_space<vmem_shared>> -> memref<128x128xf32, #tpu.memory_space<vmem_shared>>
      %dma_start3A_39 = arith.constant 0 : i32
      %dma_start3A_40 = tpu.memref_slice %arg8[%add3A_6, %dma_start3A_39] : memref<10240x128xf32, #tpu.memory_space<vmem_shared>> -> memref<128x128xf32, #tpu.memory_space<vmem_shared>>
      tpu.enqueue_dma source(%arg7 : memref<128x128xf32, #tpu.memory_space<vmem>>) target(%dma_start3A_40 : memref<128x128xf32, #tpu.memory_space<vmem_shared>>) target_semaphore(%run_scoped3A : memref<!tpu.dma_semaphore, #tpu.memory_space<semaphore_mem>>)
      %dma_wait3A = arith.constant 0 : i32
      %dma_wait3A_41 = tpu.memref_slice %arg8[%add3A_6, %dma_wait3A] : memref<10240x128xf32, #tpu.memory_space<vmem_shared>> -> memref<128x128xf32, #tpu.memory_space<vmem_shared>>
      %dma_wait3A_42 = arith.constant 0 : i32
      %dma_wait3A_43 = tpu.memref_slice %arg8[%add3A_6, %dma_wait3A_42] : memref<10240x128xf32, #tpu.memory_space<vmem_shared>> -> memref<128x128xf32, #tpu.memory_space<vmem_shared>>
      tpu.wait_dma2 semaphore(%run_scoped3A : memref<!tpu.dma_semaphore, #tpu.memory_space<semaphore_mem>>) src(%arg7 : memref<128x128xf32, #tpu.memory_space<vmem>>) dst(%dma_wait3A_43 : memref<128x128xf32, #tpu.memory_space<vmem_shared>>)
      tpu.yield
    }) : () -> ()
    %add3A_7 = arith.constant 256 : i32
    %add3A_8 = arith.addi %mul3A_2, %add3A_7 : i32
    "tpu.region"() ({
      %run_scoped3A = tpu.sem_alloc : memref<!tpu.dma_semaphore, #tpu.memory_space<semaphore_mem>>
      %dma_start3A = arith.constant 0 : i32
      %dma_start3A_38 = tpu.memref_slice %arg8[%add3A_8, %dma_start3A] : memref<10240x128xf32, #tpu.memory_space<vmem_shared>> -> memref<128x128xf32, #tpu.memory_space<vmem_shared>>
      %dma_start3A_39 = arith.constant 0 : i32
      %dma_start3A_40 = tpu.memref_slice %arg8[%add3A_8, %dma_start3A_39] : memref<10240x128xf32, #tpu.memory_space<vmem_shared>> -> memref<128x128xf32, #tpu.memory_space<vmem_shared>>
      tpu.enqueue_dma source(%arg7 : memref<128x128xf32, #tpu.memory_space<vmem>>) target(%dma_start3A_40 : memref<128x128xf32, #tpu.memory_space<vmem_shared>>) target_semaphore(%run_scoped3A : memref<!tpu.dma_semaphore, #tpu.memory_space<semaphore_mem>>)
      %dma_wait3A = arith.constant 0 : i32
      %dma_wait3A_41 = tpu.memref_slice %arg8[%add3A_8, %dma_wait3A] : memref<10240x128xf32, #tpu.memory_space<vmem_shared>> -> memref<128x128xf32, #tpu.memory_space<vmem_shared>>
      %dma_wait3A_42 = arith.constant 0 : i32
      %dma_wait3A_43 = tpu.memref_slice %arg8[%add3A_8, %dma_wait3A_42] : memref<10240x128xf32, #tpu.memory_space<vmem_shared>> -> memref<128x128xf32, #tpu.memory_space<vmem_shared>>
      tpu.wait_dma2 semaphore(%run_scoped3A : memref<!tpu.dma_semaphore, #tpu.memory_space<semaphore_mem>>) src(%arg7 : memref<128x128xf32, #tpu.memory_space<vmem>>) dst(%dma_wait3A_43 : memref<128x128xf32, #tpu.memory_space<vmem_shared>>)
      tpu.yield
    }) : () -> ()
    %add3A_9 = arith.constant 384 : i32
    %add3A_10 = arith.addi %mul3A_2, %add3A_9 : i32
    "tpu.region"() ({
      %run_scoped3A = tpu.sem_alloc : memref<!tpu.dma_semaphore, #tpu.memory_space<semaphore_mem>>
      %dma_start3A = arith.constant 0 : i32
      %dma_start3A_38 = tpu.memref_slice %arg8[%add3A_10, %dma_start3A] : memref<10240x128xf32, #tpu.memory_space<vmem_shared>> -> memref<128x128xf32, #tpu.memory_space<vmem_shared>>
      %dma_start3A_39 = arith.constant 0 : i32
      %dma_start3A_40 = tpu.memref_slice %arg8[%add3A_10, %dma_start3A_39] : memref<10240x128xf32, #tpu.memory_space<vmem_shared>> -> memref<128x128xf32, #tpu.memory_space<vmem_shared>>
      tpu.enqueue_dma source(%arg7 : memref<128x128xf32, #tpu.memory_space<vmem>>) target(%dma_start3A_40 : memref<128x128xf32, #tpu.memory_space<vmem_shared>>) target_semaphore(%run_scoped3A : memref<!tpu.dma_semaphore, #tpu.memory_space<semaphore_mem>>)
      %dma_wait3A = arith.constant 0 : i32
      %dma_wait3A_41 = tpu.memref_slice %arg8[%add3A_10, %dma_wait3A] : memref<10240x128xf32, #tpu.memory_space<vmem_shared>> -> memref<128x128xf32, #tpu.memory_space<vmem_shared>>
      %dma_wait3A_42 = arith.constant 0 : i32
      %dma_wait3A_43 = tpu.memref_slice %arg8[%add3A_10, %dma_wait3A_42] : memref<10240x128xf32, #tpu.memory_space<vmem_shared>> -> memref<128x128xf32, #tpu.memory_space<vmem_shared>>
      tpu.wait_dma2 semaphore(%run_scoped3A : memref<!tpu.dma_semaphore, #tpu.memory_space<semaphore_mem>>) src(%arg7 : memref<128x128xf32, #tpu.memory_space<vmem>>) dst(%dma_wait3A_43 : memref<128x128xf32, #tpu.memory_space<vmem_shared>>)
      tpu.yield
    }) : () -> ()
    %add3A_11 = arith.constant 512 : i32
    %add3A_12 = arith.addi %mul3A_2, %add3A_11 : i32
    "tpu.region"() ({
      %run_scoped3A = tpu.sem_alloc : memref<!tpu.dma_semaphore, #tpu.memory_space<semaphore_mem>>
      %dma_start3A = arith.constant 0 : i32
      %dma_start3A_38 = tpu.memref_slice %arg8[%add3A_12, %dma_start3A] : memref<10240x128xf32, #tpu.memory_space<vmem_shared>> -> memref<128x128xf32, #tpu.memory_space<vmem_shared>>
      %dma_start3A_39 = arith.constant 0 : i32
      %dma_start3A_40 = tpu.memref_slice %arg8[%add3A_12, %dma_start3A_39] : memref<10240x128xf32, #tpu.memory_space<vmem_shared>> -> memref<128x128xf32, #tpu.memory_space<vmem_shared>>
      tpu.enqueue_dma source(%arg7 : memref<128x128xf32, #tpu.memory_space<vmem>>) target(%dma_start3A_40 : memref<128x128xf32, #tpu.memory_space<vmem_shared>>) target_semaphore(%run_scoped3A : memref<!tpu.dma_semaphore, #tpu.memory_space<semaphore_mem>>)
      %dma_wait3A = arith.constant 0 : i32
      %dma_wait3A_41 = tpu.memref_slice %arg8[%add3A_12, %dma_wait3A] : memref<10240x128xf32, #tpu.memory_space<vmem_shared>> -> memref<128x128xf32, #tpu.memory_space<vmem_shared>>
      %dma_wait3A_42 = arith.constant 0 : i32
      %dma_wait3A_43 = tpu.memref_slice %arg8[%add3A_12, %dma_wait3A_42] : memref<10240x128xf32, #tpu.memory_space<vmem_shared>> -> memref<128x128xf32, #tpu.memory_space<vmem_shared>>
      tpu.wait_dma2 semaphore(%run_scoped3A : memref<!tpu.dma_semaphore, #tpu.memory_space<semaphore_mem>>) src(%arg7 : memref<128x128xf32, #tpu.memory_space<vmem>>) dst(%dma_wait3A_43 : memref<128x128xf32, #tpu.memory_space<vmem_shared>>)
      tpu.yield
    }) : () -> ()
    "tpu.region"() ({
      %run_scoped3A = tpu.sem_alloc : memref<!tpu.dma_semaphore, #tpu.memory_space<semaphore_mem>>
      tpu.enqueue_dma source(%arg4 : memref<128x128xf32, #tpu.memory_space<hbm>>) target(%arg7 : memref<128x128xf32, #tpu.memory_space<vmem>>) target_semaphore(%run_scoped3A : memref<!tpu.dma_semaphore, #tpu.memory_space<semaphore_mem>>)
      tpu.wait_dma2 semaphore(%run_scoped3A : memref<!tpu.dma_semaphore, #tpu.memory_space<semaphore_mem>>) src(%arg4 : memref<128x128xf32, #tpu.memory_space<hbm>>) dst(%arg7 : memref<128x128xf32, #tpu.memory_space<vmem>>)
      tpu.yield
    }) : () -> ()
    %barrier3A = arith.constant 0 : index
    tpu.barrier barrier_id(%barrier3A)
    %scan3A = arith.constant 0 : i32
    %scan3A_13 = arith.constant 5 : i32
    %scan3A_14 = arith.addi %scan3A, %scan3A_13 : i32
    %scan3A_15 = arith.constant 1 : i32
    scf.for %scan3A_38 = %scan3A to %scan3A_14 step %scan3A_15  : i32 {
      %mul3A_39 = arith.constant 1 : i32
      %mul3A_40 = arith.muli %scan3A_38, %mul3A_39 : i32
      %add3A_41 = arith.constant 0 : i32
      %add3A_42 = arith.addi %add3A_41, %mul3A_40 : i32
      %mul3A_43 = arith.constant 5 : i32
      %mul3A_44 = arith.muli %add3A, %mul3A_43 : i32
      %add3A_45 = arith.addi %mul3A_44, %add3A_42 : i32
      %mul3A_46 = arith.constant 16 : i32
      %mul3A_47 = arith.muli %add3A_45, %mul3A_46 : i32
      "tpu.region"() ({
        %run_scoped3A_63 = tpu.sem_alloc : memref<!tpu.dma_semaphore, #tpu.memory_space<semaphore_mem>>
        %dma_start3A = arith.constant 0 : i32
        %dma_start3A_64 = tpu.memref_slice %arg2[%mul3A_47, %dma_start3A] : memref<2560x128xi32, #tpu.memory_space<hbm>> -> memref<16x128xi32, #tpu.memory_space<hbm>>
        %dma_start3A_65 = arith.constant 0 : i32
        %dma_start3A_66 = tpu.memref_slice %arg2[%mul3A_47, %dma_start3A_65] : memref<2560x128xi32, #tpu.memory_space<hbm>> -> memref<16x128xi32, #tpu.memory_space<hbm>>
        tpu.enqueue_dma source(%dma_start3A_66 : memref<16x128xi32, #tpu.memory_space<hbm>>) target(%arg6 : memref<16x128xi32, #tpu.memory_space<vmem>>) target_semaphore(%run_scoped3A_63 : memref<!tpu.dma_semaphore, #tpu.memory_space<semaphore_mem>>)
        %dma_wait3A = arith.constant 0 : i32
        %dma_wait3A_67 = tpu.memref_slice %arg2[%mul3A_47, %dma_wait3A] : memref<2560x128xi32, #tpu.memory_space<hbm>> -> memref<16x128xi32, #tpu.memory_space<hbm>>
        %dma_wait3A_68 = arith.constant 0 : i32
        %dma_wait3A_69 = tpu.memref_slice %arg2[%mul3A_47, %dma_wait3A_68] : memref<2560x128xi32, #tpu.memory_space<hbm>> -> memref<16x128xi32, #tpu.memory_space<hbm>>
        tpu.wait_dma2 semaphore(%run_scoped3A_63 : memref<!tpu.dma_semaphore, #tpu.memory_space<semaphore_mem>>) src(%dma_wait3A_69 : memref<16x128xi32, #tpu.memory_space<hbm>>) dst(%arg6 : memref<16x128xi32, #tpu.memory_space<vmem>>)
        tpu.yield
      }) : () -> ()
      %run_scoped3A = arith.constant 0 : i32
      "tpu.region"() ({
        %run_scoped3A_63 = tpu.sem_alloc : memref<!tpu.dma_semaphore, #tpu.memory_space<semaphore_mem>>
        %dma_start3A = arith.constant 0 : i32
        %dma_start3A_64 = tpu.memref_slice %arg6[%run_scoped3A, %dma_start3A] : memref<16x128xi32, #tpu.memory_space<vmem>> -> memref<1x128xi32, #tpu.memory_space<vmem>>
        %dma_start3A_65 = tpu.memref_squeeze %dma_start3A_64 : memref<1x128xi32, #tpu.memory_space<vmem>> -> memref<128xi32, #tpu.memory_space<vmem>>
        %dma_start3A_66 = arith.constant 0 : i32
        %dma_start3A_67 = arith.constant 0 : i32
        %dma_start3A_68 = tpu.memref_slice %arg8[%dma_start3A_66, %dma_start3A_67] : memref<10240x128xf32, #tpu.memory_space<vmem_shared>> -> memref<10240x128xf32, #tpu.memory_space<vmem_shared>>
        tpu.enqueue_indirect_dma source(%arg7 : memref<128x128xf32, #tpu.memory_space<vmem>>) target(%dma_start3A_68 : memref<10240x128xf32, #tpu.memory_space<vmem_shared>>) offsets(%dma_start3A_65 : memref<128xi32, #tpu.memory_space<vmem>>) semaphore(%run_scoped3A_63 : memref<!tpu.dma_semaphore, #tpu.memory_space<semaphore_mem>>) {add = true}
        %dma_wait3A = arith.constant 0 : i32
        %dma_wait3A_69 = tpu.memref_slice %arg6[%run_scoped3A, %dma_wait3A] : memref<16x128xi32, #tpu.memory_space<vmem>> -> memref<1x128xi32, #tpu.memory_space<vmem>>
        %dma_wait3A_70 = tpu.memref_squeeze %dma_wait3A_69 : memref<1x128xi32, #tpu.memory_space<vmem>> -> memref<128xi32, #tpu.memory_space<vmem>>
        %dma_wait3A_71 = arith.constant 0 : i32
        %dma_wait3A_72 = arith.constant 0 : i32
        %dma_wait3A_73 = tpu.memref_slice %arg8[%dma_wait3A_71, %dma_wait3A_72] : memref<10240x128xf32, #tpu.memory_space<vmem_shared>> -> memref<10240x128xf32, #tpu.memory_space<vmem_shared>>
        tpu.wait_indirect_dma semaphore(%run_scoped3A_63 : memref<!tpu.dma_semaphore, #tpu.memory_space<semaphore_mem>>) src(%arg7 : memref<128x128xf32, #tpu.memory_space<vmem>>) dst(%dma_wait3A_73 : memref<10240x128xf32, #tpu.memory_space<vmem_shared>>)
        tpu.yield
      }) : () -> ()
      %run_scoped3A_48 = arith.constant 1 : i32
      "tpu.region"() ({
        %run_scoped3A_63 = tpu.sem_alloc : memref<!tpu.dma_semaphore, #tpu.memory_space<semaphore_mem>>
        %dma_start3A = arith.constant 0 : i32
        %dma_start3A_64 = tpu.memref_slice %arg6[%run_scoped3A_48, %dma_start3A] : memref<16x128xi32, #tpu.memory_space<vmem>> -> memref<1x128xi32, #tpu.memory_space<vmem>>
        %dma_start3A_65 = tpu.memref_squeeze %dma_start3A_64 : memref<1x128xi32, #tpu.memory_space<vmem>> -> memref<128xi32, #tpu.memory_space<vmem>>
        %dma_start3A_66 = arith.constant 0 : i32
        %dma_start3A_67 = arith.constant 0 : i32
        %dma_start3A_68 = tpu.memref_slice %arg8[%dma_start3A_66, %dma_start3A_67] : memref<10240x128xf32, #tpu.memory_space<vmem_shared>> -> memref<10240x128xf32, #tpu.memory_space<vmem_shared>>
        tpu.enqueue_indirect_dma source(%arg7 : memref<128x128xf32, #tpu.memory_space<vmem>>) target(%dma_start3A_68 : memref<10240x128xf32, #tpu.memory_space<vmem_shared>>) offsets(%dma_start3A_65 : memref<128xi32, #tpu.memory_space<vmem>>) semaphore(%run_scoped3A_63 : memref<!tpu.dma_semaphore, #tpu.memory_space<semaphore_mem>>) {add = true}
        %dma_wait3A = arith.constant 0 : i32
        %dma_wait3A_69 = tpu.memref_slice %arg6[%run_scoped3A_48, %dma_wait3A] : memref<16x128xi32, #tpu.memory_space<vmem>> -> memref<1x128xi32, #tpu.memory_space<vmem>>
        %dma_wait3A_70 = tpu.memref_squeeze %dma_wait3A_69 : memref<1x128xi32, #tpu.memory_space<vmem>> -> memref<128xi32, #tpu.memory_space<vmem>>
        %dma_wait3A_71 = arith.constant 0 : i32
        %dma_wait3A_72 = arith.constant 0 : i32
        %dma_wait3A_73 = tpu.memref_slice %arg8[%dma_wait3A_71, %dma_wait3A_72] : memref<10240x128xf32, #tpu.memory_space<vmem_shared>> -> memref<10240x128xf32, #tpu.memory_space<vmem_shared>>
        tpu.wait_indirect_dma semaphore(%run_scoped3A_63 : memref<!tpu.dma_semaphore, #tpu.memory_space<semaphore_mem>>) src(%arg7 : memref<128x128xf32, #tpu.memory_space<vmem>>) dst(%dma_wait3A_73 : memref<10240x128xf32, #tpu.memory_space<vmem_shared>>)
        tpu.yield
      }) : () -> ()
      %run_scoped3A_49 = arith.constant 2 : i32
      "tpu.region"() ({
        %run_scoped3A_63 = tpu.sem_alloc : memref<!tpu.dma_semaphore, #tpu.memory_space<semaphore_mem>>
        %dma_start3A = arith.constant 0 : i32
        %dma_start3A_64 = tpu.memref_slice %arg6[%run_scoped3A_49, %dma_start3A] : memref<16x128xi32, #tpu.memory_space<vmem>> -> memref<1x128xi32, #tpu.memory_space<vmem>>
        %dma_start3A_65 = tpu.memref_squeeze %dma_start3A_64 : memref<1x128xi32, #tpu.memory_space<vmem>> -> memref<128xi32, #tpu.memory_space<vmem>>
        %dma_start3A_66 = arith.constant 0 : i32
        %dma_start3A_67 = arith.constant 0 : i32
        %dma_start3A_68 = tpu.memref_slice %arg8[%dma_start3A_66, %dma_start3A_67] : memref<10240x128xf32, #tpu.memory_space<vmem_shared>> -> memref<10240x128xf32, #tpu.memory_space<vmem_shared>>
        tpu.enqueue_indirect_dma source(%arg7 : memref<128x128xf32, #tpu.memory_space<vmem>>) target(%dma_start3A_68 : memref<10240x128xf32, #tpu.memory_space<vmem_shared>>) offsets(%dma_start3A_65 : memref<128xi32, #tpu.memory_space<vmem>>) semaphore(%run_scoped3A_63 : memref<!tpu.dma_semaphore, #tpu.memory_space<semaphore_mem>>) {add = true}
        %dma_wait3A = arith.constant 0 : i32
        %dma_wait3A_69 = tpu.memref_slice %arg6[%run_scoped3A_49, %dma_wait3A] : memref<16x128xi32, #tpu.memory_space<vmem>> -> memref<1x128xi32, #tpu.memory_space<vmem>>
        %dma_wait3A_70 = tpu.memref_squeeze %dma_wait3A_69 : memref<1x128xi32, #tpu.memory_space<vmem>> -> memref<128xi32, #tpu.memory_space<vmem>>
        %dma_wait3A_71 = arith.constant 0 : i32
        %dma_wait3A_72 = arith.constant 0 : i32
        %dma_wait3A_73 = tpu.memref_slice %arg8[%dma_wait3A_71, %dma_wait3A_72] : memref<10240x128xf32, #tpu.memory_space<vmem_shared>> -> memref<10240x128xf32, #tpu.memory_space<vmem_shared>>
        tpu.wait_indirect_dma semaphore(%run_scoped3A_63 : memref<!tpu.dma_semaphore, #tpu.memory_space<semaphore_mem>>) src(%arg7 : memref<128x128xf32, #tpu.memory_space<vmem>>) dst(%dma_wait3A_73 : memref<10240x128xf32, #tpu.memory_space<vmem_shared>>)
        tpu.yield
      }) : () -> ()
      %run_scoped3A_50 = arith.constant 3 : i32
      "tpu.region"() ({
        %run_scoped3A_63 = tpu.sem_alloc : memref<!tpu.dma_semaphore, #tpu.memory_space<semaphore_mem>>
        %dma_start3A = arith.constant 0 : i32
        %dma_start3A_64 = tpu.memref_slice %arg6[%run_scoped3A_50, %dma_start3A] : memref<16x128xi32, #tpu.memory_space<vmem>> -> memref<1x128xi32, #tpu.memory_space<vmem>>
        %dma_start3A_65 = tpu.memref_squeeze %dma_start3A_64 : memref<1x128xi32, #tpu.memory_space<vmem>> -> memref<128xi32, #tpu.memory_space<vmem>>
        %dma_start3A_66 = arith.constant 0 : i32
        %dma_start3A_67 = arith.constant 0 : i32
        %dma_start3A_68 = tpu.memref_slice %arg8[%dma_start3A_66, %dma_start3A_67] : memref<10240x128xf32, #tpu.memory_space<vmem_shared>> -> memref<10240x128xf32, #tpu.memory_space<vmem_shared>>
        tpu.enqueue_indirect_dma source(%arg7 : memref<128x128xf32, #tpu.memory_space<vmem>>) target(%dma_start3A_68 : memref<10240x128xf32, #tpu.memory_space<vmem_shared>>) offsets(%dma_start3A_65 : memref<128xi32, #tpu.memory_space<vmem>>) semaphore(%run_scoped3A_63 : memref<!tpu.dma_semaphore, #tpu.memory_space<semaphore_mem>>) {add = true}
        %dma_wait3A = arith.constant 0 : i32
        %dma_wait3A_69 = tpu.memref_slice %arg6[%run_scoped3A_50, %dma_wait3A] : memref<16x128xi32, #tpu.memory_space<vmem>> -> memref<1x128xi32, #tpu.memory_space<vmem>>
        %dma_wait3A_70 = tpu.memref_squeeze %dma_wait3A_69 : memref<1x128xi32, #tpu.memory_space<vmem>> -> memref<128xi32, #tpu.memory_space<vmem>>
        %dma_wait3A_71 = arith.constant 0 : i32
        %dma_wait3A_72 = arith.constant 0 : i32
        %dma_wait3A_73 = tpu.memref_slice %arg8[%dma_wait3A_71, %dma_wait3A_72] : memref<10240x128xf32, #tpu.memory_space<vmem_shared>> -> memref<10240x128xf32, #tpu.memory_space<vmem_shared>>
        tpu.wait_indirect_dma semaphore(%run_scoped3A_63 : memref<!tpu.dma_semaphore, #tpu.memory_space<semaphore_mem>>) src(%arg7 : memref<128x128xf32, #tpu.memory_space<vmem>>) dst(%dma_wait3A_73 : memref<10240x128xf32, #tpu.memory_space<vmem_shared>>)
        tpu.yield
      }) : () -> ()
      %run_scoped3A_51 = arith.constant 4 : i32
      "tpu.region"() ({
        %run_scoped3A_63 = tpu.sem_alloc : memref<!tpu.dma_semaphore, #tpu.memory_space<semaphore_mem>>
        %dma_start3A = arith.constant 0 : i32
        %dma_start3A_64 = tpu.memref_slice %arg6[%run_scoped3A_51, %dma_start3A] : memref<16x128xi32, #tpu.memory_space<vmem>> -> memref<1x128xi32, #tpu.memory_space<vmem>>
        %dma_start3A_65 = tpu.memref_squeeze %dma_start3A_64 : memref<1x128xi32, #tpu.memory_space<vmem>> -> memref<128xi32, #tpu.memory_space<vmem>>
        %dma_start3A_66 = arith.constant 0 : i32
        %dma_start3A_67 = arith.constant 0 : i32
        %dma_start3A_68 = tpu.memref_slice %arg8[%dma_start3A_66, %dma_start3A_67] : memref<10240x128xf32, #tpu.memory_space<vmem_shared>> -> memref<10240x128xf32, #tpu.memory_space<vmem_shared>>
        tpu.enqueue_indirect_dma source(%arg7 : memref<128x128xf32, #tpu.memory_space<vmem>>) target(%dma_start3A_68 : memref<10240x128xf32, #tpu.memory_space<vmem_shared>>) offsets(%dma_start3A_65 : memref<128xi32, #tpu.memory_space<vmem>>) semaphore(%run_scoped3A_63 : memref<!tpu.dma_semaphore, #tpu.memory_space<semaphore_mem>>) {add = true}
        %dma_wait3A = arith.constant 0 : i32
        %dma_wait3A_69 = tpu.memref_slice %arg6[%run_scoped3A_51, %dma_wait3A] : memref<16x128xi32, #tpu.memory_space<vmem>> -> memref<1x128xi32, #tpu.memory_space<vmem>>
        %dma_wait3A_70 = tpu.memref_squeeze %dma_wait3A_69 : memref<1x128xi32, #tpu.memory_space<vmem>> -> memref<128xi32, #tpu.memory_space<vmem>>
        %dma_wait3A_71 = arith.constant 0 : i32
        %dma_wait3A_72 = arith.constant 0 : i32
        %dma_wait3A_73 = tpu.memref_slice %arg8[%dma_wait3A_71, %dma_wait3A_72] : memref<10240x128xf32, #tpu.memory_space<vmem_shared>> -> memref<10240x128xf32, #tpu.memory_space<vmem_shared>>
        tpu.wait_indirect_dma semaphore(%run_scoped3A_63 : memref<!tpu.dma_semaphore, #tpu.memory_space<semaphore_mem>>) src(%arg7 : memref<128x128xf32, #tpu.memory_space<vmem>>) dst(%dma_wait3A_73 : memref<10240x128xf32, #tpu.memory_space<vmem_shared>>)
        tpu.yield
      }) : () -> ()
      %run_scoped3A_52 = arith.constant 5 : i32
      "tpu.region"() ({
        %run_scoped3A_63 = tpu.sem_alloc : memref<!tpu.dma_semaphore, #tpu.memory_space<semaphore_mem>>
        %dma_start3A = arith.constant 0 : i32
        %dma_start3A_64 = tpu.memref_slice %arg6[%run_scoped3A_52, %dma_start3A] : memref<16x128xi32, #tpu.memory_space<vmem>> -> memref<1x128xi32, #tpu.memory_space<vmem>>
        %dma_start3A_65 = tpu.memref_squeeze %dma_start3A_64 : memref<1x128xi32, #tpu.memory_space<vmem>> -> memref<128xi32, #tpu.memory_space<vmem>>
        %dma_start3A_66 = arith.constant 0 : i32
        %dma_start3A_67 = arith.constant 0 : i32
        %dma_start3A_68 = tpu.memref_slice %arg8[%dma_start3A_66, %dma_start3A_67] : memref<10240x128xf32, #tpu.memory_space<vmem_shared>> -> memref<10240x128xf32, #tpu.memory_space<vmem_shared>>
        tpu.enqueue_indirect_dma source(%arg7 : memref<128x128xf32, #tpu.memory_space<vmem>>) target(%dma_start3A_68 : memref<10240x128xf32, #tpu.memory_space<vmem_shared>>) offsets(%dma_start3A_65 : memref<128xi32, #tpu.memory_space<vmem>>) semaphore(%run_scoped3A_63 : memref<!tpu.dma_semaphore, #tpu.memory_space<semaphore_mem>>) {add = true}
        %dma_wait3A = arith.constant 0 : i32
        %dma_wait3A_69 = tpu.memref_slice %arg6[%run_scoped3A_52, %dma_wait3A] : memref<16x128xi32, #tpu.memory_space<vmem>> -> memref<1x128xi32, #tpu.memory_space<vmem>>
        %dma_wait3A_70 = tpu.memref_squeeze %dma_wait3A_69 : memref<1x128xi32, #tpu.memory_space<vmem>> -> memref<128xi32, #tpu.memory_space<vmem>>
        %dma_wait3A_71 = arith.constant 0 : i32
        %dma_wait3A_72 = arith.constant 0 : i32
        %dma_wait3A_73 = tpu.memref_slice %arg8[%dma_wait3A_71, %dma_wait3A_72] : memref<10240x128xf32, #tpu.memory_space<vmem_shared>> -> memref<10240x128xf32, #tpu.memory_space<vmem_shared>>
        tpu.wait_indirect_dma semaphore(%run_scoped3A_63 : memref<!tpu.dma_semaphore, #tpu.memory_space<semaphore_mem>>) src(%arg7 : memref<128x128xf32, #tpu.memory_space<vmem>>) dst(%dma_wait3A_73 : memref<10240x128xf32, #tpu.memory_space<vmem_shared>>)
        tpu.yield
      }) : () -> ()
      %run_scoped3A_53 = arith.constant 6 : i32
      "tpu.region"() ({
        %run_scoped3A_63 = tpu.sem_alloc : memref<!tpu.dma_semaphore, #tpu.memory_space<semaphore_mem>>
        %dma_start3A = arith.constant 0 : i32
        %dma_start3A_64 = tpu.memref_slice %arg6[%run_scoped3A_53, %dma_start3A] : memref<16x128xi32, #tpu.memory_space<vmem>> -> memref<1x128xi32, #tpu.memory_space<vmem>>
        %dma_start3A_65 = tpu.memref_squeeze %dma_start3A_64 : memref<1x128xi32, #tpu.memory_space<vmem>> -> memref<128xi32, #tpu.memory_space<vmem>>
        %dma_start3A_66 = arith.constant 0 : i32
        %dma_start3A_67 = arith.constant 0 : i32
        %dma_start3A_68 = tpu.memref_slice %arg8[%dma_start3A_66, %dma_start3A_67] : memref<10240x128xf32, #tpu.memory_space<vmem_shared>> -> memref<10240x128xf32, #tpu.memory_space<vmem_shared>>
        tpu.enqueue_indirect_dma source(%arg7 : memref<128x128xf32, #tpu.memory_space<vmem>>) target(%dma_start3A_68 : memref<10240x128xf32, #tpu.memory_space<vmem_shared>>) offsets(%dma_start3A_65 : memref<128xi32, #tpu.memory_space<vmem>>) semaphore(%run_scoped3A_63 : memref<!tpu.dma_semaphore, #tpu.memory_space<semaphore_mem>>) {add = true}
        %dma_wait3A = arith.constant 0 : i32
        %dma_wait3A_69 = tpu.memref_slice %arg6[%run_scoped3A_53, %dma_wait3A] : memref<16x128xi32, #tpu.memory_space<vmem>> -> memref<1x128xi32, #tpu.memory_space<vmem>>
        %dma_wait3A_70 = tpu.memref_squeeze %dma_wait3A_69 : memref<1x128xi32, #tpu.memory_space<vmem>> -> memref<128xi32, #tpu.memory_space<vmem>>
        %dma_wait3A_71 = arith.constant 0 : i32
        %dma_wait3A_72 = arith.constant 0 : i32
        %dma_wait3A_73 = tpu.memref_slice %arg8[%dma_wait3A_71, %dma_wait3A_72] : memref<10240x128xf32, #tpu.memory_space<vmem_shared>> -> memref<10240x128xf32, #tpu.memory_space<vmem_shared>>
        tpu.wait_indirect_dma semaphore(%run_scoped3A_63 : memref<!tpu.dma_semaphore, #tpu.memory_space<semaphore_mem>>) src(%arg7 : memref<128x128xf32, #tpu.memory_space<vmem>>) dst(%dma_wait3A_73 : memref<10240x128xf32, #tpu.memory_space<vmem_shared>>)
        tpu.yield
      }) : () -> ()
      %run_scoped3A_54 = arith.constant 7 : i32
      "tpu.region"() ({
        %run_scoped3A_63 = tpu.sem_alloc : memref<!tpu.dma_semaphore, #tpu.memory_space<semaphore_mem>>
        %dma_start3A = arith.constant 0 : i32
        %dma_start3A_64 = tpu.memref_slice %arg6[%run_scoped3A_54, %dma_start3A] : memref<16x128xi32, #tpu.memory_space<vmem>> -> memref<1x128xi32, #tpu.memory_space<vmem>>
        %dma_start3A_65 = tpu.memref_squeeze %dma_start3A_64 : memref<1x128xi32, #tpu.memory_space<vmem>> -> memref<128xi32, #tpu.memory_space<vmem>>
        %dma_start3A_66 = arith.constant 0 : i32
        %dma_start3A_67 = arith.constant 0 : i32
        %dma_start3A_68 = tpu.memref_slice %arg8[%dma_start3A_66, %dma_start3A_67] : memref<10240x128xf32, #tpu.memory_space<vmem_shared>> -> memref<10240x128xf32, #tpu.memory_space<vmem_shared>>
        tpu.enqueue_indirect_dma source(%arg7 : memref<128x128xf32, #tpu.memory_space<vmem>>) target(%dma_start3A_68 : memref<10240x128xf32, #tpu.memory_space<vmem_shared>>) offsets(%dma_start3A_65 : memref<128xi32, #tpu.memory_space<vmem>>) semaphore(%run_scoped3A_63 : memref<!tpu.dma_semaphore, #tpu.memory_space<semaphore_mem>>) {add = true}
        %dma_wait3A = arith.constant 0 : i32
        %dma_wait3A_69 = tpu.memref_slice %arg6[%run_scoped3A_54, %dma_wait3A] : memref<16x128xi32, #tpu.memory_space<vmem>> -> memref<1x128xi32, #tpu.memory_space<vmem>>
        %dma_wait3A_70 = tpu.memref_squeeze %dma_wait3A_69 : memref<1x128xi32, #tpu.memory_space<vmem>> -> memref<128xi32, #tpu.memory_space<vmem>>
        %dma_wait3A_71 = arith.constant 0 : i32
        %dma_wait3A_72 = arith.constant 0 : i32
        %dma_wait3A_73 = tpu.memref_slice %arg8[%dma_wait3A_71, %dma_wait3A_72] : memref<10240x128xf32, #tpu.memory_space<vmem_shared>> -> memref<10240x128xf32, #tpu.memory_space<vmem_shared>>
        tpu.wait_indirect_dma semaphore(%run_scoped3A_63 : memref<!tpu.dma_semaphore, #tpu.memory_space<semaphore_mem>>) src(%arg7 : memref<128x128xf32, #tpu.memory_space<vmem>>) dst(%dma_wait3A_73 : memref<10240x128xf32, #tpu.memory_space<vmem_shared>>)
        tpu.yield
      }) : () -> ()
      %run_scoped3A_55 = arith.constant 8 : i32
      "tpu.region"() ({
        %run_scoped3A_63 = tpu.sem_alloc : memref<!tpu.dma_semaphore, #tpu.memory_space<semaphore_mem>>
        %dma_start3A = arith.constant 0 : i32
        %dma_start3A_64 = tpu.memref_slice %arg6[%run_scoped3A_55, %dma_start3A] : memref<16x128xi32, #tpu.memory_space<vmem>> -> memref<1x128xi32, #tpu.memory_space<vmem>>
        %dma_start3A_65 = tpu.memref_squeeze %dma_start3A_64 : memref<1x128xi32, #tpu.memory_space<vmem>> -> memref<128xi32, #tpu.memory_space<vmem>>
        %dma_start3A_66 = arith.constant 0 : i32
        %dma_start3A_67 = arith.constant 0 : i32
        %dma_start3A_68 = tpu.memref_slice %arg8[%dma_start3A_66, %dma_start3A_67] : memref<10240x128xf32, #tpu.memory_space<vmem_shared>> -> memref<10240x128xf32, #tpu.memory_space<vmem_shared>>
        tpu.enqueue_indirect_dma source(%arg7 : memref<128x128xf32, #tpu.memory_space<vmem>>) target(%dma_start3A_68 : memref<10240x128xf32, #tpu.memory_space<vmem_shared>>) offsets(%dma_start3A_65 : memref<128xi32, #tpu.memory_space<vmem>>) semaphore(%run_scoped3A_63 : memref<!tpu.dma_semaphore, #tpu.memory_space<semaphore_mem>>) {add = true}
        %dma_wait3A = arith.constant 0 : i32
        %dma_wait3A_69 = tpu.memref_slice %arg6[%run_scoped3A_55, %dma_wait3A] : memref<16x128xi32, #tpu.memory_space<vmem>> -> memref<1x128xi32, #tpu.memory_space<vmem>>
        %dma_wait3A_70 = tpu.memref_squeeze %dma_wait3A_69 : memref<1x128xi32, #tpu.memory_space<vmem>> -> memref<128xi32, #tpu.memory_space<vmem>>
        %dma_wait3A_71 = arith.constant 0 : i32
        %dma_wait3A_72 = arith.constant 0 : i32
        %dma_wait3A_73 = tpu.memref_slice %arg8[%dma_wait3A_71, %dma_wait3A_72] : memref<10240x128xf32, #tpu.memory_space<vmem_shared>> -> memref<10240x128xf32, #tpu.memory_space<vmem_shared>>
        tpu.wait_indirect_dma semaphore(%run_scoped3A_63 : memref<!tpu.dma_semaphore, #tpu.memory_space<semaphore_mem>>) src(%arg7 : memref<128x128xf32, #tpu.memory_space<vmem>>) dst(%dma_wait3A_73 : memref<10240x128xf32, #tpu.memory_space<vmem_shared>>)
        tpu.yield
      }) : () -> ()
      %run_scoped3A_56 = arith.constant 9 : i32
      "tpu.region"() ({
        %run_scoped3A_63 = tpu.sem_alloc : memref<!tpu.dma_semaphore, #tpu.memory_space<semaphore_mem>>
        %dma_start3A = arith.constant 0 : i32
        %dma_start3A_64 = tpu.memref_slice %arg6[%run_scoped3A_56, %dma_start3A] : memref<16x128xi32, #tpu.memory_space<vmem>> -> memref<1x128xi32, #tpu.memory_space<vmem>>
        %dma_start3A_65 = tpu.memref_squeeze %dma_start3A_64 : memref<1x128xi32, #tpu.memory_space<vmem>> -> memref<128xi32, #tpu.memory_space<vmem>>
        %dma_start3A_66 = arith.constant 0 : i32
        %dma_start3A_67 = arith.constant 0 : i32
        %dma_start3A_68 = tpu.memref_slice %arg8[%dma_start3A_66, %dma_start3A_67] : memref<10240x128xf32, #tpu.memory_space<vmem_shared>> -> memref<10240x128xf32, #tpu.memory_space<vmem_shared>>
        tpu.enqueue_indirect_dma source(%arg7 : memref<128x128xf32, #tpu.memory_space<vmem>>) target(%dma_start3A_68 : memref<10240x128xf32, #tpu.memory_space<vmem_shared>>) offsets(%dma_start3A_65 : memref<128xi32, #tpu.memory_space<vmem>>) semaphore(%run_scoped3A_63 : memref<!tpu.dma_semaphore, #tpu.memory_space<semaphore_mem>>) {add = true}
        %dma_wait3A = arith.constant 0 : i32
        %dma_wait3A_69 = tpu.memref_slice %arg6[%run_scoped3A_56, %dma_wait3A] : memref<16x128xi32, #tpu.memory_space<vmem>> -> memref<1x128xi32, #tpu.memory_space<vmem>>
        %dma_wait3A_70 = tpu.memref_squeeze %dma_wait3A_69 : memref<1x128xi32, #tpu.memory_space<vmem>> -> memref<128xi32, #tpu.memory_space<vmem>>
        %dma_wait3A_71 = arith.constant 0 : i32
        %dma_wait3A_72 = arith.constant 0 : i32
        %dma_wait3A_73 = tpu.memref_slice %arg8[%dma_wait3A_71, %dma_wait3A_72] : memref<10240x128xf32, #tpu.memory_space<vmem_shared>> -> memref<10240x128xf32, #tpu.memory_space<vmem_shared>>
        tpu.wait_indirect_dma semaphore(%run_scoped3A_63 : memref<!tpu.dma_semaphore, #tpu.memory_space<semaphore_mem>>) src(%arg7 : memref<128x128xf32, #tpu.memory_space<vmem>>) dst(%dma_wait3A_73 : memref<10240x128xf32, #tpu.memory_space<vmem_shared>>)
        tpu.yield
      }) : () -> ()
      %run_scoped3A_57 = arith.constant 10 : i32
      "tpu.region"() ({
        %run_scoped3A_63 = tpu.sem_alloc : memref<!tpu.dma_semaphore, #tpu.memory_space<semaphore_mem>>
        %dma_start3A = arith.constant 0 : i32
        %dma_start3A_64 = tpu.memref_slice %arg6[%run_scoped3A_57, %dma_start3A] : memref<16x128xi32, #tpu.memory_space<vmem>> -> memref<1x128xi32, #tpu.memory_space<vmem>>
        %dma_start3A_65 = tpu.memref_squeeze %dma_start3A_64 : memref<1x128xi32, #tpu.memory_space<vmem>> -> memref<128xi32, #tpu.memory_space<vmem>>
        %dma_start3A_66 = arith.constant 0 : i32
        %dma_start3A_67 = arith.constant 0 : i32
        %dma_start3A_68 = tpu.memref_slice %arg8[%dma_start3A_66, %dma_start3A_67] : memref<10240x128xf32, #tpu.memory_space<vmem_shared>> -> memref<10240x128xf32, #tpu.memory_space<vmem_shared>>
        tpu.enqueue_indirect_dma source(%arg7 : memref<128x128xf32, #tpu.memory_space<vmem>>) target(%dma_start3A_68 : memref<10240x128xf32, #tpu.memory_space<vmem_shared>>) offsets(%dma_start3A_65 : memref<128xi32, #tpu.memory_space<vmem>>) semaphore(%run_scoped3A_63 : memref<!tpu.dma_semaphore, #tpu.memory_space<semaphore_mem>>) {add = true}
        %dma_wait3A = arith.constant 0 : i32
        %dma_wait3A_69 = tpu.memref_slice %arg6[%run_scoped3A_57, %dma_wait3A] : memref<16x128xi32, #tpu.memory_space<vmem>> -> memref<1x128xi32, #tpu.memory_space<vmem>>
        %dma_wait3A_70 = tpu.memref_squeeze %dma_wait3A_69 : memref<1x128xi32, #tpu.memory_space<vmem>> -> memref<128xi32, #tpu.memory_space<vmem>>
        %dma_wait3A_71 = arith.constant 0 : i32
        %dma_wait3A_72 = arith.constant 0 : i32
        %dma_wait3A_73 = tpu.memref_slice %arg8[%dma_wait3A_71, %dma_wait3A_72] : memref<10240x128xf32, #tpu.memory_space<vmem_shared>> -> memref<10240x128xf32, #tpu.memory_space<vmem_shared>>
        tpu.wait_indirect_dma semaphore(%run_scoped3A_63 : memref<!tpu.dma_semaphore, #tpu.memory_space<semaphore_mem>>) src(%arg7 : memref<128x128xf32, #tpu.memory_space<vmem>>) dst(%dma_wait3A_73 : memref<10240x128xf32, #tpu.memory_space<vmem_shared>>)
        tpu.yield
      }) : () -> ()
      %run_scoped3A_58 = arith.constant 11 : i32
      "tpu.region"() ({
        %run_scoped3A_63 = tpu.sem_alloc : memref<!tpu.dma_semaphore, #tpu.memory_space<semaphore_mem>>
        %dma_start3A = arith.constant 0 : i32
        %dma_start3A_64 = tpu.memref_slice %arg6[%run_scoped3A_58, %dma_start3A] : memref<16x128xi32, #tpu.memory_space<vmem>> -> memref<1x128xi32, #tpu.memory_space<vmem>>
        %dma_start3A_65 = tpu.memref_squeeze %dma_start3A_64 : memref<1x128xi32, #tpu.memory_space<vmem>> -> memref<128xi32, #tpu.memory_space<vmem>>
        %dma_start3A_66 = arith.constant 0 : i32
        %dma_start3A_67 = arith.constant 0 : i32
        %dma_start3A_68 = tpu.memref_slice %arg8[%dma_start3A_66, %dma_start3A_67] : memref<10240x128xf32, #tpu.memory_space<vmem_shared>> -> memref<10240x128xf32, #tpu.memory_space<vmem_shared>>
        tpu.enqueue_indirect_dma source(%arg7 : memref<128x128xf32, #tpu.memory_space<vmem>>) target(%dma_start3A_68 : memref<10240x128xf32, #tpu.memory_space<vmem_shared>>) offsets(%dma_start3A_65 : memref<128xi32, #tpu.memory_space<vmem>>) semaphore(%run_scoped3A_63 : memref<!tpu.dma_semaphore, #tpu.memory_space<semaphore_mem>>) {add = true}
        %dma_wait3A = arith.constant 0 : i32
        %dma_wait3A_69 = tpu.memref_slice %arg6[%run_scoped3A_58, %dma_wait3A] : memref<16x128xi32, #tpu.memory_space<vmem>> -> memref<1x128xi32, #tpu.memory_space<vmem>>
        %dma_wait3A_70 = tpu.memref_squeeze %dma_wait3A_69 : memref<1x128xi32, #tpu.memory_space<vmem>> -> memref<128xi32, #tpu.memory_space<vmem>>
        %dma_wait3A_71 = arith.constant 0 : i32
        %dma_wait3A_72 = arith.constant 0 : i32
        %dma_wait3A_73 = tpu.memref_slice %arg8[%dma_wait3A_71, %dma_wait3A_72] : memref<10240x128xf32, #tpu.memory_space<vmem_shared>> -> memref<10240x128xf32, #tpu.memory_space<vmem_shared>>
        tpu.wait_indirect_dma semaphore(%run_scoped3A_63 : memref<!tpu.dma_semaphore, #tpu.memory_space<semaphore_mem>>) src(%arg7 : memref<128x128xf32, #tpu.memory_space<vmem>>) dst(%dma_wait3A_73 : memref<10240x128xf32, #tpu.memory_space<vmem_shared>>)
        tpu.yield
      }) : () -> ()
      %run_scoped3A_59 = arith.constant 12 : i32
      "tpu.region"() ({
        %run_scoped3A_63 = tpu.sem_alloc : memref<!tpu.dma_semaphore, #tpu.memory_space<semaphore_mem>>
        %dma_start3A = arith.constant 0 : i32
        %dma_start3A_64 = tpu.memref_slice %arg6[%run_scoped3A_59, %dma_start3A] : memref<16x128xi32, #tpu.memory_space<vmem>> -> memref<1x128xi32, #tpu.memory_space<vmem>>
        %dma_start3A_65 = tpu.memref_squeeze %dma_start3A_64 : memref<1x128xi32, #tpu.memory_space<vmem>> -> memref<128xi32, #tpu.memory_space<vmem>>
        %dma_start3A_66 = arith.constant 0 : i32
        %dma_start3A_67 = arith.constant 0 : i32
        %dma_start3A_68 = tpu.memref_slice %arg8[%dma_start3A_66, %dma_start3A_67] : memref<10240x128xf32, #tpu.memory_space<vmem_shared>> -> memref<10240x128xf32, #tpu.memory_space<vmem_shared>>
        tpu.enqueue_indirect_dma source(%arg7 : memref<128x128xf32, #tpu.memory_space<vmem>>) target(%dma_start3A_68 : memref<10240x128xf32, #tpu.memory_space<vmem_shared>>) offsets(%dma_start3A_65 : memref<128xi32, #tpu.memory_space<vmem>>) semaphore(%run_scoped3A_63 : memref<!tpu.dma_semaphore, #tpu.memory_space<semaphore_mem>>) {add = true}
        %dma_wait3A = arith.constant 0 : i32
        %dma_wait3A_69 = tpu.memref_slice %arg6[%run_scoped3A_59, %dma_wait3A] : memref<16x128xi32, #tpu.memory_space<vmem>> -> memref<1x128xi32, #tpu.memory_space<vmem>>
        %dma_wait3A_70 = tpu.memref_squeeze %dma_wait3A_69 : memref<1x128xi32, #tpu.memory_space<vmem>> -> memref<128xi32, #tpu.memory_space<vmem>>
        %dma_wait3A_71 = arith.constant 0 : i32
        %dma_wait3A_72 = arith.constant 0 : i32
        %dma_wait3A_73 = tpu.memref_slice %arg8[%dma_wait3A_71, %dma_wait3A_72] : memref<10240x128xf32, #tpu.memory_space<vmem_shared>> -> memref<10240x128xf32, #tpu.memory_space<vmem_shared>>
        tpu.wait_indirect_dma semaphore(%run_scoped3A_63 : memref<!tpu.dma_semaphore, #tpu.memory_space<semaphore_mem>>) src(%arg7 : memref<128x128xf32, #tpu.memory_space<vmem>>) dst(%dma_wait3A_73 : memref<10240x128xf32, #tpu.memory_space<vmem_shared>>)
        tpu.yield
      }) : () -> ()
      %run_scoped3A_60 = arith.constant 13 : i32
      "tpu.region"() ({
        %run_scoped3A_63 = tpu.sem_alloc : memref<!tpu.dma_semaphore, #tpu.memory_space<semaphore_mem>>
        %dma_start3A = arith.constant 0 : i32
        %dma_start3A_64 = tpu.memref_slice %arg6[%run_scoped3A_60, %dma_start3A] : memref<16x128xi32, #tpu.memory_space<vmem>> -> memref<1x128xi32, #tpu.memory_space<vmem>>
        %dma_start3A_65 = tpu.memref_squeeze %dma_start3A_64 : memref<1x128xi32, #tpu.memory_space<vmem>> -> memref<128xi32, #tpu.memory_space<vmem>>
        %dma_start3A_66 = arith.constant 0 : i32
        %dma_start3A_67 = arith.constant 0 : i32
        %dma_start3A_68 = tpu.memref_slice %arg8[%dma_start3A_66, %dma_start3A_67] : memref<10240x128xf32, #tpu.memory_space<vmem_shared>> -> memref<10240x128xf32, #tpu.memory_space<vmem_shared>>
        tpu.enqueue_indirect_dma source(%arg7 : memref<128x128xf32, #tpu.memory_space<vmem>>) target(%dma_start3A_68 : memref<10240x128xf32, #tpu.memory_space<vmem_shared>>) offsets(%dma_start3A_65 : memref<128xi32, #tpu.memory_space<vmem>>) semaphore(%run_scoped3A_63 : memref<!tpu.dma_semaphore, #tpu.memory_space<semaphore_mem>>) {add = true}
        %dma_wait3A = arith.constant 0 : i32
        %dma_wait3A_69 = tpu.memref_slice %arg6[%run_scoped3A_60, %dma_wait3A] : memref<16x128xi32, #tpu.memory_space<vmem>> -> memref<1x128xi32, #tpu.memory_space<vmem>>
        %dma_wait3A_70 = tpu.memref_squeeze %dma_wait3A_69 : memref<1x128xi32, #tpu.memory_space<vmem>> -> memref<128xi32, #tpu.memory_space<vmem>>
        %dma_wait3A_71 = arith.constant 0 : i32
        %dma_wait3A_72 = arith.constant 0 : i32
        %dma_wait3A_73 = tpu.memref_slice %arg8[%dma_wait3A_71, %dma_wait3A_72] : memref<10240x128xf32, #tpu.memory_space<vmem_shared>> -> memref<10240x128xf32, #tpu.memory_space<vmem_shared>>
        tpu.wait_indirect_dma semaphore(%run_scoped3A_63 : memref<!tpu.dma_semaphore, #tpu.memory_space<semaphore_mem>>) src(%arg7 : memref<128x128xf32, #tpu.memory_space<vmem>>) dst(%dma_wait3A_73 : memref<10240x128xf32, #tpu.memory_space<vmem_shared>>)
        tpu.yield
      }) : () -> ()
      %run_scoped3A_61 = arith.constant 14 : i32
      "tpu.region"() ({
        %run_scoped3A_63 = tpu.sem_alloc : memref<!tpu.dma_semaphore, #tpu.memory_space<semaphore_mem>>
        %dma_start3A = arith.constant 0 : i32
        %dma_start3A_64 = tpu.memref_slice %arg6[%run_scoped3A_61, %dma_start3A] : memref<16x128xi32, #tpu.memory_space<vmem>> -> memref<1x128xi32, #tpu.memory_space<vmem>>
        %dma_start3A_65 = tpu.memref_squeeze %dma_start3A_64 : memref<1x128xi32, #tpu.memory_space<vmem>> -> memref<128xi32, #tpu.memory_space<vmem>>
        %dma_start3A_66 = arith.constant 0 : i32
        %dma_start3A_67 = arith.constant 0 : i32
        %dma_start3A_68 = tpu.memref_slice %arg8[%dma_start3A_66, %dma_start3A_67] : memref<10240x128xf32, #tpu.memory_space<vmem_shared>> -> memref<10240x128xf32, #tpu.memory_space<vmem_shared>>
        tpu.enqueue_indirect_dma source(%arg7 : memref<128x128xf32, #tpu.memory_space<vmem>>) target(%dma_start3A_68 : memref<10240x128xf32, #tpu.memory_space<vmem_shared>>) offsets(%dma_start3A_65 : memref<128xi32, #tpu.memory_space<vmem>>) semaphore(%run_scoped3A_63 : memref<!tpu.dma_semaphore, #tpu.memory_space<semaphore_mem>>) {add = true}
        %dma_wait3A = arith.constant 0 : i32
        %dma_wait3A_69 = tpu.memref_slice %arg6[%run_scoped3A_61, %dma_wait3A] : memref<16x128xi32, #tpu.memory_space<vmem>> -> memref<1x128xi32, #tpu.memory_space<vmem>>
        %dma_wait3A_70 = tpu.memref_squeeze %dma_wait3A_69 : memref<1x128xi32, #tpu.memory_space<vmem>> -> memref<128xi32, #tpu.memory_space<vmem>>
        %dma_wait3A_71 = arith.constant 0 : i32
        %dma_wait3A_72 = arith.constant 0 : i32
        %dma_wait3A_73 = tpu.memref_slice %arg8[%dma_wait3A_71, %dma_wait3A_72] : memref<10240x128xf32, #tpu.memory_space<vmem_shared>> -> memref<10240x128xf32, #tpu.memory_space<vmem_shared>>
        tpu.wait_indirect_dma semaphore(%run_scoped3A_63 : memref<!tpu.dma_semaphore, #tpu.memory_space<semaphore_mem>>) src(%arg7 : memref<128x128xf32, #tpu.memory_space<vmem>>) dst(%dma_wait3A_73 : memref<10240x128xf32, #tpu.memory_space<vmem_shared>>)
        tpu.yield
      }) : () -> ()
      %run_scoped3A_62 = arith.constant 15 : i32
      "tpu.region"() ({
        %run_scoped3A_63 = tpu.sem_alloc : memref<!tpu.dma_semaphore, #tpu.memory_space<semaphore_mem>>
        %dma_start3A = arith.constant 0 : i32
        %dma_start3A_64 = tpu.memref_slice %arg6[%run_scoped3A_62, %dma_start3A] : memref<16x128xi32, #tpu.memory_space<vmem>> -> memref<1x128xi32, #tpu.memory_space<vmem>>
        %dma_start3A_65 = tpu.memref_squeeze %dma_start3A_64 : memref<1x128xi32, #tpu.memory_space<vmem>> -> memref<128xi32, #tpu.memory_space<vmem>>
        %dma_start3A_66 = arith.constant 0 : i32
        %dma_start3A_67 = arith.constant 0 : i32
        %dma_start3A_68 = tpu.memref_slice %arg8[%dma_start3A_66, %dma_start3A_67] : memref<10240x128xf32, #tpu.memory_space<vmem_shared>> -> memref<10240x128xf32, #tpu.memory_space<vmem_shared>>
        tpu.enqueue_indirect_dma source(%arg7 : memref<128x128xf32, #tpu.memory_space<vmem>>) target(%dma_start3A_68 : memref<10240x128xf32, #tpu.memory_space<vmem_shared>>) offsets(%dma_start3A_65 : memref<128xi32, #tpu.memory_space<vmem>>) semaphore(%run_scoped3A_63 : memref<!tpu.dma_semaphore, #tpu.memory_space<semaphore_mem>>) {add = true}
        %dma_wait3A = arith.constant 0 : i32
        %dma_wait3A_69 = tpu.memref_slice %arg6[%run_scoped3A_62, %dma_wait3A] : memref<16x128xi32, #tpu.memory_space<vmem>> -> memref<1x128xi32, #tpu.memory_space<vmem>>
        %dma_wait3A_70 = tpu.memref_squeeze %dma_wait3A_69 : memref<1x128xi32, #tpu.memory_space<vmem>> -> memref<128xi32, #tpu.memory_space<vmem>>
        %dma_wait3A_71 = arith.constant 0 : i32
        %dma_wait3A_72 = arith.constant 0 : i32
        %dma_wait3A_73 = tpu.memref_slice %arg8[%dma_wait3A_71, %dma_wait3A_72] : memref<10240x128xf32, #tpu.memory_space<vmem_shared>> -> memref<10240x128xf32, #tpu.memory_space<vmem_shared>>
        tpu.wait_indirect_dma semaphore(%run_scoped3A_63 : memref<!tpu.dma_semaphore, #tpu.memory_space<semaphore_mem>>) src(%arg7 : memref<128x128xf32, #tpu.memory_space<vmem>>) dst(%dma_wait3A_73 : memref<10240x128xf32, #tpu.memory_space<vmem_shared>>)
        tpu.yield
      }) : () -> ()
    }
    %scan3A_16 = arith.constant 5 : i32
    %barrier3A_17 = arith.constant 0 : index
    tpu.barrier barrier_id(%barrier3A_17)
    %add3A_18 = arith.constant 0 : i32
    %add3A_19 = arith.addi %mul3A_2, %add3A_18 : i32
    "tpu.region"() ({
      %run_scoped3A = tpu.sem_alloc : memref<!tpu.dma_semaphore, #tpu.memory_space<semaphore_mem>>
      %dma_start3A = arith.constant 0 : i32
      %dma_start3A_38 = tpu.memref_slice %arg8[%add3A_19, %dma_start3A] : memref<10240x128xf32, #tpu.memory_space<vmem_shared>> -> memref<128x128xf32, #tpu.memory_space<vmem_shared>>
      %dma_start3A_39 = arith.constant 0 : i32
      %dma_start3A_40 = tpu.memref_slice %arg8[%add3A_19, %dma_start3A_39] : memref<10240x128xf32, #tpu.memory_space<vmem_shared>> -> memref<128x128xf32, #tpu.memory_space<vmem_shared>>
      tpu.enqueue_dma source(%dma_start3A_40 : memref<128x128xf32, #tpu.memory_space<vmem_shared>>) target(%arg7 : memref<128x128xf32, #tpu.memory_space<vmem>>) target_semaphore(%run_scoped3A : memref<!tpu.dma_semaphore, #tpu.memory_space<semaphore_mem>>)
      %dma_wait3A = arith.constant 0 : i32
      %dma_wait3A_41 = tpu.memref_slice %arg8[%add3A_19, %dma_wait3A] : memref<10240x128xf32, #tpu.memory_space<vmem_shared>> -> memref<128x128xf32, #tpu.memory_space<vmem_shared>>
      %dma_wait3A_42 = arith.constant 0 : i32
      %dma_wait3A_43 = tpu.memref_slice %arg8[%add3A_19, %dma_wait3A_42] : memref<10240x128xf32, #tpu.memory_space<vmem_shared>> -> memref<128x128xf32, #tpu.memory_space<vmem_shared>>
      tpu.wait_dma2 semaphore(%run_scoped3A : memref<!tpu.dma_semaphore, #tpu.memory_space<semaphore_mem>>) src(%dma_wait3A_43 : memref<128x128xf32, #tpu.memory_space<vmem_shared>>) dst(%arg7 : memref<128x128xf32, #tpu.memory_space<vmem>>)
      tpu.yield
    }) : () -> ()
    %add3A_20 = arith.constant 0 : i32
    %add3A_21 = arith.addi %mul3A_2, %add3A_20 : i32
    "tpu.region"() ({
      %run_scoped3A = tpu.sem_alloc : memref<!tpu.dma_semaphore, #tpu.memory_space<semaphore_mem>>
      %dma_start3A = arith.constant 0 : i32
      %dma_start3A_38 = tpu.memref_slice %arg5[%arg0, %add3A_21, %dma_start3A] : memref<2x10240x128xf32, #tpu.memory_space<hbm>> -> memref<1x128x128xf32, #tpu.memory_space<hbm>>
      %dma_start3A_39 = tpu.memref_squeeze %dma_start3A_38 : memref<1x128x128xf32, #tpu.memory_space<hbm>> -> memref<128x128xf32, #tpu.memory_space<hbm>>
      %dma_start3A_40 = arith.constant 0 : i32
      %dma_start3A_41 = tpu.memref_slice %arg5[%arg0, %add3A_21, %dma_start3A_40] : memref<2x10240x128xf32, #tpu.memory_space<hbm>> -> memref<1x128x128xf32, #tpu.memory_space<hbm>>
      %dma_start3A_42 = tpu.memref_squeeze %dma_start3A_41 : memref<1x128x128xf32, #tpu.memory_space<hbm>> -> memref<128x128xf32, #tpu.memory_space<hbm>>
      tpu.enqueue_dma source(%arg7 : memref<128x128xf32, #tpu.memory_space<vmem>>) target(%dma_start3A_42 : memref<128x128xf32, #tpu.memory_space<hbm>>) target_semaphore(%run_scoped3A : memref<!tpu.dma_semaphore, #tpu.memory_space<semaphore_mem>>)
      %dma_wait3A = arith.constant 0 : i32
      %dma_wait3A_43 = tpu.memref_slice %arg5[%arg0, %add3A_21, %dma_wait3A] : memref<2x10240x128xf32, #tpu.memory_space<hbm>> -> memref<1x128x128xf32, #tpu.memory_space<hbm>>
      %dma_wait3A_44 = tpu.memref_squeeze %dma_wait3A_43 : memref<1x128x128xf32, #tpu.memory_space<hbm>> -> memref<128x128xf32, #tpu.memory_space<hbm>>
      %dma_wait3A_45 = arith.constant 0 : i32
      %dma_wait3A_46 = tpu.memref_slice %arg5[%arg0, %add3A_21, %dma_wait3A_45] : memref<2x10240x128xf32, #tpu.memory_space<hbm>> -> memref<1x128x128xf32, #tpu.memory_space<hbm>>
      %dma_wait3A_47 = tpu.memref_squeeze %dma_wait3A_46 : memref<1x128x128xf32, #tpu.memory_space<hbm>> -> memref<128x128xf32, #tpu.memory_space<hbm>>
      tpu.wait_dma2 semaphore(%run_scoped3A : memref<!tpu.dma_semaphore, #tpu.memory_space<semaphore_mem>>) src(%arg7 : memref<128x128xf32, #tpu.memory_space<vmem>>) dst(%dma_wait3A_47 : memref<128x128xf32, #tpu.memory_space<hbm>>)
      tpu.yield
    }) : () -> ()
    %add3A_22 = arith.constant 128 : i32
    %add3A_23 = arith.addi %mul3A_2, %add3A_22 : i32
    "tpu.region"() ({
      %run_scoped3A = tpu.sem_alloc : memref<!tpu.dma_semaphore, #tpu.memory_space<semaphore_mem>>
      %dma_start3A = arith.constant 0 : i32
      %dma_start3A_38 = tpu.memref_slice %arg8[%add3A_23, %dma_start3A] : memref<10240x128xf32, #tpu.memory_space<vmem_shared>> -> memref<128x128xf32, #tpu.memory_space<vmem_shared>>
      %dma_start3A_39 = arith.constant 0 : i32
      %dma_start3A_40 = tpu.memref_slice %arg8[%add3A_23, %dma_start3A_39] : memref<10240x128xf32, #tpu.memory_space<vmem_shared>> -> memref<128x128xf32, #tpu.memory_space<vmem_shared>>
      tpu.enqueue_dma source(%dma_start3A_40 : memref<128x128xf32, #tpu.memory_space<vmem_shared>>) target(%arg7 : memref<128x128xf32, #tpu.memory_space<vmem>>) target_semaphore(%run_scoped3A : memref<!tpu.dma_semaphore, #tpu.memory_space<semaphore_mem>>)
      %dma_wait3A = arith.constant 0 : i32
      %dma_wait3A_41 = tpu.memref_slice %arg8[%add3A_23, %dma_wait3A] : memref<10240x128xf32, #tpu.memory_space<vmem_shared>> -> memref<128x128xf32, #tpu.memory_space<vmem_shared>>
      %dma_wait3A_42 = arith.constant 0 : i32
      %dma_wait3A_43 = tpu.memref_slice %arg8[%add3A_23, %dma_wait3A_42] : memref<10240x128xf32, #tpu.memory_space<vmem_shared>> -> memref<128x128xf32, #tpu.memory_space<vmem_shared>>
      tpu.wait_dma2 semaphore(%run_scoped3A : memref<!tpu.dma_semaphore, #tpu.memory_space<semaphore_mem>>) src(%dma_wait3A_43 : memref<128x128xf32, #tpu.memory_space<vmem_shared>>) dst(%arg7 : memref<128x128xf32, #tpu.memory_space<vmem>>)
      tpu.yield
    }) : () -> ()
    %add3A_24 = arith.constant 128 : i32
    %add3A_25 = arith.addi %mul3A_2, %add3A_24 : i32
    "tpu.region"() ({
      %run_scoped3A = tpu.sem_alloc : memref<!tpu.dma_semaphore, #tpu.memory_space<semaphore_mem>>
      %dma_start3A = arith.constant 0 : i32
      %dma_start3A_38 = tpu.memref_slice %arg5[%arg0, %add3A_25, %dma_start3A] : memref<2x10240x128xf32, #tpu.memory_space<hbm>> -> memref<1x128x128xf32, #tpu.memory_space<hbm>>
      %dma_start3A_39 = tpu.memref_squeeze %dma_start3A_38 : memref<1x128x128xf32, #tpu.memory_space<hbm>> -> memref<128x128xf32, #tpu.memory_space<hbm>>
      %dma_start3A_40 = arith.constant 0 : i32
      %dma_start3A_41 = tpu.memref_slice %arg5[%arg0, %add3A_25, %dma_start3A_40] : memref<2x10240x128xf32, #tpu.memory_space<hbm>> -> memref<1x128x128xf32, #tpu.memory_space<hbm>>
      %dma_start3A_42 = tpu.memref_squeeze %dma_start3A_41 : memref<1x128x128xf32, #tpu.memory_space<hbm>> -> memref<128x128xf32, #tpu.memory_space<hbm>>
      tpu.enqueue_dma source(%arg7 : memref<128x128xf32, #tpu.memory_space<vmem>>) target(%dma_start3A_42 : memref<128x128xf32, #tpu.memory_space<hbm>>) target_semaphore(%run_scoped3A : memref<!tpu.dma_semaphore, #tpu.memory_space<semaphore_mem>>)
      %dma_wait3A = arith.constant 0 : i32
      %dma_wait3A_43 = tpu.memref_slice %arg5[%arg0, %add3A_25, %dma_wait3A] : memref<2x10240x128xf32, #tpu.memory_space<hbm>> -> memref<1x128x128xf32, #tpu.memory_space<hbm>>
      %dma_wait3A_44 = tpu.memref_squeeze %dma_wait3A_43 : memref<1x128x128xf32, #tpu.memory_space<hbm>> -> memref<128x128xf32, #tpu.memory_space<hbm>>
      %dma_wait3A_45 = arith.constant 0 : i32
      %dma_wait3A_46 = tpu.memref_slice %arg5[%arg0, %add3A_25, %dma_wait3A_45] : memref<2x10240x128xf32, #tpu.memory_space<hbm>> -> memref<1x128x128xf32, #tpu.memory_space<hbm>>
      %dma_wait3A_47 = tpu.memref_squeeze %dma_wait3A_46 : memref<1x128x128xf32, #tpu.memory_space<hbm>> -> memref<128x128xf32, #tpu.memory_space<hbm>>
      tpu.wait_dma2 semaphore(%run_scoped3A : memref<!tpu.dma_semaphore, #tpu.memory_space<semaphore_mem>>) src(%arg7 : memref<128x128xf32, #tpu.memory_space<vmem>>) dst(%dma_wait3A_47 : memref<128x128xf32, #tpu.memory_space<hbm>>)
      tpu.yield
    }) : () -> ()
    %add3A_26 = arith.constant 256 : i32
    %add3A_27 = arith.addi %mul3A_2, %add3A_26 : i32
    "tpu.region"() ({
      %run_scoped3A = tpu.sem_alloc : memref<!tpu.dma_semaphore, #tpu.memory_space<semaphore_mem>>
      %dma_start3A = arith.constant 0 : i32
      %dma_start3A_38 = tpu.memref_slice %arg8[%add3A_27, %dma_start3A] : memref<10240x128xf32, #tpu.memory_space<vmem_shared>> -> memref<128x128xf32, #tpu.memory_space<vmem_shared>>
      %dma_start3A_39 = arith.constant 0 : i32
      %dma_start3A_40 = tpu.memref_slice %arg8[%add3A_27, %dma_start3A_39] : memref<10240x128xf32, #tpu.memory_space<vmem_shared>> -> memref<128x128xf32, #tpu.memory_space<vmem_shared>>
      tpu.enqueue_dma source(%dma_start3A_40 : memref<128x128xf32, #tpu.memory_space<vmem_shared>>) target(%arg7 : memref<128x128xf32, #tpu.memory_space<vmem>>) target_semaphore(%run_scoped3A : memref<!tpu.dma_semaphore, #tpu.memory_space<semaphore_mem>>)
      %dma_wait3A = arith.constant 0 : i32
      %dma_wait3A_41 = tpu.memref_slice %arg8[%add3A_27, %dma_wait3A] : memref<10240x128xf32, #tpu.memory_space<vmem_shared>> -> memref<128x128xf32, #tpu.memory_space<vmem_shared>>
      %dma_wait3A_42 = arith.constant 0 : i32
      %dma_wait3A_43 = tpu.memref_slice %arg8[%add3A_27, %dma_wait3A_42] : memref<10240x128xf32, #tpu.memory_space<vmem_shared>> -> memref<128x128xf32, #tpu.memory_space<vmem_shared>>
      tpu.wait_dma2 semaphore(%run_scoped3A : memref<!tpu.dma_semaphore, #tpu.memory_space<semaphore_mem>>) src(%dma_wait3A_43 : memref<128x128xf32, #tpu.memory_space<vmem_shared>>) dst(%arg7 : memref<128x128xf32, #tpu.memory_space<vmem>>)
      tpu.yield
    }) : () -> ()
    %add3A_28 = arith.constant 256 : i32
    %add3A_29 = arith.addi %mul3A_2, %add3A_28 : i32
    "tpu.region"() ({
      %run_scoped3A = tpu.sem_alloc : memref<!tpu.dma_semaphore, #tpu.memory_space<semaphore_mem>>
      %dma_start3A = arith.constant 0 : i32
      %dma_start3A_38 = tpu.memref_slice %arg5[%arg0, %add3A_29, %dma_start3A] : memref<2x10240x128xf32, #tpu.memory_space<hbm>> -> memref<1x128x128xf32, #tpu.memory_space<hbm>>
      %dma_start3A_39 = tpu.memref_squeeze %dma_start3A_38 : memref<1x128x128xf32, #tpu.memory_space<hbm>> -> memref<128x128xf32, #tpu.memory_space<hbm>>
      %dma_start3A_40 = arith.constant 0 : i32
      %dma_start3A_41 = tpu.memref_slice %arg5[%arg0, %add3A_29, %dma_start3A_40] : memref<2x10240x128xf32, #tpu.memory_space<hbm>> -> memref<1x128x128xf32, #tpu.memory_space<hbm>>
      %dma_start3A_42 = tpu.memref_squeeze %dma_start3A_41 : memref<1x128x128xf32, #tpu.memory_space<hbm>> -> memref<128x128xf32, #tpu.memory_space<hbm>>
      tpu.enqueue_dma source(%arg7 : memref<128x128xf32, #tpu.memory_space<vmem>>) target(%dma_start3A_42 : memref<128x128xf32, #tpu.memory_space<hbm>>) target_semaphore(%run_scoped3A : memref<!tpu.dma_semaphore, #tpu.memory_space<semaphore_mem>>)
      %dma_wait3A = arith.constant 0 : i32
      %dma_wait3A_43 = tpu.memref_slice %arg5[%arg0, %add3A_29, %dma_wait3A] : memref<2x10240x128xf32, #tpu.memory_space<hbm>> -> memref<1x128x128xf32, #tpu.memory_space<hbm>>
      %dma_wait3A_44 = tpu.memref_squeeze %dma_wait3A_43 : memref<1x128x128xf32, #tpu.memory_space<hbm>> -> memref<128x128xf32, #tpu.memory_space<hbm>>
      %dma_wait3A_45 = arith.constant 0 : i32
      %dma_wait3A_46 = tpu.memref_slice %arg5[%arg0, %add3A_29, %dma_wait3A_45] : memref<2x10240x128xf32, #tpu.memory_space<hbm>> -> memref<1x128x128xf32, #tpu.memory_space<hbm>>
      %dma_wait3A_47 = tpu.memref_squeeze %dma_wait3A_46 : memref<1x128x128xf32, #tpu.memory_space<hbm>> -> memref<128x128xf32, #tpu.memory_space<hbm>>
      tpu.wait_dma2 semaphore(%run_scoped3A : memref<!tpu.dma_semaphore, #tpu.memory_space<semaphore_mem>>) src(%arg7 : memref<128x128xf32, #tpu.memory_space<vmem>>) dst(%dma_wait3A_47 : memref<128x128xf32, #tpu.memory_space<hbm>>)
      tpu.yield
    }) : () -> ()
    %add3A_30 = arith.constant 384 : i32
    %add3A_31 = arith.addi %mul3A_2, %add3A_30 : i32
    "tpu.region"() ({
      %run_scoped3A = tpu.sem_alloc : memref<!tpu.dma_semaphore, #tpu.memory_space<semaphore_mem>>
      %dma_start3A = arith.constant 0 : i32
      %dma_start3A_38 = tpu.memref_slice %arg8[%add3A_31, %dma_start3A] : memref<10240x128xf32, #tpu.memory_space<vmem_shared>> -> memref<128x128xf32, #tpu.memory_space<vmem_shared>>
      %dma_start3A_39 = arith.constant 0 : i32
      %dma_start3A_40 = tpu.memref_slice %arg8[%add3A_31, %dma_start3A_39] : memref<10240x128xf32, #tpu.memory_space<vmem_shared>> -> memref<128x128xf32, #tpu.memory_space<vmem_shared>>
      tpu.enqueue_dma source(%dma_start3A_40 : memref<128x128xf32, #tpu.memory_space<vmem_shared>>) target(%arg7 : memref<128x128xf32, #tpu.memory_space<vmem>>) target_semaphore(%run_scoped3A : memref<!tpu.dma_semaphore, #tpu.memory_space<semaphore_mem>>)
      %dma_wait3A = arith.constant 0 : i32
      %dma_wait3A_41 = tpu.memref_slice %arg8[%add3A_31, %dma_wait3A] : memref<10240x128xf32, #tpu.memory_space<vmem_shared>> -> memref<128x128xf32, #tpu.memory_space<vmem_shared>>
      %dma_wait3A_42 = arith.constant 0 : i32
      %dma_wait3A_43 = tpu.memref_slice %arg8[%add3A_31, %dma_wait3A_42] : memref<10240x128xf32, #tpu.memory_space<vmem_shared>> -> memref<128x128xf32, #tpu.memory_space<vmem_shared>>
      tpu.wait_dma2 semaphore(%run_scoped3A : memref<!tpu.dma_semaphore, #tpu.memory_space<semaphore_mem>>) src(%dma_wait3A_43 : memref<128x128xf32, #tpu.memory_space<vmem_shared>>) dst(%arg7 : memref<128x128xf32, #tpu.memory_space<vmem>>)
      tpu.yield
    }) : () -> ()
    %add3A_32 = arith.constant 384 : i32
    %add3A_33 = arith.addi %mul3A_2, %add3A_32 : i32
    "tpu.region"() ({
      %run_scoped3A = tpu.sem_alloc : memref<!tpu.dma_semaphore, #tpu.memory_space<semaphore_mem>>
      %dma_start3A = arith.constant 0 : i32
      %dma_start3A_38 = tpu.memref_slice %arg5[%arg0, %add3A_33, %dma_start3A] : memref<2x10240x128xf32, #tpu.memory_space<hbm>> -> memref<1x128x128xf32, #tpu.memory_space<hbm>>
      %dma_start3A_39 = tpu.memref_squeeze %dma_start3A_38 : memref<1x128x128xf32, #tpu.memory_space<hbm>> -> memref<128x128xf32, #tpu.memory_space<hbm>>
      %dma_start3A_40 = arith.constant 0 : i32
      %dma_start3A_41 = tpu.memref_slice %arg5[%arg0, %add3A_33, %dma_start3A_40] : memref<2x10240x128xf32, #tpu.memory_space<hbm>> -> memref<1x128x128xf32, #tpu.memory_space<hbm>>
      %dma_start3A_42 = tpu.memref_squeeze %dma_start3A_41 : memref<1x128x128xf32, #tpu.memory_space<hbm>> -> memref<128x128xf32, #tpu.memory_space<hbm>>
      tpu.enqueue_dma source(%arg7 : memref<128x128xf32, #tpu.memory_space<vmem>>) target(%dma_start3A_42 : memref<128x128xf32, #tpu.memory_space<hbm>>) target_semaphore(%run_scoped3A : memref<!tpu.dma_semaphore, #tpu.memory_space<semaphore_mem>>)
      %dma_wait3A = arith.constant 0 : i32
      %dma_wait3A_43 = tpu.memref_slice %arg5[%arg0, %add3A_33, %dma_wait3A] : memref<2x10240x128xf32, #tpu.memory_space<hbm>> -> memref<1x128x128xf32, #tpu.memory_space<hbm>>
      %dma_wait3A_44 = tpu.memref_squeeze %dma_wait3A_43 : memref<1x128x128xf32, #tpu.memory_space<hbm>> -> memref<128x128xf32, #tpu.memory_space<hbm>>
      %dma_wait3A_45 = arith.constant 0 : i32
      %dma_wait3A_46 = tpu.memref_slice %arg5[%arg0, %add3A_33, %dma_wait3A_45] : memref<2x10240x128xf32, #tpu.memory_space<hbm>> -> memref<1x128x128xf32, #tpu.memory_space<hbm>>
      %dma_wait3A_47 = tpu.memref_squeeze %dma_wait3A_46 : memref<1x128x128xf32, #tpu.memory_space<hbm>> -> memref<128x128xf32, #tpu.memory_space<hbm>>
      tpu.wait_dma2 semaphore(%run_scoped3A : memref<!tpu.dma_semaphore, #tpu.memory_space<semaphore_mem>>) src(%arg7 : memref<128x128xf32, #tpu.memory_space<vmem>>) dst(%dma_wait3A_47 : memref<128x128xf32, #tpu.memory_space<hbm>>)
      tpu.yield
    }) : () -> ()
    %add3A_34 = arith.constant 512 : i32
    %add3A_35 = arith.addi %mul3A_2, %add3A_34 : i32
    "tpu.region"() ({
      %run_scoped3A = tpu.sem_alloc : memref<!tpu.dma_semaphore, #tpu.memory_space<semaphore_mem>>
      %dma_start3A = arith.constant 0 : i32
      %dma_start3A_38 = tpu.memref_slice %arg8[%add3A_35, %dma_start3A] : memref<10240x128xf32, #tpu.memory_space<vmem_shared>> -> memref<128x128xf32, #tpu.memory_space<vmem_shared>>
      %dma_start3A_39 = arith.constant 0 : i32
      %dma_start3A_40 = tpu.memref_slice %arg8[%add3A_35, %dma_start3A_39] : memref<10240x128xf32, #tpu.memory_space<vmem_shared>> -> memref<128x128xf32, #tpu.memory_space<vmem_shared>>
      tpu.enqueue_dma source(%dma_start3A_40 : memref<128x128xf32, #tpu.memory_space<vmem_shared>>) target(%arg7 : memref<128x128xf32, #tpu.memory_space<vmem>>) target_semaphore(%run_scoped3A : memref<!tpu.dma_semaphore, #tpu.memory_space<semaphore_mem>>)
      %dma_wait3A = arith.constant 0 : i32
      %dma_wait3A_41 = tpu.memref_slice %arg8[%add3A_35, %dma_wait3A] : memref<10240x128xf32, #tpu.memory_space<vmem_shared>> -> memref<128x128xf32, #tpu.memory_space<vmem_shared>>
      %dma_wait3A_42 = arith.constant 0 : i32
      %dma_wait3A_43 = tpu.memref_slice %arg8[%add3A_35, %dma_wait3A_42] : memref<10240x128xf32, #tpu.memory_space<vmem_shared>> -> memref<128x128xf32, #tpu.memory_space<vmem_shared>>
      tpu.wait_dma2 semaphore(%run_scoped3A : memref<!tpu.dma_semaphore, #tpu.memory_space<semaphore_mem>>) src(%dma_wait3A_43 : memref<128x128xf32, #tpu.memory_space<vmem_shared>>) dst(%arg7 : memref<128x128xf32, #tpu.memory_space<vmem>>)
      tpu.yield
    }) : () -> ()
    %add3A_36 = arith.constant 512 : i32
    %add3A_37 = arith.addi %mul3A_2, %add3A_36 : i32
    "tpu.region"() ({
      %run_scoped3A = tpu.sem_alloc : memref<!tpu.dma_semaphore, #tpu.memory_space<semaphore_mem>>
      %dma_start3A = arith.constant 0 : i32
      %dma_start3A_38 = tpu.memref_slice %arg5[%arg0, %add3A_37, %dma_start3A] : memref<2x10240x128xf32, #tpu.memory_space<hbm>> -> memref<1x128x128xf32, #tpu.memory_space<hbm>>
      %dma_start3A_39 = tpu.memref_squeeze %dma_start3A_38 : memref<1x128x128xf32, #tpu.memory_space<hbm>> -> memref<128x128xf32, #tpu.memory_space<hbm>>
      %dma_start3A_40 = arith.constant 0 : i32
      %dma_start3A_41 = tpu.memref_slice %arg5[%arg0, %add3A_37, %dma_start3A_40] : memref<2x10240x128xf32, #tpu.memory_space<hbm>> -> memref<1x128x128xf32, #tpu.memory_space<hbm>>
      %dma_start3A_42 = tpu.memref_squeeze %dma_start3A_41 : memref<1x128x128xf32, #tpu.memory_space<hbm>> -> memref<128x128xf32, #tpu.memory_space<hbm>>
      tpu.enqueue_dma source(%arg7 : memref<128x128xf32, #tpu.memory_space<vmem>>) target(%dma_start3A_42 : memref<128x128xf32, #tpu.memory_space<hbm>>) target_semaphore(%run_scoped3A : memref<!tpu.dma_semaphore, #tpu.memory_space<semaphore_mem>>)
      %dma_wait3A = arith.constant 0 : i32
      %dma_wait3A_43 = tpu.memref_slice %arg5[%arg0, %add3A_37, %dma_wait3A] : memref<2x10240x128xf32, #tpu.memory_space<hbm>> -> memref<1x128x128xf32, #tpu.memory_space<hbm>>
      %dma_wait3A_44 = tpu.memref_squeeze %dma_wait3A_43 : memref<1x128x128xf32, #tpu.memory_space<hbm>> -> memref<128x128xf32, #tpu.memory_space<hbm>>
      %dma_wait3A_45 = arith.constant 0 : i32
      %dma_wait3A_46 = tpu.memref_slice %arg5[%arg0, %add3A_37, %dma_wait3A_45] : memref<2x10240x128xf32, #tpu.memory_space<hbm>> -> memref<1x128x128xf32, #tpu.memory_space<hbm>>
      %dma_wait3A_47 = tpu.memref_squeeze %dma_wait3A_46 : memref<1x128x128xf32, #tpu.memory_space<hbm>> -> memref<128x128xf32, #tpu.memory_space<hbm>>
      tpu.wait_dma2 semaphore(%run_scoped3A : memref<!tpu.dma_semaphore, #tpu.memory_space<semaphore_mem>>) src(%arg7 : memref<128x128xf32, #tpu.memory_space<vmem>>) dst(%dma_wait3A_47 : memref<128x128xf32, #tpu.memory_space<hbm>>)
      tpu.yield
    }) : () -> ()
    return
  }
}

#map = affine_map<(d0, d1) -> (0, 0)>
#map1 = affine_map<(d0, d1) -> (0, 0, 0)>
module attributes {stable_mosaic.version = 14 : i64} {
  func.func @_agg_body(%arg0: i32, %arg1: i32, %arg2: memref<10000x128xf32, #tpu.memory_space<hbm>>, %arg3: memref<2560x128xi32, #tpu.memory_space<hbm>>, %arg4: memref<2560x128xi32, #tpu.memory_space<hbm>>, %arg5: memref<128x128xf32, #tpu.memory_space<hbm>>, %arg6: memref<2x10240x128xf32, #tpu.memory_space<hbm>>, %arg7: memref<16x128xi32, #tpu.memory_space<vmem>>, %arg8: memref<16x128xi32, #tpu.memory_space<vmem>>, %arg9: memref<128x128xf32, #tpu.memory_space<vmem>>, %arg10: memref<128x128xf32, #tpu.memory_space<vmem>>, %arg11: memref<10240x128xf32, #tpu.memory_space<vmem_shared>>, %arg12: memref<!tpu.dma_semaphore, #tpu.memory_space<semaphore_mem>>, %arg13: memref<!tpu.dma_semaphore, #tpu.memory_space<semaphore_mem>>, %arg14: memref<!tpu.dma_semaphore, #tpu.memory_space<semaphore_mem>>, %arg15: memref<!tpu.dma_semaphore, #tpu.memory_space<semaphore_mem>>) attributes {dimension_semantics = [#tpu.dimension_semantics<core_parallel>, #tpu.dimension_semantics<subcore_parallel>], iteration_bounds = array<i64: 2, 16>, scalar_prefetch = 0 : i64, scratch_operands = 9 : i64, tpu.core_type = #tpu.core_type<sc_vector_subcore>, window_params = [{transform_indices = #map}, {transform_indices = #map}, {transform_indices = #map}, {transform_indices = #map}, {transform_indices = #map1}]} {
    %mul3A = arith.constant 640 : i32
    %mul3A_0 = arith.muli %arg1, %mul3A : i32
    %mul3A_1 = arith.constant 2 : i32
    %mul3A_2 = arith.muli %arg1, %mul3A_1 : i32
    %add3A = arith.addi %mul3A_2, %arg0 : i32
    %mul3A_3 = arith.constant 80 : i32
    %mul3A_4 = arith.muli %add3A, %mul3A_3 : i32
    "tpu.region"() ({
      %run_scoped3A = tpu.sem_alloc : memref<!tpu.dma_semaphore, #tpu.memory_space<semaphore_mem>>
      tpu.enqueue_dma source(%arg5 : memref<128x128xf32, #tpu.memory_space<hbm>>) target(%arg9 : memref<128x128xf32, #tpu.memory_space<vmem>>) target_semaphore(%run_scoped3A : memref<!tpu.dma_semaphore, #tpu.memory_space<semaphore_mem>>)
      tpu.wait_dma2 semaphore(%run_scoped3A : memref<!tpu.dma_semaphore, #tpu.memory_space<semaphore_mem>>) src(%arg5 : memref<128x128xf32, #tpu.memory_space<hbm>>) dst(%arg9 : memref<128x128xf32, #tpu.memory_space<vmem>>)
      tpu.yield
    }) : () -> ()
    %add3A_5 = arith.constant 0 : i32
    %add3A_6 = arith.addi %mul3A_0, %add3A_5 : i32
    "tpu.region"() ({
      %run_scoped3A = tpu.sem_alloc : memref<!tpu.dma_semaphore, #tpu.memory_space<semaphore_mem>>
      %dma_start3A = arith.constant 0 : i32
      %dma_start3A_40 = tpu.memref_slice %arg11[%add3A_6, %dma_start3A] : memref<10240x128xf32, #tpu.memory_space<vmem_shared>> -> memref<128x128xf32, #tpu.memory_space<vmem_shared>>
      %dma_start3A_41 = arith.constant 0 : i32
      %dma_start3A_42 = tpu.memref_slice %arg11[%add3A_6, %dma_start3A_41] : memref<10240x128xf32, #tpu.memory_space<vmem_shared>> -> memref<128x128xf32, #tpu.memory_space<vmem_shared>>
      tpu.enqueue_dma source(%arg9 : memref<128x128xf32, #tpu.memory_space<vmem>>) target(%dma_start3A_42 : memref<128x128xf32, #tpu.memory_space<vmem_shared>>) target_semaphore(%run_scoped3A : memref<!tpu.dma_semaphore, #tpu.memory_space<semaphore_mem>>)
      %dma_wait3A = arith.constant 0 : i32
      %dma_wait3A_43 = tpu.memref_slice %arg11[%add3A_6, %dma_wait3A] : memref<10240x128xf32, #tpu.memory_space<vmem_shared>> -> memref<128x128xf32, #tpu.memory_space<vmem_shared>>
      %dma_wait3A_44 = arith.constant 0 : i32
      %dma_wait3A_45 = tpu.memref_slice %arg11[%add3A_6, %dma_wait3A_44] : memref<10240x128xf32, #tpu.memory_space<vmem_shared>> -> memref<128x128xf32, #tpu.memory_space<vmem_shared>>
      tpu.wait_dma2 semaphore(%run_scoped3A : memref<!tpu.dma_semaphore, #tpu.memory_space<semaphore_mem>>) src(%arg9 : memref<128x128xf32, #tpu.memory_space<vmem>>) dst(%dma_wait3A_45 : memref<128x128xf32, #tpu.memory_space<vmem_shared>>)
      tpu.yield
    }) : () -> ()
    %add3A_7 = arith.constant 128 : i32
    %add3A_8 = arith.addi %mul3A_0, %add3A_7 : i32
    "tpu.region"() ({
      %run_scoped3A = tpu.sem_alloc : memref<!tpu.dma_semaphore, #tpu.memory_space<semaphore_mem>>
      %dma_start3A = arith.constant 0 : i32
      %dma_start3A_40 = tpu.memref_slice %arg11[%add3A_8, %dma_start3A] : memref<10240x128xf32, #tpu.memory_space<vmem_shared>> -> memref<128x128xf32, #tpu.memory_space<vmem_shared>>
      %dma_start3A_41 = arith.constant 0 : i32
      %dma_start3A_42 = tpu.memref_slice %arg11[%add3A_8, %dma_start3A_41] : memref<10240x128xf32, #tpu.memory_space<vmem_shared>> -> memref<128x128xf32, #tpu.memory_space<vmem_shared>>
      tpu.enqueue_dma source(%arg9 : memref<128x128xf32, #tpu.memory_space<vmem>>) target(%dma_start3A_42 : memref<128x128xf32, #tpu.memory_space<vmem_shared>>) target_semaphore(%run_scoped3A : memref<!tpu.dma_semaphore, #tpu.memory_space<semaphore_mem>>)
      %dma_wait3A = arith.constant 0 : i32
      %dma_wait3A_43 = tpu.memref_slice %arg11[%add3A_8, %dma_wait3A] : memref<10240x128xf32, #tpu.memory_space<vmem_shared>> -> memref<128x128xf32, #tpu.memory_space<vmem_shared>>
      %dma_wait3A_44 = arith.constant 0 : i32
      %dma_wait3A_45 = tpu.memref_slice %arg11[%add3A_8, %dma_wait3A_44] : memref<10240x128xf32, #tpu.memory_space<vmem_shared>> -> memref<128x128xf32, #tpu.memory_space<vmem_shared>>
      tpu.wait_dma2 semaphore(%run_scoped3A : memref<!tpu.dma_semaphore, #tpu.memory_space<semaphore_mem>>) src(%arg9 : memref<128x128xf32, #tpu.memory_space<vmem>>) dst(%dma_wait3A_45 : memref<128x128xf32, #tpu.memory_space<vmem_shared>>)
      tpu.yield
    }) : () -> ()
    %add3A_9 = arith.constant 256 : i32
    %add3A_10 = arith.addi %mul3A_0, %add3A_9 : i32
    "tpu.region"() ({
      %run_scoped3A = tpu.sem_alloc : memref<!tpu.dma_semaphore, #tpu.memory_space<semaphore_mem>>
      %dma_start3A = arith.constant 0 : i32
      %dma_start3A_40 = tpu.memref_slice %arg11[%add3A_10, %dma_start3A] : memref<10240x128xf32, #tpu.memory_space<vmem_shared>> -> memref<128x128xf32, #tpu.memory_space<vmem_shared>>
      %dma_start3A_41 = arith.constant 0 : i32
      %dma_start3A_42 = tpu.memref_slice %arg11[%add3A_10, %dma_start3A_41] : memref<10240x128xf32, #tpu.memory_space<vmem_shared>> -> memref<128x128xf32, #tpu.memory_space<vmem_shared>>
      tpu.enqueue_dma source(%arg9 : memref<128x128xf32, #tpu.memory_space<vmem>>) target(%dma_start3A_42 : memref<128x128xf32, #tpu.memory_space<vmem_shared>>) target_semaphore(%run_scoped3A : memref<!tpu.dma_semaphore, #tpu.memory_space<semaphore_mem>>)
      %dma_wait3A = arith.constant 0 : i32
      %dma_wait3A_43 = tpu.memref_slice %arg11[%add3A_10, %dma_wait3A] : memref<10240x128xf32, #tpu.memory_space<vmem_shared>> -> memref<128x128xf32, #tpu.memory_space<vmem_shared>>
      %dma_wait3A_44 = arith.constant 0 : i32
      %dma_wait3A_45 = tpu.memref_slice %arg11[%add3A_10, %dma_wait3A_44] : memref<10240x128xf32, #tpu.memory_space<vmem_shared>> -> memref<128x128xf32, #tpu.memory_space<vmem_shared>>
      tpu.wait_dma2 semaphore(%run_scoped3A : memref<!tpu.dma_semaphore, #tpu.memory_space<semaphore_mem>>) src(%arg9 : memref<128x128xf32, #tpu.memory_space<vmem>>) dst(%dma_wait3A_45 : memref<128x128xf32, #tpu.memory_space<vmem_shared>>)
      tpu.yield
    }) : () -> ()
    %add3A_11 = arith.constant 384 : i32
    %add3A_12 = arith.addi %mul3A_0, %add3A_11 : i32
    "tpu.region"() ({
      %run_scoped3A = tpu.sem_alloc : memref<!tpu.dma_semaphore, #tpu.memory_space<semaphore_mem>>
      %dma_start3A = arith.constant 0 : i32
      %dma_start3A_40 = tpu.memref_slice %arg11[%add3A_12, %dma_start3A] : memref<10240x128xf32, #tpu.memory_space<vmem_shared>> -> memref<128x128xf32, #tpu.memory_space<vmem_shared>>
      %dma_start3A_41 = arith.constant 0 : i32
      %dma_start3A_42 = tpu.memref_slice %arg11[%add3A_12, %dma_start3A_41] : memref<10240x128xf32, #tpu.memory_space<vmem_shared>> -> memref<128x128xf32, #tpu.memory_space<vmem_shared>>
      tpu.enqueue_dma source(%arg9 : memref<128x128xf32, #tpu.memory_space<vmem>>) target(%dma_start3A_42 : memref<128x128xf32, #tpu.memory_space<vmem_shared>>) target_semaphore(%run_scoped3A : memref<!tpu.dma_semaphore, #tpu.memory_space<semaphore_mem>>)
      %dma_wait3A = arith.constant 0 : i32
      %dma_wait3A_43 = tpu.memref_slice %arg11[%add3A_12, %dma_wait3A] : memref<10240x128xf32, #tpu.memory_space<vmem_shared>> -> memref<128x128xf32, #tpu.memory_space<vmem_shared>>
      %dma_wait3A_44 = arith.constant 0 : i32
      %dma_wait3A_45 = tpu.memref_slice %arg11[%add3A_12, %dma_wait3A_44] : memref<10240x128xf32, #tpu.memory_space<vmem_shared>> -> memref<128x128xf32, #tpu.memory_space<vmem_shared>>
      tpu.wait_dma2 semaphore(%run_scoped3A : memref<!tpu.dma_semaphore, #tpu.memory_space<semaphore_mem>>) src(%arg9 : memref<128x128xf32, #tpu.memory_space<vmem>>) dst(%dma_wait3A_45 : memref<128x128xf32, #tpu.memory_space<vmem_shared>>)
      tpu.yield
    }) : () -> ()
    %add3A_13 = arith.constant 512 : i32
    %add3A_14 = arith.addi %mul3A_0, %add3A_13 : i32
    "tpu.region"() ({
      %run_scoped3A = tpu.sem_alloc : memref<!tpu.dma_semaphore, #tpu.memory_space<semaphore_mem>>
      %dma_start3A = arith.constant 0 : i32
      %dma_start3A_40 = tpu.memref_slice %arg11[%add3A_14, %dma_start3A] : memref<10240x128xf32, #tpu.memory_space<vmem_shared>> -> memref<128x128xf32, #tpu.memory_space<vmem_shared>>
      %dma_start3A_41 = arith.constant 0 : i32
      %dma_start3A_42 = tpu.memref_slice %arg11[%add3A_14, %dma_start3A_41] : memref<10240x128xf32, #tpu.memory_space<vmem_shared>> -> memref<128x128xf32, #tpu.memory_space<vmem_shared>>
      tpu.enqueue_dma source(%arg9 : memref<128x128xf32, #tpu.memory_space<vmem>>) target(%dma_start3A_42 : memref<128x128xf32, #tpu.memory_space<vmem_shared>>) target_semaphore(%run_scoped3A : memref<!tpu.dma_semaphore, #tpu.memory_space<semaphore_mem>>)
      %dma_wait3A = arith.constant 0 : i32
      %dma_wait3A_43 = tpu.memref_slice %arg11[%add3A_14, %dma_wait3A] : memref<10240x128xf32, #tpu.memory_space<vmem_shared>> -> memref<128x128xf32, #tpu.memory_space<vmem_shared>>
      %dma_wait3A_44 = arith.constant 0 : i32
      %dma_wait3A_45 = tpu.memref_slice %arg11[%add3A_14, %dma_wait3A_44] : memref<10240x128xf32, #tpu.memory_space<vmem_shared>> -> memref<128x128xf32, #tpu.memory_space<vmem_shared>>
      tpu.wait_dma2 semaphore(%run_scoped3A : memref<!tpu.dma_semaphore, #tpu.memory_space<semaphore_mem>>) src(%arg9 : memref<128x128xf32, #tpu.memory_space<vmem>>) dst(%dma_wait3A_45 : memref<128x128xf32, #tpu.memory_space<vmem_shared>>)
      tpu.yield
    }) : () -> ()
    %barrier3A = arith.constant 0 : index
    tpu.barrier barrier_id(%barrier3A)
    %scan3A = arith.constant 0 : i32
    %scan3A_15 = arith.constant 5 : i32
    %scan3A_16 = arith.addi %scan3A, %scan3A_15 : i32
    %scan3A_17 = arith.constant 1 : i32
    scf.for %scan3A_40 = %scan3A to %scan3A_16 step %scan3A_17  : i32 {
      %mul3A_41 = arith.constant 1 : i32
      %mul3A_42 = arith.muli %scan3A_40, %mul3A_41 : i32
      %add3A_43 = arith.constant 0 : i32
      %add3A_44 = arith.addi %add3A_43, %mul3A_42 : i32
      %mul3A_45 = arith.constant 16 : i32
      %mul3A_46 = arith.muli %add3A_44, %mul3A_45 : i32
      %add3A_47 = arith.addi %mul3A_4, %mul3A_46 : i32
      "tpu.region"() ({
        %run_scoped3A = tpu.sem_alloc : memref<!tpu.dma_semaphore, #tpu.memory_space<semaphore_mem>>
        %dma_start3A_497 = arith.constant 0 : i32
        %dma_start3A_498 = tpu.memref_slice %arg3[%add3A_47, %dma_start3A_497] : memref<2560x128xi32, #tpu.memory_space<hbm>> -> memref<16x128xi32, #tpu.memory_space<hbm>>
        %dma_start3A_499 = arith.constant 0 : i32
        %dma_start3A_500 = tpu.memref_slice %arg3[%add3A_47, %dma_start3A_499] : memref<2560x128xi32, #tpu.memory_space<hbm>> -> memref<16x128xi32, #tpu.memory_space<hbm>>
        tpu.enqueue_dma source(%dma_start3A_500 : memref<16x128xi32, #tpu.memory_space<hbm>>) target(%arg7 : memref<16x128xi32, #tpu.memory_space<vmem>>) target_semaphore(%run_scoped3A : memref<!tpu.dma_semaphore, #tpu.memory_space<semaphore_mem>>)
        %dma_wait3A_501 = arith.constant 0 : i32
        %dma_wait3A_502 = tpu.memref_slice %arg3[%add3A_47, %dma_wait3A_501] : memref<2560x128xi32, #tpu.memory_space<hbm>> -> memref<16x128xi32, #tpu.memory_space<hbm>>
        %dma_wait3A_503 = arith.constant 0 : i32
        %dma_wait3A_504 = tpu.memref_slice %arg3[%add3A_47, %dma_wait3A_503] : memref<2560x128xi32, #tpu.memory_space<hbm>> -> memref<16x128xi32, #tpu.memory_space<hbm>>
        tpu.wait_dma2 semaphore(%run_scoped3A : memref<!tpu.dma_semaphore, #tpu.memory_space<semaphore_mem>>) src(%dma_wait3A_504 : memref<16x128xi32, #tpu.memory_space<hbm>>) dst(%arg7 : memref<16x128xi32, #tpu.memory_space<vmem>>)
        tpu.yield
      }) : () -> ()
      %mul3A_48 = arith.constant 16 : i32
      %mul3A_49 = arith.muli %add3A_44, %mul3A_48 : i32
      %add3A_50 = arith.addi %mul3A_4, %mul3A_49 : i32
      "tpu.region"() ({
        %run_scoped3A = tpu.sem_alloc : memref<!tpu.dma_semaphore, #tpu.memory_space<semaphore_mem>>
        %dma_start3A_497 = arith.constant 0 : i32
        %dma_start3A_498 = tpu.memref_slice %arg4[%add3A_50, %dma_start3A_497] : memref<2560x128xi32, #tpu.memory_space<hbm>> -> memref<16x128xi32, #tpu.memory_space<hbm>>
        %dma_start3A_499 = arith.constant 0 : i32
        %dma_start3A_500 = tpu.memref_slice %arg4[%add3A_50, %dma_start3A_499] : memref<2560x128xi32, #tpu.memory_space<hbm>> -> memref<16x128xi32, #tpu.memory_space<hbm>>
        tpu.enqueue_dma source(%dma_start3A_500 : memref<16x128xi32, #tpu.memory_space<hbm>>) target(%arg8 : memref<16x128xi32, #tpu.memory_space<vmem>>) target_semaphore(%run_scoped3A : memref<!tpu.dma_semaphore, #tpu.memory_space<semaphore_mem>>)
        %dma_wait3A_501 = arith.constant 0 : i32
        %dma_wait3A_502 = tpu.memref_slice %arg4[%add3A_50, %dma_wait3A_501] : memref<2560x128xi32, #tpu.memory_space<hbm>> -> memref<16x128xi32, #tpu.memory_space<hbm>>
        %dma_wait3A_503 = arith.constant 0 : i32
        %dma_wait3A_504 = tpu.memref_slice %arg4[%add3A_50, %dma_wait3A_503] : memref<2560x128xi32, #tpu.memory_space<hbm>> -> memref<16x128xi32, #tpu.memory_space<hbm>>
        tpu.wait_dma2 semaphore(%run_scoped3A : memref<!tpu.dma_semaphore, #tpu.memory_space<semaphore_mem>>) src(%dma_wait3A_504 : memref<16x128xi32, #tpu.memory_space<hbm>>) dst(%arg8 : memref<16x128xi32, #tpu.memory_space<vmem>>)
        tpu.yield
      }) : () -> ()
      %dma_start3A = arith.constant 0 : i32
      %dma_start3A_51 = arith.constant 0 : i32
      %dma_start3A_52 = tpu.memref_slice %arg7[%dma_start3A, %dma_start3A_51] : memref<16x128xi32, #tpu.memory_space<vmem>> -> memref<1x128xi32, #tpu.memory_space<vmem>>
      %dma_start3A_53 = tpu.memref_squeeze %dma_start3A_52 : memref<1x128xi32, #tpu.memory_space<vmem>> -> memref<128xi32, #tpu.memory_space<vmem>>
      %dma_start3A_54 = arith.constant 0 : i32
      %dma_start3A_55 = arith.constant 0 : i32
      %dma_start3A_56 = tpu.memref_slice %arg2[%dma_start3A_54, %dma_start3A_55] : memref<10000x128xf32, #tpu.memory_space<hbm>> -> memref<10000x128xf32, #tpu.memory_space<hbm>>
      tpu.enqueue_indirect_dma source(%dma_start3A_56 : memref<10000x128xf32, #tpu.memory_space<hbm>>) target(%arg9 : memref<128x128xf32, #tpu.memory_space<vmem>>) offsets(%dma_start3A_53 : memref<128xi32, #tpu.memory_space<vmem>>) semaphore(%arg12 : memref<!tpu.dma_semaphore, #tpu.memory_space<semaphore_mem>>)
      %dma_start3A_57 = arith.constant 1 : i32
      %dma_start3A_58 = arith.constant 0 : i32
      %dma_start3A_59 = tpu.memref_slice %arg7[%dma_start3A_57, %dma_start3A_58] : memref<16x128xi32, #tpu.memory_space<vmem>> -> memref<1x128xi32, #tpu.memory_space<vmem>>
      %dma_start3A_60 = tpu.memref_squeeze %dma_start3A_59 : memref<1x128xi32, #tpu.memory_space<vmem>> -> memref<128xi32, #tpu.memory_space<vmem>>
      %dma_start3A_61 = arith.constant 0 : i32
      %dma_start3A_62 = arith.constant 0 : i32
      %dma_start3A_63 = tpu.memref_slice %arg2[%dma_start3A_61, %dma_start3A_62] : memref<10000x128xf32, #tpu.memory_space<hbm>> -> memref<10000x128xf32, #tpu.memory_space<hbm>>
      tpu.enqueue_indirect_dma source(%dma_start3A_63 : memref<10000x128xf32, #tpu.memory_space<hbm>>) target(%arg10 : memref<128x128xf32, #tpu.memory_space<vmem>>) offsets(%dma_start3A_60 : memref<128xi32, #tpu.memory_space<vmem>>) semaphore(%arg13 : memref<!tpu.dma_semaphore, #tpu.memory_space<semaphore_mem>>)
      %dma_wait3A = arith.constant 0 : i32
      %dma_wait3A_64 = arith.constant 0 : i32
      %dma_wait3A_65 = tpu.memref_slice %arg7[%dma_wait3A, %dma_wait3A_64] : memref<16x128xi32, #tpu.memory_space<vmem>> -> memref<1x128xi32, #tpu.memory_space<vmem>>
      %dma_wait3A_66 = tpu.memref_squeeze %dma_wait3A_65 : memref<1x128xi32, #tpu.memory_space<vmem>> -> memref<128xi32, #tpu.memory_space<vmem>>
      %dma_wait3A_67 = arith.constant 0 : i32
      %dma_wait3A_68 = arith.constant 0 : i32
      %dma_wait3A_69 = tpu.memref_slice %arg2[%dma_wait3A_67, %dma_wait3A_68] : memref<10000x128xf32, #tpu.memory_space<hbm>> -> memref<10000x128xf32, #tpu.memory_space<hbm>>
      tpu.wait_indirect_dma semaphore(%arg12 : memref<!tpu.dma_semaphore, #tpu.memory_space<semaphore_mem>>) src(%dma_wait3A_69 : memref<10000x128xf32, #tpu.memory_space<hbm>>) dst(%arg9 : memref<128x128xf32, #tpu.memory_space<vmem>>)
      %dma_start3A_70 = arith.constant 0 : i32
      %dma_start3A_71 = arith.constant 0 : i32
      %dma_start3A_72 = tpu.memref_slice %arg8[%dma_start3A_70, %dma_start3A_71] : memref<16x128xi32, #tpu.memory_space<vmem>> -> memref<1x128xi32, #tpu.memory_space<vmem>>
      %dma_start3A_73 = tpu.memref_squeeze %dma_start3A_72 : memref<1x128xi32, #tpu.memory_space<vmem>> -> memref<128xi32, #tpu.memory_space<vmem>>
      %dma_start3A_74 = arith.constant 0 : i32
      %dma_start3A_75 = arith.constant 0 : i32
      %dma_start3A_76 = tpu.memref_slice %arg11[%dma_start3A_74, %dma_start3A_75] : memref<10240x128xf32, #tpu.memory_space<vmem_shared>> -> memref<10240x128xf32, #tpu.memory_space<vmem_shared>>
      tpu.enqueue_indirect_dma source(%arg9 : memref<128x128xf32, #tpu.memory_space<vmem>>) target(%dma_start3A_76 : memref<10240x128xf32, #tpu.memory_space<vmem_shared>>) offsets(%dma_start3A_73 : memref<128xi32, #tpu.memory_space<vmem>>) semaphore(%arg14 : memref<!tpu.dma_semaphore, #tpu.memory_space<semaphore_mem>>) {add = true}
      %dma_wait3A_77 = arith.constant 0 : i32
      %dma_wait3A_78 = arith.constant 0 : i32
      %dma_wait3A_79 = tpu.memref_slice %arg8[%dma_wait3A_77, %dma_wait3A_78] : memref<16x128xi32, #tpu.memory_space<vmem>> -> memref<1x128xi32, #tpu.memory_space<vmem>>
      %dma_wait3A_80 = tpu.memref_squeeze %dma_wait3A_79 : memref<1x128xi32, #tpu.memory_space<vmem>> -> memref<128xi32, #tpu.memory_space<vmem>>
      %dma_wait3A_81 = arith.constant 0 : i32
      %dma_wait3A_82 = arith.constant 0 : i32
      %dma_wait3A_83 = tpu.memref_slice %arg11[%dma_wait3A_81, %dma_wait3A_82] : memref<10240x128xf32, #tpu.memory_space<vmem_shared>> -> memref<10240x128xf32, #tpu.memory_space<vmem_shared>>
      tpu.wait_indirect_dma semaphore(%arg14 : memref<!tpu.dma_semaphore, #tpu.memory_space<semaphore_mem>>) src(%arg9 : memref<128x128xf32, #tpu.memory_space<vmem>>) dst(%dma_wait3A_83 : memref<10240x128xf32, #tpu.memory_space<vmem_shared>>)
      %dma_start3A_84 = arith.constant 2 : i32
      %dma_start3A_85 = arith.constant 0 : i32
      %dma_start3A_86 = tpu.memref_slice %arg7[%dma_start3A_84, %dma_start3A_85] : memref<16x128xi32, #tpu.memory_space<vmem>> -> memref<1x128xi32, #tpu.memory_space<vmem>>
      %dma_start3A_87 = tpu.memref_squeeze %dma_start3A_86 : memref<1x128xi32, #tpu.memory_space<vmem>> -> memref<128xi32, #tpu.memory_space<vmem>>
      %dma_start3A_88 = arith.constant 0 : i32
      %dma_start3A_89 = arith.constant 0 : i32
      %dma_start3A_90 = tpu.memref_slice %arg2[%dma_start3A_88, %dma_start3A_89] : memref<10000x128xf32, #tpu.memory_space<hbm>> -> memref<10000x128xf32, #tpu.memory_space<hbm>>
      tpu.enqueue_indirect_dma source(%dma_start3A_90 : memref<10000x128xf32, #tpu.memory_space<hbm>>) target(%arg9 : memref<128x128xf32, #tpu.memory_space<vmem>>) offsets(%dma_start3A_87 : memref<128xi32, #tpu.memory_space<vmem>>) semaphore(%arg12 : memref<!tpu.dma_semaphore, #tpu.memory_space<semaphore_mem>>)
      %dma_wait3A_91 = arith.constant 1 : i32
      %dma_wait3A_92 = arith.constant 0 : i32
      %dma_wait3A_93 = tpu.memref_slice %arg7[%dma_wait3A_91, %dma_wait3A_92] : memref<16x128xi32, #tpu.memory_space<vmem>> -> memref<1x128xi32, #tpu.memory_space<vmem>>
      %dma_wait3A_94 = tpu.memref_squeeze %dma_wait3A_93 : memref<1x128xi32, #tpu.memory_space<vmem>> -> memref<128xi32, #tpu.memory_space<vmem>>
      %dma_wait3A_95 = arith.constant 0 : i32
      %dma_wait3A_96 = arith.constant 0 : i32
      %dma_wait3A_97 = tpu.memref_slice %arg2[%dma_wait3A_95, %dma_wait3A_96] : memref<10000x128xf32, #tpu.memory_space<hbm>> -> memref<10000x128xf32, #tpu.memory_space<hbm>>
      tpu.wait_indirect_dma semaphore(%arg13 : memref<!tpu.dma_semaphore, #tpu.memory_space<semaphore_mem>>) src(%dma_wait3A_97 : memref<10000x128xf32, #tpu.memory_space<hbm>>) dst(%arg10 : memref<128x128xf32, #tpu.memory_space<vmem>>)
      %dma_start3A_98 = arith.constant 1 : i32
      %dma_start3A_99 = arith.constant 0 : i32
      %dma_start3A_100 = tpu.memref_slice %arg8[%dma_start3A_98, %dma_start3A_99] : memref<16x128xi32, #tpu.memory_space<vmem>> -> memref<1x128xi32, #tpu.memory_space<vmem>>
      %dma_start3A_101 = tpu.memref_squeeze %dma_start3A_100 : memref<1x128xi32, #tpu.memory_space<vmem>> -> memref<128xi32, #tpu.memory_space<vmem>>
      %dma_start3A_102 = arith.constant 0 : i32
      %dma_start3A_103 = arith.constant 0 : i32
      %dma_start3A_104 = tpu.memref_slice %arg11[%dma_start3A_102, %dma_start3A_103] : memref<10240x128xf32, #tpu.memory_space<vmem_shared>> -> memref<10240x128xf32, #tpu.memory_space<vmem_shared>>
      tpu.enqueue_indirect_dma source(%arg10 : memref<128x128xf32, #tpu.memory_space<vmem>>) target(%dma_start3A_104 : memref<10240x128xf32, #tpu.memory_space<vmem_shared>>) offsets(%dma_start3A_101 : memref<128xi32, #tpu.memory_space<vmem>>) semaphore(%arg15 : memref<!tpu.dma_semaphore, #tpu.memory_space<semaphore_mem>>) {add = true}
      %dma_wait3A_105 = arith.constant 1 : i32
      %dma_wait3A_106 = arith.constant 0 : i32
      %dma_wait3A_107 = tpu.memref_slice %arg8[%dma_wait3A_105, %dma_wait3A_106] : memref<16x128xi32, #tpu.memory_space<vmem>> -> memref<1x128xi32, #tpu.memory_space<vmem>>
      %dma_wait3A_108 = tpu.memref_squeeze %dma_wait3A_107 : memref<1x128xi32, #tpu.memory_space<vmem>> -> memref<128xi32, #tpu.memory_space<vmem>>
      %dma_wait3A_109 = arith.constant 0 : i32
      %dma_wait3A_110 = arith.constant 0 : i32
      %dma_wait3A_111 = tpu.memref_slice %arg11[%dma_wait3A_109, %dma_wait3A_110] : memref<10240x128xf32, #tpu.memory_space<vmem_shared>> -> memref<10240x128xf32, #tpu.memory_space<vmem_shared>>
      tpu.wait_indirect_dma semaphore(%arg15 : memref<!tpu.dma_semaphore, #tpu.memory_space<semaphore_mem>>) src(%arg10 : memref<128x128xf32, #tpu.memory_space<vmem>>) dst(%dma_wait3A_111 : memref<10240x128xf32, #tpu.memory_space<vmem_shared>>)
      %dma_start3A_112 = arith.constant 3 : i32
      %dma_start3A_113 = arith.constant 0 : i32
      %dma_start3A_114 = tpu.memref_slice %arg7[%dma_start3A_112, %dma_start3A_113] : memref<16x128xi32, #tpu.memory_space<vmem>> -> memref<1x128xi32, #tpu.memory_space<vmem>>
      %dma_start3A_115 = tpu.memref_squeeze %dma_start3A_114 : memref<1x128xi32, #tpu.memory_space<vmem>> -> memref<128xi32, #tpu.memory_space<vmem>>
      %dma_start3A_116 = arith.constant 0 : i32
      %dma_start3A_117 = arith.constant 0 : i32
      %dma_start3A_118 = tpu.memref_slice %arg2[%dma_start3A_116, %dma_start3A_117] : memref<10000x128xf32, #tpu.memory_space<hbm>> -> memref<10000x128xf32, #tpu.memory_space<hbm>>
      tpu.enqueue_indirect_dma source(%dma_start3A_118 : memref<10000x128xf32, #tpu.memory_space<hbm>>) target(%arg10 : memref<128x128xf32, #tpu.memory_space<vmem>>) offsets(%dma_start3A_115 : memref<128xi32, #tpu.memory_space<vmem>>) semaphore(%arg13 : memref<!tpu.dma_semaphore, #tpu.memory_space<semaphore_mem>>)
      %dma_wait3A_119 = arith.constant 2 : i32
      %dma_wait3A_120 = arith.constant 0 : i32
      %dma_wait3A_121 = tpu.memref_slice %arg7[%dma_wait3A_119, %dma_wait3A_120] : memref<16x128xi32, #tpu.memory_space<vmem>> -> memref<1x128xi32, #tpu.memory_space<vmem>>
      %dma_wait3A_122 = tpu.memref_squeeze %dma_wait3A_121 : memref<1x128xi32, #tpu.memory_space<vmem>> -> memref<128xi32, #tpu.memory_space<vmem>>
      %dma_wait3A_123 = arith.constant 0 : i32
      %dma_wait3A_124 = arith.constant 0 : i32
      %dma_wait3A_125 = tpu.memref_slice %arg2[%dma_wait3A_123, %dma_wait3A_124] : memref<10000x128xf32, #tpu.memory_space<hbm>> -> memref<10000x128xf32, #tpu.memory_space<hbm>>
      tpu.wait_indirect_dma semaphore(%arg12 : memref<!tpu.dma_semaphore, #tpu.memory_space<semaphore_mem>>) src(%dma_wait3A_125 : memref<10000x128xf32, #tpu.memory_space<hbm>>) dst(%arg9 : memref<128x128xf32, #tpu.memory_space<vmem>>)
      %dma_start3A_126 = arith.constant 2 : i32
      %dma_start3A_127 = arith.constant 0 : i32
      %dma_start3A_128 = tpu.memref_slice %arg8[%dma_start3A_126, %dma_start3A_127] : memref<16x128xi32, #tpu.memory_space<vmem>> -> memref<1x128xi32, #tpu.memory_space<vmem>>
      %dma_start3A_129 = tpu.memref_squeeze %dma_start3A_128 : memref<1x128xi32, #tpu.memory_space<vmem>> -> memref<128xi32, #tpu.memory_space<vmem>>
      %dma_start3A_130 = arith.constant 0 : i32
      %dma_start3A_131 = arith.constant 0 : i32
      %dma_start3A_132 = tpu.memref_slice %arg11[%dma_start3A_130, %dma_start3A_131] : memref<10240x128xf32, #tpu.memory_space<vmem_shared>> -> memref<10240x128xf32, #tpu.memory_space<vmem_shared>>
      tpu.enqueue_indirect_dma source(%arg9 : memref<128x128xf32, #tpu.memory_space<vmem>>) target(%dma_start3A_132 : memref<10240x128xf32, #tpu.memory_space<vmem_shared>>) offsets(%dma_start3A_129 : memref<128xi32, #tpu.memory_space<vmem>>) semaphore(%arg14 : memref<!tpu.dma_semaphore, #tpu.memory_space<semaphore_mem>>) {add = true}
      %dma_wait3A_133 = arith.constant 2 : i32
      %dma_wait3A_134 = arith.constant 0 : i32
      %dma_wait3A_135 = tpu.memref_slice %arg8[%dma_wait3A_133, %dma_wait3A_134] : memref<16x128xi32, #tpu.memory_space<vmem>> -> memref<1x128xi32, #tpu.memory_space<vmem>>
      %dma_wait3A_136 = tpu.memref_squeeze %dma_wait3A_135 : memref<1x128xi32, #tpu.memory_space<vmem>> -> memref<128xi32, #tpu.memory_space<vmem>>
      %dma_wait3A_137 = arith.constant 0 : i32
      %dma_wait3A_138 = arith.constant 0 : i32
      %dma_wait3A_139 = tpu.memref_slice %arg11[%dma_wait3A_137, %dma_wait3A_138] : memref<10240x128xf32, #tpu.memory_space<vmem_shared>> -> memref<10240x128xf32, #tpu.memory_space<vmem_shared>>
      tpu.wait_indirect_dma semaphore(%arg14 : memref<!tpu.dma_semaphore, #tpu.memory_space<semaphore_mem>>) src(%arg9 : memref<128x128xf32, #tpu.memory_space<vmem>>) dst(%dma_wait3A_139 : memref<10240x128xf32, #tpu.memory_space<vmem_shared>>)
      %dma_start3A_140 = arith.constant 4 : i32
      %dma_start3A_141 = arith.constant 0 : i32
      %dma_start3A_142 = tpu.memref_slice %arg7[%dma_start3A_140, %dma_start3A_141] : memref<16x128xi32, #tpu.memory_space<vmem>> -> memref<1x128xi32, #tpu.memory_space<vmem>>
      %dma_start3A_143 = tpu.memref_squeeze %dma_start3A_142 : memref<1x128xi32, #tpu.memory_space<vmem>> -> memref<128xi32, #tpu.memory_space<vmem>>
      %dma_start3A_144 = arith.constant 0 : i32
      %dma_start3A_145 = arith.constant 0 : i32
      %dma_start3A_146 = tpu.memref_slice %arg2[%dma_start3A_144, %dma_start3A_145] : memref<10000x128xf32, #tpu.memory_space<hbm>> -> memref<10000x128xf32, #tpu.memory_space<hbm>>
      tpu.enqueue_indirect_dma source(%dma_start3A_146 : memref<10000x128xf32, #tpu.memory_space<hbm>>) target(%arg9 : memref<128x128xf32, #tpu.memory_space<vmem>>) offsets(%dma_start3A_143 : memref<128xi32, #tpu.memory_space<vmem>>) semaphore(%arg12 : memref<!tpu.dma_semaphore, #tpu.memory_space<semaphore_mem>>)
      %dma_wait3A_147 = arith.constant 3 : i32
      %dma_wait3A_148 = arith.constant 0 : i32
      %dma_wait3A_149 = tpu.memref_slice %arg7[%dma_wait3A_147, %dma_wait3A_148] : memref<16x128xi32, #tpu.memory_space<vmem>> -> memref<1x128xi32, #tpu.memory_space<vmem>>
      %dma_wait3A_150 = tpu.memref_squeeze %dma_wait3A_149 : memref<1x128xi32, #tpu.memory_space<vmem>> -> memref<128xi32, #tpu.memory_space<vmem>>
      %dma_wait3A_151 = arith.constant 0 : i32
      %dma_wait3A_152 = arith.constant 0 : i32
      %dma_wait3A_153 = tpu.memref_slice %arg2[%dma_wait3A_151, %dma_wait3A_152] : memref<10000x128xf32, #tpu.memory_space<hbm>> -> memref<10000x128xf32, #tpu.memory_space<hbm>>
      tpu.wait_indirect_dma semaphore(%arg13 : memref<!tpu.dma_semaphore, #tpu.memory_space<semaphore_mem>>) src(%dma_wait3A_153 : memref<10000x128xf32, #tpu.memory_space<hbm>>) dst(%arg10 : memref<128x128xf32, #tpu.memory_space<vmem>>)
      %dma_start3A_154 = arith.constant 3 : i32
      %dma_start3A_155 = arith.constant 0 : i32
      %dma_start3A_156 = tpu.memref_slice %arg8[%dma_start3A_154, %dma_start3A_155] : memref<16x128xi32, #tpu.memory_space<vmem>> -> memref<1x128xi32, #tpu.memory_space<vmem>>
      %dma_start3A_157 = tpu.memref_squeeze %dma_start3A_156 : memref<1x128xi32, #tpu.memory_space<vmem>> -> memref<128xi32, #tpu.memory_space<vmem>>
      %dma_start3A_158 = arith.constant 0 : i32
      %dma_start3A_159 = arith.constant 0 : i32
      %dma_start3A_160 = tpu.memref_slice %arg11[%dma_start3A_158, %dma_start3A_159] : memref<10240x128xf32, #tpu.memory_space<vmem_shared>> -> memref<10240x128xf32, #tpu.memory_space<vmem_shared>>
      tpu.enqueue_indirect_dma source(%arg10 : memref<128x128xf32, #tpu.memory_space<vmem>>) target(%dma_start3A_160 : memref<10240x128xf32, #tpu.memory_space<vmem_shared>>) offsets(%dma_start3A_157 : memref<128xi32, #tpu.memory_space<vmem>>) semaphore(%arg15 : memref<!tpu.dma_semaphore, #tpu.memory_space<semaphore_mem>>) {add = true}
      %dma_wait3A_161 = arith.constant 3 : i32
      %dma_wait3A_162 = arith.constant 0 : i32
      %dma_wait3A_163 = tpu.memref_slice %arg8[%dma_wait3A_161, %dma_wait3A_162] : memref<16x128xi32, #tpu.memory_space<vmem>> -> memref<1x128xi32, #tpu.memory_space<vmem>>
      %dma_wait3A_164 = tpu.memref_squeeze %dma_wait3A_163 : memref<1x128xi32, #tpu.memory_space<vmem>> -> memref<128xi32, #tpu.memory_space<vmem>>
      %dma_wait3A_165 = arith.constant 0 : i32
      %dma_wait3A_166 = arith.constant 0 : i32
      %dma_wait3A_167 = tpu.memref_slice %arg11[%dma_wait3A_165, %dma_wait3A_166] : memref<10240x128xf32, #tpu.memory_space<vmem_shared>> -> memref<10240x128xf32, #tpu.memory_space<vmem_shared>>
      tpu.wait_indirect_dma semaphore(%arg15 : memref<!tpu.dma_semaphore, #tpu.memory_space<semaphore_mem>>) src(%arg10 : memref<128x128xf32, #tpu.memory_space<vmem>>) dst(%dma_wait3A_167 : memref<10240x128xf32, #tpu.memory_space<vmem_shared>>)
      %dma_start3A_168 = arith.constant 5 : i32
      %dma_start3A_169 = arith.constant 0 : i32
      %dma_start3A_170 = tpu.memref_slice %arg7[%dma_start3A_168, %dma_start3A_169] : memref<16x128xi32, #tpu.memory_space<vmem>> -> memref<1x128xi32, #tpu.memory_space<vmem>>
      %dma_start3A_171 = tpu.memref_squeeze %dma_start3A_170 : memref<1x128xi32, #tpu.memory_space<vmem>> -> memref<128xi32, #tpu.memory_space<vmem>>
      %dma_start3A_172 = arith.constant 0 : i32
      %dma_start3A_173 = arith.constant 0 : i32
      %dma_start3A_174 = tpu.memref_slice %arg2[%dma_start3A_172, %dma_start3A_173] : memref<10000x128xf32, #tpu.memory_space<hbm>> -> memref<10000x128xf32, #tpu.memory_space<hbm>>
      tpu.enqueue_indirect_dma source(%dma_start3A_174 : memref<10000x128xf32, #tpu.memory_space<hbm>>) target(%arg10 : memref<128x128xf32, #tpu.memory_space<vmem>>) offsets(%dma_start3A_171 : memref<128xi32, #tpu.memory_space<vmem>>) semaphore(%arg13 : memref<!tpu.dma_semaphore, #tpu.memory_space<semaphore_mem>>)
      %dma_wait3A_175 = arith.constant 4 : i32
      %dma_wait3A_176 = arith.constant 0 : i32
      %dma_wait3A_177 = tpu.memref_slice %arg7[%dma_wait3A_175, %dma_wait3A_176] : memref<16x128xi32, #tpu.memory_space<vmem>> -> memref<1x128xi32, #tpu.memory_space<vmem>>
      %dma_wait3A_178 = tpu.memref_squeeze %dma_wait3A_177 : memref<1x128xi32, #tpu.memory_space<vmem>> -> memref<128xi32, #tpu.memory_space<vmem>>
      %dma_wait3A_179 = arith.constant 0 : i32
      %dma_wait3A_180 = arith.constant 0 : i32
      %dma_wait3A_181 = tpu.memref_slice %arg2[%dma_wait3A_179, %dma_wait3A_180] : memref<10000x128xf32, #tpu.memory_space<hbm>> -> memref<10000x128xf32, #tpu.memory_space<hbm>>
      tpu.wait_indirect_dma semaphore(%arg12 : memref<!tpu.dma_semaphore, #tpu.memory_space<semaphore_mem>>) src(%dma_wait3A_181 : memref<10000x128xf32, #tpu.memory_space<hbm>>) dst(%arg9 : memref<128x128xf32, #tpu.memory_space<vmem>>)
      %dma_start3A_182 = arith.constant 4 : i32
      %dma_start3A_183 = arith.constant 0 : i32
      %dma_start3A_184 = tpu.memref_slice %arg8[%dma_start3A_182, %dma_start3A_183] : memref<16x128xi32, #tpu.memory_space<vmem>> -> memref<1x128xi32, #tpu.memory_space<vmem>>
      %dma_start3A_185 = tpu.memref_squeeze %dma_start3A_184 : memref<1x128xi32, #tpu.memory_space<vmem>> -> memref<128xi32, #tpu.memory_space<vmem>>
      %dma_start3A_186 = arith.constant 0 : i32
      %dma_start3A_187 = arith.constant 0 : i32
      %dma_start3A_188 = tpu.memref_slice %arg11[%dma_start3A_186, %dma_start3A_187] : memref<10240x128xf32, #tpu.memory_space<vmem_shared>> -> memref<10240x128xf32, #tpu.memory_space<vmem_shared>>
      tpu.enqueue_indirect_dma source(%arg9 : memref<128x128xf32, #tpu.memory_space<vmem>>) target(%dma_start3A_188 : memref<10240x128xf32, #tpu.memory_space<vmem_shared>>) offsets(%dma_start3A_185 : memref<128xi32, #tpu.memory_space<vmem>>) semaphore(%arg14 : memref<!tpu.dma_semaphore, #tpu.memory_space<semaphore_mem>>) {add = true}
      %dma_wait3A_189 = arith.constant 4 : i32
      %dma_wait3A_190 = arith.constant 0 : i32
      %dma_wait3A_191 = tpu.memref_slice %arg8[%dma_wait3A_189, %dma_wait3A_190] : memref<16x128xi32, #tpu.memory_space<vmem>> -> memref<1x128xi32, #tpu.memory_space<vmem>>
      %dma_wait3A_192 = tpu.memref_squeeze %dma_wait3A_191 : memref<1x128xi32, #tpu.memory_space<vmem>> -> memref<128xi32, #tpu.memory_space<vmem>>
      %dma_wait3A_193 = arith.constant 0 : i32
      %dma_wait3A_194 = arith.constant 0 : i32
      %dma_wait3A_195 = tpu.memref_slice %arg11[%dma_wait3A_193, %dma_wait3A_194] : memref<10240x128xf32, #tpu.memory_space<vmem_shared>> -> memref<10240x128xf32, #tpu.memory_space<vmem_shared>>
      tpu.wait_indirect_dma semaphore(%arg14 : memref<!tpu.dma_semaphore, #tpu.memory_space<semaphore_mem>>) src(%arg9 : memref<128x128xf32, #tpu.memory_space<vmem>>) dst(%dma_wait3A_195 : memref<10240x128xf32, #tpu.memory_space<vmem_shared>>)
      %dma_start3A_196 = arith.constant 6 : i32
      %dma_start3A_197 = arith.constant 0 : i32
      %dma_start3A_198 = tpu.memref_slice %arg7[%dma_start3A_196, %dma_start3A_197] : memref<16x128xi32, #tpu.memory_space<vmem>> -> memref<1x128xi32, #tpu.memory_space<vmem>>
      %dma_start3A_199 = tpu.memref_squeeze %dma_start3A_198 : memref<1x128xi32, #tpu.memory_space<vmem>> -> memref<128xi32, #tpu.memory_space<vmem>>
      %dma_start3A_200 = arith.constant 0 : i32
      %dma_start3A_201 = arith.constant 0 : i32
      %dma_start3A_202 = tpu.memref_slice %arg2[%dma_start3A_200, %dma_start3A_201] : memref<10000x128xf32, #tpu.memory_space<hbm>> -> memref<10000x128xf32, #tpu.memory_space<hbm>>
      tpu.enqueue_indirect_dma source(%dma_start3A_202 : memref<10000x128xf32, #tpu.memory_space<hbm>>) target(%arg9 : memref<128x128xf32, #tpu.memory_space<vmem>>) offsets(%dma_start3A_199 : memref<128xi32, #tpu.memory_space<vmem>>) semaphore(%arg12 : memref<!tpu.dma_semaphore, #tpu.memory_space<semaphore_mem>>)
      %dma_wait3A_203 = arith.constant 5 : i32
      %dma_wait3A_204 = arith.constant 0 : i32
      %dma_wait3A_205 = tpu.memref_slice %arg7[%dma_wait3A_203, %dma_wait3A_204] : memref<16x128xi32, #tpu.memory_space<vmem>> -> memref<1x128xi32, #tpu.memory_space<vmem>>
      %dma_wait3A_206 = tpu.memref_squeeze %dma_wait3A_205 : memref<1x128xi32, #tpu.memory_space<vmem>> -> memref<128xi32, #tpu.memory_space<vmem>>
      %dma_wait3A_207 = arith.constant 0 : i32
      %dma_wait3A_208 = arith.constant 0 : i32
      %dma_wait3A_209 = tpu.memref_slice %arg2[%dma_wait3A_207, %dma_wait3A_208] : memref<10000x128xf32, #tpu.memory_space<hbm>> -> memref<10000x128xf32, #tpu.memory_space<hbm>>
      tpu.wait_indirect_dma semaphore(%arg13 : memref<!tpu.dma_semaphore, #tpu.memory_space<semaphore_mem>>) src(%dma_wait3A_209 : memref<10000x128xf32, #tpu.memory_space<hbm>>) dst(%arg10 : memref<128x128xf32, #tpu.memory_space<vmem>>)
      %dma_start3A_210 = arith.constant 5 : i32
      %dma_start3A_211 = arith.constant 0 : i32
      %dma_start3A_212 = tpu.memref_slice %arg8[%dma_start3A_210, %dma_start3A_211] : memref<16x128xi32, #tpu.memory_space<vmem>> -> memref<1x128xi32, #tpu.memory_space<vmem>>
      %dma_start3A_213 = tpu.memref_squeeze %dma_start3A_212 : memref<1x128xi32, #tpu.memory_space<vmem>> -> memref<128xi32, #tpu.memory_space<vmem>>
      %dma_start3A_214 = arith.constant 0 : i32
      %dma_start3A_215 = arith.constant 0 : i32
      %dma_start3A_216 = tpu.memref_slice %arg11[%dma_start3A_214, %dma_start3A_215] : memref<10240x128xf32, #tpu.memory_space<vmem_shared>> -> memref<10240x128xf32, #tpu.memory_space<vmem_shared>>
      tpu.enqueue_indirect_dma source(%arg10 : memref<128x128xf32, #tpu.memory_space<vmem>>) target(%dma_start3A_216 : memref<10240x128xf32, #tpu.memory_space<vmem_shared>>) offsets(%dma_start3A_213 : memref<128xi32, #tpu.memory_space<vmem>>) semaphore(%arg15 : memref<!tpu.dma_semaphore, #tpu.memory_space<semaphore_mem>>) {add = true}
      %dma_wait3A_217 = arith.constant 5 : i32
      %dma_wait3A_218 = arith.constant 0 : i32
      %dma_wait3A_219 = tpu.memref_slice %arg8[%dma_wait3A_217, %dma_wait3A_218] : memref<16x128xi32, #tpu.memory_space<vmem>> -> memref<1x128xi32, #tpu.memory_space<vmem>>
      %dma_wait3A_220 = tpu.memref_squeeze %dma_wait3A_219 : memref<1x128xi32, #tpu.memory_space<vmem>> -> memref<128xi32, #tpu.memory_space<vmem>>
      %dma_wait3A_221 = arith.constant 0 : i32
      %dma_wait3A_222 = arith.constant 0 : i32
      %dma_wait3A_223 = tpu.memref_slice %arg11[%dma_wait3A_221, %dma_wait3A_222] : memref<10240x128xf32, #tpu.memory_space<vmem_shared>> -> memref<10240x128xf32, #tpu.memory_space<vmem_shared>>
      tpu.wait_indirect_dma semaphore(%arg15 : memref<!tpu.dma_semaphore, #tpu.memory_space<semaphore_mem>>) src(%arg10 : memref<128x128xf32, #tpu.memory_space<vmem>>) dst(%dma_wait3A_223 : memref<10240x128xf32, #tpu.memory_space<vmem_shared>>)
      %dma_start3A_224 = arith.constant 7 : i32
      %dma_start3A_225 = arith.constant 0 : i32
      %dma_start3A_226 = tpu.memref_slice %arg7[%dma_start3A_224, %dma_start3A_225] : memref<16x128xi32, #tpu.memory_space<vmem>> -> memref<1x128xi32, #tpu.memory_space<vmem>>
      %dma_start3A_227 = tpu.memref_squeeze %dma_start3A_226 : memref<1x128xi32, #tpu.memory_space<vmem>> -> memref<128xi32, #tpu.memory_space<vmem>>
      %dma_start3A_228 = arith.constant 0 : i32
      %dma_start3A_229 = arith.constant 0 : i32
      %dma_start3A_230 = tpu.memref_slice %arg2[%dma_start3A_228, %dma_start3A_229] : memref<10000x128xf32, #tpu.memory_space<hbm>> -> memref<10000x128xf32, #tpu.memory_space<hbm>>
      tpu.enqueue_indirect_dma source(%dma_start3A_230 : memref<10000x128xf32, #tpu.memory_space<hbm>>) target(%arg10 : memref<128x128xf32, #tpu.memory_space<vmem>>) offsets(%dma_start3A_227 : memref<128xi32, #tpu.memory_space<vmem>>) semaphore(%arg13 : memref<!tpu.dma_semaphore, #tpu.memory_space<semaphore_mem>>)
      %dma_wait3A_231 = arith.constant 6 : i32
      %dma_wait3A_232 = arith.constant 0 : i32
      %dma_wait3A_233 = tpu.memref_slice %arg7[%dma_wait3A_231, %dma_wait3A_232] : memref<16x128xi32, #tpu.memory_space<vmem>> -> memref<1x128xi32, #tpu.memory_space<vmem>>
      %dma_wait3A_234 = tpu.memref_squeeze %dma_wait3A_233 : memref<1x128xi32, #tpu.memory_space<vmem>> -> memref<128xi32, #tpu.memory_space<vmem>>
      %dma_wait3A_235 = arith.constant 0 : i32
      %dma_wait3A_236 = arith.constant 0 : i32
      %dma_wait3A_237 = tpu.memref_slice %arg2[%dma_wait3A_235, %dma_wait3A_236] : memref<10000x128xf32, #tpu.memory_space<hbm>> -> memref<10000x128xf32, #tpu.memory_space<hbm>>
      tpu.wait_indirect_dma semaphore(%arg12 : memref<!tpu.dma_semaphore, #tpu.memory_space<semaphore_mem>>) src(%dma_wait3A_237 : memref<10000x128xf32, #tpu.memory_space<hbm>>) dst(%arg9 : memref<128x128xf32, #tpu.memory_space<vmem>>)
      %dma_start3A_238 = arith.constant 6 : i32
      %dma_start3A_239 = arith.constant 0 : i32
      %dma_start3A_240 = tpu.memref_slice %arg8[%dma_start3A_238, %dma_start3A_239] : memref<16x128xi32, #tpu.memory_space<vmem>> -> memref<1x128xi32, #tpu.memory_space<vmem>>
      %dma_start3A_241 = tpu.memref_squeeze %dma_start3A_240 : memref<1x128xi32, #tpu.memory_space<vmem>> -> memref<128xi32, #tpu.memory_space<vmem>>
      %dma_start3A_242 = arith.constant 0 : i32
      %dma_start3A_243 = arith.constant 0 : i32
      %dma_start3A_244 = tpu.memref_slice %arg11[%dma_start3A_242, %dma_start3A_243] : memref<10240x128xf32, #tpu.memory_space<vmem_shared>> -> memref<10240x128xf32, #tpu.memory_space<vmem_shared>>
      tpu.enqueue_indirect_dma source(%arg9 : memref<128x128xf32, #tpu.memory_space<vmem>>) target(%dma_start3A_244 : memref<10240x128xf32, #tpu.memory_space<vmem_shared>>) offsets(%dma_start3A_241 : memref<128xi32, #tpu.memory_space<vmem>>) semaphore(%arg14 : memref<!tpu.dma_semaphore, #tpu.memory_space<semaphore_mem>>) {add = true}
      %dma_wait3A_245 = arith.constant 6 : i32
      %dma_wait3A_246 = arith.constant 0 : i32
      %dma_wait3A_247 = tpu.memref_slice %arg8[%dma_wait3A_245, %dma_wait3A_246] : memref<16x128xi32, #tpu.memory_space<vmem>> -> memref<1x128xi32, #tpu.memory_space<vmem>>
      %dma_wait3A_248 = tpu.memref_squeeze %dma_wait3A_247 : memref<1x128xi32, #tpu.memory_space<vmem>> -> memref<128xi32, #tpu.memory_space<vmem>>
      %dma_wait3A_249 = arith.constant 0 : i32
      %dma_wait3A_250 = arith.constant 0 : i32
      %dma_wait3A_251 = tpu.memref_slice %arg11[%dma_wait3A_249, %dma_wait3A_250] : memref<10240x128xf32, #tpu.memory_space<vmem_shared>> -> memref<10240x128xf32, #tpu.memory_space<vmem_shared>>
      tpu.wait_indirect_dma semaphore(%arg14 : memref<!tpu.dma_semaphore, #tpu.memory_space<semaphore_mem>>) src(%arg9 : memref<128x128xf32, #tpu.memory_space<vmem>>) dst(%dma_wait3A_251 : memref<10240x128xf32, #tpu.memory_space<vmem_shared>>)
      %dma_start3A_252 = arith.constant 8 : i32
      %dma_start3A_253 = arith.constant 0 : i32
      %dma_start3A_254 = tpu.memref_slice %arg7[%dma_start3A_252, %dma_start3A_253] : memref<16x128xi32, #tpu.memory_space<vmem>> -> memref<1x128xi32, #tpu.memory_space<vmem>>
      %dma_start3A_255 = tpu.memref_squeeze %dma_start3A_254 : memref<1x128xi32, #tpu.memory_space<vmem>> -> memref<128xi32, #tpu.memory_space<vmem>>
      %dma_start3A_256 = arith.constant 0 : i32
      %dma_start3A_257 = arith.constant 0 : i32
      %dma_start3A_258 = tpu.memref_slice %arg2[%dma_start3A_256, %dma_start3A_257] : memref<10000x128xf32, #tpu.memory_space<hbm>> -> memref<10000x128xf32, #tpu.memory_space<hbm>>
      tpu.enqueue_indirect_dma source(%dma_start3A_258 : memref<10000x128xf32, #tpu.memory_space<hbm>>) target(%arg9 : memref<128x128xf32, #tpu.memory_space<vmem>>) offsets(%dma_start3A_255 : memref<128xi32, #tpu.memory_space<vmem>>) semaphore(%arg12 : memref<!tpu.dma_semaphore, #tpu.memory_space<semaphore_mem>>)
      %dma_wait3A_259 = arith.constant 7 : i32
      %dma_wait3A_260 = arith.constant 0 : i32
      %dma_wait3A_261 = tpu.memref_slice %arg7[%dma_wait3A_259, %dma_wait3A_260] : memref<16x128xi32, #tpu.memory_space<vmem>> -> memref<1x128xi32, #tpu.memory_space<vmem>>
      %dma_wait3A_262 = tpu.memref_squeeze %dma_wait3A_261 : memref<1x128xi32, #tpu.memory_space<vmem>> -> memref<128xi32, #tpu.memory_space<vmem>>
      %dma_wait3A_263 = arith.constant 0 : i32
      %dma_wait3A_264 = arith.constant 0 : i32
      %dma_wait3A_265 = tpu.memref_slice %arg2[%dma_wait3A_263, %dma_wait3A_264] : memref<10000x128xf32, #tpu.memory_space<hbm>> -> memref<10000x128xf32, #tpu.memory_space<hbm>>
      tpu.wait_indirect_dma semaphore(%arg13 : memref<!tpu.dma_semaphore, #tpu.memory_space<semaphore_mem>>) src(%dma_wait3A_265 : memref<10000x128xf32, #tpu.memory_space<hbm>>) dst(%arg10 : memref<128x128xf32, #tpu.memory_space<vmem>>)
      %dma_start3A_266 = arith.constant 7 : i32
      %dma_start3A_267 = arith.constant 0 : i32
      %dma_start3A_268 = tpu.memref_slice %arg8[%dma_start3A_266, %dma_start3A_267] : memref<16x128xi32, #tpu.memory_space<vmem>> -> memref<1x128xi32, #tpu.memory_space<vmem>>
      %dma_start3A_269 = tpu.memref_squeeze %dma_start3A_268 : memref<1x128xi32, #tpu.memory_space<vmem>> -> memref<128xi32, #tpu.memory_space<vmem>>
      %dma_start3A_270 = arith.constant 0 : i32
      %dma_start3A_271 = arith.constant 0 : i32
      %dma_start3A_272 = tpu.memref_slice %arg11[%dma_start3A_270, %dma_start3A_271] : memref<10240x128xf32, #tpu.memory_space<vmem_shared>> -> memref<10240x128xf32, #tpu.memory_space<vmem_shared>>
      tpu.enqueue_indirect_dma source(%arg10 : memref<128x128xf32, #tpu.memory_space<vmem>>) target(%dma_start3A_272 : memref<10240x128xf32, #tpu.memory_space<vmem_shared>>) offsets(%dma_start3A_269 : memref<128xi32, #tpu.memory_space<vmem>>) semaphore(%arg15 : memref<!tpu.dma_semaphore, #tpu.memory_space<semaphore_mem>>) {add = true}
      %dma_wait3A_273 = arith.constant 7 : i32
      %dma_wait3A_274 = arith.constant 0 : i32
      %dma_wait3A_275 = tpu.memref_slice %arg8[%dma_wait3A_273, %dma_wait3A_274] : memref<16x128xi32, #tpu.memory_space<vmem>> -> memref<1x128xi32, #tpu.memory_space<vmem>>
      %dma_wait3A_276 = tpu.memref_squeeze %dma_wait3A_275 : memref<1x128xi32, #tpu.memory_space<vmem>> -> memref<128xi32, #tpu.memory_space<vmem>>
      %dma_wait3A_277 = arith.constant 0 : i32
      %dma_wait3A_278 = arith.constant 0 : i32
      %dma_wait3A_279 = tpu.memref_slice %arg11[%dma_wait3A_277, %dma_wait3A_278] : memref<10240x128xf32, #tpu.memory_space<vmem_shared>> -> memref<10240x128xf32, #tpu.memory_space<vmem_shared>>
      tpu.wait_indirect_dma semaphore(%arg15 : memref<!tpu.dma_semaphore, #tpu.memory_space<semaphore_mem>>) src(%arg10 : memref<128x128xf32, #tpu.memory_space<vmem>>) dst(%dma_wait3A_279 : memref<10240x128xf32, #tpu.memory_space<vmem_shared>>)
      %dma_start3A_280 = arith.constant 9 : i32
      %dma_start3A_281 = arith.constant 0 : i32
      %dma_start3A_282 = tpu.memref_slice %arg7[%dma_start3A_280, %dma_start3A_281] : memref<16x128xi32, #tpu.memory_space<vmem>> -> memref<1x128xi32, #tpu.memory_space<vmem>>
      %dma_start3A_283 = tpu.memref_squeeze %dma_start3A_282 : memref<1x128xi32, #tpu.memory_space<vmem>> -> memref<128xi32, #tpu.memory_space<vmem>>
      %dma_start3A_284 = arith.constant 0 : i32
      %dma_start3A_285 = arith.constant 0 : i32
      %dma_start3A_286 = tpu.memref_slice %arg2[%dma_start3A_284, %dma_start3A_285] : memref<10000x128xf32, #tpu.memory_space<hbm>> -> memref<10000x128xf32, #tpu.memory_space<hbm>>
      tpu.enqueue_indirect_dma source(%dma_start3A_286 : memref<10000x128xf32, #tpu.memory_space<hbm>>) target(%arg10 : memref<128x128xf32, #tpu.memory_space<vmem>>) offsets(%dma_start3A_283 : memref<128xi32, #tpu.memory_space<vmem>>) semaphore(%arg13 : memref<!tpu.dma_semaphore, #tpu.memory_space<semaphore_mem>>)
      %dma_wait3A_287 = arith.constant 8 : i32
      %dma_wait3A_288 = arith.constant 0 : i32
      %dma_wait3A_289 = tpu.memref_slice %arg7[%dma_wait3A_287, %dma_wait3A_288] : memref<16x128xi32, #tpu.memory_space<vmem>> -> memref<1x128xi32, #tpu.memory_space<vmem>>
      %dma_wait3A_290 = tpu.memref_squeeze %dma_wait3A_289 : memref<1x128xi32, #tpu.memory_space<vmem>> -> memref<128xi32, #tpu.memory_space<vmem>>
      %dma_wait3A_291 = arith.constant 0 : i32
      %dma_wait3A_292 = arith.constant 0 : i32
      %dma_wait3A_293 = tpu.memref_slice %arg2[%dma_wait3A_291, %dma_wait3A_292] : memref<10000x128xf32, #tpu.memory_space<hbm>> -> memref<10000x128xf32, #tpu.memory_space<hbm>>
      tpu.wait_indirect_dma semaphore(%arg12 : memref<!tpu.dma_semaphore, #tpu.memory_space<semaphore_mem>>) src(%dma_wait3A_293 : memref<10000x128xf32, #tpu.memory_space<hbm>>) dst(%arg9 : memref<128x128xf32, #tpu.memory_space<vmem>>)
      %dma_start3A_294 = arith.constant 8 : i32
      %dma_start3A_295 = arith.constant 0 : i32
      %dma_start3A_296 = tpu.memref_slice %arg8[%dma_start3A_294, %dma_start3A_295] : memref<16x128xi32, #tpu.memory_space<vmem>> -> memref<1x128xi32, #tpu.memory_space<vmem>>
      %dma_start3A_297 = tpu.memref_squeeze %dma_start3A_296 : memref<1x128xi32, #tpu.memory_space<vmem>> -> memref<128xi32, #tpu.memory_space<vmem>>
      %dma_start3A_298 = arith.constant 0 : i32
      %dma_start3A_299 = arith.constant 0 : i32
      %dma_start3A_300 = tpu.memref_slice %arg11[%dma_start3A_298, %dma_start3A_299] : memref<10240x128xf32, #tpu.memory_space<vmem_shared>> -> memref<10240x128xf32, #tpu.memory_space<vmem_shared>>
      tpu.enqueue_indirect_dma source(%arg9 : memref<128x128xf32, #tpu.memory_space<vmem>>) target(%dma_start3A_300 : memref<10240x128xf32, #tpu.memory_space<vmem_shared>>) offsets(%dma_start3A_297 : memref<128xi32, #tpu.memory_space<vmem>>) semaphore(%arg14 : memref<!tpu.dma_semaphore, #tpu.memory_space<semaphore_mem>>) {add = true}
      %dma_wait3A_301 = arith.constant 8 : i32
      %dma_wait3A_302 = arith.constant 0 : i32
      %dma_wait3A_303 = tpu.memref_slice %arg8[%dma_wait3A_301, %dma_wait3A_302] : memref<16x128xi32, #tpu.memory_space<vmem>> -> memref<1x128xi32, #tpu.memory_space<vmem>>
      %dma_wait3A_304 = tpu.memref_squeeze %dma_wait3A_303 : memref<1x128xi32, #tpu.memory_space<vmem>> -> memref<128xi32, #tpu.memory_space<vmem>>
      %dma_wait3A_305 = arith.constant 0 : i32
      %dma_wait3A_306 = arith.constant 0 : i32
      %dma_wait3A_307 = tpu.memref_slice %arg11[%dma_wait3A_305, %dma_wait3A_306] : memref<10240x128xf32, #tpu.memory_space<vmem_shared>> -> memref<10240x128xf32, #tpu.memory_space<vmem_shared>>
      tpu.wait_indirect_dma semaphore(%arg14 : memref<!tpu.dma_semaphore, #tpu.memory_space<semaphore_mem>>) src(%arg9 : memref<128x128xf32, #tpu.memory_space<vmem>>) dst(%dma_wait3A_307 : memref<10240x128xf32, #tpu.memory_space<vmem_shared>>)
      %dma_start3A_308 = arith.constant 10 : i32
      %dma_start3A_309 = arith.constant 0 : i32
      %dma_start3A_310 = tpu.memref_slice %arg7[%dma_start3A_308, %dma_start3A_309] : memref<16x128xi32, #tpu.memory_space<vmem>> -> memref<1x128xi32, #tpu.memory_space<vmem>>
      %dma_start3A_311 = tpu.memref_squeeze %dma_start3A_310 : memref<1x128xi32, #tpu.memory_space<vmem>> -> memref<128xi32, #tpu.memory_space<vmem>>
      %dma_start3A_312 = arith.constant 0 : i32
      %dma_start3A_313 = arith.constant 0 : i32
      %dma_start3A_314 = tpu.memref_slice %arg2[%dma_start3A_312, %dma_start3A_313] : memref<10000x128xf32, #tpu.memory_space<hbm>> -> memref<10000x128xf32, #tpu.memory_space<hbm>>
      tpu.enqueue_indirect_dma source(%dma_start3A_314 : memref<10000x128xf32, #tpu.memory_space<hbm>>) target(%arg9 : memref<128x128xf32, #tpu.memory_space<vmem>>) offsets(%dma_start3A_311 : memref<128xi32, #tpu.memory_space<vmem>>) semaphore(%arg12 : memref<!tpu.dma_semaphore, #tpu.memory_space<semaphore_mem>>)
      %dma_wait3A_315 = arith.constant 9 : i32
      %dma_wait3A_316 = arith.constant 0 : i32
      %dma_wait3A_317 = tpu.memref_slice %arg7[%dma_wait3A_315, %dma_wait3A_316] : memref<16x128xi32, #tpu.memory_space<vmem>> -> memref<1x128xi32, #tpu.memory_space<vmem>>
      %dma_wait3A_318 = tpu.memref_squeeze %dma_wait3A_317 : memref<1x128xi32, #tpu.memory_space<vmem>> -> memref<128xi32, #tpu.memory_space<vmem>>
      %dma_wait3A_319 = arith.constant 0 : i32
      %dma_wait3A_320 = arith.constant 0 : i32
      %dma_wait3A_321 = tpu.memref_slice %arg2[%dma_wait3A_319, %dma_wait3A_320] : memref<10000x128xf32, #tpu.memory_space<hbm>> -> memref<10000x128xf32, #tpu.memory_space<hbm>>
      tpu.wait_indirect_dma semaphore(%arg13 : memref<!tpu.dma_semaphore, #tpu.memory_space<semaphore_mem>>) src(%dma_wait3A_321 : memref<10000x128xf32, #tpu.memory_space<hbm>>) dst(%arg10 : memref<128x128xf32, #tpu.memory_space<vmem>>)
      %dma_start3A_322 = arith.constant 9 : i32
      %dma_start3A_323 = arith.constant 0 : i32
      %dma_start3A_324 = tpu.memref_slice %arg8[%dma_start3A_322, %dma_start3A_323] : memref<16x128xi32, #tpu.memory_space<vmem>> -> memref<1x128xi32, #tpu.memory_space<vmem>>
      %dma_start3A_325 = tpu.memref_squeeze %dma_start3A_324 : memref<1x128xi32, #tpu.memory_space<vmem>> -> memref<128xi32, #tpu.memory_space<vmem>>
      %dma_start3A_326 = arith.constant 0 : i32
      %dma_start3A_327 = arith.constant 0 : i32
      %dma_start3A_328 = tpu.memref_slice %arg11[%dma_start3A_326, %dma_start3A_327] : memref<10240x128xf32, #tpu.memory_space<vmem_shared>> -> memref<10240x128xf32, #tpu.memory_space<vmem_shared>>
      tpu.enqueue_indirect_dma source(%arg10 : memref<128x128xf32, #tpu.memory_space<vmem>>) target(%dma_start3A_328 : memref<10240x128xf32, #tpu.memory_space<vmem_shared>>) offsets(%dma_start3A_325 : memref<128xi32, #tpu.memory_space<vmem>>) semaphore(%arg15 : memref<!tpu.dma_semaphore, #tpu.memory_space<semaphore_mem>>) {add = true}
      %dma_wait3A_329 = arith.constant 9 : i32
      %dma_wait3A_330 = arith.constant 0 : i32
      %dma_wait3A_331 = tpu.memref_slice %arg8[%dma_wait3A_329, %dma_wait3A_330] : memref<16x128xi32, #tpu.memory_space<vmem>> -> memref<1x128xi32, #tpu.memory_space<vmem>>
      %dma_wait3A_332 = tpu.memref_squeeze %dma_wait3A_331 : memref<1x128xi32, #tpu.memory_space<vmem>> -> memref<128xi32, #tpu.memory_space<vmem>>
      %dma_wait3A_333 = arith.constant 0 : i32
      %dma_wait3A_334 = arith.constant 0 : i32
      %dma_wait3A_335 = tpu.memref_slice %arg11[%dma_wait3A_333, %dma_wait3A_334] : memref<10240x128xf32, #tpu.memory_space<vmem_shared>> -> memref<10240x128xf32, #tpu.memory_space<vmem_shared>>
      tpu.wait_indirect_dma semaphore(%arg15 : memref<!tpu.dma_semaphore, #tpu.memory_space<semaphore_mem>>) src(%arg10 : memref<128x128xf32, #tpu.memory_space<vmem>>) dst(%dma_wait3A_335 : memref<10240x128xf32, #tpu.memory_space<vmem_shared>>)
      %dma_start3A_336 = arith.constant 11 : i32
      %dma_start3A_337 = arith.constant 0 : i32
      %dma_start3A_338 = tpu.memref_slice %arg7[%dma_start3A_336, %dma_start3A_337] : memref<16x128xi32, #tpu.memory_space<vmem>> -> memref<1x128xi32, #tpu.memory_space<vmem>>
      %dma_start3A_339 = tpu.memref_squeeze %dma_start3A_338 : memref<1x128xi32, #tpu.memory_space<vmem>> -> memref<128xi32, #tpu.memory_space<vmem>>
      %dma_start3A_340 = arith.constant 0 : i32
      %dma_start3A_341 = arith.constant 0 : i32
      %dma_start3A_342 = tpu.memref_slice %arg2[%dma_start3A_340, %dma_start3A_341] : memref<10000x128xf32, #tpu.memory_space<hbm>> -> memref<10000x128xf32, #tpu.memory_space<hbm>>
      tpu.enqueue_indirect_dma source(%dma_start3A_342 : memref<10000x128xf32, #tpu.memory_space<hbm>>) target(%arg10 : memref<128x128xf32, #tpu.memory_space<vmem>>) offsets(%dma_start3A_339 : memref<128xi32, #tpu.memory_space<vmem>>) semaphore(%arg13 : memref<!tpu.dma_semaphore, #tpu.memory_space<semaphore_mem>>)
      %dma_wait3A_343 = arith.constant 10 : i32
      %dma_wait3A_344 = arith.constant 0 : i32
      %dma_wait3A_345 = tpu.memref_slice %arg7[%dma_wait3A_343, %dma_wait3A_344] : memref<16x128xi32, #tpu.memory_space<vmem>> -> memref<1x128xi32, #tpu.memory_space<vmem>>
      %dma_wait3A_346 = tpu.memref_squeeze %dma_wait3A_345 : memref<1x128xi32, #tpu.memory_space<vmem>> -> memref<128xi32, #tpu.memory_space<vmem>>
      %dma_wait3A_347 = arith.constant 0 : i32
      %dma_wait3A_348 = arith.constant 0 : i32
      %dma_wait3A_349 = tpu.memref_slice %arg2[%dma_wait3A_347, %dma_wait3A_348] : memref<10000x128xf32, #tpu.memory_space<hbm>> -> memref<10000x128xf32, #tpu.memory_space<hbm>>
      tpu.wait_indirect_dma semaphore(%arg12 : memref<!tpu.dma_semaphore, #tpu.memory_space<semaphore_mem>>) src(%dma_wait3A_349 : memref<10000x128xf32, #tpu.memory_space<hbm>>) dst(%arg9 : memref<128x128xf32, #tpu.memory_space<vmem>>)
      %dma_start3A_350 = arith.constant 10 : i32
      %dma_start3A_351 = arith.constant 0 : i32
      %dma_start3A_352 = tpu.memref_slice %arg8[%dma_start3A_350, %dma_start3A_351] : memref<16x128xi32, #tpu.memory_space<vmem>> -> memref<1x128xi32, #tpu.memory_space<vmem>>
      %dma_start3A_353 = tpu.memref_squeeze %dma_start3A_352 : memref<1x128xi32, #tpu.memory_space<vmem>> -> memref<128xi32, #tpu.memory_space<vmem>>
      %dma_start3A_354 = arith.constant 0 : i32
      %dma_start3A_355 = arith.constant 0 : i32
      %dma_start3A_356 = tpu.memref_slice %arg11[%dma_start3A_354, %dma_start3A_355] : memref<10240x128xf32, #tpu.memory_space<vmem_shared>> -> memref<10240x128xf32, #tpu.memory_space<vmem_shared>>
      tpu.enqueue_indirect_dma source(%arg9 : memref<128x128xf32, #tpu.memory_space<vmem>>) target(%dma_start3A_356 : memref<10240x128xf32, #tpu.memory_space<vmem_shared>>) offsets(%dma_start3A_353 : memref<128xi32, #tpu.memory_space<vmem>>) semaphore(%arg14 : memref<!tpu.dma_semaphore, #tpu.memory_space<semaphore_mem>>) {add = true}
      %dma_wait3A_357 = arith.constant 10 : i32
      %dma_wait3A_358 = arith.constant 0 : i32
      %dma_wait3A_359 = tpu.memref_slice %arg8[%dma_wait3A_357, %dma_wait3A_358] : memref<16x128xi32, #tpu.memory_space<vmem>> -> memref<1x128xi32, #tpu.memory_space<vmem>>
      %dma_wait3A_360 = tpu.memref_squeeze %dma_wait3A_359 : memref<1x128xi32, #tpu.memory_space<vmem>> -> memref<128xi32, #tpu.memory_space<vmem>>
      %dma_wait3A_361 = arith.constant 0 : i32
      %dma_wait3A_362 = arith.constant 0 : i32
      %dma_wait3A_363 = tpu.memref_slice %arg11[%dma_wait3A_361, %dma_wait3A_362] : memref<10240x128xf32, #tpu.memory_space<vmem_shared>> -> memref<10240x128xf32, #tpu.memory_space<vmem_shared>>
      tpu.wait_indirect_dma semaphore(%arg14 : memref<!tpu.dma_semaphore, #tpu.memory_space<semaphore_mem>>) src(%arg9 : memref<128x128xf32, #tpu.memory_space<vmem>>) dst(%dma_wait3A_363 : memref<10240x128xf32, #tpu.memory_space<vmem_shared>>)
      %dma_start3A_364 = arith.constant 12 : i32
      %dma_start3A_365 = arith.constant 0 : i32
      %dma_start3A_366 = tpu.memref_slice %arg7[%dma_start3A_364, %dma_start3A_365] : memref<16x128xi32, #tpu.memory_space<vmem>> -> memref<1x128xi32, #tpu.memory_space<vmem>>
      %dma_start3A_367 = tpu.memref_squeeze %dma_start3A_366 : memref<1x128xi32, #tpu.memory_space<vmem>> -> memref<128xi32, #tpu.memory_space<vmem>>
      %dma_start3A_368 = arith.constant 0 : i32
      %dma_start3A_369 = arith.constant 0 : i32
      %dma_start3A_370 = tpu.memref_slice %arg2[%dma_start3A_368, %dma_start3A_369] : memref<10000x128xf32, #tpu.memory_space<hbm>> -> memref<10000x128xf32, #tpu.memory_space<hbm>>
      tpu.enqueue_indirect_dma source(%dma_start3A_370 : memref<10000x128xf32, #tpu.memory_space<hbm>>) target(%arg9 : memref<128x128xf32, #tpu.memory_space<vmem>>) offsets(%dma_start3A_367 : memref<128xi32, #tpu.memory_space<vmem>>) semaphore(%arg12 : memref<!tpu.dma_semaphore, #tpu.memory_space<semaphore_mem>>)
      %dma_wait3A_371 = arith.constant 11 : i32
      %dma_wait3A_372 = arith.constant 0 : i32
      %dma_wait3A_373 = tpu.memref_slice %arg7[%dma_wait3A_371, %dma_wait3A_372] : memref<16x128xi32, #tpu.memory_space<vmem>> -> memref<1x128xi32, #tpu.memory_space<vmem>>
      %dma_wait3A_374 = tpu.memref_squeeze %dma_wait3A_373 : memref<1x128xi32, #tpu.memory_space<vmem>> -> memref<128xi32, #tpu.memory_space<vmem>>
      %dma_wait3A_375 = arith.constant 0 : i32
      %dma_wait3A_376 = arith.constant 0 : i32
      %dma_wait3A_377 = tpu.memref_slice %arg2[%dma_wait3A_375, %dma_wait3A_376] : memref<10000x128xf32, #tpu.memory_space<hbm>> -> memref<10000x128xf32, #tpu.memory_space<hbm>>
      tpu.wait_indirect_dma semaphore(%arg13 : memref<!tpu.dma_semaphore, #tpu.memory_space<semaphore_mem>>) src(%dma_wait3A_377 : memref<10000x128xf32, #tpu.memory_space<hbm>>) dst(%arg10 : memref<128x128xf32, #tpu.memory_space<vmem>>)
      %dma_start3A_378 = arith.constant 11 : i32
      %dma_start3A_379 = arith.constant 0 : i32
      %dma_start3A_380 = tpu.memref_slice %arg8[%dma_start3A_378, %dma_start3A_379] : memref<16x128xi32, #tpu.memory_space<vmem>> -> memref<1x128xi32, #tpu.memory_space<vmem>>
      %dma_start3A_381 = tpu.memref_squeeze %dma_start3A_380 : memref<1x128xi32, #tpu.memory_space<vmem>> -> memref<128xi32, #tpu.memory_space<vmem>>
      %dma_start3A_382 = arith.constant 0 : i32
      %dma_start3A_383 = arith.constant 0 : i32
      %dma_start3A_384 = tpu.memref_slice %arg11[%dma_start3A_382, %dma_start3A_383] : memref<10240x128xf32, #tpu.memory_space<vmem_shared>> -> memref<10240x128xf32, #tpu.memory_space<vmem_shared>>
      tpu.enqueue_indirect_dma source(%arg10 : memref<128x128xf32, #tpu.memory_space<vmem>>) target(%dma_start3A_384 : memref<10240x128xf32, #tpu.memory_space<vmem_shared>>) offsets(%dma_start3A_381 : memref<128xi32, #tpu.memory_space<vmem>>) semaphore(%arg15 : memref<!tpu.dma_semaphore, #tpu.memory_space<semaphore_mem>>) {add = true}
      %dma_wait3A_385 = arith.constant 11 : i32
      %dma_wait3A_386 = arith.constant 0 : i32
      %dma_wait3A_387 = tpu.memref_slice %arg8[%dma_wait3A_385, %dma_wait3A_386] : memref<16x128xi32, #tpu.memory_space<vmem>> -> memref<1x128xi32, #tpu.memory_space<vmem>>
      %dma_wait3A_388 = tpu.memref_squeeze %dma_wait3A_387 : memref<1x128xi32, #tpu.memory_space<vmem>> -> memref<128xi32, #tpu.memory_space<vmem>>
      %dma_wait3A_389 = arith.constant 0 : i32
      %dma_wait3A_390 = arith.constant 0 : i32
      %dma_wait3A_391 = tpu.memref_slice %arg11[%dma_wait3A_389, %dma_wait3A_390] : memref<10240x128xf32, #tpu.memory_space<vmem_shared>> -> memref<10240x128xf32, #tpu.memory_space<vmem_shared>>
      tpu.wait_indirect_dma semaphore(%arg15 : memref<!tpu.dma_semaphore, #tpu.memory_space<semaphore_mem>>) src(%arg10 : memref<128x128xf32, #tpu.memory_space<vmem>>) dst(%dma_wait3A_391 : memref<10240x128xf32, #tpu.memory_space<vmem_shared>>)
      %dma_start3A_392 = arith.constant 13 : i32
      %dma_start3A_393 = arith.constant 0 : i32
      %dma_start3A_394 = tpu.memref_slice %arg7[%dma_start3A_392, %dma_start3A_393] : memref<16x128xi32, #tpu.memory_space<vmem>> -> memref<1x128xi32, #tpu.memory_space<vmem>>
      %dma_start3A_395 = tpu.memref_squeeze %dma_start3A_394 : memref<1x128xi32, #tpu.memory_space<vmem>> -> memref<128xi32, #tpu.memory_space<vmem>>
      %dma_start3A_396 = arith.constant 0 : i32
      %dma_start3A_397 = arith.constant 0 : i32
      %dma_start3A_398 = tpu.memref_slice %arg2[%dma_start3A_396, %dma_start3A_397] : memref<10000x128xf32, #tpu.memory_space<hbm>> -> memref<10000x128xf32, #tpu.memory_space<hbm>>
      tpu.enqueue_indirect_dma source(%dma_start3A_398 : memref<10000x128xf32, #tpu.memory_space<hbm>>) target(%arg10 : memref<128x128xf32, #tpu.memory_space<vmem>>) offsets(%dma_start3A_395 : memref<128xi32, #tpu.memory_space<vmem>>) semaphore(%arg13 : memref<!tpu.dma_semaphore, #tpu.memory_space<semaphore_mem>>)
      %dma_wait3A_399 = arith.constant 12 : i32
      %dma_wait3A_400 = arith.constant 0 : i32
      %dma_wait3A_401 = tpu.memref_slice %arg7[%dma_wait3A_399, %dma_wait3A_400] : memref<16x128xi32, #tpu.memory_space<vmem>> -> memref<1x128xi32, #tpu.memory_space<vmem>>
      %dma_wait3A_402 = tpu.memref_squeeze %dma_wait3A_401 : memref<1x128xi32, #tpu.memory_space<vmem>> -> memref<128xi32, #tpu.memory_space<vmem>>
      %dma_wait3A_403 = arith.constant 0 : i32
      %dma_wait3A_404 = arith.constant 0 : i32
      %dma_wait3A_405 = tpu.memref_slice %arg2[%dma_wait3A_403, %dma_wait3A_404] : memref<10000x128xf32, #tpu.memory_space<hbm>> -> memref<10000x128xf32, #tpu.memory_space<hbm>>
      tpu.wait_indirect_dma semaphore(%arg12 : memref<!tpu.dma_semaphore, #tpu.memory_space<semaphore_mem>>) src(%dma_wait3A_405 : memref<10000x128xf32, #tpu.memory_space<hbm>>) dst(%arg9 : memref<128x128xf32, #tpu.memory_space<vmem>>)
      %dma_start3A_406 = arith.constant 12 : i32
      %dma_start3A_407 = arith.constant 0 : i32
      %dma_start3A_408 = tpu.memref_slice %arg8[%dma_start3A_406, %dma_start3A_407] : memref<16x128xi32, #tpu.memory_space<vmem>> -> memref<1x128xi32, #tpu.memory_space<vmem>>
      %dma_start3A_409 = tpu.memref_squeeze %dma_start3A_408 : memref<1x128xi32, #tpu.memory_space<vmem>> -> memref<128xi32, #tpu.memory_space<vmem>>
      %dma_start3A_410 = arith.constant 0 : i32
      %dma_start3A_411 = arith.constant 0 : i32
      %dma_start3A_412 = tpu.memref_slice %arg11[%dma_start3A_410, %dma_start3A_411] : memref<10240x128xf32, #tpu.memory_space<vmem_shared>> -> memref<10240x128xf32, #tpu.memory_space<vmem_shared>>
      tpu.enqueue_indirect_dma source(%arg9 : memref<128x128xf32, #tpu.memory_space<vmem>>) target(%dma_start3A_412 : memref<10240x128xf32, #tpu.memory_space<vmem_shared>>) offsets(%dma_start3A_409 : memref<128xi32, #tpu.memory_space<vmem>>) semaphore(%arg14 : memref<!tpu.dma_semaphore, #tpu.memory_space<semaphore_mem>>) {add = true}
      %dma_wait3A_413 = arith.constant 12 : i32
      %dma_wait3A_414 = arith.constant 0 : i32
      %dma_wait3A_415 = tpu.memref_slice %arg8[%dma_wait3A_413, %dma_wait3A_414] : memref<16x128xi32, #tpu.memory_space<vmem>> -> memref<1x128xi32, #tpu.memory_space<vmem>>
      %dma_wait3A_416 = tpu.memref_squeeze %dma_wait3A_415 : memref<1x128xi32, #tpu.memory_space<vmem>> -> memref<128xi32, #tpu.memory_space<vmem>>
      %dma_wait3A_417 = arith.constant 0 : i32
      %dma_wait3A_418 = arith.constant 0 : i32
      %dma_wait3A_419 = tpu.memref_slice %arg11[%dma_wait3A_417, %dma_wait3A_418] : memref<10240x128xf32, #tpu.memory_space<vmem_shared>> -> memref<10240x128xf32, #tpu.memory_space<vmem_shared>>
      tpu.wait_indirect_dma semaphore(%arg14 : memref<!tpu.dma_semaphore, #tpu.memory_space<semaphore_mem>>) src(%arg9 : memref<128x128xf32, #tpu.memory_space<vmem>>) dst(%dma_wait3A_419 : memref<10240x128xf32, #tpu.memory_space<vmem_shared>>)
      %dma_start3A_420 = arith.constant 14 : i32
      %dma_start3A_421 = arith.constant 0 : i32
      %dma_start3A_422 = tpu.memref_slice %arg7[%dma_start3A_420, %dma_start3A_421] : memref<16x128xi32, #tpu.memory_space<vmem>> -> memref<1x128xi32, #tpu.memory_space<vmem>>
      %dma_start3A_423 = tpu.memref_squeeze %dma_start3A_422 : memref<1x128xi32, #tpu.memory_space<vmem>> -> memref<128xi32, #tpu.memory_space<vmem>>
      %dma_start3A_424 = arith.constant 0 : i32
      %dma_start3A_425 = arith.constant 0 : i32
      %dma_start3A_426 = tpu.memref_slice %arg2[%dma_start3A_424, %dma_start3A_425] : memref<10000x128xf32, #tpu.memory_space<hbm>> -> memref<10000x128xf32, #tpu.memory_space<hbm>>
      tpu.enqueue_indirect_dma source(%dma_start3A_426 : memref<10000x128xf32, #tpu.memory_space<hbm>>) target(%arg9 : memref<128x128xf32, #tpu.memory_space<vmem>>) offsets(%dma_start3A_423 : memref<128xi32, #tpu.memory_space<vmem>>) semaphore(%arg12 : memref<!tpu.dma_semaphore, #tpu.memory_space<semaphore_mem>>)
      %dma_wait3A_427 = arith.constant 13 : i32
      %dma_wait3A_428 = arith.constant 0 : i32
      %dma_wait3A_429 = tpu.memref_slice %arg7[%dma_wait3A_427, %dma_wait3A_428] : memref<16x128xi32, #tpu.memory_space<vmem>> -> memref<1x128xi32, #tpu.memory_space<vmem>>
      %dma_wait3A_430 = tpu.memref_squeeze %dma_wait3A_429 : memref<1x128xi32, #tpu.memory_space<vmem>> -> memref<128xi32, #tpu.memory_space<vmem>>
      %dma_wait3A_431 = arith.constant 0 : i32
      %dma_wait3A_432 = arith.constant 0 : i32
      %dma_wait3A_433 = tpu.memref_slice %arg2[%dma_wait3A_431, %dma_wait3A_432] : memref<10000x128xf32, #tpu.memory_space<hbm>> -> memref<10000x128xf32, #tpu.memory_space<hbm>>
      tpu.wait_indirect_dma semaphore(%arg13 : memref<!tpu.dma_semaphore, #tpu.memory_space<semaphore_mem>>) src(%dma_wait3A_433 : memref<10000x128xf32, #tpu.memory_space<hbm>>) dst(%arg10 : memref<128x128xf32, #tpu.memory_space<vmem>>)
      %dma_start3A_434 = arith.constant 13 : i32
      %dma_start3A_435 = arith.constant 0 : i32
      %dma_start3A_436 = tpu.memref_slice %arg8[%dma_start3A_434, %dma_start3A_435] : memref<16x128xi32, #tpu.memory_space<vmem>> -> memref<1x128xi32, #tpu.memory_space<vmem>>
      %dma_start3A_437 = tpu.memref_squeeze %dma_start3A_436 : memref<1x128xi32, #tpu.memory_space<vmem>> -> memref<128xi32, #tpu.memory_space<vmem>>
      %dma_start3A_438 = arith.constant 0 : i32
      %dma_start3A_439 = arith.constant 0 : i32
      %dma_start3A_440 = tpu.memref_slice %arg11[%dma_start3A_438, %dma_start3A_439] : memref<10240x128xf32, #tpu.memory_space<vmem_shared>> -> memref<10240x128xf32, #tpu.memory_space<vmem_shared>>
      tpu.enqueue_indirect_dma source(%arg10 : memref<128x128xf32, #tpu.memory_space<vmem>>) target(%dma_start3A_440 : memref<10240x128xf32, #tpu.memory_space<vmem_shared>>) offsets(%dma_start3A_437 : memref<128xi32, #tpu.memory_space<vmem>>) semaphore(%arg15 : memref<!tpu.dma_semaphore, #tpu.memory_space<semaphore_mem>>) {add = true}
      %dma_wait3A_441 = arith.constant 13 : i32
      %dma_wait3A_442 = arith.constant 0 : i32
      %dma_wait3A_443 = tpu.memref_slice %arg8[%dma_wait3A_441, %dma_wait3A_442] : memref<16x128xi32, #tpu.memory_space<vmem>> -> memref<1x128xi32, #tpu.memory_space<vmem>>
      %dma_wait3A_444 = tpu.memref_squeeze %dma_wait3A_443 : memref<1x128xi32, #tpu.memory_space<vmem>> -> memref<128xi32, #tpu.memory_space<vmem>>
      %dma_wait3A_445 = arith.constant 0 : i32
      %dma_wait3A_446 = arith.constant 0 : i32
      %dma_wait3A_447 = tpu.memref_slice %arg11[%dma_wait3A_445, %dma_wait3A_446] : memref<10240x128xf32, #tpu.memory_space<vmem_shared>> -> memref<10240x128xf32, #tpu.memory_space<vmem_shared>>
      tpu.wait_indirect_dma semaphore(%arg15 : memref<!tpu.dma_semaphore, #tpu.memory_space<semaphore_mem>>) src(%arg10 : memref<128x128xf32, #tpu.memory_space<vmem>>) dst(%dma_wait3A_447 : memref<10240x128xf32, #tpu.memory_space<vmem_shared>>)
      %dma_start3A_448 = arith.constant 15 : i32
      %dma_start3A_449 = arith.constant 0 : i32
      %dma_start3A_450 = tpu.memref_slice %arg7[%dma_start3A_448, %dma_start3A_449] : memref<16x128xi32, #tpu.memory_space<vmem>> -> memref<1x128xi32, #tpu.memory_space<vmem>>
      %dma_start3A_451 = tpu.memref_squeeze %dma_start3A_450 : memref<1x128xi32, #tpu.memory_space<vmem>> -> memref<128xi32, #tpu.memory_space<vmem>>
      %dma_start3A_452 = arith.constant 0 : i32
      %dma_start3A_453 = arith.constant 0 : i32
      %dma_start3A_454 = tpu.memref_slice %arg2[%dma_start3A_452, %dma_start3A_453] : memref<10000x128xf32, #tpu.memory_space<hbm>> -> memref<10000x128xf32, #tpu.memory_space<hbm>>
      tpu.enqueue_indirect_dma source(%dma_start3A_454 : memref<10000x128xf32, #tpu.memory_space<hbm>>) target(%arg10 : memref<128x128xf32, #tpu.memory_space<vmem>>) offsets(%dma_start3A_451 : memref<128xi32, #tpu.memory_space<vmem>>) semaphore(%arg13 : memref<!tpu.dma_semaphore, #tpu.memory_space<semaphore_mem>>)
      %dma_wait3A_455 = arith.constant 14 : i32
      %dma_wait3A_456 = arith.constant 0 : i32
      %dma_wait3A_457 = tpu.memref_slice %arg7[%dma_wait3A_455, %dma_wait3A_456] : memref<16x128xi32, #tpu.memory_space<vmem>> -> memref<1x128xi32, #tpu.memory_space<vmem>>
      %dma_wait3A_458 = tpu.memref_squeeze %dma_wait3A_457 : memref<1x128xi32, #tpu.memory_space<vmem>> -> memref<128xi32, #tpu.memory_space<vmem>>
      %dma_wait3A_459 = arith.constant 0 : i32
      %dma_wait3A_460 = arith.constant 0 : i32
      %dma_wait3A_461 = tpu.memref_slice %arg2[%dma_wait3A_459, %dma_wait3A_460] : memref<10000x128xf32, #tpu.memory_space<hbm>> -> memref<10000x128xf32, #tpu.memory_space<hbm>>
      tpu.wait_indirect_dma semaphore(%arg12 : memref<!tpu.dma_semaphore, #tpu.memory_space<semaphore_mem>>) src(%dma_wait3A_461 : memref<10000x128xf32, #tpu.memory_space<hbm>>) dst(%arg9 : memref<128x128xf32, #tpu.memory_space<vmem>>)
      %dma_start3A_462 = arith.constant 14 : i32
      %dma_start3A_463 = arith.constant 0 : i32
      %dma_start3A_464 = tpu.memref_slice %arg8[%dma_start3A_462, %dma_start3A_463] : memref<16x128xi32, #tpu.memory_space<vmem>> -> memref<1x128xi32, #tpu.memory_space<vmem>>
      %dma_start3A_465 = tpu.memref_squeeze %dma_start3A_464 : memref<1x128xi32, #tpu.memory_space<vmem>> -> memref<128xi32, #tpu.memory_space<vmem>>
      %dma_start3A_466 = arith.constant 0 : i32
      %dma_start3A_467 = arith.constant 0 : i32
      %dma_start3A_468 = tpu.memref_slice %arg11[%dma_start3A_466, %dma_start3A_467] : memref<10240x128xf32, #tpu.memory_space<vmem_shared>> -> memref<10240x128xf32, #tpu.memory_space<vmem_shared>>
      tpu.enqueue_indirect_dma source(%arg9 : memref<128x128xf32, #tpu.memory_space<vmem>>) target(%dma_start3A_468 : memref<10240x128xf32, #tpu.memory_space<vmem_shared>>) offsets(%dma_start3A_465 : memref<128xi32, #tpu.memory_space<vmem>>) semaphore(%arg14 : memref<!tpu.dma_semaphore, #tpu.memory_space<semaphore_mem>>) {add = true}
      %dma_wait3A_469 = arith.constant 15 : i32
      %dma_wait3A_470 = arith.constant 0 : i32
      %dma_wait3A_471 = tpu.memref_slice %arg7[%dma_wait3A_469, %dma_wait3A_470] : memref<16x128xi32, #tpu.memory_space<vmem>> -> memref<1x128xi32, #tpu.memory_space<vmem>>
      %dma_wait3A_472 = tpu.memref_squeeze %dma_wait3A_471 : memref<1x128xi32, #tpu.memory_space<vmem>> -> memref<128xi32, #tpu.memory_space<vmem>>
      %dma_wait3A_473 = arith.constant 0 : i32
      %dma_wait3A_474 = arith.constant 0 : i32
      %dma_wait3A_475 = tpu.memref_slice %arg2[%dma_wait3A_473, %dma_wait3A_474] : memref<10000x128xf32, #tpu.memory_space<hbm>> -> memref<10000x128xf32, #tpu.memory_space<hbm>>
      tpu.wait_indirect_dma semaphore(%arg13 : memref<!tpu.dma_semaphore, #tpu.memory_space<semaphore_mem>>) src(%dma_wait3A_475 : memref<10000x128xf32, #tpu.memory_space<hbm>>) dst(%arg10 : memref<128x128xf32, #tpu.memory_space<vmem>>)
      %dma_start3A_476 = arith.constant 15 : i32
      %dma_start3A_477 = arith.constant 0 : i32
      %dma_start3A_478 = tpu.memref_slice %arg8[%dma_start3A_476, %dma_start3A_477] : memref<16x128xi32, #tpu.memory_space<vmem>> -> memref<1x128xi32, #tpu.memory_space<vmem>>
      %dma_start3A_479 = tpu.memref_squeeze %dma_start3A_478 : memref<1x128xi32, #tpu.memory_space<vmem>> -> memref<128xi32, #tpu.memory_space<vmem>>
      %dma_start3A_480 = arith.constant 0 : i32
      %dma_start3A_481 = arith.constant 0 : i32
      %dma_start3A_482 = tpu.memref_slice %arg11[%dma_start3A_480, %dma_start3A_481] : memref<10240x128xf32, #tpu.memory_space<vmem_shared>> -> memref<10240x128xf32, #tpu.memory_space<vmem_shared>>
      tpu.enqueue_indirect_dma source(%arg10 : memref<128x128xf32, #tpu.memory_space<vmem>>) target(%dma_start3A_482 : memref<10240x128xf32, #tpu.memory_space<vmem_shared>>) offsets(%dma_start3A_479 : memref<128xi32, #tpu.memory_space<vmem>>) semaphore(%arg15 : memref<!tpu.dma_semaphore, #tpu.memory_space<semaphore_mem>>) {add = true}
      %dma_wait3A_483 = arith.constant 14 : i32
      %dma_wait3A_484 = arith.constant 0 : i32
      %dma_wait3A_485 = tpu.memref_slice %arg8[%dma_wait3A_483, %dma_wait3A_484] : memref<16x128xi32, #tpu.memory_space<vmem>> -> memref<1x128xi32, #tpu.memory_space<vmem>>
      %dma_wait3A_486 = tpu.memref_squeeze %dma_wait3A_485 : memref<1x128xi32, #tpu.memory_space<vmem>> -> memref<128xi32, #tpu.memory_space<vmem>>
      %dma_wait3A_487 = arith.constant 0 : i32
      %dma_wait3A_488 = arith.constant 0 : i32
      %dma_wait3A_489 = tpu.memref_slice %arg11[%dma_wait3A_487, %dma_wait3A_488] : memref<10240x128xf32, #tpu.memory_space<vmem_shared>> -> memref<10240x128xf32, #tpu.memory_space<vmem_shared>>
      tpu.wait_indirect_dma semaphore(%arg14 : memref<!tpu.dma_semaphore, #tpu.memory_space<semaphore_mem>>) src(%arg9 : memref<128x128xf32, #tpu.memory_space<vmem>>) dst(%dma_wait3A_489 : memref<10240x128xf32, #tpu.memory_space<vmem_shared>>)
      %dma_wait3A_490 = arith.constant 15 : i32
      %dma_wait3A_491 = arith.constant 0 : i32
      %dma_wait3A_492 = tpu.memref_slice %arg8[%dma_wait3A_490, %dma_wait3A_491] : memref<16x128xi32, #tpu.memory_space<vmem>> -> memref<1x128xi32, #tpu.memory_space<vmem>>
      %dma_wait3A_493 = tpu.memref_squeeze %dma_wait3A_492 : memref<1x128xi32, #tpu.memory_space<vmem>> -> memref<128xi32, #tpu.memory_space<vmem>>
      %dma_wait3A_494 = arith.constant 0 : i32
      %dma_wait3A_495 = arith.constant 0 : i32
      %dma_wait3A_496 = tpu.memref_slice %arg11[%dma_wait3A_494, %dma_wait3A_495] : memref<10240x128xf32, #tpu.memory_space<vmem_shared>> -> memref<10240x128xf32, #tpu.memory_space<vmem_shared>>
      tpu.wait_indirect_dma semaphore(%arg15 : memref<!tpu.dma_semaphore, #tpu.memory_space<semaphore_mem>>) src(%arg10 : memref<128x128xf32, #tpu.memory_space<vmem>>) dst(%dma_wait3A_496 : memref<10240x128xf32, #tpu.memory_space<vmem_shared>>)
    }
    %scan3A_18 = arith.constant 5 : i32
    %barrier3A_19 = arith.constant 0 : index
    tpu.barrier barrier_id(%barrier3A_19)
    %add3A_20 = arith.constant 0 : i32
    %add3A_21 = arith.addi %mul3A_0, %add3A_20 : i32
    "tpu.region"() ({
      %run_scoped3A = tpu.sem_alloc : memref<!tpu.dma_semaphore, #tpu.memory_space<semaphore_mem>>
      %dma_start3A = arith.constant 0 : i32
      %dma_start3A_40 = tpu.memref_slice %arg11[%add3A_21, %dma_start3A] : memref<10240x128xf32, #tpu.memory_space<vmem_shared>> -> memref<128x128xf32, #tpu.memory_space<vmem_shared>>
      %dma_start3A_41 = arith.constant 0 : i32
      %dma_start3A_42 = tpu.memref_slice %arg11[%add3A_21, %dma_start3A_41] : memref<10240x128xf32, #tpu.memory_space<vmem_shared>> -> memref<128x128xf32, #tpu.memory_space<vmem_shared>>
      tpu.enqueue_dma source(%dma_start3A_42 : memref<128x128xf32, #tpu.memory_space<vmem_shared>>) target(%arg9 : memref<128x128xf32, #tpu.memory_space<vmem>>) target_semaphore(%run_scoped3A : memref<!tpu.dma_semaphore, #tpu.memory_space<semaphore_mem>>)
      %dma_wait3A = arith.constant 0 : i32
      %dma_wait3A_43 = tpu.memref_slice %arg11[%add3A_21, %dma_wait3A] : memref<10240x128xf32, #tpu.memory_space<vmem_shared>> -> memref<128x128xf32, #tpu.memory_space<vmem_shared>>
      %dma_wait3A_44 = arith.constant 0 : i32
      %dma_wait3A_45 = tpu.memref_slice %arg11[%add3A_21, %dma_wait3A_44] : memref<10240x128xf32, #tpu.memory_space<vmem_shared>> -> memref<128x128xf32, #tpu.memory_space<vmem_shared>>
      tpu.wait_dma2 semaphore(%run_scoped3A : memref<!tpu.dma_semaphore, #tpu.memory_space<semaphore_mem>>) src(%dma_wait3A_45 : memref<128x128xf32, #tpu.memory_space<vmem_shared>>) dst(%arg9 : memref<128x128xf32, #tpu.memory_space<vmem>>)
      tpu.yield
    }) : () -> ()
    %add3A_22 = arith.constant 0 : i32
    %add3A_23 = arith.addi %mul3A_0, %add3A_22 : i32
    "tpu.region"() ({
      %run_scoped3A = tpu.sem_alloc : memref<!tpu.dma_semaphore, #tpu.memory_space<semaphore_mem>>
      %dma_start3A = arith.constant 0 : i32
      %dma_start3A_40 = tpu.memref_slice %arg6[%arg0, %add3A_23, %dma_start3A] : memref<2x10240x128xf32, #tpu.memory_space<hbm>> -> memref<1x128x128xf32, #tpu.memory_space<hbm>>
      %dma_start3A_41 = tpu.memref_squeeze %dma_start3A_40 : memref<1x128x128xf32, #tpu.memory_space<hbm>> -> memref<128x128xf32, #tpu.memory_space<hbm>>
      %dma_start3A_42 = arith.constant 0 : i32
      %dma_start3A_43 = tpu.memref_slice %arg6[%arg0, %add3A_23, %dma_start3A_42] : memref<2x10240x128xf32, #tpu.memory_space<hbm>> -> memref<1x128x128xf32, #tpu.memory_space<hbm>>
      %dma_start3A_44 = tpu.memref_squeeze %dma_start3A_43 : memref<1x128x128xf32, #tpu.memory_space<hbm>> -> memref<128x128xf32, #tpu.memory_space<hbm>>
      tpu.enqueue_dma source(%arg9 : memref<128x128xf32, #tpu.memory_space<vmem>>) target(%dma_start3A_44 : memref<128x128xf32, #tpu.memory_space<hbm>>) target_semaphore(%run_scoped3A : memref<!tpu.dma_semaphore, #tpu.memory_space<semaphore_mem>>)
      %dma_wait3A = arith.constant 0 : i32
      %dma_wait3A_45 = tpu.memref_slice %arg6[%arg0, %add3A_23, %dma_wait3A] : memref<2x10240x128xf32, #tpu.memory_space<hbm>> -> memref<1x128x128xf32, #tpu.memory_space<hbm>>
      %dma_wait3A_46 = tpu.memref_squeeze %dma_wait3A_45 : memref<1x128x128xf32, #tpu.memory_space<hbm>> -> memref<128x128xf32, #tpu.memory_space<hbm>>
      %dma_wait3A_47 = arith.constant 0 : i32
      %dma_wait3A_48 = tpu.memref_slice %arg6[%arg0, %add3A_23, %dma_wait3A_47] : memref<2x10240x128xf32, #tpu.memory_space<hbm>> -> memref<1x128x128xf32, #tpu.memory_space<hbm>>
      %dma_wait3A_49 = tpu.memref_squeeze %dma_wait3A_48 : memref<1x128x128xf32, #tpu.memory_space<hbm>> -> memref<128x128xf32, #tpu.memory_space<hbm>>
      tpu.wait_dma2 semaphore(%run_scoped3A : memref<!tpu.dma_semaphore, #tpu.memory_space<semaphore_mem>>) src(%arg9 : memref<128x128xf32, #tpu.memory_space<vmem>>) dst(%dma_wait3A_49 : memref<128x128xf32, #tpu.memory_space<hbm>>)
      tpu.yield
    }) : () -> ()
    %add3A_24 = arith.constant 128 : i32
    %add3A_25 = arith.addi %mul3A_0, %add3A_24 : i32
    "tpu.region"() ({
      %run_scoped3A = tpu.sem_alloc : memref<!tpu.dma_semaphore, #tpu.memory_space<semaphore_mem>>
      %dma_start3A = arith.constant 0 : i32
      %dma_start3A_40 = tpu.memref_slice %arg11[%add3A_25, %dma_start3A] : memref<10240x128xf32, #tpu.memory_space<vmem_shared>> -> memref<128x128xf32, #tpu.memory_space<vmem_shared>>
      %dma_start3A_41 = arith.constant 0 : i32
      %dma_start3A_42 = tpu.memref_slice %arg11[%add3A_25, %dma_start3A_41] : memref<10240x128xf32, #tpu.memory_space<vmem_shared>> -> memref<128x128xf32, #tpu.memory_space<vmem_shared>>
      tpu.enqueue_dma source(%dma_start3A_42 : memref<128x128xf32, #tpu.memory_space<vmem_shared>>) target(%arg9 : memref<128x128xf32, #tpu.memory_space<vmem>>) target_semaphore(%run_scoped3A : memref<!tpu.dma_semaphore, #tpu.memory_space<semaphore_mem>>)
      %dma_wait3A = arith.constant 0 : i32
      %dma_wait3A_43 = tpu.memref_slice %arg11[%add3A_25, %dma_wait3A] : memref<10240x128xf32, #tpu.memory_space<vmem_shared>> -> memref<128x128xf32, #tpu.memory_space<vmem_shared>>
      %dma_wait3A_44 = arith.constant 0 : i32
      %dma_wait3A_45 = tpu.memref_slice %arg11[%add3A_25, %dma_wait3A_44] : memref<10240x128xf32, #tpu.memory_space<vmem_shared>> -> memref<128x128xf32, #tpu.memory_space<vmem_shared>>
      tpu.wait_dma2 semaphore(%run_scoped3A : memref<!tpu.dma_semaphore, #tpu.memory_space<semaphore_mem>>) src(%dma_wait3A_45 : memref<128x128xf32, #tpu.memory_space<vmem_shared>>) dst(%arg9 : memref<128x128xf32, #tpu.memory_space<vmem>>)
      tpu.yield
    }) : () -> ()
    %add3A_26 = arith.constant 128 : i32
    %add3A_27 = arith.addi %mul3A_0, %add3A_26 : i32
    "tpu.region"() ({
      %run_scoped3A = tpu.sem_alloc : memref<!tpu.dma_semaphore, #tpu.memory_space<semaphore_mem>>
      %dma_start3A = arith.constant 0 : i32
      %dma_start3A_40 = tpu.memref_slice %arg6[%arg0, %add3A_27, %dma_start3A] : memref<2x10240x128xf32, #tpu.memory_space<hbm>> -> memref<1x128x128xf32, #tpu.memory_space<hbm>>
      %dma_start3A_41 = tpu.memref_squeeze %dma_start3A_40 : memref<1x128x128xf32, #tpu.memory_space<hbm>> -> memref<128x128xf32, #tpu.memory_space<hbm>>
      %dma_start3A_42 = arith.constant 0 : i32
      %dma_start3A_43 = tpu.memref_slice %arg6[%arg0, %add3A_27, %dma_start3A_42] : memref<2x10240x128xf32, #tpu.memory_space<hbm>> -> memref<1x128x128xf32, #tpu.memory_space<hbm>>
      %dma_start3A_44 = tpu.memref_squeeze %dma_start3A_43 : memref<1x128x128xf32, #tpu.memory_space<hbm>> -> memref<128x128xf32, #tpu.memory_space<hbm>>
      tpu.enqueue_dma source(%arg9 : memref<128x128xf32, #tpu.memory_space<vmem>>) target(%dma_start3A_44 : memref<128x128xf32, #tpu.memory_space<hbm>>) target_semaphore(%run_scoped3A : memref<!tpu.dma_semaphore, #tpu.memory_space<semaphore_mem>>)
      %dma_wait3A = arith.constant 0 : i32
      %dma_wait3A_45 = tpu.memref_slice %arg6[%arg0, %add3A_27, %dma_wait3A] : memref<2x10240x128xf32, #tpu.memory_space<hbm>> -> memref<1x128x128xf32, #tpu.memory_space<hbm>>
      %dma_wait3A_46 = tpu.memref_squeeze %dma_wait3A_45 : memref<1x128x128xf32, #tpu.memory_space<hbm>> -> memref<128x128xf32, #tpu.memory_space<hbm>>
      %dma_wait3A_47 = arith.constant 0 : i32
      %dma_wait3A_48 = tpu.memref_slice %arg6[%arg0, %add3A_27, %dma_wait3A_47] : memref<2x10240x128xf32, #tpu.memory_space<hbm>> -> memref<1x128x128xf32, #tpu.memory_space<hbm>>
      %dma_wait3A_49 = tpu.memref_squeeze %dma_wait3A_48 : memref<1x128x128xf32, #tpu.memory_space<hbm>> -> memref<128x128xf32, #tpu.memory_space<hbm>>
      tpu.wait_dma2 semaphore(%run_scoped3A : memref<!tpu.dma_semaphore, #tpu.memory_space<semaphore_mem>>) src(%arg9 : memref<128x128xf32, #tpu.memory_space<vmem>>) dst(%dma_wait3A_49 : memref<128x128xf32, #tpu.memory_space<hbm>>)
      tpu.yield
    }) : () -> ()
    %add3A_28 = arith.constant 256 : i32
    %add3A_29 = arith.addi %mul3A_0, %add3A_28 : i32
    "tpu.region"() ({
      %run_scoped3A = tpu.sem_alloc : memref<!tpu.dma_semaphore, #tpu.memory_space<semaphore_mem>>
      %dma_start3A = arith.constant 0 : i32
      %dma_start3A_40 = tpu.memref_slice %arg11[%add3A_29, %dma_start3A] : memref<10240x128xf32, #tpu.memory_space<vmem_shared>> -> memref<128x128xf32, #tpu.memory_space<vmem_shared>>
      %dma_start3A_41 = arith.constant 0 : i32
      %dma_start3A_42 = tpu.memref_slice %arg11[%add3A_29, %dma_start3A_41] : memref<10240x128xf32, #tpu.memory_space<vmem_shared>> -> memref<128x128xf32, #tpu.memory_space<vmem_shared>>
      tpu.enqueue_dma source(%dma_start3A_42 : memref<128x128xf32, #tpu.memory_space<vmem_shared>>) target(%arg9 : memref<128x128xf32, #tpu.memory_space<vmem>>) target_semaphore(%run_scoped3A : memref<!tpu.dma_semaphore, #tpu.memory_space<semaphore_mem>>)
      %dma_wait3A = arith.constant 0 : i32
      %dma_wait3A_43 = tpu.memref_slice %arg11[%add3A_29, %dma_wait3A] : memref<10240x128xf32, #tpu.memory_space<vmem_shared>> -> memref<128x128xf32, #tpu.memory_space<vmem_shared>>
      %dma_wait3A_44 = arith.constant 0 : i32
      %dma_wait3A_45 = tpu.memref_slice %arg11[%add3A_29, %dma_wait3A_44] : memref<10240x128xf32, #tpu.memory_space<vmem_shared>> -> memref<128x128xf32, #tpu.memory_space<vmem_shared>>
      tpu.wait_dma2 semaphore(%run_scoped3A : memref<!tpu.dma_semaphore, #tpu.memory_space<semaphore_mem>>) src(%dma_wait3A_45 : memref<128x128xf32, #tpu.memory_space<vmem_shared>>) dst(%arg9 : memref<128x128xf32, #tpu.memory_space<vmem>>)
      tpu.yield
    }) : () -> ()
    %add3A_30 = arith.constant 256 : i32
    %add3A_31 = arith.addi %mul3A_0, %add3A_30 : i32
    "tpu.region"() ({
      %run_scoped3A = tpu.sem_alloc : memref<!tpu.dma_semaphore, #tpu.memory_space<semaphore_mem>>
      %dma_start3A = arith.constant 0 : i32
      %dma_start3A_40 = tpu.memref_slice %arg6[%arg0, %add3A_31, %dma_start3A] : memref<2x10240x128xf32, #tpu.memory_space<hbm>> -> memref<1x128x128xf32, #tpu.memory_space<hbm>>
      %dma_start3A_41 = tpu.memref_squeeze %dma_start3A_40 : memref<1x128x128xf32, #tpu.memory_space<hbm>> -> memref<128x128xf32, #tpu.memory_space<hbm>>
      %dma_start3A_42 = arith.constant 0 : i32
      %dma_start3A_43 = tpu.memref_slice %arg6[%arg0, %add3A_31, %dma_start3A_42] : memref<2x10240x128xf32, #tpu.memory_space<hbm>> -> memref<1x128x128xf32, #tpu.memory_space<hbm>>
      %dma_start3A_44 = tpu.memref_squeeze %dma_start3A_43 : memref<1x128x128xf32, #tpu.memory_space<hbm>> -> memref<128x128xf32, #tpu.memory_space<hbm>>
      tpu.enqueue_dma source(%arg9 : memref<128x128xf32, #tpu.memory_space<vmem>>) target(%dma_start3A_44 : memref<128x128xf32, #tpu.memory_space<hbm>>) target_semaphore(%run_scoped3A : memref<!tpu.dma_semaphore, #tpu.memory_space<semaphore_mem>>)
      %dma_wait3A = arith.constant 0 : i32
      %dma_wait3A_45 = tpu.memref_slice %arg6[%arg0, %add3A_31, %dma_wait3A] : memref<2x10240x128xf32, #tpu.memory_space<hbm>> -> memref<1x128x128xf32, #tpu.memory_space<hbm>>
      %dma_wait3A_46 = tpu.memref_squeeze %dma_wait3A_45 : memref<1x128x128xf32, #tpu.memory_space<hbm>> -> memref<128x128xf32, #tpu.memory_space<hbm>>
      %dma_wait3A_47 = arith.constant 0 : i32
      %dma_wait3A_48 = tpu.memref_slice %arg6[%arg0, %add3A_31, %dma_wait3A_47] : memref<2x10240x128xf32, #tpu.memory_space<hbm>> -> memref<1x128x128xf32, #tpu.memory_space<hbm>>
      %dma_wait3A_49 = tpu.memref_squeeze %dma_wait3A_48 : memref<1x128x128xf32, #tpu.memory_space<hbm>> -> memref<128x128xf32, #tpu.memory_space<hbm>>
      tpu.wait_dma2 semaphore(%run_scoped3A : memref<!tpu.dma_semaphore, #tpu.memory_space<semaphore_mem>>) src(%arg9 : memref<128x128xf32, #tpu.memory_space<vmem>>) dst(%dma_wait3A_49 : memref<128x128xf32, #tpu.memory_space<hbm>>)
      tpu.yield
    }) : () -> ()
    %add3A_32 = arith.constant 384 : i32
    %add3A_33 = arith.addi %mul3A_0, %add3A_32 : i32
    "tpu.region"() ({
      %run_scoped3A = tpu.sem_alloc : memref<!tpu.dma_semaphore, #tpu.memory_space<semaphore_mem>>
      %dma_start3A = arith.constant 0 : i32
      %dma_start3A_40 = tpu.memref_slice %arg11[%add3A_33, %dma_start3A] : memref<10240x128xf32, #tpu.memory_space<vmem_shared>> -> memref<128x128xf32, #tpu.memory_space<vmem_shared>>
      %dma_start3A_41 = arith.constant 0 : i32
      %dma_start3A_42 = tpu.memref_slice %arg11[%add3A_33, %dma_start3A_41] : memref<10240x128xf32, #tpu.memory_space<vmem_shared>> -> memref<128x128xf32, #tpu.memory_space<vmem_shared>>
      tpu.enqueue_dma source(%dma_start3A_42 : memref<128x128xf32, #tpu.memory_space<vmem_shared>>) target(%arg9 : memref<128x128xf32, #tpu.memory_space<vmem>>) target_semaphore(%run_scoped3A : memref<!tpu.dma_semaphore, #tpu.memory_space<semaphore_mem>>)
      %dma_wait3A = arith.constant 0 : i32
      %dma_wait3A_43 = tpu.memref_slice %arg11[%add3A_33, %dma_wait3A] : memref<10240x128xf32, #tpu.memory_space<vmem_shared>> -> memref<128x128xf32, #tpu.memory_space<vmem_shared>>
      %dma_wait3A_44 = arith.constant 0 : i32
      %dma_wait3A_45 = tpu.memref_slice %arg11[%add3A_33, %dma_wait3A_44] : memref<10240x128xf32, #tpu.memory_space<vmem_shared>> -> memref<128x128xf32, #tpu.memory_space<vmem_shared>>
      tpu.wait_dma2 semaphore(%run_scoped3A : memref<!tpu.dma_semaphore, #tpu.memory_space<semaphore_mem>>) src(%dma_wait3A_45 : memref<128x128xf32, #tpu.memory_space<vmem_shared>>) dst(%arg9 : memref<128x128xf32, #tpu.memory_space<vmem>>)
      tpu.yield
    }) : () -> ()
    %add3A_34 = arith.constant 384 : i32
    %add3A_35 = arith.addi %mul3A_0, %add3A_34 : i32
    "tpu.region"() ({
      %run_scoped3A = tpu.sem_alloc : memref<!tpu.dma_semaphore, #tpu.memory_space<semaphore_mem>>
      %dma_start3A = arith.constant 0 : i32
      %dma_start3A_40 = tpu.memref_slice %arg6[%arg0, %add3A_35, %dma_start3A] : memref<2x10240x128xf32, #tpu.memory_space<hbm>> -> memref<1x128x128xf32, #tpu.memory_space<hbm>>
      %dma_start3A_41 = tpu.memref_squeeze %dma_start3A_40 : memref<1x128x128xf32, #tpu.memory_space<hbm>> -> memref<128x128xf32, #tpu.memory_space<hbm>>
      %dma_start3A_42 = arith.constant 0 : i32
      %dma_start3A_43 = tpu.memref_slice %arg6[%arg0, %add3A_35, %dma_start3A_42] : memref<2x10240x128xf32, #tpu.memory_space<hbm>> -> memref<1x128x128xf32, #tpu.memory_space<hbm>>
      %dma_start3A_44 = tpu.memref_squeeze %dma_start3A_43 : memref<1x128x128xf32, #tpu.memory_space<hbm>> -> memref<128x128xf32, #tpu.memory_space<hbm>>
      tpu.enqueue_dma source(%arg9 : memref<128x128xf32, #tpu.memory_space<vmem>>) target(%dma_start3A_44 : memref<128x128xf32, #tpu.memory_space<hbm>>) target_semaphore(%run_scoped3A : memref<!tpu.dma_semaphore, #tpu.memory_space<semaphore_mem>>)
      %dma_wait3A = arith.constant 0 : i32
      %dma_wait3A_45 = tpu.memref_slice %arg6[%arg0, %add3A_35, %dma_wait3A] : memref<2x10240x128xf32, #tpu.memory_space<hbm>> -> memref<1x128x128xf32, #tpu.memory_space<hbm>>
      %dma_wait3A_46 = tpu.memref_squeeze %dma_wait3A_45 : memref<1x128x128xf32, #tpu.memory_space<hbm>> -> memref<128x128xf32, #tpu.memory_space<hbm>>
      %dma_wait3A_47 = arith.constant 0 : i32
      %dma_wait3A_48 = tpu.memref_slice %arg6[%arg0, %add3A_35, %dma_wait3A_47] : memref<2x10240x128xf32, #tpu.memory_space<hbm>> -> memref<1x128x128xf32, #tpu.memory_space<hbm>>
      %dma_wait3A_49 = tpu.memref_squeeze %dma_wait3A_48 : memref<1x128x128xf32, #tpu.memory_space<hbm>> -> memref<128x128xf32, #tpu.memory_space<hbm>>
      tpu.wait_dma2 semaphore(%run_scoped3A : memref<!tpu.dma_semaphore, #tpu.memory_space<semaphore_mem>>) src(%arg9 : memref<128x128xf32, #tpu.memory_space<vmem>>) dst(%dma_wait3A_49 : memref<128x128xf32, #tpu.memory_space<hbm>>)
      tpu.yield
    }) : () -> ()
    %add3A_36 = arith.constant 512 : i32
    %add3A_37 = arith.addi %mul3A_0, %add3A_36 : i32
    "tpu.region"() ({
      %run_scoped3A = tpu.sem_alloc : memref<!tpu.dma_semaphore, #tpu.memory_space<semaphore_mem>>
      %dma_start3A = arith.constant 0 : i32
      %dma_start3A_40 = tpu.memref_slice %arg11[%add3A_37, %dma_start3A] : memref<10240x128xf32, #tpu.memory_space<vmem_shared>> -> memref<128x128xf32, #tpu.memory_space<vmem_shared>>
      %dma_start3A_41 = arith.constant 0 : i32
      %dma_start3A_42 = tpu.memref_slice %arg11[%add3A_37, %dma_start3A_41] : memref<10240x128xf32, #tpu.memory_space<vmem_shared>> -> memref<128x128xf32, #tpu.memory_space<vmem_shared>>
      tpu.enqueue_dma source(%dma_start3A_42 : memref<128x128xf32, #tpu.memory_space<vmem_shared>>) target(%arg9 : memref<128x128xf32, #tpu.memory_space<vmem>>) target_semaphore(%run_scoped3A : memref<!tpu.dma_semaphore, #tpu.memory_space<semaphore_mem>>)
      %dma_wait3A = arith.constant 0 : i32
      %dma_wait3A_43 = tpu.memref_slice %arg11[%add3A_37, %dma_wait3A] : memref<10240x128xf32, #tpu.memory_space<vmem_shared>> -> memref<128x128xf32, #tpu.memory_space<vmem_shared>>
      %dma_wait3A_44 = arith.constant 0 : i32
      %dma_wait3A_45 = tpu.memref_slice %arg11[%add3A_37, %dma_wait3A_44] : memref<10240x128xf32, #tpu.memory_space<vmem_shared>> -> memref<128x128xf32, #tpu.memory_space<vmem_shared>>
      tpu.wait_dma2 semaphore(%run_scoped3A : memref<!tpu.dma_semaphore, #tpu.memory_space<semaphore_mem>>) src(%dma_wait3A_45 : memref<128x128xf32, #tpu.memory_space<vmem_shared>>) dst(%arg9 : memref<128x128xf32, #tpu.memory_space<vmem>>)
      tpu.yield
    }) : () -> ()
    %add3A_38 = arith.constant 512 : i32
    %add3A_39 = arith.addi %mul3A_0, %add3A_38 : i32
    "tpu.region"() ({
      %run_scoped3A = tpu.sem_alloc : memref<!tpu.dma_semaphore, #tpu.memory_space<semaphore_mem>>
      %dma_start3A = arith.constant 0 : i32
      %dma_start3A_40 = tpu.memref_slice %arg6[%arg0, %add3A_39, %dma_start3A] : memref<2x10240x128xf32, #tpu.memory_space<hbm>> -> memref<1x128x128xf32, #tpu.memory_space<hbm>>
      %dma_start3A_41 = tpu.memref_squeeze %dma_start3A_40 : memref<1x128x128xf32, #tpu.memory_space<hbm>> -> memref<128x128xf32, #tpu.memory_space<hbm>>
      %dma_start3A_42 = arith.constant 0 : i32
      %dma_start3A_43 = tpu.memref_slice %arg6[%arg0, %add3A_39, %dma_start3A_42] : memref<2x10240x128xf32, #tpu.memory_space<hbm>> -> memref<1x128x128xf32, #tpu.memory_space<hbm>>
      %dma_start3A_44 = tpu.memref_squeeze %dma_start3A_43 : memref<1x128x128xf32, #tpu.memory_space<hbm>> -> memref<128x128xf32, #tpu.memory_space<hbm>>
      tpu.enqueue_dma source(%arg9 : memref<128x128xf32, #tpu.memory_space<vmem>>) target(%dma_start3A_44 : memref<128x128xf32, #tpu.memory_space<hbm>>) target_semaphore(%run_scoped3A : memref<!tpu.dma_semaphore, #tpu.memory_space<semaphore_mem>>)
      %dma_wait3A = arith.constant 0 : i32
      %dma_wait3A_45 = tpu.memref_slice %arg6[%arg0, %add3A_39, %dma_wait3A] : memref<2x10240x128xf32, #tpu.memory_space<hbm>> -> memref<1x128x128xf32, #tpu.memory_space<hbm>>
      %dma_wait3A_46 = tpu.memref_squeeze %dma_wait3A_45 : memref<1x128x128xf32, #tpu.memory_space<hbm>> -> memref<128x128xf32, #tpu.memory_space<hbm>>
      %dma_wait3A_47 = arith.constant 0 : i32
      %dma_wait3A_48 = tpu.memref_slice %arg6[%arg0, %add3A_39, %dma_wait3A_47] : memref<2x10240x128xf32, #tpu.memory_space<hbm>> -> memref<1x128x128xf32, #tpu.memory_space<hbm>>
      %dma_wait3A_49 = tpu.memref_squeeze %dma_wait3A_48 : memref<1x128x128xf32, #tpu.memory_space<hbm>> -> memref<128x128xf32, #tpu.memory_space<hbm>>
      tpu.wait_dma2 semaphore(%run_scoped3A : memref<!tpu.dma_semaphore, #tpu.memory_space<semaphore_mem>>) src(%arg9 : memref<128x128xf32, #tpu.memory_space<vmem>>) dst(%dma_wait3A_49 : memref<128x128xf32, #tpu.memory_space<hbm>>)
      tpu.yield
    }) : () -> ()
    return
  }
}

module attributes {stable_mosaic.version = 14 : i64} {
  func.func @_log1p_body(%arg0: i32, %arg1: memref<2048x128xf32, #tpu.memory_space<vmem>>, %arg2: memref<2048x128xf32, #tpu.memory_space<vmem>>) attributes {dimension_semantics = [#tpu.dimension_semantics<arbitrary>], iteration_bounds = array<i64: 5>, scalar_prefetch = 0 : i64, scratch_operands = 0 : i64, tpu.core_type = #tpu.core_type<tc>, window_params = [{transform_indices = @transform_0, window_bounds = array<i64: 2048, 128>}, {transform_indices = @transform_1, window_bounds = array<i64: 2048, 128>}]} {
    %get3A = arith.constant 0 : index
    %get3A_0 = arith.constant 0 : index
    %get3A_1 = vector.load %arg1[%get3A, %get3A_0] : memref<2048x128xf32, #tpu.memory_space<vmem>>, vector<2048x128xf32>
    %add3A = arith.constant 1.000000e+00 : f32
    %add3A_2 = vector.broadcast %add3A : f32 to vector<2048x128xf32>
    %add3A_3 = arith.addf %get3A_1, %add3A_2 : vector<2048x128xf32>
    %log3A = math.log %add3A_3 : vector<2048x128xf32>
    %swap3A = arith.constant 0 : index
    %swap3A_4 = arith.constant 0 : index
    %swap3A_5 = vector.load %arg2[%swap3A, %swap3A_4] : memref<2048x128xf32, #tpu.memory_space<vmem>>, vector<2048x128xf32>
    tpu.vector_store %arg2[%swap3A, %swap3A_4], %log3A {strides = array<i32>} : memref<2048x128xf32, #tpu.memory_space<vmem>>, vector<2048x128xf32>,
    return
  }
  func.func @transform_0(%arg0: i32) -> (i32, i32) {
    %c0_i32 = arith.constant 0 : i32
    %c0_i32_0 = arith.constant 0 : i32
    return %arg0, %c0_i32 : i32, i32
  }
  func.func @transform_1(%arg0: i32) -> (i32, i32) {
    %c0_i32 = arith.constant 0 : i32
    %c0_i32_0 = arith.constant 0 : i32
    return %arg0, %c0_i32 : i32, i32
  }
}

module attributes {stable_mosaic.version = 14 : i64} {
  func.func @_dense1_body(%arg0: i32, %arg1: memref<2048x128xf32, #tpu.memory_space<vmem>>, %arg2: memref<2x2048x128xf32, #tpu.memory_space<vmem>>, %arg3: memref<2x2048x128xf32, #tpu.memory_space<vmem>>, %arg4: memref<128x128xf32, #tpu.memory_space<vmem>>, %arg5: memref<128x128xf32, #tpu.memory_space<vmem>>, %arg6: memref<1x128xf32, #tpu.memory_space<vmem>>, %arg7: memref<2048x128xf32, #tpu.memory_space<vmem>>) attributes {dimension_semantics = [#tpu.dimension_semantics<arbitrary>], iteration_bounds = array<i64: 5>, scalar_prefetch = 0 : i64, scratch_operands = 0 : i64, tpu.core_type = #tpu.core_type<tc>, window_params = [{transform_indices = @transform_0, window_bounds = array<i64: 2048, 128>}, {transform_indices = @transform_1, window_bounds = array<i64: 2, 2048, 128>}, {transform_indices = @transform_2, window_bounds = array<i64: 2, 2048, 128>}, {pipeline_mode = #tpu.pipeline_mode<synchronous>, transform_indices = @transform_3, window_bounds = array<i64: 128, 128>}, {pipeline_mode = #tpu.pipeline_mode<synchronous>, transform_indices = @transform_4, window_bounds = array<i64: 128, 128>}, {pipeline_mode = #tpu.pipeline_mode<synchronous>, transform_indices = @transform_5, window_bounds = array<i64: 1, 128>}, {transform_indices = @transform_6, window_bounds = array<i64: 2048, 128>}]} {
    %get3A = arith.constant 0 : index
    %get3A_0 = arith.constant 0 : index
    %get3A_1 = arith.constant 0 : index
    %get3A_2 = vector.load %arg2[%get3A, %get3A_0, %get3A_1] : memref<2x2048x128xf32, #tpu.memory_space<vmem>>, vector<1x2048x128xf32>
    %get3A_3 = vector.shape_cast %get3A_2 : vector<1x2048x128xf32> to vector<2048x128xf32>
    %get3A_4 = arith.constant 1 : index
    %get3A_5 = arith.constant 0 : index
    %get3A_6 = arith.constant 0 : index
    %get3A_7 = vector.load %arg2[%get3A_4, %get3A_5, %get3A_6] : memref<2x2048x128xf32, #tpu.memory_space<vmem>>, vector<1x2048x128xf32>
    %get3A_8 = vector.shape_cast %get3A_7 : vector<1x2048x128xf32> to vector<2048x128xf32>
    %add3A = arith.addf %get3A_3, %get3A_8 : vector<2048x128xf32>
    %get3A_9 = arith.constant 0 : index
    %get3A_10 = arith.constant 0 : index
    %get3A_11 = arith.constant 0 : index
    %get3A_12 = vector.load %arg3[%get3A_9, %get3A_10, %get3A_11] : memref<2x2048x128xf32, #tpu.memory_space<vmem>>, vector<1x2048x1xf32>
    %get3A_13 = vector.shape_cast %get3A_12 : vector<1x2048x1xf32> to vector<2048x1xf32>
    %get3A_14 = arith.constant 1 : index
    %get3A_15 = arith.constant 0 : index
    %get3A_16 = arith.constant 0 : index
    %get3A_17 = vector.load %arg3[%get3A_14, %get3A_15, %get3A_16] : memref<2x2048x128xf32, #tpu.memory_space<vmem>>, vector<1x2048x1xf32>
    %get3A_18 = vector.shape_cast %get3A_17 : vector<1x2048x1xf32> to vector<2048x1xf32>
    %add3A_19 = arith.addf %get3A_13, %get3A_18 : vector<2048x1xf32>
    %max3A = arith.constant 1.000000e+00 : f32
    %max3A_20 = vector.broadcast %max3A : f32 to vector<2048x1xf32>
    %max3A_21 = arith.maximumf %add3A_19, %max3A_20 : vector<2048x1xf32>
    %div3A = vector.broadcast %max3A_21 : vector<2048x1xf32> to vector<2048x128xf32>
    %div3A_22 = arith.divf %add3A, %div3A : vector<2048x128xf32>
    %get3A_23 = arith.constant 0 : index
    %get3A_24 = arith.constant 0 : index
    %get3A_25 = vector.load %arg1[%get3A_23, %get3A_24] : memref<2048x128xf32, #tpu.memory_space<vmem>>, vector<2048x128xf32>
    %get3A_26 = arith.constant 0 : index
    %get3A_27 = arith.constant 0 : index
    %get3A_28 = vector.load %arg4[%get3A_26, %get3A_27] : memref<128x128xf32, #tpu.memory_space<vmem>>, vector<128x128xf32>
    %dot_general3A = arith.constant dense<0.000000e+00> : vector<2048x128xf32>
    %dot_general3A_29 = tpu.matmul %get3A_25, %get3A_28, %dot_general3A {dimension_numbers = #tpu.dot_dimension_numbers<[1], [0], [0], [1], [0, 0, 1, 1], [], []>, transpose_lhs_hint = false} : vector<2048x128xf32>, vector<128x128xf32>, vector<2048x128xf32> -> vector<2048x128xf32>
    %get3A_30 = arith.constant 0 : index
    %get3A_31 = arith.constant 0 : index
    %get3A_32 = vector.load %arg5[%get3A_30, %get3A_31] : memref<128x128xf32, #tpu.memory_space<vmem>>, vector<128x128xf32>
    %dot_general3A_33 = arith.constant dense<0.000000e+00> : vector<2048x128xf32>
    %dot_general3A_34 = tpu.matmul %div3A_22, %get3A_32, %dot_general3A_33 {dimension_numbers = #tpu.dot_dimension_numbers<[1], [0], [0], [1], [0, 0, 1, 1], [], []>, transpose_lhs_hint = false} : vector<2048x128xf32>, vector<128x128xf32>, vector<2048x128xf32> -> vector<2048x128xf32>
    %add3A_35 = arith.addf %dot_general3A_29, %dot_general3A_34 : vector<2048x128xf32>
    %get3A_36 = arith.constant 0 : index
    %get3A_37 = arith.constant 0 : index
    %get3A_38 = vector.load %arg6[%get3A_36, %get3A_37] : memref<1x128xf32, #tpu.memory_space<vmem>>, vector<1x128xf32>
    %add3A_39 = vector.broadcast %get3A_38 : vector<1x128xf32> to vector<2048x128xf32>
    %add3A_40 = arith.addf %add3A_35, %add3A_39 : vector<2048x128xf32>
    %max3A_41 = arith.constant 0.000000e+00 : f32
    %max3A_42 = vector.broadcast %max3A_41 : f32 to vector<2048x128xf32>
    %max3A_43 = arith.maximumf %add3A_40, %max3A_42 : vector<2048x128xf32>
    %mul3A = arith.mulf %max3A_43, %max3A_43 : vector<2048x128xf32>
    %reduce_sum3A = arith.constant dense<0.000000e+00> : vector<2048xf32>
    %reduce_sum3A_44 = vector.multi_reduction <add>, %mul3A, %reduce_sum3A [1] : vector<2048x128xf32> to vector<2048xf32>
    %broadcast_in_dim3A = vector.shape_cast %reduce_sum3A_44 : vector<2048xf32> to vector<2048x1xf32>
    %sqrt3A = math.sqrt %broadcast_in_dim3A : vector<2048x1xf32>
    %max3A_45 = arith.constant 9.99999996E-13 : f32
    %max3A_46 = vector.broadcast %max3A_45 : f32 to vector<2048x1xf32>
    %max3A_47 = arith.maximumf %sqrt3A, %max3A_46 : vector<2048x1xf32>
    %div3A_48 = vector.broadcast %max3A_47 : vector<2048x1xf32> to vector<2048x128xf32>
    %div3A_49 = arith.divf %max3A_43, %div3A_48 : vector<2048x128xf32>
    %swap3A = arith.constant 0 : index
    %swap3A_50 = arith.constant 0 : index
    %swap3A_51 = vector.load %arg7[%swap3A, %swap3A_50] : memref<2048x128xf32, #tpu.memory_space<vmem>>, vector<2048x128xf32>
    tpu.vector_store %arg7[%swap3A, %swap3A_50], %div3A_49 {strides = array<i32>} : memref<2048x128xf32, #tpu.memory_space<vmem>>, vector<2048x128xf32>,
    return
  }
  func.func @transform_0(%arg0: i32) -> (i32, i32) {
    %c0_i32 = arith.constant 0 : i32
    %c0_i32_0 = arith.constant 0 : i32
    return %arg0, %c0_i32 : i32, i32
  }
  func.func @transform_1(%arg0: i32) -> (i32, i32, i32) {
    %c0_i32 = arith.constant 0 : i32
    %c0_i32_0 = arith.constant 0 : i32
    %c0_i32_1 = arith.constant 0 : i32
    return %c0_i32, %arg0, %c0_i32_0 : i32, i32, i32
  }
  func.func @transform_2(%arg0: i32) -> (i32, i32, i32) {
    %c0_i32 = arith.constant 0 : i32
    %c0_i32_0 = arith.constant 0 : i32
    %c0_i32_1 = arith.constant 0 : i32
    return %c0_i32, %arg0, %c0_i32_0 : i32, i32, i32
  }
  func.func @transform_3(%arg0: i32) -> (i32, i32) {
    %c0_i32 = arith.constant 0 : i32
    %c0_i32_0 = arith.constant 0 : i32
    %c0_i32_1 = arith.constant 0 : i32
    return %c0_i32, %c0_i32_0 : i32, i32
  }
  func.func @transform_4(%arg0: i32) -> (i32, i32) {
    %c0_i32 = arith.constant 0 : i32
    %c0_i32_0 = arith.constant 0 : i32
    %c0_i32_1 = arith.constant 0 : i32
    return %c0_i32, %c0_i32_0 : i32, i32
  }
  func.func @transform_5(%arg0: i32) -> (i32, i32) {
    %c0_i32 = arith.constant 0 : i32
    %c0_i32_0 = arith.constant 0 : i32
    %c0_i32_1 = arith.constant 0 : i32
    return %c0_i32, %c0_i32_0 : i32, i32
  }
  func.func @transform_6(%arg0: i32) -> (i32, i32) {
    %c0_i32 = arith.constant 0 : i32
    %c0_i32_0 = arith.constant 0 : i32
    return %arg0, %c0_i32 : i32, i32
  }
}

module attributes {stable_mosaic.version = 14 : i64} {
  func.func @_dense2_body(%arg0: i32, %arg1: memref<2048x128xf32, #tpu.memory_space<vmem>>, %arg2: memref<2x2048x128xf32, #tpu.memory_space<vmem>>, %arg3: memref<2x2048x128xf32, #tpu.memory_space<vmem>>, %arg4: memref<128x128xf32, #tpu.memory_space<vmem>>, %arg5: memref<128x128xf32, #tpu.memory_space<vmem>>, %arg6: memref<1x128xf32, #tpu.memory_space<vmem>>, %arg7: memref<128x128xf32, #tpu.memory_space<vmem>>, %arg8: memref<1x128xf32, #tpu.memory_space<vmem>>, %arg9: memref<128x128xf32, #tpu.memory_space<vmem>>, %arg10: memref<1x128xf32, #tpu.memory_space<vmem>>, %arg11: memref<2048x128xf32, #tpu.memory_space<vmem>>, %arg12: memref<2048x128xf32, #tpu.memory_space<vmem>>, %arg13: memref<2048x128xf32, #tpu.memory_space<vmem>>, %arg14: memref<2048x128xf32, #tpu.memory_space<vmem>>) attributes {dimension_semantics = [#tpu.dimension_semantics<arbitrary>], iteration_bounds = array<i64: 5>, scalar_prefetch = 0 : i64, scratch_operands = 0 : i64, tpu.core_type = #tpu.core_type<tc>, window_params = [{transform_indices = @transform_0, window_bounds = array<i64: 2048, 128>}, {transform_indices = @transform_1, window_bounds = array<i64: 2, 2048, 128>}, {transform_indices = @transform_2, window_bounds = array<i64: 2, 2048, 128>}, {pipeline_mode = #tpu.pipeline_mode<synchronous>, transform_indices = @transform_3, window_bounds = array<i64: 128, 128>}, {pipeline_mode = #tpu.pipeline_mode<synchronous>, transform_indices = @transform_4, window_bounds = array<i64: 128, 128>}, {pipeline_mode = #tpu.pipeline_mode<synchronous>, transform_indices = @transform_5, window_bounds = array<i64: 1, 128>}, {pipeline_mode = #tpu.pipeline_mode<synchronous>, transform_indices = @transform_6, window_bounds = array<i64: 128, 128>}, {pipeline_mode = #tpu.pipeline_mode<synchronous>, transform_indices = @transform_7, window_bounds = array<i64: 1, 128>}, {pipeline_mode = #tpu.pipeline_mode<synchronous>, transform_indices = @transform_8, window_bounds = array<i64: 128, 128>}, {pipeline_mode = #tpu.pipeline_mode<synchronous>, transform_indices = @transform_9, window_bounds = array<i64: 1, 128>}, {transform_indices = @transform_10, window_bounds = array<i64: 2048, 128>}, {transform_indices = @transform_11, window_bounds = array<i64: 2048, 128>}, {transform_indices = @transform_12, window_bounds = array<i64: 2048, 128>}, {transform_indices = @transform_13, window_bounds = array<i64: 2048, 128>}]} {
    %get3A = arith.constant 0 : index
    %get3A_0 = arith.constant 0 : index
    %get3A_1 = arith.constant 0 : index
    %get3A_2 = vector.load %arg2[%get3A, %get3A_0, %get3A_1] : memref<2x2048x128xf32, #tpu.memory_space<vmem>>, vector<1x2048x128xf32>
    %get3A_3 = vector.shape_cast %get3A_2 : vector<1x2048x128xf32> to vector<2048x128xf32>
    %get3A_4 = arith.constant 1 : index
    %get3A_5 = arith.constant 0 : index
    %get3A_6 = arith.constant 0 : index
    %get3A_7 = vector.load %arg2[%get3A_4, %get3A_5, %get3A_6] : memref<2x2048x128xf32, #tpu.memory_space<vmem>>, vector<1x2048x128xf32>
    %get3A_8 = vector.shape_cast %get3A_7 : vector<1x2048x128xf32> to vector<2048x128xf32>
    %add3A = arith.addf %get3A_3, %get3A_8 : vector<2048x128xf32>
    %get3A_9 = arith.constant 0 : index
    %get3A_10 = arith.constant 0 : index
    %get3A_11 = arith.constant 0 : index
    %get3A_12 = vector.load %arg3[%get3A_9, %get3A_10, %get3A_11] : memref<2x2048x128xf32, #tpu.memory_space<vmem>>, vector<1x2048x1xf32>
    %get3A_13 = vector.shape_cast %get3A_12 : vector<1x2048x1xf32> to vector<2048x1xf32>
    %get3A_14 = arith.constant 1 : index
    %get3A_15 = arith.constant 0 : index
    %get3A_16 = arith.constant 0 : index
    %get3A_17 = vector.load %arg3[%get3A_14, %get3A_15, %get3A_16] : memref<2x2048x128xf32, #tpu.memory_space<vmem>>, vector<1x2048x1xf32>
    %get3A_18 = vector.shape_cast %get3A_17 : vector<1x2048x1xf32> to vector<2048x1xf32>
    %add3A_19 = arith.addf %get3A_13, %get3A_18 : vector<2048x1xf32>
    %max3A = arith.constant 1.000000e+00 : f32
    %max3A_20 = vector.broadcast %max3A : f32 to vector<2048x1xf32>
    %max3A_21 = arith.maximumf %add3A_19, %max3A_20 : vector<2048x1xf32>
    %div3A = vector.broadcast %max3A_21 : vector<2048x1xf32> to vector<2048x128xf32>
    %div3A_22 = arith.divf %add3A, %div3A : vector<2048x128xf32>
    %get3A_23 = arith.constant 0 : index
    %get3A_24 = arith.constant 0 : index
    %get3A_25 = vector.load %arg1[%get3A_23, %get3A_24] : memref<2048x128xf32, #tpu.memory_space<vmem>>, vector<2048x128xf32>
    %get3A_26 = arith.constant 0 : index
    %get3A_27 = arith.constant 0 : index
    %get3A_28 = vector.load %arg4[%get3A_26, %get3A_27] : memref<128x128xf32, #tpu.memory_space<vmem>>, vector<128x128xf32>
    %dot_general3A = arith.constant dense<0.000000e+00> : vector<2048x128xf32>
    %dot_general3A_29 = tpu.matmul %get3A_25, %get3A_28, %dot_general3A {dimension_numbers = #tpu.dot_dimension_numbers<[1], [0], [0], [1], [0, 0, 1, 1], [], []>, transpose_lhs_hint = false} : vector<2048x128xf32>, vector<128x128xf32>, vector<2048x128xf32> -> vector<2048x128xf32>
    %get3A_30 = arith.constant 0 : index
    %get3A_31 = arith.constant 0 : index
    %get3A_32 = vector.load %arg5[%get3A_30, %get3A_31] : memref<128x128xf32, #tpu.memory_space<vmem>>, vector<128x128xf32>
    %dot_general3A_33 = arith.constant dense<0.000000e+00> : vector<2048x128xf32>
    %dot_general3A_34 = tpu.matmul %div3A_22, %get3A_32, %dot_general3A_33 {dimension_numbers = #tpu.dot_dimension_numbers<[1], [0], [0], [1], [0, 0, 1, 1], [], []>, transpose_lhs_hint = false} : vector<2048x128xf32>, vector<128x128xf32>, vector<2048x128xf32> -> vector<2048x128xf32>
    %add3A_35 = arith.addf %dot_general3A_29, %dot_general3A_34 : vector<2048x128xf32>
    %get3A_36 = arith.constant 0 : index
    %get3A_37 = arith.constant 0 : index
    %get3A_38 = vector.load %arg6[%get3A_36, %get3A_37] : memref<1x128xf32, #tpu.memory_space<vmem>>, vector<1x128xf32>
    %add3A_39 = vector.broadcast %get3A_38 : vector<1x128xf32> to vector<2048x128xf32>
    %add3A_40 = arith.addf %add3A_35, %add3A_39 : vector<2048x128xf32>
    %get3A_41 = arith.constant 0 : index
    %get3A_42 = arith.constant 0 : index
    %get3A_43 = vector.load %arg7[%get3A_41, %get3A_42] : memref<128x128xf32, #tpu.memory_space<vmem>>, vector<128x128xf32>
    %dot_general3A_44 = arith.constant dense<0.000000e+00> : vector<2048x128xf32>
    %dot_general3A_45 = tpu.matmul %add3A_40, %get3A_43, %dot_general3A_44 {dimension_numbers = #tpu.dot_dimension_numbers<[1], [0], [0], [1], [0, 0, 1, 1], [], []>, transpose_lhs_hint = false} : vector<2048x128xf32>, vector<128x128xf32>, vector<2048x128xf32> -> vector<2048x128xf32>
    %get3A_46 = arith.constant 0 : index
    %get3A_47 = arith.constant 0 : index
    %get3A_48 = vector.load %arg8[%get3A_46, %get3A_47] : memref<1x128xf32, #tpu.memory_space<vmem>>, vector<1x128xf32>
    %add3A_49 = vector.broadcast %get3A_48 : vector<1x128xf32> to vector<2048x128xf32>
    %add3A_50 = arith.addf %dot_general3A_45, %add3A_49 : vector<2048x128xf32>
    %get3A_51 = arith.constant 0 : index
    %get3A_52 = arith.constant 0 : index
    %get3A_53 = vector.load %arg9[%get3A_51, %get3A_52] : memref<128x128xf32, #tpu.memory_space<vmem>>, vector<128x128xf32>
    %dot_general3A_54 = arith.constant dense<0.000000e+00> : vector<2048x128xf32>
    %dot_general3A_55 = tpu.matmul %add3A_40, %get3A_53, %dot_general3A_54 {dimension_numbers = #tpu.dot_dimension_numbers<[1], [0], [0], [1], [0, 0, 1, 1], [], []>, transpose_lhs_hint = false} : vector<2048x128xf32>, vector<128x128xf32>, vector<2048x128xf32> -> vector<2048x128xf32>
    %get3A_56 = arith.constant 0 : index
    %get3A_57 = arith.constant 0 : index
    %get3A_58 = vector.load %arg10[%get3A_56, %get3A_57] : memref<1x128xf32, #tpu.memory_space<vmem>>, vector<1x128xf32>
    %add3A_59 = vector.broadcast %get3A_58 : vector<1x128xf32> to vector<2048x128xf32>
    %add3A_60 = arith.addf %dot_general3A_55, %add3A_59 : vector<2048x128xf32>
    %swap3A = arith.constant 0 : index
    %swap3A_61 = arith.constant 0 : index
    %swap3A_62 = vector.load %arg13[%swap3A, %swap3A_61] : memref<2048x128xf32, #tpu.memory_space<vmem>>, vector<2048x128xf32>
    tpu.vector_store %arg13[%swap3A, %swap3A_61], %add3A_50 {strides = array<i32>} : memref<2048x128xf32, #tpu.memory_space<vmem>>, vector<2048x128xf32>,
    %swap3A_63 = arith.constant 0 : index
    %swap3A_64 = arith.constant 0 : index
    %swap3A_65 = vector.load %arg14[%swap3A_63, %swap3A_64] : memref<2048x128xf32, #tpu.memory_space<vmem>>, vector<2048x128xf32>
    tpu.vector_store %arg14[%swap3A_63, %swap3A_64], %add3A_60 {strides = array<i32>} : memref<2048x128xf32, #tpu.memory_space<vmem>>, vector<2048x128xf32>,
    %exp3A = math.exp %add3A_60 : vector<2048x128xf32>
    %add3A_66 = arith.constant 9.99999993E-9 : f32
    %add3A_67 = vector.broadcast %add3A_66 : f32 to vector<2048x128xf32>
    %add3A_68 = arith.addf %exp3A, %add3A_67 : vector<2048x128xf32>
    %sqrt3A = math.sqrt %add3A_68 : vector<2048x128xf32>
    %get3A_69 = arith.constant 0 : index
    %get3A_70 = arith.constant 0 : index
    %get3A_71 = vector.load %arg11[%get3A_69, %get3A_70] : memref<2048x128xf32, #tpu.memory_space<vmem>>, vector<2048x128xf32>
    %mul3A = arith.mulf %sqrt3A, %get3A_71 : vector<2048x128xf32>
    %add3A_72 = arith.addf %add3A_50, %mul3A : vector<2048x128xf32>
    %swap3A_73 = arith.constant 0 : index
    %swap3A_74 = arith.constant 0 : index
    %swap3A_75 = vector.load %arg12[%swap3A_73, %swap3A_74] : memref<2048x128xf32, #tpu.memory_space<vmem>>, vector<2048x128xf32>
    tpu.vector_store %arg12[%swap3A_73, %swap3A_74], %add3A_72 {strides = array<i32>} : memref<2048x128xf32, #tpu.memory_space<vmem>>, vector<2048x128xf32>,
    return
  }
  func.func @transform_0(%arg0: i32) -> (i32, i32) {
    %c0_i32 = arith.constant 0 : i32
    %c0_i32_0 = arith.constant 0 : i32
    return %arg0, %c0_i32 : i32, i32
  }
  func.func @transform_1(%arg0: i32) -> (i32, i32, i32) {
    %c0_i32 = arith.constant 0 : i32
    %c0_i32_0 = arith.constant 0 : i32
    %c0_i32_1 = arith.constant 0 : i32
    return %c0_i32, %arg0, %c0_i32_0 : i32, i32, i32
  }
  func.func @transform_2(%arg0: i32) -> (i32, i32, i32) {
    %c0_i32 = arith.constant 0 : i32
    %c0_i32_0 = arith.constant 0 : i32
    %c0_i32_1 = arith.constant 0 : i32
    return %c0_i32, %arg0, %c0_i32_0 : i32, i32, i32
  }
  func.func @transform_3(%arg0: i32) -> (i32, i32) {
    %c0_i32 = arith.constant 0 : i32
    %c0_i32_0 = arith.constant 0 : i32
    %c0_i32_1 = arith.constant 0 : i32
    return %c0_i32, %c0_i32_0 : i32, i32
  }
  func.func @transform_4(%arg0: i32) -> (i32, i32) {
    %c0_i32 = arith.constant 0 : i32
    %c0_i32_0 = arith.constant 0 : i32
    %c0_i32_1 = arith.constant 0 : i32
    return %c0_i32, %c0_i32_0 : i32, i32
  }
  func.func @transform_5(%arg0: i32) -> (i32, i32) {
    %c0_i32 = arith.constant 0 : i32
    %c0_i32_0 = arith.constant 0 : i32
    %c0_i32_1 = arith.constant 0 : i32
    return %c0_i32, %c0_i32_0 : i32, i32
  }
  func.func @transform_6(%arg0: i32) -> (i32, i32) {
    %c0_i32 = arith.constant 0 : i32
    %c0_i32_0 = arith.constant 0 : i32
    %c0_i32_1 = arith.constant 0 : i32
    return %c0_i32, %c0_i32_0 : i32, i32
  }
  func.func @transform_7(%arg0: i32) -> (i32, i32) {
    %c0_i32 = arith.constant 0 : i32
    %c0_i32_0 = arith.constant 0 : i32
    %c0_i32_1 = arith.constant 0 : i32
    return %c0_i32, %c0_i32_0 : i32, i32
  }
  func.func @transform_8(%arg0: i32) -> (i32, i32) {
    %c0_i32 = arith.constant 0 : i32
    %c0_i32_0 = arith.constant 0 : i32
    %c0_i32_1 = arith.constant 0 : i32
    return %c0_i32, %c0_i32_0 : i32, i32
  }
  func.func @transform_9(%arg0: i32) -> (i32, i32) {
    %c0_i32 = arith.constant 0 : i32
    %c0_i32_0 = arith.constant 0 : i32
    %c0_i32_1 = arith.constant 0 : i32
    return %c0_i32, %c0_i32_0 : i32, i32
  }
  func.func @transform_10(%arg0: i32) -> (i32, i32) {
    %c0_i32 = arith.constant 0 : i32
    %c0_i32_0 = arith.constant 0 : i32
    return %arg0, %c0_i32 : i32, i32
  }
  func.func @transform_11(%arg0: i32) -> (i32, i32) {
    %c0_i32 = arith.constant 0 : i32
    %c0_i32_0 = arith.constant 0 : i32
    return %arg0, %c0_i32 : i32, i32
  }
  func.func @transform_12(%arg0: i32) -> (i32, i32) {
    %c0_i32 = arith.constant 0 : i32
    %c0_i32_0 = arith.constant 0 : i32
    return %arg0, %c0_i32 : i32, i32
  }
  func.func @transform_13(%arg0: i32) -> (i32, i32) {
    %c0_i32 = arith.constant 0 : i32
    %c0_i32_0 = arith.constant 0 : i32
    return %arg0, %c0_i32 : i32, i32
  }
}

</mosaic_0001>

<sc_bundles>
// kernel: kernel.11.cloned.1.call-start
scs
__scs_entry_jumppad:
0x0: {  	(pc) =	sbr.rel $0x88, $3  }
0x1: {  	(tag) =	ssettag $0x0;
	lr =	simm.s32 $0x1  }
0x2: {  	[smem:$0x3F94] =	sst lr;
	_ =	strace $0xD0000000  }
0x3: {  	_ = 	snop  }
0x4: {  	_ = 	snop  }
0x5: {  	_ = 	snop  }
0x6: {  	_ = 	snop  }
0x7: {  	_ = 	snop  }
__scs_overlays_trampoline_lowered:
0x8: {  	[smem:$0x3FA3] =	sst s0  }
0x9: {  	[smem:$0x3FA4] =	sst s1  }
0xa: {  	[smem:$0x3FA5] =	sst s2  }
0xb: {  	[smem:$0x3FA6] =	sst s3  }
0xc: {  	[smem:$0x3FA7] =	sst s4  }
0xd: {  	[smem:$0x3FA8] =	sst s5  }
0xe: {  	[smem:$0x3FA9] =	sst s6  }
0xf: {  	[smem:$0x3FAA] =	sst s7  }
0x10: {  	[smem:$0x3FAB] =	sst s8  }
0x11: {  	[smem:$0x3FAC] =	sst s9;
	s0 =	simm.s32 @!p0 $0x0  }
0x12: {  	s1 =	sld [smem:$0x3F92];
	s0 =	simm.s32 @p0 $0x1  }
0x13: {  	[smem:$0x3FAD] =	sst s0;
	s0 =	simm.s32 @!p1 $0x0  }
0x14: {  	s2 =	sld [smem:$0x3F91];
	s0 =	simm.s32 @p1 $0x1  }
0x15: {  	[smem:$0x3FAE] =	sst s0;
	s0 =	simm.s32 @!p2 $0x0  }
0x16: {  	s3 =	sld [smem:$0x3FDB];
	s0 =	simm.s32 @p2 $0x1  }
0x17: {  	s4 =	simm.s32 $0x1BF5;
	[smem:$0x3FB0] =	sst s0  }
0x18: {  	s0 =	sld [smem:$0x3F93];
	_ =	swait.ge [sflag:s4], $0x0  }
0x19: {  	s7 =	sld [smem:$0x3F94]  }
0x1a: {  	s8 =	sadd.s32 $0xFFFFE003, lr  }
0x1b: {  	s9 =	sadd.s32 $0xFFFFFEF7, lr;
	s5 =	simm.s32 $0xFFFFFFFF;
	p2 =	slt.u32 s8, $0xFFFFF086  }
0x1c: {  	p1 =	slt.u32 s9, $0xF7A;
	s5 =	simm.s32 @!p2 $0x0  }
0x1d: {  	s5 =	simm.s32 @p1 $0x1;
	p0 =	seq.s32 s7, s2  }
0x1e: {  	s7 =	smul.u32 @!p0 $0xF7A, s2;
	p2 =	seq.s32 @!p0 s5, $0x0  }
0x1f: {  	s9 =	smul.u32 $0xF7A, s1;
	s8 =	simm.s32 @!p0 $0x1BF5;
	p2 =	por !p2, p0  }
0x20: {  	[sflag:s8] =	ssyncset.s32 @!p0 $0xFFFFF086;
	s6 =	sadd.s32 @!p0 s3, s7;
	s7 =	simm.s32 @!p0 $0x108  }
0x21: {  	s3 =	sadd.s32 s3, s9;
	s6 =	sadd.s32 @!p0 $0x88, s6;
	s7 =	simm.s32 @p2 $0x1082  }
0x22: {  	[simem:s7], [sflag:s8] =	dma.local @!p0 [hbm:s6], $0xF7A  }
0x23: {  	s9 =	sor.u32 $0xD0000000, s2;
	s6 =	simm.s32 $0x108;
	_ =	swait.ge @!p0 [sflag:s8], $0x0  }
0x24: {  	s3 =	sadd.s32 $0x88, s3;
	s6 =	simm.s32 @!p1 $0x1082;
	[sflag:s4] =	ssyncset.s32 $0xFFFFF086  }
0x25: {  	[simem:s6], [sflag:s4] =	dma.local [hbm:s3], $0xF7A  }
0x26: {  	[smem:$0x3F94] =	sst s1;
	(tag) =	ssettag s2;
	_ =	strace s9  }
0x27: {  	s1 =	sld [smem:$0x3FA4]  }
0x28: {  	s2 =	sld [smem:$0x3FA5]  }
0x29: {  	s4 =	sld [smem:$0x3FA7]  }
0x2a: {  	p0 =	seq.s32 s5, $0x0;
	s5 =	sld [smem:$0x3FA8]  }
0x2b: {  	s6 =	sld [smem:$0x3FA9]  }
0x2c: {  	s7 =	sld [smem:$0x3FAA]  }
0x2d: {  	s3 =	simm.s32 $0x108;
	s8 =	sld [smem:$0x3FAB]  }
0x2e: {  	s3 =	simm.s32 @!p0 $0x1082;
	s9 =	sld [smem:$0x3FAC]  }
0x2f: {  	lr =	sadd.s32 s0, s3;
	s0 =	sld [smem:$0x3FA3]  }
0x30: {  	s3 =	sld [smem:$0x3FA6]  }
0x31: {  	[smem:$0x3FAF] =	sst s10  }
0x32: {  	s10 =	sld [smem:$0x3FAD];
	_ =	sdelay $0x3  }
0x33: {  	p0 =	seq.s32 s10, $0x1;
	s10 =	sld [smem:$0x3FAF];
	_ =	sdelay $0x3  }
0x34: {  	[smem:$0x3FAF] =	sst s10  }
0x35: {  	s10 =	sld [smem:$0x3FAE];
	_ =	sdelay $0x3  }
0x36: {  	p1 =	seq.s32 s10, $0x1;
	s10 =	sld [smem:$0x3FAF];
	_ =	sdelay $0x3  }
0x37: {  	[smem:$0x3FAF] =	sst s10  }
0x38: {  	s10 =	sld [smem:$0x3FB0]  }
0x39: {  	_ = 	snop;
	(pc) =	sbr.ind lr, $3  }
0x3a: {  	_ = 	snop  }
0x3b: {  	_ = 	snop  }
0x3c: {  	p2 =	seq.s32 s10, $0x1;
	s10 =	sld [smem:$0x3FAF]  }
0x3d: {  	_ =	shalt  }
0x3e: {  	_ =	shalt  }
0x3f: {  	_ =	shalt  }
0x40: {  	_ =	shalt  }
0x41: {  	_ =	shalt  }
0x42: {  	_ =	shalt  }
0x43: {  	_ =	shalt  }
0x44: {  	_ =	shalt  }
0x45: {  	_ =	shalt  }
0x46: {  	_ =	shalt  }
0x47: {  	_ =	shalt  }
0x48: {  	_ =	shalt  }
0x49: {  	_ =	shalt  }
0x4a: {  	_ =	shalt  }
0x4b: {  	_ =	shalt  }
0x4c: {  	_ =	shalt  }
0x4d: {  	_ =	shalt  }
0x4e: {  	_ =	shalt  }
0x4f: {  	_ =	shalt  }
0x50: {  	_ =	shalt  }
0x51: {  	_ =	shalt  }
0x52: {  	_ =	shalt  }
0x53: {  	_ =	shalt  }
0x54: {  	_ =	shalt  }
0x55: {  	_ =	shalt  }
0x56: {  	_ =	shalt  }
0x57: {  	_ =	shalt  }
0x58: {  	_ =	shalt  }
0x59: {  	_ =	shalt  }
0x5a: {  	_ =	shalt  }
0x5b: {  	_ =	shalt  }
0x5c: {  	_ =	shalt  }
0x5d: {  	_ =	shalt  }
0x5e: {  	_ =	shalt  }
0x5f: {  	_ =	shalt  }
0x60: {  	_ =	shalt  }
0x61: {  	_ =	shalt  }
0x62: {  	_ =	shalt  }
0x63: {  	_ =	shalt  }
0x64: {  	_ =	shalt  }
0x65: {  	_ =	shalt  }
0x66: {  	_ =	shalt  }
0x67: {  	_ =	shalt  }
0x68: {  	_ =	shalt  }
0x69: {  	_ =	shalt  }
0x6a: {  	_ =	shalt  }
0x6b: {  	_ =	shalt  }
0x6c: {  	_ =	shalt  }
0x6d: {  	_ =	shalt  }
0x6e: {  	_ =	shalt  }
0x6f: {  	_ =	shalt  }
0x70: {  	_ =	shalt  }
0x71: {  	_ =	shalt  }
0x72: {  	_ =	shalt  }
0x73: {  	_ =	shalt  }
0x74: {  	_ =	shalt  }
0x75: {  	_ =	shalt  }
0x76: {  	_ =	shalt  }
0x77: {  	_ =	shalt  }
0x78: {  	_ =	shalt  }
0x79: {  	_ =	shalt  }
0x7a: {  	_ =	shalt  }
0x7b: {  	_ =	shalt  }
0x7c: {  	_ =	shalt  }
0x7d: {  	_ =	shalt  }
0x7e: {  	_ =	shalt  }
0x7f: {  	_ =	shalt  }
0x80: {  	_ =	shalt  }
0x81: {  	_ =	shalt  }
0x82: {  	_ =	shalt  }
0x83: {  	_ =	shalt  }
0x84: {  	_ =	shalt  }
0x85: {  	_ =	shalt  }
0x86: {  	_ =	shalt  }
0x87: {  	_ =	shalt  }
.Lfunc_end0:
.L_simem_size_0:
called_computation.1_lowered:
.L_overlay_start_0:
0x88: {  	s2 =	sld [smem:$0x3FD9]  }
0x89: {  	s3 =	sld [smem:$0x3FFE];
	_ =	sdelay $0x1  }
0x8a: {  	s1 =	srdreg.scid  }
0x8b: {  	s0 =	sand.u32 $0x1, s1  }
0x8c: {  	s14 =	sshll.u32 s0, $0xA;
	s2 =	sadd.s32 s3, s2  }
0x8d: {  	s2 =	sadd.s32 s2, s14  }
0x8e: {  	[smem:$0x3FBB] =	sst s2  }
0x8f: {  	_ = 	snop  }
0x90: {  	s2 =	sld [smem:$0x3FD0];
	_ =	sdelay $0x2  }
0x91: {  	s15 =	simm.s32 $0xB;
	s4 =	simm.s32 $0x10  }
0x92: {  	[smem:s4], [sflag:s15] =	dma.local [hbm:s2], $0x1  }
0x93: {  	_ =	swait.eq [sflag:s15], $0x1  }
0x94: {  	s16 =	sld [smem:$0x10];
	[sflag:s15] =	ssyncset.done $0x0  }
0x95: {  	s17 =	sld [smem:$0x11];
	[sflag:s15] =	ssyncadd.s32 $0xFFFFFFFF  }
0x96: {  	s18 =	sld [smem:$0x12];
	(tm) =	ssettm $0x1  }
0x97: {  	s5 =	sld [smem:$0x3FFB];
	_ =	sdelay $0x3  }
0x98: {  	_ =	strace s5  }
0x99: {  	s5 =	sld [smem:$0x3FFC];
	_ =	sdelay $0x3  }
0x9a: {  	_ =	strace s5  }
0x9b: {  	s5 =	sld [smem:$0x3FFD];
	_ =	sdelay $0x3  }
0x9c: {  	_ =	strace s5  }
0x9d: {  	_ =	strace $0x8FFFFFFF  }
0x9e: {  	s19 =	sld [smem:$0x3FDB];
	_ =	sdelay $0x1  }
0x9f: {  	s6 =	simm.s32 $_scs_section_size  }
0xa0: {  	s7 =	simm.s32 $_size__tile_overlayer_lowered;
	s8 =	simm.s32 $_tile_overlayer_lowered  }
0xa1: {  	s22 =	simm.s32 $0x1BFF;
	s21 =	sshll.u32 s8, $0x1;
	s5 =	sadd.s32 s6, s19  }
0xa2: {  	s9 =	simm.s32 $0x0;
	s20 =	sshll.u32 s7, $0x1;
	s7 =	sadd.s32 s21, s5  }
0xa3: {  	[timem:s9], [sflag:s22] =	dma.local [hbm:s7], s20  }
0xa4: {  	_ =	swait.ge [sflag:s22], s20  }
0xa5: {  	s6 =	ssub.s32 $0x0, s20;
	[sflag:s22] =	ssyncset.done $0x0  }
0xa6: {  	[sflag:s22] =	ssyncadd.s32 s6;
	_ =	sdelay $0x1  }
0xa7: {  	s23 =	simm.s32 $0x1B8B  }
0xa8: {  	_ =	swait.ge [sflag:s23], $0x1  }
0xa9: {  	[sflag:s23] =	ssyncset.done $0x0  }
0xaa: {  	s25 =	simm.s32 $0x1B8E;
	s24 =	sld [smem:$0x3FFE];
	[sflag:s23] =	ssyncadd.s32 $0xFFFFFFFF  }
0xab: {  	s26 =	simm.s32 $execute0_lowered;
	[smem:$0x3FD2] =	sst s25  }
0xac: {  	s7 =	sshll.u32 s26, $0x1;
	_ =	strace $0x80000046;
	[dreg:$0x1] =	wrdreg $0xFFFFFFFF  }
0xad: {  	s28 =	simm.s32 $_size_execute0_lowered;
	s5 =	sadd.s32 s5, s7;
	[dreg:$0x0] =	wrdreg $0x0  }
0xae: {  	s7 =	sshll.u32 s28, $0x1;
	[dreg:$0x2] =	wrdreg s5  }
0xaf: {  	[dreg:$0x3] =	wrdreg s7  }
0xb0: {  	[dreg:$0x4] =	wrdreg $0xC0  }
0xb1: {  	_ =	task [dreg:s9], $0x5FFFF  }
0xb2: {  	[dreg:$0x1] =	wrdreg $0xFFFFFFFF  }
0xb3: {  	[dreg:$0x0] =	wrdreg $0x60  }
0xb4: {  	[dreg:$0x2] =	wrdreg s18  }
0xb5: {  	[dreg:$0x3] =	wrdreg s16  }
0xb6: {  	[dreg:$0x4] =	wrdreg s17  }
0xb7: {  	[dreg:$0x5] =	wrdreg s24  }
0xb8: {  	[dreg:$0x6] =	wrdreg $0x90000  }
0xb9: {  	[dreg:$0x7] =	wrdreg $0xA  }
0xba: {  	_ =	task.clear_ibuf [dreg:s9], $0x8FFFF;
	_ =	strace $0x90000046  }
0xbb: {  	s29 =	simm.s32 $0xA;
	_ =	strace $0x80000048  }
0xbc: {  	_ =	swait.ge [sflag:s29], $0x1  }
0xbd: {  	[sflag:s29] =	ssyncadd.s32 $0xFFFFFFFF  }
0xbe: {  	_ =	strace $0x90000048  }
0xbf: {  	_ =	sfence  }
0xc0: {  	s30 =	sld [smem:$0x0];
	_ =	sdelay $0x2  }
0xc1: {  	s31 =	sshll.u32 s1, $0xD;
	s1 =	sshrl.u32 s1, $0x2  }
0xc2: {  	s3 =	sand.u32 $0x4000, s31;
	s1 =	sadd.s32 s1, s30  }
0xc3: {  	s0 =	sor.u32 s3, s0;
	s1 =	sshll.u32 s1, $0x11  }
0xc4: {  	s0 =	sor.u32 s1, s0  }
0xc5: {  	s0 =	sadd.s32 $0x8F2B, s0  }
0xc6: {  	[sflag:s0] =	ssyncadd.remote.s32 $0x1  }
0xc7: {  	_ =	sfence.sel $0xFFFF  }
0xc8: {  	[dreg:$0x0] =	wrdreg $0xFFFFFFFF;
	(pc) =	sbr.abs _section_cstart, $3  }
0xc9: {  	[dreg:$0x1] =	wrdreg $0xFFFFFFFF  }
0xca: {  	_ =	task.clear_ibuf [dreg:s9], $0x2FFFF;
	_ =	strace $0x9FFFFFFF  }
0xcb: {  	(tm) =	ssettm $0x7FFFFFFF  }
tec
execute0_lowered:
.L_overlay_start_1:
0x0: {  	(tag) =	ssettag $0x1  }
0x1: {  	s1 =	rddreg [dreg:$0x0]  }
0x2: {  	s0 =	rddreg [dreg:$0x1]  }
0x3: {  	s3 =	rddreg [dreg:$0x2]  }
0x4: {  	s5 =	rddreg [dreg:$0x3]  }
0x5: {  	s2 =	rddreg [dreg:$0x4];
	s4 =	simm.s32 $0x0;
	s6 =	srdreg.scid  }
0x6: {  	s14 =	stileid.u32;
	s16 =	simm.s32 $0x200;
	s19 =	simm.s32 $0x280  }
0x7: {  	s20 =	simm.s32 $0xA00;
	s28 =	simm.s32 $0xC00;
	s29 =	simm.s32 $0x500  }
0x8: {  	s30 =	simm.s32 $0xC80;
	s31 =	simm.s32 $0x580;
	[smem:$0x7FF] =	sst s4  }
0x9: {  	s6 =	sand.u32 $0x1, s6;
	s8 =	smul.u32 $0x50000, s14;
	s9 =	sadd.s32 $0x3600, s5  }
0xa: {  	s10 =	smul.u32 $0x14000, s14;
	_ =	strace $0x80000047;
	[dreg:$0x16] =	wrdreg s9  }
0xb: {  	s5 =	sadd.s32 $0x3E00, s5;
	s14 =	smul.u32 $0x5000, s14;
	[dreg:$0xc] =	wrdreg s16  }
0xc: {  	s7 =	ssub.s32 $0x2, s6;
	s12 =	smul.u32 $0x140000, s6;
	[dreg:$0xe] =	wrdreg s19  }
0xd: {  	s6 =	smul.u32 $0x2800, s6;
	s19 =	simm.s32 $0x800;
	[dreg:$0xf] =	wrdreg s20  }
0xe: {  	s20 =	simm.s32 $0x80;
	s16 =	simm.s32 $0xF00;
	s21 =	sshrl.u32 s7, $0x1  }
0xf: {  	s8 =	sshrl.u32 s8, $0x2;
	s18 =	sadd.s32 $0x4000, s10;
	s11 =	sadd.s32 $0x8000, s10  }
0x10: {  	s23 =	sadd.s32 $0xC000, s10;
	s7 =	ssub.s32 s7, s21;
	s15 =	sadd.s32 s8, s2  }
0x11: {  	s22 =	sadd.s32 s18, s2;
	s17 =	sadd.s32 s11, s2;
	s13 =	sadd.s32 s10, s12  }
0x12: {  	s10 =	sadd.s32 $0x10000, s10;
	s24 =	sadd.s32 s23, s2;
	[dreg:$0x18] =	wrdreg s22  }
0x13: {  	s6 =	sadd.s32 s6, s14;
	s14 =	simm.s32 $0x180;
	[dreg:$0x1a] =	wrdreg s24  }
0x14: {  	s25 =	sadd.s32 s12, s18;
	s18 =	simm.s32 $0x980;
	[dreg:$0xa] =	wrdreg s14  }
0x15: {  	s8 =	sadd.s32 s12, s23;
	s21 =	simm.s32 $0x300;
	[dreg:$0xd] =	wrdreg s18  }
0x16: {  	s23 =	simm.s32 $0x380;
	s26 =	sshrl.u32 s8, $0x3;
	[dreg:$0x10] =	wrdreg s21  }
0x17: {  	s8 =	smov.u32 s15;
	s15 =	simm.s32 $0x900;
	[dreg:$0x12] =	wrdreg s23  }
0x18: {  	s11 =	sadd.s32 s12, s11;
	s22 =	simm.s32 $0xA80;
	[dreg:$0xb] =	wrdreg s15  }
0x19: {  	s13 =	sshrl.u32 s13, $0x3;
	s24 =	simm.s32 $0xB00;
	[dreg:$0x11] =	wrdreg s22  }
0x1a: {  	s9 =	sadd.s32 s10, s2;
	s11 =	sshrl.u32 s11, $0x3;
	[dreg:$0x13] =	wrdreg s24  }
0x1b: {  	s6 =	sshrl.u32 s6, $0x3;
	s18 =	simm.s32 $0x5;
	[dreg:$0x17] =	wrdreg s8  }
0x1c: {  	s21 =	simm.s32 $0x5000;
	s13 =	sadd.s32 s5, s13;
	[dreg:$0x1b] =	wrdreg s9  }
0x1d: {  	s23 =	simm.s32 $0x3;
	s11 =	sadd.s32 s5, s11;
	[dreg:$0x1c] =	wrdreg s13  }
0x1e: {  	s14 =	simm.s32 $0xE80;
	s3 =	sadd.s32 s6, s3;
	[dreg:$0x1e] =	wrdreg s11  }
0x1f: {  	s0 =	sadd.s32 s6, s0;
	s6 =	simm.s32 $0x100;
	[dreg:$0x6] =	wrdreg s3  }
0x20: {  	s22 =	simm.s32 $0x1;
	s24 =	simm.s32 $0x2;
	[dreg:$0x7] =	wrdreg s0  }
0x21: {  	s15 =	simm.s32 $0x780;
	s3 =	sadd.s32 s5, s26;
	[dreg:$0x8] =	wrdreg s6  }
0x22: {  	s13 =	sshrl.u32 s25, $0x3;
	s11 =	simm.s32 $0x880;
	[dreg:$0x1f] =	wrdreg s3  }
0x23: {  	s25 =	simm.s32 $0x400;
	s26 =	simm.s32 $0xB80;
	[dreg:$0x9] =	wrdreg s11  }
0x24: {  	s0 =	simm.s32 $0xD00;
	s6 =	simm.s32 $0xF80;
	[dreg:$0x14] =	wrdreg s25  }
0x25: {  	s13 =	sadd.s32 s5, s13;
	[dreg:$0x15] =	wrdreg s26;
	s25 =	simm.s32 $0x4  }
0x26: {  	s26 =	simm.s32 $0x480;
	s11 =	simm.s32 $0x680;
	[dreg:$0x1d] =	wrdreg s13  }
0x27: {  	s13 =	sadd.s32 s12, s10;
	s10 =	smov.u32 s17;
	s17 =	smax.u32 s7, $0x1  }
0x28: {  	s12 =	simm.s32 $0xE00;
	s7 =	simm.s32 $0x0;
	[smem:$0x7FC] =	sst s17  }
0x29: {  	s3 =	sshrl.u32 s13, $0x3;
	s17 =	simm.s32 $0x1000;
	[smem:$0x7FD] =	sst s7  }
0x2a: {  	s13 =	simm.s32 $0x700;
	[dreg:$0x19] =	wrdreg s10;
	s3 =	sadd.s32 s5, s3  }
0x2b: {  	s5 =	simm.s32 $0xD80;
	[smem:$0x7FB] =	sst s3;
	s3 =	simm.s32 $0x600  }
.LBB2_1:
0x2c: {  	s7 =	rddreg [dreg:$0x16]  }
0x2d: {  	[tilespmem:s17], [sflag:$0x5] =	stream.linear.gather [hbm4b:s7+s4], $0x4000, $0x38;
	[tilespmem:$0x1D000] =	vst v63  }
0x2e: {  	_ =	swait.ge [sflag:s18], $0x4000  }
0x2f: {  	[sflag:s18] =	ssyncset.done $0x0  }
0x30: {  	[sflag:s18] =	ssyncadd.s32 $0xFFFFC000  }
0x31: {  	[spmem:s8] =	stream.linear.scatter [tilespmem:s17], [sflag:$0x5], $0x4000, $0x38;
	[tilespmem:$0x1D000] =	vst v63  }
0x32: {  	_ =	swait.ge [sflag:s18], $0x4000  }
0x33: {  	[sflag:s18] =	ssyncset.done $0x0  }
0x34: {  	s8 =	rddreg [dreg:$0x18];
	[sflag:s18] =	ssyncadd.s32 $0xFFFFC000  }
0x35: {  	[spmem:s8] =	stream.linear.scatter [tilespmem:s17], [sflag:$0x5], $0x4000, $0x38;
	[tilespmem:$0x1D000] =	vst v63  }
0x36: {  	_ =	swait.ge [sflag:s18], $0x4000  }
0x37: {  	[sflag:s18] =	ssyncset.done $0x0  }
0x38: {  	[sflag:s18] =	ssyncadd.s32 $0xFFFFC000  }
0x39: {  	[spmem:s10] =	stream.linear.scatter [tilespmem:s17], [sflag:$0x5], $0x4000, $0x38;
	[tilespmem:$0x1D000] =	vst v63  }
0x3a: {  	_ =	swait.ge [sflag:s18], $0x4000  }
0x3b: {  	[sflag:s18] =	ssyncset.done $0x0  }
0x3c: {  	s8 =	rddreg [dreg:$0x1a];
	[sflag:s18] =	ssyncadd.s32 $0xFFFFC000  }
0x3d: {  	[spmem:s8] =	stream.linear.scatter [tilespmem:s17], [sflag:$0x5], $0x4000, $0x38;
	[tilespmem:$0x1D000] =	vst v63  }
0x3e: {  	_ =	swait.ge [sflag:s18], $0x4000  }
0x3f: {  	[sflag:s18] =	ssyncset.done $0x0  }
0x40: {  	[sflag:s18] =	ssyncadd.s32 $0xFFFFC000  }
0x41: {  	[spmem:s9] =	stream.linear.scatter [tilespmem:s17], [sflag:$0x5], $0x4000, $0x38;
	[tilespmem:$0x1D000] =	vst v63  }
0x42: {  	_ =	swait.ge [sflag:s18], $0x4000  }
0x43: {  	[sflag:s18] =	ssyncset.done $0x0  }
0x44: {  	[sflag:s18] =	ssyncadd.s32 $0xFFFFC000  }
0x45: {  	[bflag:$0x0] =	sbarrier.arrive $0xFFFF  }
0x46: {  	s10 =	rddreg [dreg:$0x7]  }
0x47: {  	s8 =	sadd.s32 $0x0, s10  }
0x48: {  	[tilespmem:s4], [sflag:$0x5] =	stream.linear.gather [hbm4b:s8+s4], $0x800, $0x38;
	[tilespmem:$0x1D000] =	vst v63  }
0x49: {  	_ =	swait.ge [sflag:s18], $0x800  }
0x4a: {  	s7 =	rddreg [dreg:$0x6];
	[sflag:s18] =	ssyncset.done $0x0  }
0x4b: {  	[sflag:s18] =	ssyncadd.s32 $0xFFFFF800;
	s8 =	sadd.s32 $0x0, s7  }
0x4c: {  	[tilespmem:s19], [sflag:$0x5] =	stream.linear.gather [hbm4b:s8+s4], $0x800, $0x38;
	[tilespmem:$0x1D000] =	vst v63  }
0x4d: {  	_ =	swait.ge [sflag:s18], $0x800  }
0x4e: {  	[sflag:s18] =	ssyncset.done $0x0  }
0x4f: {  	[sflag:s18] =	ssyncadd.s32 $0xFFFFF800  }
0x50: {  	[tilespmem:s17], [sflag:$0x1] =	stream.indirect.gather [hbm4b:s1+s20], $0x80, s4, s20, $0xb8;
	[tilespmem:$0x1D000] =	vst v63  }
0x51: {  	_ = 	snop  }
0x52: {  	[tilespmem:s21], [sflag:$0x2] =	stream.indirect.gather [hbm4b:s1+s20], $0x80, s20, s20, $0xb8;
	[tilespmem:$0x1D000] =	vst v63  }
0x53: {  	_ =	swait.ge [sflag:s22], $0x4000  }
0x54: {  	[sflag:s22] =	ssyncset.done $0x0  }
0x55: {  	[sflag:s22] =	ssyncadd.s32 $0xFFFFC000  }
0x56: {  	[spmem:s2] =	stream.indirect.scatter.add.f32 [tilespmem:s17], [sflag:$0x3], $0x80, s19, s20, $0xb8;
	[tilespmem:$0x1D000] =	vst v63  }
0x57: {  	_ =	swait.ge [sflag:s23], $0x4000  }
0x58: {  	[sflag:s23] =	ssyncset.done $0x0  }
0x59: {  	s9 =	rddreg [dreg:$0x8];
	[sflag:s23] =	ssyncadd.s32 $0xFFFFC000  }
0x5a: {  	[tilespmem:s17], [sflag:$0x1] =	stream.indirect.gather [hbm4b:s1+s20], $0x80, s9, s20, $0xb8;
	[tilespmem:$0x1D000] =	vst v63  }
0x5b: {  	_ =	swait.ge [sflag:s24], $0x4000  }
0x5c: {  	[sflag:s24] =	ssyncset.done $0x0  }
0x5d: {  	s10 =	rddreg [dreg:$0x9];
	[sflag:s24] =	ssyncadd.s32 $0xFFFFC000  }
0x5e: {  	[spmem:s2] =	stream.indirect.scatter.add.f32 [tilespmem:s21], [sflag:$0x4], $0x80, s10, s20, $0xb8;
	[tilespmem:$0x1D000] =	vst v63  }
0x5f: {  	_ =	swait.ge [sflag:s25], $0x4000  }
0x60: {  	[sflag:s25] =	ssyncset.done $0x0  }
0x61: {  	s7 =	rddreg [dreg:$0xa];
	[sflag:s25] =	ssyncadd.s32 $0xFFFFC000  }
0x62: {  	[tilespmem:s21], [sflag:$0x2] =	stream.indirect.gather [hbm4b:s1+s20], $0x80, s7, s20, $0xb8;
	[tilespmem:$0x1D000] =	vst v63  }
0x63: {  	_ =	swait.ge [sflag:s22], $0x4000  }
0x64: {  	[sflag:s22] =	ssyncset.done $0x0  }
0x65: {  	s9 =	rddreg [dreg:$0xb];
	[sflag:s22] =	ssyncadd.s32 $0xFFFFC000  }
0x66: {  	[spmem:s2] =	stream.indirect.scatter.add.f32 [tilespmem:s17], [sflag:$0x3], $0x80, s9, s20, $0xb8;
	[tilespmem:$0x1D000] =	vst v63  }
0x67: {  	_ =	swait.ge [sflag:s23], $0x4000  }
0x68: {  	[sflag:s23] =	ssyncset.done $0x0  }
0x69: {  	s10 =	rddreg [dreg:$0xc];
	[sflag:s23] =	ssyncadd.s32 $0xFFFFC000  }
0x6a: {  	[tilespmem:s17], [sflag:$0x1] =	stream.indirect.gather [hbm4b:s1+s20], $0x80, s10, s20, $0xb8;
	[tilespmem:$0x1D000] =	vst v63  }
0x6b: {  	_ =	swait.ge [sflag:s24], $0x4000  }
0x6c: {  	[sflag:s24] =	ssyncset.done $0x0  }
0x6d: {  	s7 =	rddreg [dreg:$0xd];
	[sflag:s24] =	ssyncadd.s32 $0xFFFFC000  }
0x6e: {  	[spmem:s2] =	stream.indirect.scatter.add.f32 [tilespmem:s21], [sflag:$0x4], $0x80, s7, s20, $0xb8;
	[tilespmem:$0x1D000] =	vst v63  }
0x6f: {  	_ =	swait.ge [sflag:s25], $0x4000  }
0x70: {  	[sflag:s25] =	ssyncset.done $0x0  }
0x71: {  	s9 =	rddreg [dreg:$0xe];
	[sflag:s25] =	ssyncadd.s32 $0xFFFFC000  }
0x72: {  	[tilespmem:s21], [sflag:$0x2] =	stream.indirect.gather [hbm4b:s1+s20], $0x80, s9, s20, $0xb8;
	[tilespmem:$0x1D000] =	vst v63  }
0x73: {  	_ =	swait.ge [sflag:s22], $0x4000  }
0x74: {  	[sflag:s22] =	ssyncset.done $0x0  }
0x75: {  	s10 =	rddreg [dreg:$0xf];
	[sflag:s22] =	ssyncadd.s32 $0xFFFFC000  }
0x76: {  	[spmem:s2] =	stream.indirect.scatter.add.f32 [tilespmem:s17], [sflag:$0x3], $0x80, s10, s20, $0xb8;
	[tilespmem:$0x1D000] =	vst v63  }
0x77: {  	_ =	swait.ge [sflag:s23], $0x4000  }
0x78: {  	[sflag:s23] =	ssyncset.done $0x0  }
0x79: {  	s7 =	rddreg [dreg:$0x10];
	[sflag:s23] =	ssyncadd.s32 $0xFFFFC000  }
0x7a: {  	[tilespmem:s17], [sflag:$0x1] =	stream.indirect.gather [hbm4b:s1+s20], $0x80, s7, s20, $0xb8;
	[tilespmem:$0x1D000] =	vst v63  }
0x7b: {  	_ =	swait.ge [sflag:s24], $0x4000  }
0x7c: {  	[sflag:s24] =	ssyncset.done $0x0  }
0x7d: {  	s9 =	rddreg [dreg:$0x11];
	[sflag:s24] =	ssyncadd.s32 $0xFFFFC000  }
0x7e: {  	[spmem:s2] =	stream.indirect.scatter.add.f32 [tilespmem:s21], [sflag:$0x4], $0x80, s9, s20, $0xb8;
	[tilespmem:$0x1D000] =	vst v63  }
0x7f: {  	_ =	swait.ge [sflag:s25], $0x4000  }
0x80: {  	[sflag:s25] =	ssyncset.done $0x0  }
0x81: {  	s10 =	rddreg [dreg:$0x12];
	[sflag:s25] =	ssyncadd.s32 $0xFFFFC000  }
0x82: {  	[tilespmem:s21], [sflag:$0x2] =	stream.indirect.gather [hbm4b:s1+s20], $0x80, s10, s20, $0xb8;
	[tilespmem:$0x1D000] =	vst v63  }
0x83: {  	_ =	swait.ge [sflag:s22], $0x4000  }
0x84: {  	[sflag:s22] =	ssyncset.done $0x0  }
0x85: {  	s7 =	rddreg [dreg:$0x13];
	[sflag:s22] =	ssyncadd.s32 $0xFFFFC000  }
0x86: {  	[spmem:s2] =	stream.indirect.scatter.add.f32 [tilespmem:s17], [sflag:$0x3], $0x80, s7, s20, $0xb8;
	[tilespmem:$0x1D000] =	vst v63  }
0x87: {  	_ =	swait.ge [sflag:s23], $0x4000  }
0x88: {  	[sflag:s23] =	ssyncset.done $0x0  }
0x89: {  	s9 =	rddreg [dreg:$0x14];
	[sflag:s23] =	ssyncadd.s32 $0xFFFFC000  }
0x8a: {  	[tilespmem:s17], [sflag:$0x1] =	stream.indirect.gather [hbm4b:s1+s20], $0x80, s9, s20, $0xb8;
	[tilespmem:$0x1D000] =	vst v63  }
0x8b: {  	_ =	swait.ge [sflag:s24], $0x4000  }
0x8c: {  	[sflag:s24] =	ssyncset.done $0x0  }
0x8d: {  	s10 =	rddreg [dreg:$0x15];
	[sflag:s24] =	ssyncadd.s32 $0xFFFFC000  }
0x8e: {  	[spmem:s2] =	stream.indirect.scatter.add.f32 [tilespmem:s21], [sflag:$0x4], $0x80, s10, s20, $0xb8;
	[tilespmem:$0x1D000] =	vst v63  }
0x8f: {  	_ =	swait.ge [sflag:s25], $0x4000  }
0x90: {  	[sflag:s25] =	ssyncset.done $0x0  }
0x91: {  	[sflag:s25] =	ssyncadd.s32 $0xFFFFC000  }
0x92: {  	[tilespmem:s21], [sflag:$0x2] =	stream.indirect.gather [hbm4b:s1+s20], $0x80, s26, s20, $0xb8;
	[tilespmem:$0x1D000] =	vst v63  }
0x93: {  	_ =	swait.ge [sflag:s22], $0x4000  }
0x94: {  	[sflag:s22] =	ssyncset.done $0x0  }
0x95: {  	[sflag:s22] =	ssyncadd.s32 $0xFFFFC000  }
0x96: {  	[spmem:s2] =	stream.indirect.scatter.add.f32 [tilespmem:s17], [sflag:$0x3], $0x80, s28, s20, $0xb8;
	[tilespmem:$0x1D000] =	vst v63  }
0x97: {  	_ =	swait.ge [sflag:s23], $0x4000  }
0x98: {  	[sflag:s23] =	ssyncset.done $0x0  }
0x99: {  	[sflag:s23] =	ssyncadd.s32 $0xFFFFC000  }
0x9a: {  	[tilespmem:s17], [sflag:$0x1] =	stream.indirect.gather [hbm4b:s1+s20], $0x80, s29, s20, $0xb8;
	[tilespmem:$0x1D000] =	vst v63  }
0x9b: {  	_ =	swait.ge [sflag:s24], $0x4000  }
0x9c: {  	[sflag:s24] =	ssyncset.done $0x0  }
0x9d: {  	[sflag:s24] =	ssyncadd.s32 $0xFFFFC000  }
0x9e: {  	[spmem:s2] =	stream.indirect.scatter.add.f32 [tilespmem:s21], [sflag:$0x4], $0x80, s30, s20, $0xb8;
	[tilespmem:$0x1D000] =	vst v63  }
0x9f: {  	_ =	swait.ge [sflag:s25], $0x4000  }
0xa0: {  	[sflag:s25] =	ssyncset.done $0x0  }
0xa1: {  	[sflag:s25] =	ssyncadd.s32 $0xFFFFC000  }
0xa2: {  	[tilespmem:s21], [sflag:$0x2] =	stream.indirect.gather [hbm4b:s1+s20], $0x80, s31, s20, $0xb8;
	[tilespmem:$0x1D000] =	vst v63  }
0xa3: {  	_ =	swait.ge [sflag:s22], $0x4000  }
0xa4: {  	[sflag:s22] =	ssyncset.done $0x0  }
0xa5: {  	[sflag:s22] =	ssyncadd.s32 $0xFFFFC000  }
0xa6: {  	[spmem:s2] =	stream.indirect.scatter.add.f32 [tilespmem:s17], [sflag:$0x3], $0x80, s0, s20, $0xb8;
	[tilespmem:$0x1D000] =	vst v63  }
0xa7: {  	_ =	swait.ge [sflag:s23], $0x4000  }
0xa8: {  	[sflag:s23] =	ssyncset.done $0x0  }
0xa9: {  	[sflag:s23] =	ssyncadd.s32 $0xFFFFC000  }
0xaa: {  	[tilespmem:s17], [sflag:$0x1] =	stream.indirect.gather [hbm4b:s1+s20], $0x80, s3, s20, $0xb8;
	[tilespmem:$0x1D000] =	vst v63  }
0xab: {  	_ =	swait.ge [sflag:s24], $0x4000  }
0xac: {  	[sflag:s24] =	ssyncset.done $0x0  }
0xad: {  	[sflag:s24] =	ssyncadd.s32 $0xFFFFC000  }
0xae: {  	[spmem:s2] =	stream.indirect.scatter.add.f32 [tilespmem:s21], [sflag:$0x4], $0x80, s5, s20, $0xb8;
	[tilespmem:$0x1D000] =	vst v63  }
0xaf: {  	_ =	swait.ge [sflag:s25], $0x4000  }
0xb0: {  	[sflag:s25] =	ssyncset.done $0x0  }
0xb1: {  	[sflag:s25] =	ssyncadd.s32 $0xFFFFC000  }
0xb2: {  	[tilespmem:s21], [sflag:$0x2] =	stream.indirect.gather [hbm4b:s1+s20], $0x80, s11, s20, $0xb8;
	[tilespmem:$0x1D000] =	vst v63  }
0xb3: {  	_ =	swait.ge [sflag:s22], $0x4000  }
0xb4: {  	[sflag:s22] =	ssyncset.done $0x0  }
0xb5: {  	[sflag:s22] =	ssyncadd.s32 $0xFFFFC000  }
0xb6: {  	[spmem:s2] =	stream.indirect.scatter.add.f32 [tilespmem:s17], [sflag:$0x3], $0x80, s12, s20, $0xb8;
	[tilespmem:$0x1D000] =	vst v63  }
0xb7: {  	_ =	swait.ge [sflag:s23], $0x4000  }
0xb8: {  	[sflag:s23] =	ssyncset.done $0x0  }
0xb9: {  	[sflag:s23] =	ssyncadd.s32 $0xFFFFC000  }
0xba: {  	[tilespmem:s17], [sflag:$0x1] =	stream.indirect.gather [hbm4b:s1+s20], $0x80, s13, s20, $0xb8;
	[tilespmem:$0x1D000] =	vst v63  }
0xbb: {  	_ =	swait.ge [sflag:s24], $0x4000  }
0xbc: {  	[sflag:s24] =	ssyncset.done $0x0  }
0xbd: {  	[sflag:s24] =	ssyncadd.s32 $0xFFFFC000  }
0xbe: {  	[spmem:s2] =	stream.indirect.scatter.add.f32 [tilespmem:s21], [sflag:$0x4], $0x80, s14, s20, $0xb8;
	[tilespmem:$0x1D000] =	vst v63  }
0xbf: {  	_ =	swait.ge [sflag:s25], $0x4000  }
0xc0: {  	[sflag:s25] =	ssyncset.done $0x0  }
0xc1: {  	[sflag:s25] =	ssyncadd.s32 $0xFFFFC000  }
0xc2: {  	[tilespmem:s21], [sflag:$0x2] =	stream.indirect.gather [hbm4b:s1+s20], $0x80, s15, s20, $0xb8;
	[tilespmem:$0x1D000] =	vst v63  }
0xc3: {  	_ =	swait.ge [sflag:s22], $0x4000  }
0xc4: {  	[sflag:s22] =	ssyncset.done $0x0  }
0xc5: {  	[sflag:s22] =	ssyncadd.s32 $0xFFFFC000  }
0xc6: {  	[spmem:s2] =	stream.indirect.scatter.add.f32 [tilespmem:s17], [sflag:$0x3], $0x80, s16, s20, $0xb8;
	[tilespmem:$0x1D000] =	vst v63  }
0xc7: {  	_ =	swait.ge [sflag:s24], $0x4000  }
0xc8: {  	[sflag:s24] =	ssyncset.done $0x0  }
0xc9: {  	[sflag:s24] =	ssyncadd.s32 $0xFFFFC000  }
0xca: {  	[spmem:s2] =	stream.indirect.scatter.add.f32 [tilespmem:s21], [sflag:$0x4], $0x80, s6, s20, $0xb8;
	[tilespmem:$0x1D000] =	vst v63  }
0xcb: {  	_ =	swait.ge [sflag:s23], $0x4000  }
0xcc: {  	[sflag:s23] =	ssyncset.done $0x0  }
0xcd: {  	[sflag:s23] =	ssyncadd.s32 $0xFFFFC000  }
0xce: {  	s8 =	simm.s32 $0x100;
	_ =	swait.ge [sflag:s25], $0x4000  }
0xcf: {  	s9 =	simm.s32 $0x200;
	s10 =	rddreg [dreg:$0x7];
	[sflag:s25] =	ssyncset.done $0x0  }
.LBB2_2:
0xd0: {  	[sflag:s25] =	ssyncadd.s32 $0xFFFFC000;
	s10 =	sadd.s32 s8, s10  }
0xd1: {  	[tilespmem:s4], [sflag:$0x5] =	stream.linear.gather [hbm4b:s10+s4], $0x800, $0x38;
	[tilespmem:$0x1D000] =	vst v63  }
0xd2: {  	_ =	swait.ge [sflag:s18], $0x800  }
0xd3: {  	s10 =	rddreg [dreg:$0x6];
	[sflag:s18] =	ssyncset.done $0x0  }
0xd4: {  	[sflag:s18] =	ssyncadd.s32 $0xFFFFF800;
	s10 =	sadd.s32 s8, s10  }
0xd5: {  	[tilespmem:s19], [sflag:$0x5] =	stream.linear.gather [hbm4b:s10+s4], $0x800, $0x38;
	[tilespmem:$0x1D000] =	vst v63  }
0xd6: {  	_ =	swait.ge [sflag:s18], $0x800  }
0xd7: {  	[sflag:s18] =	ssyncset.done $0x0  }
0xd8: {  	[sflag:s18] =	ssyncadd.s32 $0xFFFFF800  }
0xd9: {  	[tilespmem:s17], [sflag:$0x1] =	stream.indirect.gather [hbm4b:s1+s20], $0x80, s4, s20, $0xb8;
	[tilespmem:$0x1D000] =	vst v63  }
0xda: {  	_ = 	snop  }
0xdb: {  	[tilespmem:s21], [sflag:$0x2] =	stream.indirect.gather [hbm4b:s1+s20], $0x80, s20, s20, $0xb8;
	[tilespmem:$0x1D000] =	vst v63  }
0xdc: {  	_ =	swait.ge [sflag:s22], $0x4000  }
0xdd: {  	[sflag:s22] =	ssyncset.done $0x0  }
0xde: {  	[sflag:s22] =	ssyncadd.s32 $0xFFFFC000  }
0xdf: {  	[spmem:s2] =	stream.indirect.scatter.add.f32 [tilespmem:s17], [sflag:$0x3], $0x80, s19, s20, $0xb8;
	[tilespmem:$0x1D000] =	vst v63  }
0xe0: {  	_ =	swait.ge [sflag:s23], $0x4000  }
0xe1: {  	[sflag:s23] =	ssyncset.done $0x0  }
0xe2: {  	s10 =	rddreg [dreg:$0x8];
	[sflag:s23] =	ssyncadd.s32 $0xFFFFC000  }
0xe3: {  	[tilespmem:s17], [sflag:$0x1] =	stream.indirect.gather [hbm4b:s1+s20], $0x80, s10, s20, $0xb8;
	[tilespmem:$0x1D000] =	vst v63  }
0xe4: {  	_ =	swait.ge [sflag:s24], $0x4000  }
0xe5: {  	[sflag:s24] =	ssyncset.done $0x0  }
0xe6: {  	s10 =	rddreg [dreg:$0x9];
	[sflag:s24] =	ssyncadd.s32 $0xFFFFC000  }
0xe7: {  	[spmem:s2] =	stream.indirect.scatter.add.f32 [tilespmem:s21], [sflag:$0x4], $0x80, s10, s20, $0xb8;
	[tilespmem:$0x1D000] =	vst v63  }
0xe8: {  	_ =	swait.ge [sflag:s25], $0x4000  }
0xe9: {  	[sflag:s25] =	ssyncset.done $0x0  }
0xea: {  	s10 =	rddreg [dreg:$0xa];
	[sflag:s25] =	ssyncadd.s32 $0xFFFFC000  }
0xeb: {  	[tilespmem:s21], [sflag:$0x2] =	stream.indirect.gather [hbm4b:s1+s20], $0x80, s10, s20, $0xb8;
	[tilespmem:$0x1D000] =	vst v63  }
0xec: {  	_ =	swait.ge [sflag:s22], $0x4000  }
0xed: {  	[sflag:s22] =	ssyncset.done $0x0  }
0xee: {  	s10 =	rddreg [dreg:$0xb];
	[sflag:s22] =	ssyncadd.s32 $0xFFFFC000  }
0xef: {  	[spmem:s2] =	stream.indirect.scatter.add.f32 [tilespmem:s17], [sflag:$0x3], $0x80, s10, s20, $0xb8;
	[tilespmem:$0x1D000] =	vst v63  }
0xf0: {  	_ =	swait.ge [sflag:s23], $0x4000  }
0xf1: {  	[sflag:s23] =	ssyncset.done $0x0  }
0xf2: {  	s10 =	rddreg [dreg:$0xc];
	[sflag:s23] =	ssyncadd.s32 $0xFFFFC000  }
0xf3: {  	[tilespmem:s17], [sflag:$0x1] =	stream.indirect.gather [hbm4b:s1+s20], $0x80, s10, s20, $0xb8;
	[tilespmem:$0x1D000] =	vst v63  }
0xf4: {  	_ =	swait.ge [sflag:s24], $0x4000  }
0xf5: {  	[sflag:s24] =	ssyncset.done $0x0  }
0xf6: {  	s10 =	rddreg [dreg:$0xd];
	[sflag:s24] =	ssyncadd.s32 $0xFFFFC000  }
0xf7: {  	[spmem:s2] =	stream.indirect.scatter.add.f32 [tilespmem:s21], [sflag:$0x4], $0x80, s10, s20, $0xb8;
	[tilespmem:$0x1D000] =	vst v63  }
0xf8: {  	_ =	swait.ge [sflag:s25], $0x4000  }
0xf9: {  	[sflag:s25] =	ssyncset.done $0x0  }
0xfa: {  	s10 =	rddreg [dreg:$0xe];
	[sflag:s25] =	ssyncadd.s32 $0xFFFFC000  }
0xfb: {  	[tilespmem:s21], [sflag:$0x2] =	stream.indirect.gather [hbm4b:s1+s20], $0x80, s10, s20, $0xb8;
	[tilespmem:$0x1D000] =	vst v63  }
0xfc: {  	_ =	swait.ge [sflag:s22], $0x4000  }
0xfd: {  	[sflag:s22] =	ssyncset.done $0x0  }
0xfe: {  	s10 =	rddreg [dreg:$0xf];
	[sflag:s22] =	ssyncadd.s32 $0xFFFFC000  }
0xff: {  	[spmem:s2] =	stream.indirect.scatter.add.f32 [tilespmem:s17], [sflag:$0x3], $0x80, s10, s20, $0xb8;
	[tilespmem:$0x1D000] =	vst v63  }
0x100: {  	_ =	swait.ge [sflag:s23], $0x4000  }
0x101: {  	[sflag:s23] =	ssyncset.done $0x0  }
0x102: {  	s10 =	rddreg [dreg:$0x10];
	[sflag:s23] =	ssyncadd.s32 $0xFFFFC000  }
0x103: {  	[tilespmem:s17], [sflag:$0x1] =	stream.indirect.gather [hbm4b:s1+s20], $0x80, s10, s20, $0xb8;
	[tilespmem:$0x1D000] =	vst v63  }
0x104: {  	_ =	swait.ge [sflag:s24], $0x4000  }
0x105: {  	[sflag:s24] =	ssyncset.done $0x0  }
0x106: {  	s10 =	rddreg [dreg:$0x11];
	[sflag:s24] =	ssyncadd.s32 $0xFFFFC000  }
0x107: {  	[spmem:s2] =	stream.indirect.scatter.add.f32 [tilespmem:s21], [sflag:$0x4], $0x80, s10, s20, $0xb8;
	[tilespmem:$0x1D000] =	vst v63  }
0x108: {  	_ =	swait.ge [sflag:s25], $0x4000  }
0x109: {  	[sflag:s25] =	ssyncset.done $0x0  }
0x10a: {  	s10 =	rddreg [dreg:$0x12];
	[sflag:s25] =	ssyncadd.s32 $0xFFFFC000  }
0x10b: {  	[tilespmem:s21], [sflag:$0x2] =	stream.indirect.gather [hbm4b:s1+s20], $0x80, s10, s20, $0xb8;
	[tilespmem:$0x1D000] =	vst v63  }
0x10c: {  	_ =	swait.ge [sflag:s22], $0x4000  }
0x10d: {  	[sflag:s22] =	ssyncset.done $0x0  }
0x10e: {  	s10 =	rddreg [dreg:$0x13];
	[sflag:s22] =	ssyncadd.s32 $0xFFFFC000  }
0x10f: {  	[spmem:s2] =	stream.indirect.scatter.add.f32 [tilespmem:s17], [sflag:$0x3], $0x80, s10, s20, $0xb8;
	[tilespmem:$0x1D000] =	vst v63  }
0x110: {  	_ =	swait.ge [sflag:s23], $0x4000  }
0x111: {  	[sflag:s23] =	ssyncset.done $0x0  }
0x112: {  	s10 =	rddreg [dreg:$0x14];
	[sflag:s23] =	ssyncadd.s32 $0xFFFFC000  }
0x113: {  	[tilespmem:s17], [sflag:$0x1] =	stream.indirect.gather [hbm4b:s1+s20], $0x80, s10, s20, $0xb8;
	[tilespmem:$0x1D000] =	vst v63  }
0x114: {  	_ =	swait.ge [sflag:s24], $0x4000  }
0x115: {  	[sflag:s24] =	ssyncset.done $0x0  }
0x116: {  	s10 =	rddreg [dreg:$0x15];
	[sflag:s24] =	ssyncadd.s32 $0xFFFFC000  }
0x117: {  	[spmem:s2] =	stream.indirect.scatter.add.f32 [tilespmem:s21], [sflag:$0x4], $0x80, s10, s20, $0xb8;
	[tilespmem:$0x1D000] =	vst v63  }
0x118: {  	_ =	swait.ge [sflag:s25], $0x4000  }
0x119: {  	[sflag:s25] =	ssyncset.done $0x0  }
0x11a: {  	[sflag:s25] =	ssyncadd.s32 $0xFFFFC000  }
0x11b: {  	[tilespmem:s21], [sflag:$0x2] =	stream.indirect.gather [hbm4b:s1+s20], $0x80, s26, s20, $0xb8;
	[tilespmem:$0x1D000] =	vst v63  }
0x11c: {  	_ =	swait.ge [sflag:s22], $0x4000  }
0x11d: {  	[sflag:s22] =	ssyncset.done $0x0  }
0x11e: {  	[sflag:s22] =	ssyncadd.s32 $0xFFFFC000  }
0x11f: {  	[spmem:s2] =	stream.indirect.scatter.add.f32 [tilespmem:s17], [sflag:$0x3], $0x80, s28, s20, $0xb8;
	[tilespmem:$0x1D000] =	vst v63  }
0x120: {  	_ =	swait.ge [sflag:s23], $0x4000  }
0x121: {  	[sflag:s23] =	ssyncset.done $0x0  }
0x122: {  	[sflag:s23] =	ssyncadd.s32 $0xFFFFC000  }
0x123: {  	[tilespmem:s17], [sflag:$0x1] =	stream.indirect.gather [hbm4b:s1+s20], $0x80, s29, s20, $0xb8;
	[tilespmem:$0x1D000] =	vst v63  }
0x124: {  	_ =	swait.ge [sflag:s24], $0x4000  }
0x125: {  	[sflag:s24] =	ssyncset.done $0x0  }
0x126: {  	[sflag:s24] =	ssyncadd.s32 $0xFFFFC000  }
0x127: {  	[spmem:s2] =	stream.indirect.scatter.add.f32 [tilespmem:s21], [sflag:$0x4], $0x80, s30, s20, $0xb8;
	[tilespmem:$0x1D000] =	vst v63  }
0x128: {  	_ =	swait.ge [sflag:s25], $0x4000  }
0x129: {  	[sflag:s25] =	ssyncset.done $0x0  }
0x12a: {  	[sflag:s25] =	ssyncadd.s32 $0xFFFFC000  }
0x12b: {  	[tilespmem:s21], [sflag:$0x2] =	stream.indirect.gather [hbm4b:s1+s20], $0x80, s31, s20, $0xb8;
	[tilespmem:$0x1D000] =	vst v63  }
0x12c: {  	_ =	swait.ge [sflag:s22], $0x4000  }
0x12d: {  	[sflag:s22] =	ssyncset.done $0x0  }
0x12e: {  	[sflag:s22] =	ssyncadd.s32 $0xFFFFC000  }
0x12f: {  	[spmem:s2] =	stream.indirect.scatter.add.f32 [tilespmem:s17], [sflag:$0x3], $0x80, s0, s20, $0xb8;
	[tilespmem:$0x1D000] =	vst v63  }
0x130: {  	_ =	swait.ge [sflag:s23], $0x4000  }
0x131: {  	[sflag:s23] =	ssyncset.done $0x0  }
0x132: {  	[sflag:s23] =	ssyncadd.s32 $0xFFFFC000  }
0x133: {  	[tilespmem:s17], [sflag:$0x1] =	stream.indirect.gather [hbm4b:s1+s20], $0x80, s3, s20, $0xb8;
	[tilespmem:$0x1D000] =	vst v63  }
0x134: {  	_ =	swait.ge [sflag:s24], $0x4000  }
0x135: {  	[sflag:s24] =	ssyncset.done $0x0  }
0x136: {  	[sflag:s24] =	ssyncadd.s32 $0xFFFFC000  }
0x137: {  	[spmem:s2] =	stream.indirect.scatter.add.f32 [tilespmem:s21], [sflag:$0x4], $0x80, s5, s20, $0xb8;
	[tilespmem:$0x1D000] =	vst v63  }
0x138: {  	_ =	swait.ge [sflag:s25], $0x4000  }
0x139: {  	[sflag:s25] =	ssyncset.done $0x0  }
0x13a: {  	[sflag:s25] =	ssyncadd.s32 $0xFFFFC000  }
0x13b: {  	[tilespmem:s21], [sflag:$0x2] =	stream.indirect.gather [hbm4b:s1+s20], $0x80, s11, s20, $0xb8;
	[tilespmem:$0x1D000] =	vst v63  }
0x13c: {  	_ =	swait.ge [sflag:s22], $0x4000  }
0x13d: {  	[sflag:s22] =	ssyncset.done $0x0  }
0x13e: {  	[sflag:s22] =	ssyncadd.s32 $0xFFFFC000  }
0x13f: {  	[spmem:s2] =	stream.indirect.scatter.add.f32 [tilespmem:s17], [sflag:$0x3], $0x80, s12, s20, $0xb8;
	[tilespmem:$0x1D000] =	vst v63  }
0x140: {  	_ =	swait.ge [sflag:s23], $0x4000  }
0x141: {  	[sflag:s23] =	ssyncset.done $0x0  }
0x142: {  	[sflag:s23] =	ssyncadd.s32 $0xFFFFC000  }
0x143: {  	[tilespmem:s17], [sflag:$0x1] =	stream.indirect.gather [hbm4b:s1+s20], $0x80, s13, s20, $0xb8;
	[tilespmem:$0x1D000] =	vst v63  }
0x144: {  	_ =	swait.ge [sflag:s24], $0x4000  }
0x145: {  	[sflag:s24] =	ssyncset.done $0x0  }
0x146: {  	[sflag:s24] =	ssyncadd.s32 $0xFFFFC000  }
0x147: {  	[spmem:s2] =	stream.indirect.scatter.add.f32 [tilespmem:s21], [sflag:$0x4], $0x80, s14, s20, $0xb8;
	[tilespmem:$0x1D000] =	vst v63  }
0x148: {  	_ =	swait.ge [sflag:s25], $0x4000  }
0x149: {  	[sflag:s25] =	ssyncset.done $0x0  }
0x14a: {  	[sflag:s25] =	ssyncadd.s32 $0xFFFFC000  }
0x14b: {  	[tilespmem:s21], [sflag:$0x2] =	stream.indirect.gather [hbm4b:s1+s20], $0x80, s15, s20, $0xb8;
	[tilespmem:$0x1D000] =	vst v63  }
0x14c: {  	_ =	swait.ge [sflag:s22], $0x4000  }
0x14d: {  	[sflag:s22] =	ssyncset.done $0x0  }
0x14e: {  	[sflag:s22] =	ssyncadd.s32 $0xFFFFC000  }
0x14f: {  	[spmem:s2] =	stream.indirect.scatter.add.f32 [tilespmem:s17], [sflag:$0x3], $0x80, s16, s20, $0xb8;
	[tilespmem:$0x1D000] =	vst v63  }
0x150: {  	_ =	swait.ge [sflag:s24], $0x4000  }
0x151: {  	[sflag:s24] =	ssyncset.done $0x0  }
0x152: {  	p0 =	sne.s32 s9, $0x400;
	[sflag:s24] =	ssyncadd.s32 $0xFFFFC000  }
0x153: {  	[spmem:s2] =	stream.indirect.scatter.add.f32 [tilespmem:s21], [sflag:$0x4], $0x80, s6, s20, $0xb8;
	[tilespmem:$0x1D000] =	vst v63  }
.Ltmp0:
0x154: {  	_ =	swait.ge [sflag:s23], $0x4000;
	(pc) =	sbr.rel @p0 .LBB2_2-.Ltmp0, $4  }
0x155: {  	[sflag:s23] =	ssyncset.done $0x0  }
0x156: {  	[sflag:s23] =	ssyncadd.s32 $0xFFFFC000  }
0x157: {  	s7 =	smov.u32 s9;
	s9 =	sadd.s32 $0x100, s9;
	_ =	swait.ge [sflag:s25], $0x4000  }
0x158: {  	s8 =	smov.u32 s7;
	s10 =	rddreg [dreg:$0x7];
	[sflag:s25] =	ssyncset.done $0x0  }
0x159: {  	[sflag:s25] =	ssyncadd.s32 $0xFFFFC000;
	s7 =	sadd.s32 s8, s10  }
0x15a: {  	[tilespmem:s4], [sflag:$0x5] =	stream.linear.gather [hbm4b:s7+s4], $0x800, $0x38;
	[tilespmem:$0x1D000] =	vst v63  }
0x15b: {  	_ =	swait.ge [sflag:s18], $0x800  }
0x15c: {  	s10 =	rddreg [dreg:$0x6];
	[sflag:s18] =	ssyncset.done $0x0  }
0x15d: {  	s7 =	sadd.s32 s8, s10;
	[sflag:s18] =	ssyncadd.s32 $0xFFFFF800  }
0x15e: {  	[tilespmem:s19], [sflag:$0x5] =	stream.linear.gather [hbm4b:s7+s4], $0x800, $0x38;
	[tilespmem:$0x1D000] =	vst v63  }
0x15f: {  	_ =	swait.ge [sflag:s18], $0x800  }
0x160: {  	[sflag:s18] =	ssyncset.done $0x0  }
0x161: {  	[sflag:s18] =	ssyncadd.s32 $0xFFFFF800  }
0x162: {  	[tilespmem:s17], [sflag:$0x1] =	stream.indirect.gather [hbm4b:s1+s20], $0x80, s4, s20, $0xb8;
	[tilespmem:$0x1D000] =	vst v63  }
0x163: {  	_ = 	snop  }
0x164: {  	[tilespmem:s21], [sflag:$0x2] =	stream.indirect.gather [hbm4b:s1+s20], $0x80, s20, s20, $0xb8;
	[tilespmem:$0x1D000] =	vst v63  }
0x165: {  	_ =	swait.ge [sflag:s22], $0x4000  }
0x166: {  	[sflag:s22] =	ssyncset.done $0x0  }
0x167: {  	[sflag:s22] =	ssyncadd.s32 $0xFFFFC000  }
0x168: {  	[spmem:s2] =	stream.indirect.scatter.add.f32 [tilespmem:s17], [sflag:$0x3], $0x80, s19, s20, $0xb8;
	[tilespmem:$0x1D000] =	vst v63  }
0x169: {  	_ =	swait.ge [sflag:s23], $0x4000  }
0x16a: {  	[sflag:s23] =	ssyncset.done $0x0  }
0x16b: {  	s9 =	rddreg [dreg:$0x8];
	[sflag:s23] =	ssyncadd.s32 $0xFFFFC000  }
0x16c: {  	[tilespmem:s17], [sflag:$0x1] =	stream.indirect.gather [hbm4b:s1+s20], $0x80, s9, s20, $0xb8;
	[tilespmem:$0x1D000] =	vst v63  }
0x16d: {  	_ =	swait.ge [sflag:s24], $0x4000  }
0x16e: {  	[sflag:s24] =	ssyncset.done $0x0  }
0x16f: {  	s10 =	rddreg [dreg:$0x9];
	[sflag:s24] =	ssyncadd.s32 $0xFFFFC000  }
0x170: {  	[spmem:s2] =	stream.indirect.scatter.add.f32 [tilespmem:s21], [sflag:$0x4], $0x80, s10, s20, $0xb8;
	[tilespmem:$0x1D000] =	vst v63  }
0x171: {  	_ =	swait.ge [sflag:s25], $0x4000  }
0x172: {  	[sflag:s25] =	ssyncset.done $0x0  }
0x173: {  	s8 =	rddreg [dreg:$0xa];
	[sflag:s25] =	ssyncadd.s32 $0xFFFFC000  }
0x174: {  	[tilespmem:s21], [sflag:$0x2] =	stream.indirect.gather [hbm4b:s1+s20], $0x80, s8, s20, $0xb8;
	[tilespmem:$0x1D000] =	vst v63  }
0x175: {  	_ =	swait.ge [sflag:s22], $0x4000  }
0x176: {  	[sflag:s22] =	ssyncset.done $0x0  }
0x177: {  	s9 =	rddreg [dreg:$0xb];
	[sflag:s22] =	ssyncadd.s32 $0xFFFFC000  }
0x178: {  	[spmem:s2] =	stream.indirect.scatter.add.f32 [tilespmem:s17], [sflag:$0x3], $0x80, s9, s20, $0xb8;
	[tilespmem:$0x1D000] =	vst v63  }
0x179: {  	_ =	swait.ge [sflag:s23], $0x4000  }
0x17a: {  	[sflag:s23] =	ssyncset.done $0x0  }
0x17b: {  	s10 =	rddreg [dreg:$0xc];
	[sflag:s23] =	ssyncadd.s32 $0xFFFFC000  }
0x17c: {  	[tilespmem:s17], [sflag:$0x1] =	stream.indirect.gather [hbm4b:s1+s20], $0x80, s10, s20, $0xb8;
	[tilespmem:$0x1D000] =	vst v63  }
0x17d: {  	_ =	swait.ge [sflag:s24], $0x4000  }
0x17e: {  	[sflag:s24] =	ssyncset.done $0x0  }
0x17f: {  	s8 =	rddreg [dreg:$0xd];
	[sflag:s24] =	ssyncadd.s32 $0xFFFFC000  }
0x180: {  	[spmem:s2] =	stream.indirect.scatter.add.f32 [tilespmem:s21], [sflag:$0x4], $0x80, s8, s20, $0xb8;
	[tilespmem:$0x1D000] =	vst v63  }
0x181: {  	_ =	swait.ge [sflag:s25], $0x4000  }
0x182: {  	[sflag:s25] =	ssyncset.done $0x0  }
0x183: {  	s9 =	rddreg [dreg:$0xe];
	[sflag:s25] =	ssyncadd.s32 $0xFFFFC000  }
0x184: {  	[tilespmem:s21], [sflag:$0x2] =	stream.indirect.gather [hbm4b:s1+s20], $0x80, s9, s20, $0xb8;
	[tilespmem:$0x1D000] =	vst v63  }
0x185: {  	_ =	swait.ge [sflag:s22], $0x4000  }
0x186: {  	[sflag:s22] =	ssyncset.done $0x0  }
0x187: {  	s10 =	rddreg [dreg:$0xf];
	[sflag:s22] =	ssyncadd.s32 $0xFFFFC000  }
0x188: {  	[spmem:s2] =	stream.indirect.scatter.add.f32 [tilespmem:s17], [sflag:$0x3], $0x80, s10, s20, $0xb8;
	[tilespmem:$0x1D000] =	vst v63  }
0x189: {  	_ =	swait.ge [sflag:s23], $0x4000  }
0x18a: {  	[sflag:s23] =	ssyncset.done $0x0  }
0x18b: {  	s8 =	rddreg [dreg:$0x10];
	[sflag:s23] =	ssyncadd.s32 $0xFFFFC000  }
0x18c: {  	[tilespmem:s17], [sflag:$0x1] =	stream.indirect.gather [hbm4b:s1+s20], $0x80, s8, s20, $0xb8;
	[tilespmem:$0x1D000] =	vst v63  }
0x18d: {  	_ =	swait.ge [sflag:s24], $0x4000  }
0x18e: {  	[sflag:s24] =	ssyncset.done $0x0  }
0x18f: {  	s9 =	rddreg [dreg:$0x11];
	[sflag:s24] =	ssyncadd.s32 $0xFFFFC000  }
0x190: {  	[spmem:s2] =	stream.indirect.scatter.add.f32 [tilespmem:s21], [sflag:$0x4], $0x80, s9, s20, $0xb8;
	[tilespmem:$0x1D000] =	vst v63  }
0x191: {  	_ =	swait.ge [sflag:s25], $0x4000  }
0x192: {  	[sflag:s25] =	ssyncset.done $0x0  }
0x193: {  	s10 =	rddreg [dreg:$0x12];
	[sflag:s25] =	ssyncadd.s32 $0xFFFFC000  }
0x194: {  	[tilespmem:s21], [sflag:$0x2] =	stream.indirect.gather [hbm4b:s1+s20], $0x80, s10, s20, $0xb8;
	[tilespmem:$0x1D000] =	vst v63  }
0x195: {  	_ =	swait.ge [sflag:s22], $0x4000  }
0x196: {  	[sflag:s22] =	ssyncset.done $0x0  }
0x197: {  	s8 =	rddreg [dreg:$0x13];
	[sflag:s22] =	ssyncadd.s32 $0xFFFFC000  }
0x198: {  	[spmem:s2] =	stream.indirect.scatter.add.f32 [tilespmem:s17], [sflag:$0x3], $0x80, s8, s20, $0xb8;
	[tilespmem:$0x1D000] =	vst v63  }
0x199: {  	_ =	swait.ge [sflag:s23], $0x4000  }
0x19a: {  	[sflag:s23] =	ssyncset.done $0x0  }
0x19b: {  	s9 =	rddreg [dreg:$0x14];
	[sflag:s23] =	ssyncadd.s32 $0xFFFFC000  }
0x19c: {  	[tilespmem:s17], [sflag:$0x1] =	stream.indirect.gather [hbm4b:s1+s20], $0x80, s9, s20, $0xb8;
	[tilespmem:$0x1D000] =	vst v63  }
0x19d: {  	_ =	swait.ge [sflag:s24], $0x4000  }
0x19e: {  	[sflag:s24] =	ssyncset.done $0x0  }
0x19f: {  	s10 =	rddreg [dreg:$0x15];
	[sflag:s24] =	ssyncadd.s32 $0xFFFFC000  }
0x1a0: {  	[spmem:s2] =	stream.indirect.scatter.add.f32 [tilespmem:s21], [sflag:$0x4], $0x80, s10, s20, $0xb8;
	[tilespmem:$0x1D000] =	vst v63  }
0x1a1: {  	_ =	swait.ge [sflag:s25], $0x4000  }
0x1a2: {  	[sflag:s25] =	ssyncset.done $0x0  }
0x1a3: {  	[sflag:s25] =	ssyncadd.s32 $0xFFFFC000  }
0x1a4: {  	[tilespmem:s21], [sflag:$0x2] =	stream.indirect.gather [hbm4b:s1+s20], $0x80, s26, s20, $0xb8;
	[tilespmem:$0x1D000] =	vst v63  }
0x1a5: {  	_ =	swait.ge [sflag:s22], $0x4000  }
0x1a6: {  	[sflag:s22] =	ssyncset.done $0x0  }
0x1a7: {  	[sflag:s22] =	ssyncadd.s32 $0xFFFFC000  }
0x1a8: {  	[spmem:s2] =	stream.indirect.scatter.add.f32 [tilespmem:s17], [sflag:$0x3], $0x80, s28, s20, $0xb8;
	[tilespmem:$0x1D000] =	vst v63  }
0x1a9: {  	_ =	swait.ge [sflag:s23], $0x4000  }
0x1aa: {  	[sflag:s23] =	ssyncset.done $0x0  }
0x1ab: {  	[sflag:s23] =	ssyncadd.s32 $0xFFFFC000  }
0x1ac: {  	[tilespmem:s17], [sflag:$0x1] =	stream.indirect.gather [hbm4b:s1+s20], $0x80, s29, s20, $0xb8;
	[tilespmem:$0x1D000] =	vst v63  }
0x1ad: {  	_ =	swait.ge [sflag:s24], $0x4000  }
0x1ae: {  	[sflag:s24] =	ssyncset.done $0x0  }
0x1af: {  	[sflag:s24] =	ssyncadd.s32 $0xFFFFC000  }
0x1b0: {  	[spmem:s2] =	stream.indirect.scatter.add.f32 [tilespmem:s21], [sflag:$0x4], $0x80, s30, s20, $0xb8;
	[tilespmem:$0x1D000] =	vst v63  }
0x1b1: {  	_ =	swait.ge [sflag:s25], $0x4000  }
0x1b2: {  	[sflag:s25] =	ssyncset.done $0x0  }
0x1b3: {  	[sflag:s25] =	ssyncadd.s32 $0xFFFFC000  }
0x1b4: {  	[tilespmem:s21], [sflag:$0x2] =	stream.indirect.gather [hbm4b:s1+s20], $0x80, s31, s20, $0xb8;
	[tilespmem:$0x1D000] =	vst v63  }
0x1b5: {  	_ =	swait.ge [sflag:s22], $0x4000  }
0x1b6: {  	[sflag:s22] =	ssyncset.done $0x0  }
0x1b7: {  	[sflag:s22] =	ssyncadd.s32 $0xFFFFC000  }
0x1b8: {  	[spmem:s2] =	stream.indirect.scatter.add.f32 [tilespmem:s17], [sflag:$0x3], $0x80, s0, s20, $0xb8;
	[tilespmem:$0x1D000] =	vst v63  }
0x1b9: {  	_ =	swait.ge [sflag:s23], $0x4000  }
0x1ba: {  	[sflag:s23] =	ssyncset.done $0x0  }
0x1bb: {  	[sflag:s23] =	ssyncadd.s32 $0xFFFFC000  }
0x1bc: {  	[tilespmem:s17], [sflag:$0x1] =	stream.indirect.gather [hbm4b:s1+s20], $0x80, s3, s20, $0xb8;
	[tilespmem:$0x1D000] =	vst v63  }
0x1bd: {  	_ =	swait.ge [sflag:s24], $0x4000  }
0x1be: {  	[sflag:s24] =	ssyncset.done $0x0  }
0x1bf: {  	[sflag:s24] =	ssyncadd.s32 $0xFFFFC000  }
0x1c0: {  	[spmem:s2] =	stream.indirect.scatter.add.f32 [tilespmem:s21], [sflag:$0x4], $0x80, s5, s20, $0xb8;
	[tilespmem:$0x1D000] =	vst v63  }
0x1c1: {  	_ =	swait.ge [sflag:s25], $0x4000  }
0x1c2: {  	[sflag:s25] =	ssyncset.done $0x0  }
0x1c3: {  	[sflag:s25] =	ssyncadd.s32 $0xFFFFC000  }
0x1c4: {  	[tilespmem:s21], [sflag:$0x2] =	stream.indirect.gather [hbm4b:s1+s20], $0x80, s11, s20, $0xb8;
	[tilespmem:$0x1D000] =	vst v63  }
0x1c5: {  	_ =	swait.ge [sflag:s22], $0x4000  }
0x1c6: {  	[sflag:s22] =	ssyncset.done $0x0  }
0x1c7: {  	[sflag:s22] =	ssyncadd.s32 $0xFFFFC000  }
0x1c8: {  	[spmem:s2] =	stream.indirect.scatter.add.f32 [tilespmem:s17], [sflag:$0x3], $0x80, s12, s20, $0xb8;
	[tilespmem:$0x1D000] =	vst v63  }
0x1c9: {  	_ =	swait.ge [sflag:s23], $0x4000  }
0x1ca: {  	[sflag:s23] =	ssyncset.done $0x0  }
0x1cb: {  	[sflag:s23] =	ssyncadd.s32 $0xFFFFC000  }
0x1cc: {  	[tilespmem:s17], [sflag:$0x1] =	stream.indirect.gather [hbm4b:s1+s20], $0x80, s13, s20, $0xb8;
	[tilespmem:$0x1D000] =	vst v63  }
0x1cd: {  	_ =	swait.ge [sflag:s24], $0x4000  }
0x1ce: {  	[sflag:s24] =	ssyncset.done $0x0  }
0x1cf: {  	[sflag:s24] =	ssyncadd.s32 $0xFFFFC000  }
0x1d0: {  	[spmem:s2] =	stream.indirect.scatter.add.f32 [tilespmem:s21], [sflag:$0x4], $0x80, s14, s20, $0xb8;
	[tilespmem:$0x1D000] =	vst v63  }
0x1d1: {  	_ =	swait.ge [sflag:s25], $0x4000  }
0x1d2: {  	[sflag:s25] =	ssyncset.done $0x0  }
0x1d3: {  	[sflag:s25] =	ssyncadd.s32 $0xFFFFC000  }
0x1d4: {  	[tilespmem:s21], [sflag:$0x2] =	stream.indirect.gather [hbm4b:s1+s20], $0x80, s15, s20, $0xb8;
	[tilespmem:$0x1D000] =	vst v63  }
0x1d5: {  	_ =	swait.ge [sflag:s22], $0x4000  }
0x1d6: {  	[sflag:s22] =	ssyncset.done $0x0  }
0x1d7: {  	[sflag:s22] =	ssyncadd.s32 $0xFFFFC000  }
0x1d8: {  	[spmem:s2] =	stream.indirect.scatter.add.f32 [tilespmem:s17], [sflag:$0x3], $0x80, s16, s20, $0xb8;
	[tilespmem:$0x1D000] =	vst v63  }
0x1d9: {  	_ =	swait.ge [sflag:s24], $0x4000  }
0x1da: {  	[sflag:s24] =	ssyncset.done $0x0  }
0x1db: {  	[sflag:s24] =	ssyncadd.s32 $0xFFFFC000  }
0x1dc: {  	[spmem:s2] =	stream.indirect.scatter.add.f32 [tilespmem:s21], [sflag:$0x4], $0x80, s6, s20, $0xb8;
	[tilespmem:$0x1D000] =	vst v63  }
0x1dd: {  	_ =	swait.ge [sflag:s23], $0x4000  }
0x1de: {  	[sflag:s23] =	ssyncset.done $0x0  }
0x1df: {  	[sflag:s23] =	ssyncadd.s32 $0xFFFFC000  }
0x1e0: {  	_ =	swait.ge [sflag:s25], $0x4000  }
0x1e1: {  	[sflag:s25] =	ssyncset.done $0x0  }
0x1e2: {  	[sflag:s25] =	ssyncadd.s32 $0xFFFFC000  }
0x1e3: {  	[bflag:$0x0] =	sbarrier.arrive $0xFFFF  }
0x1e4: {  	s8 =	rddreg [dreg:$0x17]  }
0x1e5: {  	[tilespmem:s17], [sflag:$0x5] =	stream.linear.gather [spmem:s8], $0x4000, $0x38;
	[tilespmem:$0x1D000] =	vst v63  }
0x1e6: {  	_ =	swait.ge [sflag:s18], $0x4000  }
0x1e7: {  	[sflag:s18] =	ssyncset.done $0x0  }
0x1e8: {  	s9 =	rddreg [dreg:$0x1c];
	[sflag:s18] =	ssyncadd.s32 $0xFFFFC000  }
0x1e9: {  	[hbm4b:s9+s4] =	stream.linear.scatter [tilespmem:s17], [sflag:$0x5], $0x4000, $0x38;
	[tilespmem:$0x1D000] =	vst v63  }
0x1ea: {  	_ =	swait.ge [sflag:s18], $0x4000  }
0x1eb: {  	[sflag:s18] =	ssyncset.done $0x0  }
0x1ec: {  	s10 =	rddreg [dreg:$0x18];
	[sflag:s18] =	ssyncadd.s32 $0xFFFFC000  }
0x1ed: {  	[tilespmem:s17], [sflag:$0x5] =	stream.linear.gather [spmem:s10], $0x4000, $0x38;
	[tilespmem:$0x1D000] =	vst v63  }
0x1ee: {  	_ =	swait.ge [sflag:s18], $0x4000  }
0x1ef: {  	[sflag:s18] =	ssyncset.done $0x0  }
0x1f0: {  	s8 =	rddreg [dreg:$0x1d];
	[sflag:s18] =	ssyncadd.s32 $0xFFFFC000  }
0x1f1: {  	[hbm4b:s8+s4] =	stream.linear.scatter [tilespmem:s17], [sflag:$0x5], $0x4000, $0x38;
	[tilespmem:$0x1D000] =	vst v63  }
0x1f2: {  	_ =	swait.ge [sflag:s18], $0x4000  }
0x1f3: {  	[sflag:s18] =	ssyncset.done $0x0  }
0x1f4: {  	s10 =	rddreg [dreg:$0x19];
	[sflag:s18] =	ssyncadd.s32 $0xFFFFC000  }
0x1f5: {  	[tilespmem:s17], [sflag:$0x5] =	stream.linear.gather [spmem:s10], $0x4000, $0x38;
	[tilespmem:$0x1D000] =	vst v63  }
0x1f6: {  	_ =	swait.ge [sflag:s18], $0x4000  }
0x1f7: {  	[sflag:s18] =	ssyncset.done $0x0  }
0x1f8: {  	s9 =	rddreg [dreg:$0x1e];
	[sflag:s18] =	ssyncadd.s32 $0xFFFFC000  }
0x1f9: {  	[hbm4b:s9+s4] =	stream.linear.scatter [tilespmem:s17], [sflag:$0x5], $0x4000, $0x38;
	[tilespmem:$0x1D000] =	vst v63  }
0x1fa: {  	_ =	swait.ge [sflag:s18], $0x4000  }
0x1fb: {  	[sflag:s18] =	ssyncset.done $0x0  }
0x1fc: {  	s8 =	rddreg [dreg:$0x1a];
	[sflag:s18] =	ssyncadd.s32 $0xFFFFC000  }
0x1fd: {  	[tilespmem:s17], [sflag:$0x5] =	stream.linear.gather [spmem:s8], $0x4000, $0x38;
	[tilespmem:$0x1D000] =	vst v63  }
0x1fe: {  	_ =	swait.ge [sflag:s18], $0x4000  }
0x1ff: {  	[sflag:s18] =	ssyncset.done $0x0  }
0x200: {  	s9 =	rddreg [dreg:$0x1f];
	[sflag:s18] =	ssyncadd.s32 $0xFFFFC000  }
0x201: {  	[hbm4b:s9+s4] =	stream.linear.scatter [tilespmem:s17], [sflag:$0x5], $0x4000, $0x38;
	[tilespmem:$0x1D000] =	vst v63  }
0x202: {  	_ =	swait.ge [sflag:s18], $0x4000  }
0x203: {  	[sflag:s18] =	ssyncset.done $0x0  }
0x204: {  	s9 =	rddreg [dreg:$0x1b];
	[sflag:s18] =	ssyncadd.s32 $0xFFFFC000  }
0x205: {  	[tilespmem:s17], [sflag:$0x5] =	stream.linear.gather [spmem:s9], $0x4000, $0x38;
	[tilespmem:$0x1D000] =	vst v63  }
0x206: {  	_ =	swait.ge [sflag:s18], $0x4000  }
0x207: {  	s8 =	sld [smem:$0x7FB]  }
0x208: {  	[sflag:s18] =	ssyncset.done $0x0  }
0x209: {  	[sflag:s18] =	ssyncadd.s32 $0xFFFFC000  }
0x20a: {  	[hbm4b:s8+s4] =	stream.linear.scatter [tilespmem:s17], [sflag:$0x5], $0x4000, $0x38;
	[tilespmem:$0x1D000] =	vst v63  }
0x20b: {  	_ =	swait.ge [sflag:s18], $0x4000  }
0x20c: {  	s7 =	sld [smem:$0x7FD];
	_ =	sdelay $0x2  }
0x20d: {  	s8 =	sadd.s32 $0x1, s7;
	s7 =	sld [smem:$0x7FC];
	_ =	sdelay $0x2  }
0x20e: {  	p0 =	sne.s32 s8, s7  }
.Ltmp1:
0x20f: {  	_ = 	snop;
	(pc) =	sbr.rel @p0 .LBB2_1-.Ltmp1, $3  }
0x210: {  	_ =	sdelay $0x1  }
0x211: {  	[sflag:s18] =	ssyncset.done $0x0;
	[smem:$0x7FD] =	sst s8  }
0x212: {  	[sflag:s18] =	ssyncadd.s32 $0xFFFFC000;
	s8 =	rddreg [dreg:$0x17]  }
0x213: {  	_ =	sfence.sel $0x180000  }
0x214: {  	[bflag:$0x0] =	sbarrier.arrive $0xFFFF  }
0x215: {  	_ =	strace $0x90000047  }
0x216: {  	s0 =	stileid.u32;
	[bflag:$0x2] =	sbarrier.arrive $0xFFFF  }
0x217: {  	p0 =	sne.s32 s0, $0x0;
	s0 =	rddreg [dreg:$0x5]  }
0x218: {  	s0 =	sadd.s32 @!p0 $0x100000, s0  }
0x219: {  	[sflag:s0] =	ssyncadd.tile.s32 @!p0 $0x1;
	_ =	shalt  }
.Lfunc_end2:
_tile_overlayer_lowered:
.L_overlay_start_2:
0x21a: {  	(tag) =	ssettag $0x2  }
0x21b: {  	s0 =	rddreg [dreg:$0x0];
	s2 =	stileid.u32  }
0x21c: {  	s1 =	rddreg [dreg:$0x1];
	p0 =	sne.s32 s2, $0x0  }
0x21d: {  	s3 =	rddreg [dreg:$0x2];
	[bflag:$0x3] =	sbarrier.arrive $0xFFFF;
	s2 =	simm.s32 @!p0 $0x1C05  }
0x21e: {  	[timem:s3], [sflag:s2] =	dma.local @!p0 [hbm:s0], s1  }
0x21f: {  	s0 =	simm.s32 @!p0 $0x5  }
0x220: {  	_ =	swait.ge @!p0 [sflag:s0], s1  }
0x221: {  	s1 =	ssub.s32 @!p0 $0x0, s1;
	[sflag:s0] =	ssyncset.done @!p0 $0x0  }
0x222: {  	[sflag:s0] =	ssyncadd.s32 @!p0 s1  }
0x223: {  	[bflag:$0x3] =	sbarrier.arrive $0xFFFF  }
0x224: {  	_ =	shalt  }

// kernel: kernel.14.cloned.1.call-start
scs
__scs_entry_jumppad:
0x0: {  	(pc) =	sbr.rel $0x88, $3  }
0x1: {  	(tag) =	ssettag $0x0;
	lr =	simm.s32 $0x1  }
0x2: {  	[smem:$0x3F94] =	sst lr;
	_ =	strace $0xD0000000  }
0x3: {  	_ = 	snop  }
0x4: {  	_ = 	snop  }
0x5: {  	_ = 	snop  }
0x6: {  	_ = 	snop  }
0x7: {  	_ = 	snop  }
__scs_overlays_trampoline_lowered:
0x8: {  	[smem:$0x3FA3] =	sst s0  }
0x9: {  	[smem:$0x3FA4] =	sst s1  }
0xa: {  	[smem:$0x3FA5] =	sst s2  }
0xb: {  	[smem:$0x3FA6] =	sst s3  }
0xc: {  	[smem:$0x3FA7] =	sst s4  }
0xd: {  	[smem:$0x3FA8] =	sst s5  }
0xe: {  	[smem:$0x3FA9] =	sst s6  }
0xf: {  	[smem:$0x3FAA] =	sst s7  }
0x10: {  	[smem:$0x3FAB] =	sst s8  }
0x11: {  	[smem:$0x3FAC] =	sst s9;
	s0 =	simm.s32 @!p0 $0x0  }
0x12: {  	s1 =	sld [smem:$0x3F92];
	s0 =	simm.s32 @p0 $0x1  }
0x13: {  	[smem:$0x3FAD] =	sst s0;
	s0 =	simm.s32 @!p1 $0x0  }
0x14: {  	s2 =	sld [smem:$0x3F91];
	s0 =	simm.s32 @p1 $0x1  }
0x15: {  	[smem:$0x3FAE] =	sst s0;
	s0 =	simm.s32 @!p2 $0x0  }
0x16: {  	s3 =	sld [smem:$0x3FDB];
	s0 =	simm.s32 @p2 $0x1  }
0x17: {  	s4 =	simm.s32 $0x1BF5;
	[smem:$0x3FB0] =	sst s0  }
0x18: {  	s0 =	sld [smem:$0x3F93];
	_ =	swait.ge [sflag:s4], $0x0  }
0x19: {  	s7 =	sld [smem:$0x3F94]  }
0x1a: {  	s8 =	sadd.s32 $0xFFFFE003, lr  }
0x1b: {  	s9 =	sadd.s32 $0xFFFFFEF7, lr;
	s5 =	simm.s32 $0xFFFFFFFF;
	p2 =	slt.u32 s8, $0xFFFFF086  }
0x1c: {  	p1 =	slt.u32 s9, $0xF7A;
	s5 =	simm.s32 @!p2 $0x0  }
0x1d: {  	s5 =	simm.s32 @p1 $0x1;
	p0 =	seq.s32 s7, s2  }
0x1e: {  	s7 =	smul.u32 @!p0 $0xF7A, s2;
	p2 =	seq.s32 @!p0 s5, $0x0  }
0x1f: {  	s9 =	smul.u32 $0xF7A, s1;
	s8 =	simm.s32 @!p0 $0x1BF5;
	p2 =	por !p2, p0  }
0x20: {  	[sflag:s8] =	ssyncset.s32 @!p0 $0xFFFFF086;
	s6 =	sadd.s32 @!p0 s3, s7;
	s7 =	simm.s32 @!p0 $0x108  }
0x21: {  	s3 =	sadd.s32 s3, s9;
	s6 =	sadd.s32 @!p0 $0x88, s6;
	s7 =	simm.s32 @p2 $0x1082  }
0x22: {  	[simem:s7], [sflag:s8] =	dma.local @!p0 [hbm:s6], $0xF7A  }
0x23: {  	s9 =	sor.u32 $0xD0000000, s2;
	s6 =	simm.s32 $0x108;
	_ =	swait.ge @!p0 [sflag:s8], $0x0  }
0x24: {  	s3 =	sadd.s32 $0x88, s3;
	s6 =	simm.s32 @!p1 $0x1082;
	[sflag:s4] =	ssyncset.s32 $0xFFFFF086  }
0x25: {  	[simem:s6], [sflag:s4] =	dma.local [hbm:s3], $0xF7A  }
0x26: {  	[smem:$0x3F94] =	sst s1;
	(tag) =	ssettag s2;
	_ =	strace s9  }
0x27: {  	s1 =	sld [smem:$0x3FA4]  }
0x28: {  	s2 =	sld [smem:$0x3FA5]  }
0x29: {  	s4 =	sld [smem:$0x3FA7]  }
0x2a: {  	p0 =	seq.s32 s5, $0x0;
	s5 =	sld [smem:$0x3FA8]  }
0x2b: {  	s6 =	sld [smem:$0x3FA9]  }
0x2c: {  	s7 =	sld [smem:$0x3FAA]  }
0x2d: {  	s3 =	simm.s32 $0x108;
	s8 =	sld [smem:$0x3FAB]  }
0x2e: {  	s3 =	simm.s32 @!p0 $0x1082;
	s9 =	sld [smem:$0x3FAC]  }
0x2f: {  	lr =	sadd.s32 s0, s3;
	s0 =	sld [smem:$0x3FA3]  }
0x30: {  	s3 =	sld [smem:$0x3FA6]  }
0x31: {  	[smem:$0x3FAF] =	sst s10  }
0x32: {  	s10 =	sld [smem:$0x3FAD];
	_ =	sdelay $0x3  }
0x33: {  	p0 =	seq.s32 s10, $0x1;
	s10 =	sld [smem:$0x3FAF];
	_ =	sdelay $0x3  }
0x34: {  	[smem:$0x3FAF] =	sst s10  }
0x35: {  	s10 =	sld [smem:$0x3FAE];
	_ =	sdelay $0x3  }
0x36: {  	p1 =	seq.s32 s10, $0x1;
	s10 =	sld [smem:$0x3FAF];
	_ =	sdelay $0x3  }
0x37: {  	[smem:$0x3FAF] =	sst s10  }
0x38: {  	s10 =	sld [smem:$0x3FB0]  }
0x39: {  	_ = 	snop;
	(pc) =	sbr.ind lr, $3  }
0x3a: {  	_ = 	snop  }
0x3b: {  	_ = 	snop  }
0x3c: {  	p2 =	seq.s32 s10, $0x1;
	s10 =	sld [smem:$0x3FAF]  }
0x3d: {  	_ =	shalt  }
0x3e: {  	_ =	shalt  }
0x3f: {  	_ =	shalt  }
0x40: {  	_ =	shalt  }
0x41: {  	_ =	shalt  }
0x42: {  	_ =	shalt  }
0x43: {  	_ =	shalt  }
0x44: {  	_ =	shalt  }
0x45: {  	_ =	shalt  }
0x46: {  	_ =	shalt  }
0x47: {  	_ =	shalt  }
0x48: {  	_ =	shalt  }
0x49: {  	_ =	shalt  }
0x4a: {  	_ =	shalt  }
0x4b: {  	_ =	shalt  }
0x4c: {  	_ =	shalt  }
0x4d: {  	_ =	shalt  }
0x4e: {  	_ =	shalt  }
0x4f: {  	_ =	shalt  }
0x50: {  	_ =	shalt  }
0x51: {  	_ =	shalt  }
0x52: {  	_ =	shalt  }
0x53: {  	_ =	shalt  }
0x54: {  	_ =	shalt  }
0x55: {  	_ =	shalt  }
0x56: {  	_ =	shalt  }
0x57: {  	_ =	shalt  }
0x58: {  	_ =	shalt  }
0x59: {  	_ =	shalt  }
0x5a: {  	_ =	shalt  }
0x5b: {  	_ =	shalt  }
0x5c: {  	_ =	shalt  }
0x5d: {  	_ =	shalt  }
0x5e: {  	_ =	shalt  }
0x5f: {  	_ =	shalt  }
0x60: {  	_ =	shalt  }
0x61: {  	_ =	shalt  }
0x62: {  	_ =	shalt  }
0x63: {  	_ =	shalt  }
0x64: {  	_ =	shalt  }
0x65: {  	_ =	shalt  }
0x66: {  	_ =	shalt  }
0x67: {  	_ =	shalt  }
0x68: {  	_ =	shalt  }
0x69: {  	_ =	shalt  }
0x6a: {  	_ =	shalt  }
0x6b: {  	_ =	shalt  }
0x6c: {  	_ =	shalt  }
0x6d: {  	_ =	shalt  }
0x6e: {  	_ =	shalt  }
0x6f: {  	_ =	shalt  }
0x70: {  	_ =	shalt  }
0x71: {  	_ =	shalt  }
0x72: {  	_ =	shalt  }
0x73: {  	_ =	shalt  }
0x74: {  	_ =	shalt  }
0x75: {  	_ =	shalt  }
0x76: {  	_ =	shalt  }
0x77: {  	_ =	shalt  }
0x78: {  	_ =	shalt  }
0x79: {  	_ =	shalt  }
0x7a: {  	_ =	shalt  }
0x7b: {  	_ =	shalt  }
0x7c: {  	_ =	shalt  }
0x7d: {  	_ =	shalt  }
0x7e: {  	_ =	shalt  }
0x7f: {  	_ =	shalt  }
0x80: {  	_ =	shalt  }
0x81: {  	_ =	shalt  }
0x82: {  	_ =	shalt  }
0x83: {  	_ =	shalt  }
0x84: {  	_ =	shalt  }
0x85: {  	_ =	shalt  }
0x86: {  	_ =	shalt  }
0x87: {  	_ =	shalt  }
.Lfunc_end0:
.L_simem_size_0:
called_computation.2_lowered:
.L_overlay_start_0:
0x88: {  	s2 =	sld [smem:$0x3FD9]  }
0x89: {  	s3 =	sld [smem:$0x3FFE];
	_ =	sdelay $0x1  }
0x8a: {  	s1 =	srdreg.scid  }
0x8b: {  	s0 =	sand.u32 $0x1, s1  }
0x8c: {  	s14 =	sshll.u32 s0, $0xA;
	s2 =	sadd.s32 s3, s2  }
0x8d: {  	s2 =	sadd.s32 s2, s14  }
0x8e: {  	[smem:$0x3FBB] =	sst s2  }
0x8f: {  	_ = 	snop  }
0x90: {  	s2 =	sld [smem:$0x3FD0];
	_ =	sdelay $0x2  }
0x91: {  	s15 =	simm.s32 $0xB;
	s4 =	simm.s32 $0x10  }
0x92: {  	[smem:s4], [sflag:s15] =	dma.local [hbm:s2], $0x1  }
0x93: {  	_ =	swait.eq [sflag:s15], $0x1  }
0x94: {  	s16 =	sld [smem:$0x10];
	[sflag:s15] =	ssyncset.done $0x0  }
0x95: {  	s17 =	sld [smem:$0x11];
	[sflag:s15] =	ssyncadd.s32 $0xFFFFFFFF  }
0x96: {  	s18 =	sld [smem:$0x12];
	(tm) =	ssettm $0x1  }
0x97: {  	s5 =	sld [smem:$0x3FFB];
	_ =	sdelay $0x3  }
0x98: {  	_ =	strace s5  }
0x99: {  	s5 =	sld [smem:$0x3FFC];
	_ =	sdelay $0x3  }
0x9a: {  	_ =	strace s5  }
0x9b: {  	s5 =	sld [smem:$0x3FFD];
	_ =	sdelay $0x3  }
0x9c: {  	_ =	strace s5  }
0x9d: {  	_ =	strace $0x8FFFFFFF  }
0x9e: {  	s19 =	sld [smem:$0x3FDB];
	_ =	sdelay $0x1  }
0x9f: {  	s6 =	simm.s32 $_scs_section_size  }
0xa0: {  	s7 =	simm.s32 $_size__tile_overlayer_lowered;
	s8 =	simm.s32 $_tile_overlayer_lowered  }
0xa1: {  	s22 =	simm.s32 $0x1BFF;
	s21 =	sshll.u32 s8, $0x1;
	s5 =	sadd.s32 s6, s19  }
0xa2: {  	s9 =	simm.s32 $0x0;
	s20 =	sshll.u32 s7, $0x1;
	s7 =	sadd.s32 s21, s5  }
0xa3: {  	[timem:s9], [sflag:s22] =	dma.local [hbm:s7], s20  }
0xa4: {  	_ =	swait.ge [sflag:s22], s20  }
0xa5: {  	s6 =	ssub.s32 $0x0, s20;
	[sflag:s22] =	ssyncset.done $0x0  }
0xa6: {  	[sflag:s22] =	ssyncadd.s32 s6;
	_ =	sdelay $0x1  }
0xa7: {  	s23 =	simm.s32 $0x1B8B  }
0xa8: {  	_ =	swait.ge [sflag:s23], $0x1  }
0xa9: {  	[sflag:s23] =	ssyncset.done $0x0  }
0xaa: {  	s25 =	simm.s32 $0x1B8E;
	s24 =	sld [smem:$0x3FFE];
	[sflag:s23] =	ssyncadd.s32 $0xFFFFFFFF  }
0xab: {  	s26 =	simm.s32 $execute0_lowered;
	[smem:$0x3FD2] =	sst s25  }
0xac: {  	s7 =	sshll.u32 s26, $0x1;
	_ =	strace $0x8000004C;
	[dreg:$0x1] =	wrdreg $0xFFFFFFFF  }
0xad: {  	s28 =	simm.s32 $_size_execute0_lowered;
	s5 =	sadd.s32 s5, s7;
	[dreg:$0x0] =	wrdreg $0x0  }
0xae: {  	s7 =	sshll.u32 s28, $0x1;
	[dreg:$0x2] =	wrdreg s5  }
0xaf: {  	[dreg:$0x3] =	wrdreg s7  }
0xb0: {  	[dreg:$0x4] =	wrdreg $0xC0  }
0xb1: {  	_ =	task [dreg:s9], $0x5FFFF  }
0xb2: {  	[dreg:$0x1] =	wrdreg $0xFFFFFFFF  }
0xb3: {  	[dreg:$0x0] =	wrdreg $0x60  }
0xb4: {  	[dreg:$0x2] =	wrdreg s18  }
0xb5: {  	[dreg:$0x3] =	wrdreg s16  }
0xb6: {  	[dreg:$0x4] =	wrdreg s17  }
0xb7: {  	[dreg:$0x5] =	wrdreg s24  }
0xb8: {  	[dreg:$0x6] =	wrdreg $0x90000  }
0xb9: {  	[dreg:$0x7] =	wrdreg $0x9  }
0xba: {  	_ =	task.clear_ibuf [dreg:s9], $0x8FFFF;
	_ =	strace $0x9000004C  }
0xbb: {  	s29 =	simm.s32 $0x9;
	_ =	strace $0x8000004E  }
0xbc: {  	_ =	swait.ge [sflag:s29], $0x1  }
0xbd: {  	[sflag:s29] =	ssyncadd.s32 $0xFFFFFFFF  }
0xbe: {  	_ =	strace $0x9000004E  }
0xbf: {  	_ =	sfence  }
0xc0: {  	s30 =	sld [smem:$0x0];
	_ =	sdelay $0x2  }
0xc1: {  	s31 =	sshll.u32 s1, $0xD;
	s1 =	sshrl.u32 s1, $0x2  }
0xc2: {  	s3 =	sand.u32 $0x4000, s31;
	s1 =	sadd.s32 s1, s30  }
0xc3: {  	s0 =	sor.u32 s3, s0;
	s1 =	sshll.u32 s1, $0x11  }
0xc4: {  	s0 =	sor.u32 s1, s0  }
0xc5: {  	s0 =	sadd.s32 $0x8F2B, s0  }
0xc6: {  	[sflag:s0] =	ssyncadd.remote.s32 $0x1  }
0xc7: {  	_ =	sfence.sel $0xFFFF  }
0xc8: {  	[dreg:$0x0] =	wrdreg $0xFFFFFFFF;
	(pc) =	sbr.abs _section_cstart, $3  }
0xc9: {  	[dreg:$0x1] =	wrdreg $0xFFFFFFFF  }
0xca: {  	_ =	task.clear_ibuf [dreg:s9], $0x2FFFF;
	_ =	strace $0x9FFFFFFF  }
0xcb: {  	(tm) =	ssettm $0x7FFFFFFF  }
tec
execute0_lowered:
.L_overlay_start_1:
0x0: {  	(tag) =	ssettag $0x1  }
0x1: {  	s1 =	rddreg [dreg:$0x0]  }
0x2: {  	s0 =	rddreg [dreg:$0x1]  }
0x3: {  	s3 =	rddreg [dreg:$0x2]  }
0x4: {  	s5 =	rddreg [dreg:$0x3]  }
0x5: {  	s2 =	rddreg [dreg:$0x4];
	s4 =	simm.s32 $0x0;
	s6 =	srdreg.scid  }
0x6: {  	s14 =	stileid.u32;
	s16 =	simm.s32 $0x200;
	s19 =	simm.s32 $0x280  }
0x7: {  	s20 =	simm.s32 $0xA00;
	s28 =	simm.s32 $0xC00;
	s29 =	simm.s32 $0x500  }
0x8: {  	s30 =	simm.s32 $0xC80;
	s31 =	simm.s32 $0x580;
	[smem:$0x7FF] =	sst s4  }
0x9: {  	s6 =	sand.u32 $0x1, s6;
	s8 =	smul.u32 $0x50000, s14;
	s9 =	sadd.s32 $0x3600, s5  }
0xa: {  	s10 =	smul.u32 $0x14000, s14;
	_ =	strace $0x8000004D;
	[dreg:$0x16] =	wrdreg s9  }
0xb: {  	s5 =	sadd.s32 $0x3E00, s5;
	s14 =	smul.u32 $0x5000, s14;
	[dreg:$0xc] =	wrdreg s16  }
0xc: {  	s7 =	ssub.s32 $0x2, s6;
	s12 =	smul.u32 $0x140000, s6;
	[dreg:$0xe] =	wrdreg s19  }
0xd: {  	s6 =	smul.u32 $0x2800, s6;
	s19 =	simm.s32 $0x800;
	[dreg:$0xf] =	wrdreg s20  }
0xe: {  	s20 =	simm.s32 $0x80;
	s16 =	simm.s32 $0xF00;
	s21 =	sshrl.u32 s7, $0x1  }
0xf: {  	s8 =	sshrl.u32 s8, $0x2;
	s18 =	sadd.s32 $0x4000, s10;
	s11 =	sadd.s32 $0x8000, s10  }
0x10: {  	s23 =	sadd.s32 $0xC000, s10;
	s7 =	ssub.s32 s7, s21;
	s15 =	sadd.s32 s8, s2  }
0x11: {  	s22 =	sadd.s32 s18, s2;
	s17 =	sadd.s32 s11, s2;
	s13 =	sadd.s32 s10, s12  }
0x12: {  	s10 =	sadd.s32 $0x10000, s10;
	s24 =	sadd.s32 s23, s2;
	[dreg:$0x18] =	wrdreg s22  }
0x13: {  	s6 =	sadd.s32 s6, s14;
	s14 =	simm.s32 $0x180;
	[dreg:$0x1a] =	wrdreg s24  }
0x14: {  	s25 =	sadd.s32 s12, s18;
	s18 =	simm.s32 $0x980;
	[dreg:$0xa] =	wrdreg s14  }
0x15: {  	s8 =	sadd.s32 s12, s23;
	s21 =	simm.s32 $0x300;
	[dreg:$0xd] =	wrdreg s18  }
0x16: {  	s23 =	simm.s32 $0x380;
	s26 =	sshrl.u32 s8, $0x3;
	[dreg:$0x10] =	wrdreg s21  }
0x17: {  	s8 =	smov.u32 s15;
	s15 =	simm.s32 $0x900;
	[dreg:$0x12] =	wrdreg s23  }
0x18: {  	s11 =	sadd.s32 s12, s11;
	s22 =	simm.s32 $0xA80;
	[dreg:$0xb] =	wrdreg s15  }
0x19: {  	s13 =	sshrl.u32 s13, $0x3;
	s24 =	simm.s32 $0xB00;
	[dreg:$0x11] =	wrdreg s22  }
0x1a: {  	s9 =	sadd.s32 s10, s2;
	s11 =	sshrl.u32 s11, $0x3;
	[dreg:$0x13] =	wrdreg s24  }
0x1b: {  	s6 =	sshrl.u32 s6, $0x3;
	s18 =	simm.s32 $0x5;
	[dreg:$0x17] =	wrdreg s8  }
0x1c: {  	s21 =	simm.s32 $0x5000;
	s13 =	sadd.s32 s5, s13;
	[dreg:$0x1b] =	wrdreg s9  }
0x1d: {  	s23 =	simm.s32 $0x3;
	s11 =	sadd.s32 s5, s11;
	[dreg:$0x1c] =	wrdreg s13  }
0x1e: {  	s14 =	simm.s32 $0xE80;
	s3 =	sadd.s32 s6, s3;
	[dreg:$0x1e] =	wrdreg s11  }
0x1f: {  	s0 =	sadd.s32 s6, s0;
	s6 =	simm.s32 $0x100;
	[dreg:$0x6] =	wrdreg s3  }
0x20: {  	s22 =	simm.s32 $0x1;
	s24 =	simm.s32 $0x2;
	[dreg:$0x7] =	wrdreg s0  }
0x21: {  	s15 =	simm.s32 $0x780;
	s3 =	sadd.s32 s5, s26;
	[dreg:$0x8] =	wrdreg s6  }
0x22: {  	s13 =	sshrl.u32 s25, $0x3;
	s11 =	simm.s32 $0x880;
	[dreg:$0x1f] =	wrdreg s3  }
0x23: {  	s25 =	simm.s32 $0x400;
	s26 =	simm.s32 $0xB80;
	[dreg:$0x9] =	wrdreg s11  }
0x24: {  	s0 =	simm.s32 $0xD00;
	s6 =	simm.s32 $0xF80;
	[dreg:$0x14] =	wrdreg s25  }
0x25: {  	s13 =	sadd.s32 s5, s13;
	[dreg:$0x15] =	wrdreg s26;
	s25 =	simm.s32 $0x4  }
0x26: {  	s26 =	simm.s32 $0x480;
	s11 =	simm.s32 $0x680;
	[dreg:$0x1d] =	wrdreg s13  }
0x27: {  	s13 =	sadd.s32 s12, s10;
	s10 =	smov.u32 s17;
	s17 =	smax.u32 s7, $0x1  }
0x28: {  	s12 =	simm.s32 $0xE00;
	s7 =	simm.s32 $0x0;
	[smem:$0x7FC] =	sst s17  }
0x29: {  	s3 =	sshrl.u32 s13, $0x3;
	s17 =	simm.s32 $0x1000;
	[smem:$0x7FD] =	sst s7  }
0x2a: {  	s13 =	simm.s32 $0x700;
	[dreg:$0x19] =	wrdreg s10;
	s3 =	sadd.s32 s5, s3  }
0x2b: {  	s5 =	simm.s32 $0xD80;
	[smem:$0x7FB] =	sst s3;
	s3 =	simm.s32 $0x600  }
.LBB2_1:
0x2c: {  	s7 =	rddreg [dreg:$0x16]  }
0x2d: {  	[tilespmem:s17], [sflag:$0x5] =	stream.linear.gather [hbm4b:s7+s4], $0x4000, $0x38;
	[tilespmem:$0x1D000] =	vst v63  }
0x2e: {  	_ =	swait.ge [sflag:s18], $0x4000  }
0x2f: {  	[sflag:s18] =	ssyncset.done $0x0  }
0x30: {  	[sflag:s18] =	ssyncadd.s32 $0xFFFFC000  }
0x31: {  	[spmem:s8] =	stream.linear.scatter [tilespmem:s17], [sflag:$0x5], $0x4000, $0x38;
	[tilespmem:$0x1D000] =	vst v63  }
0x32: {  	_ =	swait.ge [sflag:s18], $0x4000  }
0x33: {  	[sflag:s18] =	ssyncset.done $0x0  }
0x34: {  	s8 =	rddreg [dreg:$0x18];
	[sflag:s18] =	ssyncadd.s32 $0xFFFFC000  }
0x35: {  	[spmem:s8] =	stream.linear.scatter [tilespmem:s17], [sflag:$0x5], $0x4000, $0x38;
	[tilespmem:$0x1D000] =	vst v63  }
0x36: {  	_ =	swait.ge [sflag:s18], $0x4000  }
0x37: {  	[sflag:s18] =	ssyncset.done $0x0  }
0x38: {  	[sflag:s18] =	ssyncadd.s32 $0xFFFFC000  }
0x39: {  	[spmem:s10] =	stream.linear.scatter [tilespmem:s17], [sflag:$0x5], $0x4000, $0x38;
	[tilespmem:$0x1D000] =	vst v63  }
0x3a: {  	_ =	swait.ge [sflag:s18], $0x4000  }
0x3b: {  	[sflag:s18] =	ssyncset.done $0x0  }
0x3c: {  	s8 =	rddreg [dreg:$0x1a];
	[sflag:s18] =	ssyncadd.s32 $0xFFFFC000  }
0x3d: {  	[spmem:s8] =	stream.linear.scatter [tilespmem:s17], [sflag:$0x5], $0x4000, $0x38;
	[tilespmem:$0x1D000] =	vst v63  }
0x3e: {  	_ =	swait.ge [sflag:s18], $0x4000  }
0x3f: {  	[sflag:s18] =	ssyncset.done $0x0  }
0x40: {  	[sflag:s18] =	ssyncadd.s32 $0xFFFFC000  }
0x41: {  	[spmem:s9] =	stream.linear.scatter [tilespmem:s17], [sflag:$0x5], $0x4000, $0x38;
	[tilespmem:$0x1D000] =	vst v63  }
0x42: {  	_ =	swait.ge [sflag:s18], $0x4000  }
0x43: {  	[sflag:s18] =	ssyncset.done $0x0  }
0x44: {  	[sflag:s18] =	ssyncadd.s32 $0xFFFFC000  }
0x45: {  	[bflag:$0x0] =	sbarrier.arrive $0xFFFF  }
0x46: {  	s10 =	rddreg [dreg:$0x7]  }
0x47: {  	s8 =	sadd.s32 $0x0, s10  }
0x48: {  	[tilespmem:s4], [sflag:$0x5] =	stream.linear.gather [hbm4b:s8+s4], $0x800, $0x38;
	[tilespmem:$0x1D000] =	vst v63  }
0x49: {  	_ =	swait.ge [sflag:s18], $0x800  }
0x4a: {  	s7 =	rddreg [dreg:$0x6];
	[sflag:s18] =	ssyncset.done $0x0  }
0x4b: {  	[sflag:s18] =	ssyncadd.s32 $0xFFFFF800;
	s8 =	sadd.s32 $0x0, s7  }
0x4c: {  	[tilespmem:s19], [sflag:$0x5] =	stream.linear.gather [hbm4b:s8+s4], $0x800, $0x38;
	[tilespmem:$0x1D000] =	vst v63  }
0x4d: {  	_ =	swait.ge [sflag:s18], $0x800  }
0x4e: {  	[sflag:s18] =	ssyncset.done $0x0  }
0x4f: {  	[sflag:s18] =	ssyncadd.s32 $0xFFFFF800  }
0x50: {  	[tilespmem:s17], [sflag:$0x1] =	stream.indirect.gather [hbm4b:s1+s20], $0x80, s4, s20, $0xb8;
	[tilespmem:$0x1D000] =	vst v63  }
0x51: {  	_ = 	snop  }
0x52: {  	[tilespmem:s21], [sflag:$0x2] =	stream.indirect.gather [hbm4b:s1+s20], $0x80, s20, s20, $0xb8;
	[tilespmem:$0x1D000] =	vst v63  }
0x53: {  	_ =	swait.ge [sflag:s22], $0x4000  }
0x54: {  	[sflag:s22] =	ssyncset.done $0x0  }
0x55: {  	[sflag:s22] =	ssyncadd.s32 $0xFFFFC000  }
0x56: {  	[spmem:s2] =	stream.indirect.scatter.add.f32 [tilespmem:s17], [sflag:$0x3], $0x80, s19, s20, $0xb8;
	[tilespmem:$0x1D000] =	vst v63  }
0x57: {  	_ =	swait.ge [sflag:s23], $0x4000  }
0x58: {  	[sflag:s23] =	ssyncset.done $0x0  }
0x59: {  	s9 =	rddreg [dreg:$0x8];
	[sflag:s23] =	ssyncadd.s32 $0xFFFFC000  }
0x5a: {  	[tilespmem:s17], [sflag:$0x1] =	stream.indirect.gather [hbm4b:s1+s20], $0x80, s9, s20, $0xb8;
	[tilespmem:$0x1D000] =	vst v63  }
0x5b: {  	_ =	swait.ge [sflag:s24], $0x4000  }
0x5c: {  	[sflag:s24] =	ssyncset.done $0x0  }
0x5d: {  	s10 =	rddreg [dreg:$0x9];
	[sflag:s24] =	ssyncadd.s32 $0xFFFFC000  }
0x5e: {  	[spmem:s2] =	stream.indirect.scatter.add.f32 [tilespmem:s21], [sflag:$0x4], $0x80, s10, s20, $0xb8;
	[tilespmem:$0x1D000] =	vst v63  }
0x5f: {  	_ =	swait.ge [sflag:s25], $0x4000  }
0x60: {  	[sflag:s25] =	ssyncset.done $0x0  }
0x61: {  	s7 =	rddreg [dreg:$0xa];
	[sflag:s25] =	ssyncadd.s32 $0xFFFFC000  }
0x62: {  	[tilespmem:s21], [sflag:$0x2] =	stream.indirect.gather [hbm4b:s1+s20], $0x80, s7, s20, $0xb8;
	[tilespmem:$0x1D000] =	vst v63  }
0x63: {  	_ =	swait.ge [sflag:s22], $0x4000  }
0x64: {  	[sflag:s22] =	ssyncset.done $0x0  }
0x65: {  	s9 =	rddreg [dreg:$0xb];
	[sflag:s22] =	ssyncadd.s32 $0xFFFFC000  }
0x66: {  	[spmem:s2] =	stream.indirect.scatter.add.f32 [tilespmem:s17], [sflag:$0x3], $0x80, s9, s20, $0xb8;
	[tilespmem:$0x1D000] =	vst v63  }
0x67: {  	_ =	swait.ge [sflag:s23], $0x4000  }
0x68: {  	[sflag:s23] =	ssyncset.done $0x0  }
0x69: {  	s10 =	rddreg [dreg:$0xc];
	[sflag:s23] =	ssyncadd.s32 $0xFFFFC000  }
0x6a: {  	[tilespmem:s17], [sflag:$0x1] =	stream.indirect.gather [hbm4b:s1+s20], $0x80, s10, s20, $0xb8;
	[tilespmem:$0x1D000] =	vst v63  }
0x6b: {  	_ =	swait.ge [sflag:s24], $0x4000  }
0x6c: {  	[sflag:s24] =	ssyncset.done $0x0  }
0x6d: {  	s7 =	rddreg [dreg:$0xd];
	[sflag:s24] =	ssyncadd.s32 $0xFFFFC000  }
0x6e: {  	[spmem:s2] =	stream.indirect.scatter.add.f32 [tilespmem:s21], [sflag:$0x4], $0x80, s7, s20, $0xb8;
	[tilespmem:$0x1D000] =	vst v63  }
0x6f: {  	_ =	swait.ge [sflag:s25], $0x4000  }
0x70: {  	[sflag:s25] =	ssyncset.done $0x0  }
0x71: {  	s9 =	rddreg [dreg:$0xe];
	[sflag:s25] =	ssyncadd.s32 $0xFFFFC000  }
0x72: {  	[tilespmem:s21], [sflag:$0x2] =	stream.indirect.gather [hbm4b:s1+s20], $0x80, s9, s20, $0xb8;
	[tilespmem:$0x1D000] =	vst v63  }
0x73: {  	_ =	swait.ge [sflag:s22], $0x4000  }
0x74: {  	[sflag:s22] =	ssyncset.done $0x0  }
0x75: {  	s10 =	rddreg [dreg:$0xf];
	[sflag:s22] =	ssyncadd.s32 $0xFFFFC000  }
0x76: {  	[spmem:s2] =	stream.indirect.scatter.add.f32 [tilespmem:s17], [sflag:$0x3], $0x80, s10, s20, $0xb8;
	[tilespmem:$0x1D000] =	vst v63  }
0x77: {  	_ =	swait.ge [sflag:s23], $0x4000  }
0x78: {  	[sflag:s23] =	ssyncset.done $0x0  }
0x79: {  	s7 =	rddreg [dreg:$0x10];
	[sflag:s23] =	ssyncadd.s32 $0xFFFFC000  }
0x7a: {  	[tilespmem:s17], [sflag:$0x1] =	stream.indirect.gather [hbm4b:s1+s20], $0x80, s7, s20, $0xb8;
	[tilespmem:$0x1D000] =	vst v63  }
0x7b: {  	_ =	swait.ge [sflag:s24], $0x4000  }
0x7c: {  	[sflag:s24] =	ssyncset.done $0x0  }
0x7d: {  	s9 =	rddreg [dreg:$0x11];
	[sflag:s24] =	ssyncadd.s32 $0xFFFFC000  }
0x7e: {  	[spmem:s2] =	stream.indirect.scatter.add.f32 [tilespmem:s21], [sflag:$0x4], $0x80, s9, s20, $0xb8;
	[tilespmem:$0x1D000] =	vst v63  }
0x7f: {  	_ =	swait.ge [sflag:s25], $0x4000  }
0x80: {  	[sflag:s25] =	ssyncset.done $0x0  }
0x81: {  	s10 =	rddreg [dreg:$0x12];
	[sflag:s25] =	ssyncadd.s32 $0xFFFFC000  }
0x82: {  	[tilespmem:s21], [sflag:$0x2] =	stream.indirect.gather [hbm4b:s1+s20], $0x80, s10, s20, $0xb8;
	[tilespmem:$0x1D000] =	vst v63  }
0x83: {  	_ =	swait.ge [sflag:s22], $0x4000  }
0x84: {  	[sflag:s22] =	ssyncset.done $0x0  }
0x85: {  	s7 =	rddreg [dreg:$0x13];
	[sflag:s22] =	ssyncadd.s32 $0xFFFFC000  }
0x86: {  	[spmem:s2] =	stream.indirect.scatter.add.f32 [tilespmem:s17], [sflag:$0x3], $0x80, s7, s20, $0xb8;
	[tilespmem:$0x1D000] =	vst v63  }
0x87: {  	_ =	swait.ge [sflag:s23], $0x4000  }
0x88: {  	[sflag:s23] =	ssyncset.done $0x0  }
0x89: {  	s9 =	rddreg [dreg:$0x14];
	[sflag:s23] =	ssyncadd.s32 $0xFFFFC000  }
0x8a: {  	[tilespmem:s17], [sflag:$0x1] =	stream.indirect.gather [hbm4b:s1+s20], $0x80, s9, s20, $0xb8;
	[tilespmem:$0x1D000] =	vst v63  }
0x8b: {  	_ =	swait.ge [sflag:s24], $0x4000  }
0x8c: {  	[sflag:s24] =	ssyncset.done $0x0  }
0x8d: {  	s10 =	rddreg [dreg:$0x15];
	[sflag:s24] =	ssyncadd.s32 $0xFFFFC000  }
0x8e: {  	[spmem:s2] =	stream.indirect.scatter.add.f32 [tilespmem:s21], [sflag:$0x4], $0x80, s10, s20, $0xb8;
	[tilespmem:$0x1D000] =	vst v63  }
0x8f: {  	_ =	swait.ge [sflag:s25], $0x4000  }
0x90: {  	[sflag:s25] =	ssyncset.done $0x0  }
0x91: {  	[sflag:s25] =	ssyncadd.s32 $0xFFFFC000  }
0x92: {  	[tilespmem:s21], [sflag:$0x2] =	stream.indirect.gather [hbm4b:s1+s20], $0x80, s26, s20, $0xb8;
	[tilespmem:$0x1D000] =	vst v63  }
0x93: {  	_ =	swait.ge [sflag:s22], $0x4000  }
0x94: {  	[sflag:s22] =	ssyncset.done $0x0  }
0x95: {  	[sflag:s22] =	ssyncadd.s32 $0xFFFFC000  }
0x96: {  	[spmem:s2] =	stream.indirect.scatter.add.f32 [tilespmem:s17], [sflag:$0x3], $0x80, s28, s20, $0xb8;
	[tilespmem:$0x1D000] =	vst v63  }
0x97: {  	_ =	swait.ge [sflag:s23], $0x4000  }
0x98: {  	[sflag:s23] =	ssyncset.done $0x0  }
0x99: {  	[sflag:s23] =	ssyncadd.s32 $0xFFFFC000  }
0x9a: {  	[tilespmem:s17], [sflag:$0x1] =	stream.indirect.gather [hbm4b:s1+s20], $0x80, s29, s20, $0xb8;
	[tilespmem:$0x1D000] =	vst v63  }
0x9b: {  	_ =	swait.ge [sflag:s24], $0x4000  }
0x9c: {  	[sflag:s24] =	ssyncset.done $0x0  }
0x9d: {  	[sflag:s24] =	ssyncadd.s32 $0xFFFFC000  }
0x9e: {  	[spmem:s2] =	stream.indirect.scatter.add.f32 [tilespmem:s21], [sflag:$0x4], $0x80, s30, s20, $0xb8;
	[tilespmem:$0x1D000] =	vst v63  }
0x9f: {  	_ =	swait.ge [sflag:s25], $0x4000  }
0xa0: {  	[sflag:s25] =	ssyncset.done $0x0  }
0xa1: {  	[sflag:s25] =	ssyncadd.s32 $0xFFFFC000  }
0xa2: {  	[tilespmem:s21], [sflag:$0x2] =	stream.indirect.gather [hbm4b:s1+s20], $0x80, s31, s20, $0xb8;
	[tilespmem:$0x1D000] =	vst v63  }
0xa3: {  	_ =	swait.ge [sflag:s22], $0x4000  }
0xa4: {  	[sflag:s22] =	ssyncset.done $0x0  }
0xa5: {  	[sflag:s22] =	ssyncadd.s32 $0xFFFFC000  }
0xa6: {  	[spmem:s2] =	stream.indirect.scatter.add.f32 [tilespmem:s17], [sflag:$0x3], $0x80, s0, s20, $0xb8;
	[tilespmem:$0x1D000] =	vst v63  }
0xa7: {  	_ =	swait.ge [sflag:s23], $0x4000  }
0xa8: {  	[sflag:s23] =	ssyncset.done $0x0  }
0xa9: {  	[sflag:s23] =	ssyncadd.s32 $0xFFFFC000  }
0xaa: {  	[tilespmem:s17], [sflag:$0x1] =	stream.indirect.gather [hbm4b:s1+s20], $0x80, s3, s20, $0xb8;
	[tilespmem:$0x1D000] =	vst v63  }
0xab: {  	_ =	swait.ge [sflag:s24], $0x4000  }
0xac: {  	[sflag:s24] =	ssyncset.done $0x0  }
0xad: {  	[sflag:s24] =	ssyncadd.s32 $0xFFFFC000  }
0xae: {  	[spmem:s2] =	stream.indirect.scatter.add.f32 [tilespmem:s21], [sflag:$0x4], $0x80, s5, s20, $0xb8;
	[tilespmem:$0x1D000] =	vst v63  }
0xaf: {  	_ =	swait.ge [sflag:s25], $0x4000  }
0xb0: {  	[sflag:s25] =	ssyncset.done $0x0  }
0xb1: {  	[sflag:s25] =	ssyncadd.s32 $0xFFFFC000  }
0xb2: {  	[tilespmem:s21], [sflag:$0x2] =	stream.indirect.gather [hbm4b:s1+s20], $0x80, s11, s20, $0xb8;
	[tilespmem:$0x1D000] =	vst v63  }
0xb3: {  	_ =	swait.ge [sflag:s22], $0x4000  }
0xb4: {  	[sflag:s22] =	ssyncset.done $0x0  }
0xb5: {  	[sflag:s22] =	ssyncadd.s32 $0xFFFFC000  }
0xb6: {  	[spmem:s2] =	stream.indirect.scatter.add.f32 [tilespmem:s17], [sflag:$0x3], $0x80, s12, s20, $0xb8;
	[tilespmem:$0x1D000] =	vst v63  }
0xb7: {  	_ =	swait.ge [sflag:s23], $0x4000  }
0xb8: {  	[sflag:s23] =	ssyncset.done $0x0  }
0xb9: {  	[sflag:s23] =	ssyncadd.s32 $0xFFFFC000  }
0xba: {  	[tilespmem:s17], [sflag:$0x1] =	stream.indirect.gather [hbm4b:s1+s20], $0x80, s13, s20, $0xb8;
	[tilespmem:$0x1D000] =	vst v63  }
0xbb: {  	_ =	swait.ge [sflag:s24], $0x4000  }
0xbc: {  	[sflag:s24] =	ssyncset.done $0x0  }
0xbd: {  	[sflag:s24] =	ssyncadd.s32 $0xFFFFC000  }
0xbe: {  	[spmem:s2] =	stream.indirect.scatter.add.f32 [tilespmem:s21], [sflag:$0x4], $0x80, s14, s20, $0xb8;
	[tilespmem:$0x1D000] =	vst v63  }
0xbf: {  	_ =	swait.ge [sflag:s25], $0x4000  }
0xc0: {  	[sflag:s25] =	ssyncset.done $0x0  }
0xc1: {  	[sflag:s25] =	ssyncadd.s32 $0xFFFFC000  }
0xc2: {  	[tilespmem:s21], [sflag:$0x2] =	stream.indirect.gather [hbm4b:s1+s20], $0x80, s15, s20, $0xb8;
	[tilespmem:$0x1D000] =	vst v63  }
0xc3: {  	_ =	swait.ge [sflag:s22], $0x4000  }
0xc4: {  	[sflag:s22] =	ssyncset.done $0x0  }
0xc5: {  	[sflag:s22] =	ssyncadd.s32 $0xFFFFC000  }
0xc6: {  	[spmem:s2] =	stream.indirect.scatter.add.f32 [tilespmem:s17], [sflag:$0x3], $0x80, s16, s20, $0xb8;
	[tilespmem:$0x1D000] =	vst v63  }
0xc7: {  	_ =	swait.ge [sflag:s24], $0x4000  }
0xc8: {  	[sflag:s24] =	ssyncset.done $0x0  }
0xc9: {  	[sflag:s24] =	ssyncadd.s32 $0xFFFFC000  }
0xca: {  	[spmem:s2] =	stream.indirect.scatter.add.f32 [tilespmem:s21], [sflag:$0x4], $0x80, s6, s20, $0xb8;
	[tilespmem:$0x1D000] =	vst v63  }
0xcb: {  	_ =	swait.ge [sflag:s23], $0x4000  }
0xcc: {  	[sflag:s23] =	ssyncset.done $0x0  }
0xcd: {  	[sflag:s23] =	ssyncadd.s32 $0xFFFFC000  }
0xce: {  	s8 =	simm.s32 $0x100;
	_ =	swait.ge [sflag:s25], $0x4000  }
0xcf: {  	s9 =	simm.s32 $0x200;
	s10 =	rddreg [dreg:$0x7];
	[sflag:s25] =	ssyncset.done $0x0  }
.LBB2_2:
0xd0: {  	[sflag:s25] =	ssyncadd.s32 $0xFFFFC000;
	s10 =	sadd.s32 s8, s10  }
0xd1: {  	[tilespmem:s4], [sflag:$0x5] =	stream.linear.gather [hbm4b:s10+s4], $0x800, $0x38;
	[tilespmem:$0x1D000] =	vst v63  }
0xd2: {  	_ =	swait.ge [sflag:s18], $0x800  }
0xd3: {  	s10 =	rddreg [dreg:$0x6];
	[sflag:s18] =	ssyncset.done $0x0  }
0xd4: {  	[sflag:s18] =	ssyncadd.s32 $0xFFFFF800;
	s10 =	sadd.s32 s8, s10  }
0xd5: {  	[tilespmem:s19], [sflag:$0x5] =	stream.linear.gather [hbm4b:s10+s4], $0x800, $0x38;
	[tilespmem:$0x1D000] =	vst v63  }
0xd6: {  	_ =	swait.ge [sflag:s18], $0x800  }
0xd7: {  	[sflag:s18] =	ssyncset.done $0x0  }
0xd8: {  	[sflag:s18] =	ssyncadd.s32 $0xFFFFF800  }
0xd9: {  	[tilespmem:s17], [sflag:$0x1] =	stream.indirect.gather [hbm4b:s1+s20], $0x80, s4, s20, $0xb8;
	[tilespmem:$0x1D000] =	vst v63  }
0xda: {  	_ = 	snop  }
0xdb: {  	[tilespmem:s21], [sflag:$0x2] =	stream.indirect.gather [hbm4b:s1+s20], $0x80, s20, s20, $0xb8;
	[tilespmem:$0x1D000] =	vst v63  }
0xdc: {  	_ =	swait.ge [sflag:s22], $0x4000  }
0xdd: {  	[sflag:s22] =	ssyncset.done $0x0  }
0xde: {  	[sflag:s22] =	ssyncadd.s32 $0xFFFFC000  }
0xdf: {  	[spmem:s2] =	stream.indirect.scatter.add.f32 [tilespmem:s17], [sflag:$0x3], $0x80, s19, s20, $0xb8;
	[tilespmem:$0x1D000] =	vst v63  }
0xe0: {  	_ =	swait.ge [sflag:s23], $0x4000  }
0xe1: {  	[sflag:s23] =	ssyncset.done $0x0  }
0xe2: {  	s10 =	rddreg [dreg:$0x8];
	[sflag:s23] =	ssyncadd.s32 $0xFFFFC000  }
0xe3: {  	[tilespmem:s17], [sflag:$0x1] =	stream.indirect.gather [hbm4b:s1+s20], $0x80, s10, s20, $0xb8;
	[tilespmem:$0x1D000] =	vst v63  }
0xe4: {  	_ =	swait.ge [sflag:s24], $0x4000  }
0xe5: {  	[sflag:s24] =	ssyncset.done $0x0  }
0xe6: {  	s10 =	rddreg [dreg:$0x9];
	[sflag:s24] =	ssyncadd.s32 $0xFFFFC000  }
0xe7: {  	[spmem:s2] =	stream.indirect.scatter.add.f32 [tilespmem:s21], [sflag:$0x4], $0x80, s10, s20, $0xb8;
	[tilespmem:$0x1D000] =	vst v63  }
0xe8: {  	_ =	swait.ge [sflag:s25], $0x4000  }
0xe9: {  	[sflag:s25] =	ssyncset.done $0x0  }
0xea: {  	s10 =	rddreg [dreg:$0xa];
	[sflag:s25] =	ssyncadd.s32 $0xFFFFC000  }
0xeb: {  	[tilespmem:s21], [sflag:$0x2] =	stream.indirect.gather [hbm4b:s1+s20], $0x80, s10, s20, $0xb8;
	[tilespmem:$0x1D000] =	vst v63  }
0xec: {  	_ =	swait.ge [sflag:s22], $0x4000  }
0xed: {  	[sflag:s22] =	ssyncset.done $0x0  }
0xee: {  	s10 =	rddreg [dreg:$0xb];
	[sflag:s22] =	ssyncadd.s32 $0xFFFFC000  }
0xef: {  	[spmem:s2] =	stream.indirect.scatter.add.f32 [tilespmem:s17], [sflag:$0x3], $0x80, s10, s20, $0xb8;
	[tilespmem:$0x1D000] =	vst v63  }
0xf0: {  	_ =	swait.ge [sflag:s23], $0x4000  }
0xf1: {  	[sflag:s23] =	ssyncset.done $0x0  }
0xf2: {  	s10 =	rddreg [dreg:$0xc];
	[sflag:s23] =	ssyncadd.s32 $0xFFFFC000  }
0xf3: {  	[tilespmem:s17], [sflag:$0x1] =	stream.indirect.gather [hbm4b:s1+s20], $0x80, s10, s20, $0xb8;
	[tilespmem:$0x1D000] =	vst v63  }
0xf4: {  	_ =	swait.ge [sflag:s24], $0x4000  }
0xf5: {  	[sflag:s24] =	ssyncset.done $0x0  }
0xf6: {  	s10 =	rddreg [dreg:$0xd];
	[sflag:s24] =	ssyncadd.s32 $0xFFFFC000  }
0xf7: {  	[spmem:s2] =	stream.indirect.scatter.add.f32 [tilespmem:s21], [sflag:$0x4], $0x80, s10, s20, $0xb8;
	[tilespmem:$0x1D000] =	vst v63  }
0xf8: {  	_ =	swait.ge [sflag:s25], $0x4000  }
0xf9: {  	[sflag:s25] =	ssyncset.done $0x0  }
0xfa: {  	s10 =	rddreg [dreg:$0xe];
	[sflag:s25] =	ssyncadd.s32 $0xFFFFC000  }
0xfb: {  	[tilespmem:s21], [sflag:$0x2] =	stream.indirect.gather [hbm4b:s1+s20], $0x80, s10, s20, $0xb8;
	[tilespmem:$0x1D000] =	vst v63  }
0xfc: {  	_ =	swait.ge [sflag:s22], $0x4000  }
0xfd: {  	[sflag:s22] =	ssyncset.done $0x0  }
0xfe: {  	s10 =	rddreg [dreg:$0xf];
	[sflag:s22] =	ssyncadd.s32 $0xFFFFC000  }
0xff: {  	[spmem:s2] =	stream.indirect.scatter.add.f32 [tilespmem:s17], [sflag:$0x3], $0x80, s10, s20, $0xb8;
	[tilespmem:$0x1D000] =	vst v63  }
0x100: {  	_ =	swait.ge [sflag:s23], $0x4000  }
0x101: {  	[sflag:s23] =	ssyncset.done $0x0  }
0x102: {  	s10 =	rddreg [dreg:$0x10];
	[sflag:s23] =	ssyncadd.s32 $0xFFFFC000  }
0x103: {  	[tilespmem:s17], [sflag:$0x1] =	stream.indirect.gather [hbm4b:s1+s20], $0x80, s10, s20, $0xb8;
	[tilespmem:$0x1D000] =	vst v63  }
0x104: {  	_ =	swait.ge [sflag:s24], $0x4000  }
0x105: {  	[sflag:s24] =	ssyncset.done $0x0  }
0x106: {  	s10 =	rddreg [dreg:$0x11];
	[sflag:s24] =	ssyncadd.s32 $0xFFFFC000  }
0x107: {  	[spmem:s2] =	stream.indirect.scatter.add.f32 [tilespmem:s21], [sflag:$0x4], $0x80, s10, s20, $0xb8;
	[tilespmem:$0x1D000] =	vst v63  }
0x108: {  	_ =	swait.ge [sflag:s25], $0x4000  }
0x109: {  	[sflag:s25] =	ssyncset.done $0x0  }
0x10a: {  	s10 =	rddreg [dreg:$0x12];
	[sflag:s25] =	ssyncadd.s32 $0xFFFFC000  }
0x10b: {  	[tilespmem:s21], [sflag:$0x2] =	stream.indirect.gather [hbm4b:s1+s20], $0x80, s10, s20, $0xb8;
	[tilespmem:$0x1D000] =	vst v63  }
0x10c: {  	_ =	swait.ge [sflag:s22], $0x4000  }
0x10d: {  	[sflag:s22] =	ssyncset.done $0x0  }
0x10e: {  	s10 =	rddreg [dreg:$0x13];
	[sflag:s22] =	ssyncadd.s32 $0xFFFFC000  }
0x10f: {  	[spmem:s2] =	stream.indirect.scatter.add.f32 [tilespmem:s17], [sflag:$0x3], $0x80, s10, s20, $0xb8;
	[tilespmem:$0x1D000] =	vst v63  }
0x110: {  	_ =	swait.ge [sflag:s23], $0x4000  }
0x111: {  	[sflag:s23] =	ssyncset.done $0x0  }
0x112: {  	s10 =	rddreg [dreg:$0x14];
	[sflag:s23] =	ssyncadd.s32 $0xFFFFC000  }
0x113: {  	[tilespmem:s17], [sflag:$0x1] =	stream.indirect.gather [hbm4b:s1+s20], $0x80, s10, s20, $0xb8;
	[tilespmem:$0x1D000] =	vst v63  }
0x114: {  	_ =	swait.ge [sflag:s24], $0x4000  }
0x115: {  	[sflag:s24] =	ssyncset.done $0x0  }
0x116: {  	s10 =	rddreg [dreg:$0x15];
	[sflag:s24] =	ssyncadd.s32 $0xFFFFC000  }
0x117: {  	[spmem:s2] =	stream.indirect.scatter.add.f32 [tilespmem:s21], [sflag:$0x4], $0x80, s10, s20, $0xb8;
	[tilespmem:$0x1D000] =	vst v63  }
0x118: {  	_ =	swait.ge [sflag:s25], $0x4000  }
0x119: {  	[sflag:s25] =	ssyncset.done $0x0  }
0x11a: {  	[sflag:s25] =	ssyncadd.s32 $0xFFFFC000  }
0x11b: {  	[tilespmem:s21], [sflag:$0x2] =	stream.indirect.gather [hbm4b:s1+s20], $0x80, s26, s20, $0xb8;
	[tilespmem:$0x1D000] =	vst v63  }
0x11c: {  	_ =	swait.ge [sflag:s22], $0x4000  }
0x11d: {  	[sflag:s22] =	ssyncset.done $0x0  }
0x11e: {  	[sflag:s22] =	ssyncadd.s32 $0xFFFFC000  }
0x11f: {  	[spmem:s2] =	stream.indirect.scatter.add.f32 [tilespmem:s17], [sflag:$0x3], $0x80, s28, s20, $0xb8;
	[tilespmem:$0x1D000] =	vst v63  }
0x120: {  	_ =	swait.ge [sflag:s23], $0x4000  }
0x121: {  	[sflag:s23] =	ssyncset.done $0x0  }
0x122: {  	[sflag:s23] =	ssyncadd.s32 $0xFFFFC000  }
0x123: {  	[tilespmem:s17], [sflag:$0x1] =	stream.indirect.gather [hbm4b:s1+s20], $0x80, s29, s20, $0xb8;
	[tilespmem:$0x1D000] =	vst v63  }
0x124: {  	_ =	swait.ge [sflag:s24], $0x4000  }
0x125: {  	[sflag:s24] =	ssyncset.done $0x0  }
0x126: {  	[sflag:s24] =	ssyncadd.s32 $0xFFFFC000  }
0x127: {  	[spmem:s2] =	stream.indirect.scatter.add.f32 [tilespmem:s21], [sflag:$0x4], $0x80, s30, s20, $0xb8;
	[tilespmem:$0x1D000] =	vst v63  }
0x128: {  	_ =	swait.ge [sflag:s25], $0x4000  }
0x129: {  	[sflag:s25] =	ssyncset.done $0x0  }
0x12a: {  	[sflag:s25] =	ssyncadd.s32 $0xFFFFC000  }
0x12b: {  	[tilespmem:s21], [sflag:$0x2] =	stream.indirect.gather [hbm4b:s1+s20], $0x80, s31, s20, $0xb8;
	[tilespmem:$0x1D000] =	vst v63  }
0x12c: {  	_ =	swait.ge [sflag:s22], $0x4000  }
0x12d: {  	[sflag:s22] =	ssyncset.done $0x0  }
0x12e: {  	[sflag:s22] =	ssyncadd.s32 $0xFFFFC000  }
0x12f: {  	[spmem:s2] =	stream.indirect.scatter.add.f32 [tilespmem:s17], [sflag:$0x3], $0x80, s0, s20, $0xb8;
	[tilespmem:$0x1D000] =	vst v63  }
0x130: {  	_ =	swait.ge [sflag:s23], $0x4000  }
0x131: {  	[sflag:s23] =	ssyncset.done $0x0  }
0x132: {  	[sflag:s23] =	ssyncadd.s32 $0xFFFFC000  }
0x133: {  	[tilespmem:s17], [sflag:$0x1] =	stream.indirect.gather [hbm4b:s1+s20], $0x80, s3, s20, $0xb8;
	[tilespmem:$0x1D000] =	vst v63  }
0x134: {  	_ =	swait.ge [sflag:s24], $0x4000  }
0x135: {  	[sflag:s24] =	ssyncset.done $0x0  }
0x136: {  	[sflag:s24] =	ssyncadd.s32 $0xFFFFC000  }
0x137: {  	[spmem:s2] =	stream.indirect.scatter.add.f32 [tilespmem:s21], [sflag:$0x4], $0x80, s5, s20, $0xb8;
	[tilespmem:$0x1D000] =	vst v63  }
0x138: {  	_ =	swait.ge [sflag:s25], $0x4000  }
0x139: {  	[sflag:s25] =	ssyncset.done $0x0  }
0x13a: {  	[sflag:s25] =	ssyncadd.s32 $0xFFFFC000  }
0x13b: {  	[tilespmem:s21], [sflag:$0x2] =	stream.indirect.gather [hbm4b:s1+s20], $0x80, s11, s20, $0xb8;
	[tilespmem:$0x1D000] =	vst v63  }
0x13c: {  	_ =	swait.ge [sflag:s22], $0x4000  }
0x13d: {  	[sflag:s22] =	ssyncset.done $0x0  }
0x13e: {  	[sflag:s22] =	ssyncadd.s32 $0xFFFFC000  }
0x13f: {  	[spmem:s2] =	stream.indirect.scatter.add.f32 [tilespmem:s17], [sflag:$0x3], $0x80, s12, s20, $0xb8;
	[tilespmem:$0x1D000] =	vst v63  }
0x140: {  	_ =	swait.ge [sflag:s23], $0x4000  }
0x141: {  	[sflag:s23] =	ssyncset.done $0x0  }
0x142: {  	[sflag:s23] =	ssyncadd.s32 $0xFFFFC000  }
0x143: {  	[tilespmem:s17], [sflag:$0x1] =	stream.indirect.gather [hbm4b:s1+s20], $0x80, s13, s20, $0xb8;
	[tilespmem:$0x1D000] =	vst v63  }
0x144: {  	_ =	swait.ge [sflag:s24], $0x4000  }
0x145: {  	[sflag:s24] =	ssyncset.done $0x0  }
0x146: {  	[sflag:s24] =	ssyncadd.s32 $0xFFFFC000  }
0x147: {  	[spmem:s2] =	stream.indirect.scatter.add.f32 [tilespmem:s21], [sflag:$0x4], $0x80, s14, s20, $0xb8;
	[tilespmem:$0x1D000] =	vst v63  }
0x148: {  	_ =	swait.ge [sflag:s25], $0x4000  }
0x149: {  	[sflag:s25] =	ssyncset.done $0x0  }
0x14a: {  	[sflag:s25] =	ssyncadd.s32 $0xFFFFC000  }
0x14b: {  	[tilespmem:s21], [sflag:$0x2] =	stream.indirect.gather [hbm4b:s1+s20], $0x80, s15, s20, $0xb8;
	[tilespmem:$0x1D000] =	vst v63  }
0x14c: {  	_ =	swait.ge [sflag:s22], $0x4000  }
0x14d: {  	[sflag:s22] =	ssyncset.done $0x0  }
0x14e: {  	[sflag:s22] =	ssyncadd.s32 $0xFFFFC000  }
0x14f: {  	[spmem:s2] =	stream.indirect.scatter.add.f32 [tilespmem:s17], [sflag:$0x3], $0x80, s16, s20, $0xb8;
	[tilespmem:$0x1D000] =	vst v63  }
0x150: {  	_ =	swait.ge [sflag:s24], $0x4000  }
0x151: {  	[sflag:s24] =	ssyncset.done $0x0  }
0x152: {  	p0 =	sne.s32 s9, $0x400;
	[sflag:s24] =	ssyncadd.s32 $0xFFFFC000  }
0x153: {  	[spmem:s2] =	stream.indirect.scatter.add.f32 [tilespmem:s21], [sflag:$0x4], $0x80, s6, s20, $0xb8;
	[tilespmem:$0x1D000] =	vst v63  }
.Ltmp0:
0x154: {  	_ =	swait.ge [sflag:s23], $0x4000;
	(pc) =	sbr.rel @p0 .LBB2_2-.Ltmp0, $4  }
0x155: {  	[sflag:s23] =	ssyncset.done $0x0  }
0x156: {  	[sflag:s23] =	ssyncadd.s32 $0xFFFFC000  }
0x157: {  	s7 =	smov.u32 s9;
	s9 =	sadd.s32 $0x100, s9;
	_ =	swait.ge [sflag:s25], $0x4000  }
0x158: {  	s8 =	smov.u32 s7;
	s10 =	rddreg [dreg:$0x7];
	[sflag:s25] =	ssyncset.done $0x0  }
0x159: {  	[sflag:s25] =	ssyncadd.s32 $0xFFFFC000;
	s7 =	sadd.s32 s8, s10  }
0x15a: {  	[tilespmem:s4], [sflag:$0x5] =	stream.linear.gather [hbm4b:s7+s4], $0x800, $0x38;
	[tilespmem:$0x1D000] =	vst v63  }
0x15b: {  	_ =	swait.ge [sflag:s18], $0x800  }
0x15c: {  	s10 =	rddreg [dreg:$0x6];
	[sflag:s18] =	ssyncset.done $0x0  }
0x15d: {  	s7 =	sadd.s32 s8, s10;
	[sflag:s18] =	ssyncadd.s32 $0xFFFFF800  }
0x15e: {  	[tilespmem:s19], [sflag:$0x5] =	stream.linear.gather [hbm4b:s7+s4], $0x800, $0x38;
	[tilespmem:$0x1D000] =	vst v63  }
0x15f: {  	_ =	swait.ge [sflag:s18], $0x800  }
0x160: {  	[sflag:s18] =	ssyncset.done $0x0  }
0x161: {  	[sflag:s18] =	ssyncadd.s32 $0xFFFFF800  }
0x162: {  	[tilespmem:s17], [sflag:$0x1] =	stream.indirect.gather [hbm4b:s1+s20], $0x80, s4, s20, $0xb8;
	[tilespmem:$0x1D000] =	vst v63  }
0x163: {  	_ = 	snop  }
0x164: {  	[tilespmem:s21], [sflag:$0x2] =	stream.indirect.gather [hbm4b:s1+s20], $0x80, s20, s20, $0xb8;
	[tilespmem:$0x1D000] =	vst v63  }
0x165: {  	_ =	swait.ge [sflag:s22], $0x4000  }
0x166: {  	[sflag:s22] =	ssyncset.done $0x0  }
0x167: {  	[sflag:s22] =	ssyncadd.s32 $0xFFFFC000  }
0x168: {  	[spmem:s2] =	stream.indirect.scatter.add.f32 [tilespmem:s17], [sflag:$0x3], $0x80, s19, s20, $0xb8;
	[tilespmem:$0x1D000] =	vst v63  }
0x169: {  	_ =	swait.ge [sflag:s23], $0x4000  }
0x16a: {  	[sflag:s23] =	ssyncset.done $0x0  }
0x16b: {  	s9 =	rddreg [dreg:$0x8];
	[sflag:s23] =	ssyncadd.s32 $0xFFFFC000  }
0x16c: {  	[tilespmem:s17], [sflag:$0x1] =	stream.indirect.gather [hbm4b:s1+s20], $0x80, s9, s20, $0xb8;
	[tilespmem:$0x1D000] =	vst v63  }
0x16d: {  	_ =	swait.ge [sflag:s24], $0x4000  }
0x16e: {  	[sflag:s24] =	ssyncset.done $0x0  }
0x16f: {  	s10 =	rddreg [dreg:$0x9];
	[sflag:s24] =	ssyncadd.s32 $0xFFFFC000  }
0x170: {  	[spmem:s2] =	stream.indirect.scatter.add.f32 [tilespmem:s21], [sflag:$0x4], $0x80, s10, s20, $0xb8;
	[tilespmem:$0x1D000] =	vst v63  }
0x171: {  	_ =	swait.ge [sflag:s25], $0x4000  }
0x172: {  	[sflag:s25] =	ssyncset.done $0x0  }
0x173: {  	s8 =	rddreg [dreg:$0xa];
	[sflag:s25] =	ssyncadd.s32 $0xFFFFC000  }
0x174: {  	[tilespmem:s21], [sflag:$0x2] =	stream.indirect.gather [hbm4b:s1+s20], $0x80, s8, s20, $0xb8;
	[tilespmem:$0x1D000] =	vst v63  }
0x175: {  	_ =	swait.ge [sflag:s22], $0x4000  }
0x176: {  	[sflag:s22] =	ssyncset.done $0x0  }
0x177: {  	s9 =	rddreg [dreg:$0xb];
	[sflag:s22] =	ssyncadd.s32 $0xFFFFC000  }
0x178: {  	[spmem:s2] =	stream.indirect.scatter.add.f32 [tilespmem:s17], [sflag:$0x3], $0x80, s9, s20, $0xb8;
	[tilespmem:$0x1D000] =	vst v63  }
0x179: {  	_ =	swait.ge [sflag:s23], $0x4000  }
0x17a: {  	[sflag:s23] =	ssyncset.done $0x0  }
0x17b: {  	s10 =	rddreg [dreg:$0xc];
	[sflag:s23] =	ssyncadd.s32 $0xFFFFC000  }
0x17c: {  	[tilespmem:s17], [sflag:$0x1] =	stream.indirect.gather [hbm4b:s1+s20], $0x80, s10, s20, $0xb8;
	[tilespmem:$0x1D000] =	vst v63  }
0x17d: {  	_ =	swait.ge [sflag:s24], $0x4000  }
0x17e: {  	[sflag:s24] =	ssyncset.done $0x0  }
0x17f: {  	s8 =	rddreg [dreg:$0xd];
	[sflag:s24] =	ssyncadd.s32 $0xFFFFC000  }
0x180: {  	[spmem:s2] =	stream.indirect.scatter.add.f32 [tilespmem:s21], [sflag:$0x4], $0x80, s8, s20, $0xb8;
	[tilespmem:$0x1D000] =	vst v63  }
0x181: {  	_ =	swait.ge [sflag:s25], $0x4000  }
0x182: {  	[sflag:s25] =	ssyncset.done $0x0  }
0x183: {  	s9 =	rddreg [dreg:$0xe];
	[sflag:s25] =	ssyncadd.s32 $0xFFFFC000  }
0x184: {  	[tilespmem:s21], [sflag:$0x2] =	stream.indirect.gather [hbm4b:s1+s20], $0x80, s9, s20, $0xb8;
	[tilespmem:$0x1D000] =	vst v63  }
0x185: {  	_ =	swait.ge [sflag:s22], $0x4000  }
0x186: {  	[sflag:s22] =	ssyncset.done $0x0  }
0x187: {  	s10 =	rddreg [dreg:$0xf];
	[sflag:s22] =	ssyncadd.s32 $0xFFFFC000  }
0x188: {  	[spmem:s2] =	stream.indirect.scatter.add.f32 [tilespmem:s17], [sflag:$0x3], $0x80, s10, s20, $0xb8;
	[tilespmem:$0x1D000] =	vst v63  }
0x189: {  	_ =	swait.ge [sflag:s23], $0x4000  }
0x18a: {  	[sflag:s23] =	ssyncset.done $0x0  }
0x18b: {  	s8 =	rddreg [dreg:$0x10];
	[sflag:s23] =	ssyncadd.s32 $0xFFFFC000  }
0x18c: {  	[tilespmem:s17], [sflag:$0x1] =	stream.indirect.gather [hbm4b:s1+s20], $0x80, s8, s20, $0xb8;
	[tilespmem:$0x1D000] =	vst v63  }
0x18d: {  	_ =	swait.ge [sflag:s24], $0x4000  }
0x18e: {  	[sflag:s24] =	ssyncset.done $0x0  }
0x18f: {  	s9 =	rddreg [dreg:$0x11];
	[sflag:s24] =	ssyncadd.s32 $0xFFFFC000  }
0x190: {  	[spmem:s2] =	stream.indirect.scatter.add.f32 [tilespmem:s21], [sflag:$0x4], $0x80, s9, s20, $0xb8;
	[tilespmem:$0x1D000] =	vst v63  }
0x191: {  	_ =	swait.ge [sflag:s25], $0x4000  }
0x192: {  	[sflag:s25] =	ssyncset.done $0x0  }
0x193: {  	s10 =	rddreg [dreg:$0x12];
	[sflag:s25] =	ssyncadd.s32 $0xFFFFC000  }
0x194: {  	[tilespmem:s21], [sflag:$0x2] =	stream.indirect.gather [hbm4b:s1+s20], $0x80, s10, s20, $0xb8;
	[tilespmem:$0x1D000] =	vst v63  }
0x195: {  	_ =	swait.ge [sflag:s22], $0x4000  }
0x196: {  	[sflag:s22] =	ssyncset.done $0x0  }
0x197: {  	s8 =	rddreg [dreg:$0x13];
	[sflag:s22] =	ssyncadd.s32 $0xFFFFC000  }
0x198: {  	[spmem:s2] =	stream.indirect.scatter.add.f32 [tilespmem:s17], [sflag:$0x3], $0x80, s8, s20, $0xb8;
	[tilespmem:$0x1D000] =	vst v63  }
0x199: {  	_ =	swait.ge [sflag:s23], $0x4000  }
0x19a: {  	[sflag:s23] =	ssyncset.done $0x0  }
0x19b: {  	s9 =	rddreg [dreg:$0x14];
	[sflag:s23] =	ssyncadd.s32 $0xFFFFC000  }
0x19c: {  	[tilespmem:s17], [sflag:$0x1] =	stream.indirect.gather [hbm4b:s1+s20], $0x80, s9, s20, $0xb8;
	[tilespmem:$0x1D000] =	vst v63  }
0x19d: {  	_ =	swait.ge [sflag:s24], $0x4000  }
0x19e: {  	[sflag:s24] =	ssyncset.done $0x0  }
0x19f: {  	s10 =	rddreg [dreg:$0x15];
	[sflag:s24] =	ssyncadd.s32 $0xFFFFC000  }
0x1a0: {  	[spmem:s2] =	stream.indirect.scatter.add.f32 [tilespmem:s21], [sflag:$0x4], $0x80, s10, s20, $0xb8;
	[tilespmem:$0x1D000] =	vst v63  }
0x1a1: {  	_ =	swait.ge [sflag:s25], $0x4000  }
0x1a2: {  	[sflag:s25] =	ssyncset.done $0x0  }
0x1a3: {  	[sflag:s25] =	ssyncadd.s32 $0xFFFFC000  }
0x1a4: {  	[tilespmem:s21], [sflag:$0x2] =	stream.indirect.gather [hbm4b:s1+s20], $0x80, s26, s20, $0xb8;
	[tilespmem:$0x1D000] =	vst v63  }
0x1a5: {  	_ =	swait.ge [sflag:s22], $0x4000  }
0x1a6: {  	[sflag:s22] =	ssyncset.done $0x0  }
0x1a7: {  	[sflag:s22] =	ssyncadd.s32 $0xFFFFC000  }
0x1a8: {  	[spmem:s2] =	stream.indirect.scatter.add.f32 [tilespmem:s17], [sflag:$0x3], $0x80, s28, s20, $0xb8;
	[tilespmem:$0x1D000] =	vst v63  }
0x1a9: {  	_ =	swait.ge [sflag:s23], $0x4000  }
0x1aa: {  	[sflag:s23] =	ssyncset.done $0x0  }
0x1ab: {  	[sflag:s23] =	ssyncadd.s32 $0xFFFFC000  }
0x1ac: {  	[tilespmem:s17], [sflag:$0x1] =	stream.indirect.gather [hbm4b:s1+s20], $0x80, s29, s20, $0xb8;
	[tilespmem:$0x1D000] =	vst v63  }
0x1ad: {  	_ =	swait.ge [sflag:s24], $0x4000  }
0x1ae: {  	[sflag:s24] =	ssyncset.done $0x0  }
0x1af: {  	[sflag:s24] =	ssyncadd.s32 $0xFFFFC000  }
0x1b0: {  	[spmem:s2] =	stream.indirect.scatter.add.f32 [tilespmem:s21], [sflag:$0x4], $0x80, s30, s20, $0xb8;
	[tilespmem:$0x1D000] =	vst v63  }
0x1b1: {  	_ =	swait.ge [sflag:s25], $0x4000  }
0x1b2: {  	[sflag:s25] =	ssyncset.done $0x0  }
0x1b3: {  	[sflag:s25] =	ssyncadd.s32 $0xFFFFC000  }
0x1b4: {  	[tilespmem:s21], [sflag:$0x2] =	stream.indirect.gather [hbm4b:s1+s20], $0x80, s31, s20, $0xb8;
	[tilespmem:$0x1D000] =	vst v63  }
0x1b5: {  	_ =	swait.ge [sflag:s22], $0x4000  }
0x1b6: {  	[sflag:s22] =	ssyncset.done $0x0  }
0x1b7: {  	[sflag:s22] =	ssyncadd.s32 $0xFFFFC000  }
0x1b8: {  	[spmem:s2] =	stream.indirect.scatter.add.f32 [tilespmem:s17], [sflag:$0x3], $0x80, s0, s20, $0xb8;
	[tilespmem:$0x1D000] =	vst v63  }
0x1b9: {  	_ =	swait.ge [sflag:s23], $0x4000  }
0x1ba: {  	[sflag:s23] =	ssyncset.done $0x0  }
0x1bb: {  	[sflag:s23] =	ssyncadd.s32 $0xFFFFC000  }
0x1bc: {  	[tilespmem:s17], [sflag:$0x1] =	stream.indirect.gather [hbm4b:s1+s20], $0x80, s3, s20, $0xb8;
	[tilespmem:$0x1D000] =	vst v63  }
0x1bd: {  	_ =	swait.ge [sflag:s24], $0x4000  }
0x1be: {  	[sflag:s24] =	ssyncset.done $0x0  }
0x1bf: {  	[sflag:s24] =	ssyncadd.s32 $0xFFFFC000  }
0x1c0: {  	[spmem:s2] =	stream.indirect.scatter.add.f32 [tilespmem:s21], [sflag:$0x4], $0x80, s5, s20, $0xb8;
	[tilespmem:$0x1D000] =	vst v63  }
0x1c1: {  	_ =	swait.ge [sflag:s25], $0x4000  }
0x1c2: {  	[sflag:s25] =	ssyncset.done $0x0  }
0x1c3: {  	[sflag:s25] =	ssyncadd.s32 $0xFFFFC000  }
0x1c4: {  	[tilespmem:s21], [sflag:$0x2] =	stream.indirect.gather [hbm4b:s1+s20], $0x80, s11, s20, $0xb8;
	[tilespmem:$0x1D000] =	vst v63  }
0x1c5: {  	_ =	swait.ge [sflag:s22], $0x4000  }
0x1c6: {  	[sflag:s22] =	ssyncset.done $0x0  }
0x1c7: {  	[sflag:s22] =	ssyncadd.s32 $0xFFFFC000  }
0x1c8: {  	[spmem:s2] =	stream.indirect.scatter.add.f32 [tilespmem:s17], [sflag:$0x3], $0x80, s12, s20, $0xb8;
	[tilespmem:$0x1D000] =	vst v63  }
0x1c9: {  	_ =	swait.ge [sflag:s23], $0x4000  }
0x1ca: {  	[sflag:s23] =	ssyncset.done $0x0  }
0x1cb: {  	[sflag:s23] =	ssyncadd.s32 $0xFFFFC000  }
0x1cc: {  	[tilespmem:s17], [sflag:$0x1] =	stream.indirect.gather [hbm4b:s1+s20], $0x80, s13, s20, $0xb8;
	[tilespmem:$0x1D000] =	vst v63  }
0x1cd: {  	_ =	swait.ge [sflag:s24], $0x4000  }
0x1ce: {  	[sflag:s24] =	ssyncset.done $0x0  }
0x1cf: {  	[sflag:s24] =	ssyncadd.s32 $0xFFFFC000  }
0x1d0: {  	[spmem:s2] =	stream.indirect.scatter.add.f32 [tilespmem:s21], [sflag:$0x4], $0x80, s14, s20, $0xb8;
	[tilespmem:$0x1D000] =	vst v63  }
0x1d1: {  	_ =	swait.ge [sflag:s25], $0x4000  }
0x1d2: {  	[sflag:s25] =	ssyncset.done $0x0  }
0x1d3: {  	[sflag:s25] =	ssyncadd.s32 $0xFFFFC000  }
0x1d4: {  	[tilespmem:s21], [sflag:$0x2] =	stream.indirect.gather [hbm4b:s1+s20], $0x80, s15, s20, $0xb8;
	[tilespmem:$0x1D000] =	vst v63  }
0x1d5: {  	_ =	swait.ge [sflag:s22], $0x4000  }
0x1d6: {  	[sflag:s22] =	ssyncset.done $0x0  }
0x1d7: {  	[sflag:s22] =	ssyncadd.s32 $0xFFFFC000  }
0x1d8: {  	[spmem:s2] =	stream.indirect.scatter.add.f32 [tilespmem:s17], [sflag:$0x3], $0x80, s16, s20, $0xb8;
	[tilespmem:$0x1D000] =	vst v63  }
0x1d9: {  	_ =	swait.ge [sflag:s24], $0x4000  }
0x1da: {  	[sflag:s24] =	ssyncset.done $0x0  }
0x1db: {  	[sflag:s24] =	ssyncadd.s32 $0xFFFFC000  }
0x1dc: {  	[spmem:s2] =	stream.indirect.scatter.add.f32 [tilespmem:s21], [sflag:$0x4], $0x80, s6, s20, $0xb8;
	[tilespmem:$0x1D000] =	vst v63  }
0x1dd: {  	_ =	swait.ge [sflag:s23], $0x4000  }
0x1de: {  	[sflag:s23] =	ssyncset.done $0x0  }
0x1df: {  	[sflag:s23] =	ssyncadd.s32 $0xFFFFC000  }
0x1e0: {  	_ =	swait.ge [sflag:s25], $0x4000  }
0x1e1: {  	[sflag:s25] =	ssyncset.done $0x0  }
0x1e2: {  	[sflag:s25] =	ssyncadd.s32 $0xFFFFC000  }
0x1e3: {  	[bflag:$0x0] =	sbarrier.arrive $0xFFFF  }
0x1e4: {  	s8 =	rddreg [dreg:$0x17]  }
0x1e5: {  	[tilespmem:s17], [sflag:$0x5] =	stream.linear.gather [spmem:s8], $0x4000, $0x38;
	[tilespmem:$0x1D000] =	vst v63  }
0x1e6: {  	_ =	swait.ge [sflag:s18], $0x4000  }
0x1e7: {  	[sflag:s18] =	ssyncset.done $0x0  }
0x1e8: {  	s9 =	rddreg [dreg:$0x1c];
	[sflag:s18] =	ssyncadd.s32 $0xFFFFC000  }
0x1e9: {  	[hbm4b:s9+s4] =	stream.linear.scatter [tilespmem:s17], [sflag:$0x5], $0x4000, $0x38;
	[tilespmem:$0x1D000] =	vst v63  }
0x1ea: {  	_ =	swait.ge [sflag:s18], $0x4000  }
0x1eb: {  	[sflag:s18] =	ssyncset.done $0x0  }
0x1ec: {  	s10 =	rddreg [dreg:$0x18];
	[sflag:s18] =	ssyncadd.s32 $0xFFFFC000  }
0x1ed: {  	[tilespmem:s17], [sflag:$0x5] =	stream.linear.gather [spmem:s10], $0x4000, $0x38;
	[tilespmem:$0x1D000] =	vst v63  }
0x1ee: {  	_ =	swait.ge [sflag:s18], $0x4000  }
0x1ef: {  	[sflag:s18] =	ssyncset.done $0x0  }
0x1f0: {  	s8 =	rddreg [dreg:$0x1d];
	[sflag:s18] =	ssyncadd.s32 $0xFFFFC000  }
0x1f1: {  	[hbm4b:s8+s4] =	stream.linear.scatter [tilespmem:s17], [sflag:$0x5], $0x4000, $0x38;
	[tilespmem:$0x1D000] =	vst v63  }
0x1f2: {  	_ =	swait.ge [sflag:s18], $0x4000  }
0x1f3: {  	[sflag:s18] =	ssyncset.done $0x0  }
0x1f4: {  	s10 =	rddreg [dreg:$0x19];
	[sflag:s18] =	ssyncadd.s32 $0xFFFFC000  }
0x1f5: {  	[tilespmem:s17], [sflag:$0x5] =	stream.linear.gather [spmem:s10], $0x4000, $0x38;
	[tilespmem:$0x1D000] =	vst v63  }
0x1f6: {  	_ =	swait.ge [sflag:s18], $0x4000  }
0x1f7: {  	[sflag:s18] =	ssyncset.done $0x0  }
0x1f8: {  	s9 =	rddreg [dreg:$0x1e];
	[sflag:s18] =	ssyncadd.s32 $0xFFFFC000  }
0x1f9: {  	[hbm4b:s9+s4] =	stream.linear.scatter [tilespmem:s17], [sflag:$0x5], $0x4000, $0x38;
	[tilespmem:$0x1D000] =	vst v63  }
0x1fa: {  	_ =	swait.ge [sflag:s18], $0x4000  }
0x1fb: {  	[sflag:s18] =	ssyncset.done $0x0  }
0x1fc: {  	s8 =	rddreg [dreg:$0x1a];
	[sflag:s18] =	ssyncadd.s32 $0xFFFFC000  }
0x1fd: {  	[tilespmem:s17], [sflag:$0x5] =	stream.linear.gather [spmem:s8], $0x4000, $0x38;
	[tilespmem:$0x1D000] =	vst v63  }
0x1fe: {  	_ =	swait.ge [sflag:s18], $0x4000  }
0x1ff: {  	[sflag:s18] =	ssyncset.done $0x0  }
0x200: {  	s9 =	rddreg [dreg:$0x1f];
	[sflag:s18] =	ssyncadd.s32 $0xFFFFC000  }
0x201: {  	[hbm4b:s9+s4] =	stream.linear.scatter [tilespmem:s17], [sflag:$0x5], $0x4000, $0x38;
	[tilespmem:$0x1D000] =	vst v63  }
0x202: {  	_ =	swait.ge [sflag:s18], $0x4000  }
0x203: {  	[sflag:s18] =	ssyncset.done $0x0  }
0x204: {  	s9 =	rddreg [dreg:$0x1b];
	[sflag:s18] =	ssyncadd.s32 $0xFFFFC000  }
0x205: {  	[tilespmem:s17], [sflag:$0x5] =	stream.linear.gather [spmem:s9], $0x4000, $0x38;
	[tilespmem:$0x1D000] =	vst v63  }
0x206: {  	_ =	swait.ge [sflag:s18], $0x4000  }
0x207: {  	s8 =	sld [smem:$0x7FB]  }
0x208: {  	[sflag:s18] =	ssyncset.done $0x0  }
0x209: {  	[sflag:s18] =	ssyncadd.s32 $0xFFFFC000  }
0x20a: {  	[hbm4b:s8+s4] =	stream.linear.scatter [tilespmem:s17], [sflag:$0x5], $0x4000, $0x38;
	[tilespmem:$0x1D000] =	vst v63  }
0x20b: {  	_ =	swait.ge [sflag:s18], $0x4000  }
0x20c: {  	s7 =	sld [smem:$0x7FD];
	_ =	sdelay $0x2  }
0x20d: {  	s8 =	sadd.s32 $0x1, s7;
	s7 =	sld [smem:$0x7FC];
	_ =	sdelay $0x2  }
0x20e: {  	p0 =	sne.s32 s8, s7  }
.Ltmp1:
0x20f: {  	_ = 	snop;
	(pc) =	sbr.rel @p0 .LBB2_1-.Ltmp1, $3  }
0x210: {  	_ =	sdelay $0x1  }
0x211: {  	[sflag:s18] =	ssyncset.done $0x0;
	[smem:$0x7FD] =	sst s8  }
0x212: {  	[sflag:s18] =	ssyncadd.s32 $0xFFFFC000;
	s8 =	rddreg [dreg:$0x17]  }
0x213: {  	_ =	sfence.sel $0x180000  }
0x214: {  	[bflag:$0x0] =	sbarrier.arrive $0xFFFF  }
0x215: {  	_ =	strace $0x9000004D  }
0x216: {  	s0 =	stileid.u32;
	[bflag:$0x2] =	sbarrier.arrive $0xFFFF  }
0x217: {  	p0 =	sne.s32 s0, $0x0;
	s0 =	rddreg [dreg:$0x5]  }
0x218: {  	s0 =	sadd.s32 @!p0 $0x100000, s0  }
0x219: {  	[sflag:s0] =	ssyncadd.tile.s32 @!p0 $0x1;
	_ =	shalt  }
.Lfunc_end2:
_tile_overlayer_lowered:
.L_overlay_start_2:
0x21a: {  	(tag) =	ssettag $0x2  }
0x21b: {  	s0 =	rddreg [dreg:$0x0];
	s2 =	stileid.u32  }
0x21c: {  	s1 =	rddreg [dreg:$0x1];
	p0 =	sne.s32 s2, $0x0  }
0x21d: {  	s3 =	rddreg [dreg:$0x2];
	[bflag:$0x3] =	sbarrier.arrive $0xFFFF;
	s2 =	simm.s32 @!p0 $0x1C05  }
0x21e: {  	[timem:s3], [sflag:s2] =	dma.local @!p0 [hbm:s0], s1  }
0x21f: {  	s0 =	simm.s32 @!p0 $0x5  }
0x220: {  	_ =	swait.ge @!p0 [sflag:s0], s1  }
0x221: {  	s1 =	ssub.s32 @!p0 $0x0, s1;
	[sflag:s0] =	ssyncset.done @!p0 $0x0  }
0x222: {  	[sflag:s0] =	ssyncadd.s32 @!p0 s1  }
0x223: {  	[bflag:$0x3] =	sbarrier.arrive $0xFFFF  }
0x224: {  	_ =	shalt  }

// kernel: kernel.8.cloned.1.call-start
scs
__scs_entry_jumppad:
0x0: {  	(pc) =	sbr.rel $0x88, $3  }
0x1: {  	(tag) =	ssettag $0x0;
	lr =	simm.s32 $0x1  }
0x2: {  	[smem:$0x3F94] =	sst lr;
	_ =	strace $0xD0000000  }
0x3: {  	_ = 	snop  }
0x4: {  	_ = 	snop  }
0x5: {  	_ = 	snop  }
0x6: {  	_ = 	snop  }
0x7: {  	_ = 	snop  }
__scs_overlays_trampoline_lowered:
0x8: {  	[smem:$0x3FA3] =	sst s0  }
0x9: {  	[smem:$0x3FA4] =	sst s1  }
0xa: {  	[smem:$0x3FA5] =	sst s2  }
0xb: {  	[smem:$0x3FA6] =	sst s3  }
0xc: {  	[smem:$0x3FA7] =	sst s4  }
0xd: {  	[smem:$0x3FA8] =	sst s5  }
0xe: {  	[smem:$0x3FA9] =	sst s6  }
0xf: {  	[smem:$0x3FAA] =	sst s7  }
0x10: {  	[smem:$0x3FAB] =	sst s8  }
0x11: {  	[smem:$0x3FAC] =	sst s9;
	s0 =	simm.s32 @!p0 $0x0  }
0x12: {  	s1 =	sld [smem:$0x3F92];
	s0 =	simm.s32 @p0 $0x1  }
0x13: {  	[smem:$0x3FAD] =	sst s0;
	s0 =	simm.s32 @!p1 $0x0  }
0x14: {  	s2 =	sld [smem:$0x3F91];
	s0 =	simm.s32 @p1 $0x1  }
0x15: {  	[smem:$0x3FAE] =	sst s0;
	s0 =	simm.s32 @!p2 $0x0  }
0x16: {  	s3 =	sld [smem:$0x3FDB];
	s0 =	simm.s32 @p2 $0x1  }
0x17: {  	s4 =	simm.s32 $0x1BF5;
	[smem:$0x3FB0] =	sst s0  }
0x18: {  	s0 =	sld [smem:$0x3F93];
	_ =	swait.ge [sflag:s4], $0x0  }
0x19: {  	s7 =	sld [smem:$0x3F94]  }
0x1a: {  	s8 =	sadd.s32 $0xFFFFE003, lr  }
0x1b: {  	s9 =	sadd.s32 $0xFFFFFEF7, lr;
	s5 =	simm.s32 $0xFFFFFFFF;
	p2 =	slt.u32 s8, $0xFFFFF086  }
0x1c: {  	p1 =	slt.u32 s9, $0xF7A;
	s5 =	simm.s32 @!p2 $0x0  }
0x1d: {  	s5 =	simm.s32 @p1 $0x1;
	p0 =	seq.s32 s7, s2  }
0x1e: {  	s7 =	smul.u32 @!p0 $0xF7A, s2;
	p2 =	seq.s32 @!p0 s5, $0x0  }
0x1f: {  	s9 =	smul.u32 $0xF7A, s1;
	s8 =	simm.s32 @!p0 $0x1BF5;
	p2 =	por !p2, p0  }
0x20: {  	[sflag:s8] =	ssyncset.s32 @!p0 $0xFFFFF086;
	s6 =	sadd.s32 @!p0 s3, s7;
	s7 =	simm.s32 @!p0 $0x108  }
0x21: {  	s3 =	sadd.s32 s3, s9;
	s6 =	sadd.s32 @!p0 $0x88, s6;
	s7 =	simm.s32 @p2 $0x1082  }
0x22: {  	[simem:s7], [sflag:s8] =	dma.local @!p0 [hbm:s6], $0xF7A  }
0x23: {  	s9 =	sor.u32 $0xD0000000, s2;
	s6 =	simm.s32 $0x108;
	_ =	swait.ge @!p0 [sflag:s8], $0x0  }
0x24: {  	s3 =	sadd.s32 $0x88, s3;
	s6 =	simm.s32 @!p1 $0x1082;
	[sflag:s4] =	ssyncset.s32 $0xFFFFF086  }
0x25: {  	[simem:s6], [sflag:s4] =	dma.local [hbm:s3], $0xF7A  }
0x26: {  	[smem:$0x3F94] =	sst s1;
	(tag) =	ssettag s2;
	_ =	strace s9  }
0x27: {  	s1 =	sld [smem:$0x3FA4]  }
0x28: {  	s2 =	sld [smem:$0x3FA5]  }
0x29: {  	s4 =	sld [smem:$0x3FA7]  }
0x2a: {  	p0 =	seq.s32 s5, $0x0;
	s5 =	sld [smem:$0x3FA8]  }
0x2b: {  	s6 =	sld [smem:$0x3FA9]  }
0x2c: {  	s7 =	sld [smem:$0x3FAA]  }
0x2d: {  	s3 =	simm.s32 $0x108;
	s8 =	sld [smem:$0x3FAB]  }
0x2e: {  	s3 =	simm.s32 @!p0 $0x1082;
	s9 =	sld [smem:$0x3FAC]  }
0x2f: {  	lr =	sadd.s32 s0, s3;
	s0 =	sld [smem:$0x3FA3]  }
0x30: {  	s3 =	sld [smem:$0x3FA6]  }
0x31: {  	[smem:$0x3FAF] =	sst s10  }
0x32: {  	s10 =	sld [smem:$0x3FAD];
	_ =	sdelay $0x3  }
0x33: {  	p0 =	seq.s32 s10, $0x1;
	s10 =	sld [smem:$0x3FAF];
	_ =	sdelay $0x3  }
0x34: {  	[smem:$0x3FAF] =	sst s10  }
0x35: {  	s10 =	sld [smem:$0x3FAE];
	_ =	sdelay $0x3  }
0x36: {  	p1 =	seq.s32 s10, $0x1;
	s10 =	sld [smem:$0x3FAF];
	_ =	sdelay $0x3  }
0x37: {  	[smem:$0x3FAF] =	sst s10  }
0x38: {  	s10 =	sld [smem:$0x3FB0]  }
0x39: {  	_ = 	snop;
	(pc) =	sbr.ind lr, $3  }
0x3a: {  	_ = 	snop  }
0x3b: {  	_ = 	snop  }
0x3c: {  	p2 =	seq.s32 s10, $0x1;
	s10 =	sld [smem:$0x3FAF]  }
0x3d: {  	_ =	shalt  }
0x3e: {  	_ =	shalt  }
0x3f: {  	_ =	shalt  }
0x40: {  	_ =	shalt  }
0x41: {  	_ =	shalt  }
0x42: {  	_ =	shalt  }
0x43: {  	_ =	shalt  }
0x44: {  	_ =	shalt  }
0x45: {  	_ =	shalt  }
0x46: {  	_ =	shalt  }
0x47: {  	_ =	shalt  }
0x48: {  	_ =	shalt  }
0x49: {  	_ =	shalt  }
0x4a: {  	_ =	shalt  }
0x4b: {  	_ =	shalt  }
0x4c: {  	_ =	shalt  }
0x4d: {  	_ =	shalt  }
0x4e: {  	_ =	shalt  }
0x4f: {  	_ =	shalt  }
0x50: {  	_ =	shalt  }
0x51: {  	_ =	shalt  }
0x52: {  	_ =	shalt  }
0x53: {  	_ =	shalt  }
0x54: {  	_ =	shalt  }
0x55: {  	_ =	shalt  }
0x56: {  	_ =	shalt  }
0x57: {  	_ =	shalt  }
0x58: {  	_ =	shalt  }
0x59: {  	_ =	shalt  }
0x5a: {  	_ =	shalt  }
0x5b: {  	_ =	shalt  }
0x5c: {  	_ =	shalt  }
0x5d: {  	_ =	shalt  }
0x5e: {  	_ =	shalt  }
0x5f: {  	_ =	shalt  }
0x60: {  	_ =	shalt  }
0x61: {  	_ =	shalt  }
0x62: {  	_ =	shalt  }
0x63: {  	_ =	shalt  }
0x64: {  	_ =	shalt  }
0x65: {  	_ =	shalt  }
0x66: {  	_ =	shalt  }
0x67: {  	_ =	shalt  }
0x68: {  	_ =	shalt  }
0x69: {  	_ =	shalt  }
0x6a: {  	_ =	shalt  }
0x6b: {  	_ =	shalt  }
0x6c: {  	_ =	shalt  }
0x6d: {  	_ =	shalt  }
0x6e: {  	_ =	shalt  }
0x6f: {  	_ =	shalt  }
0x70: {  	_ =	shalt  }
0x71: {  	_ =	shalt  }
0x72: {  	_ =	shalt  }
0x73: {  	_ =	shalt  }
0x74: {  	_ =	shalt  }
0x75: {  	_ =	shalt  }
0x76: {  	_ =	shalt  }
0x77: {  	_ =	shalt  }
0x78: {  	_ =	shalt  }
0x79: {  	_ =	shalt  }
0x7a: {  	_ =	shalt  }
0x7b: {  	_ =	shalt  }
0x7c: {  	_ =	shalt  }
0x7d: {  	_ =	shalt  }
0x7e: {  	_ =	shalt  }
0x7f: {  	_ =	shalt  }
0x80: {  	_ =	shalt  }
0x81: {  	_ =	shalt  }
0x82: {  	_ =	shalt  }
0x83: {  	_ =	shalt  }
0x84: {  	_ =	shalt  }
0x85: {  	_ =	shalt  }
0x86: {  	_ =	shalt  }
0x87: {  	_ =	shalt  }
.Lfunc_end0:
.L_simem_size_0:
called_computation_lowered:
.L_overlay_start_0:
0x88: {  	s2 =	sld [smem:$0x3FD9]  }
0x89: {  	s3 =	sld [smem:$0x3FFE];
	_ =	sdelay $0x1  }
0x8a: {  	s1 =	srdreg.scid  }
0x8b: {  	s0 =	sand.u32 $0x1, s1  }
0x8c: {  	s15 =	sshll.u32 s0, $0xA;
	s2 =	sadd.s32 s3, s2  }
0x8d: {  	s2 =	sadd.s32 s2, s15  }
0x8e: {  	[smem:$0x3FBB] =	sst s2  }
0x8f: {  	_ = 	snop  }
0x90: {  	s2 =	sld [smem:$0x3FD0];
	_ =	sdelay $0x2  }
0x91: {  	s16 =	simm.s32 $0xB;
	s4 =	simm.s32 $0x10  }
0x92: {  	[smem:s4], [sflag:s16] =	dma.local [hbm:s2], $0x1  }
0x93: {  	_ =	swait.eq [sflag:s16], $0x1  }
0x94: {  	[sflag:s16] =	ssyncset.done $0x0  }
0x95: {  	[sflag:s16] =	ssyncadd.s32 $0xFFFFFFFF  }
0x96: {  	s17 =	sld [smem:$0x11];
	(tm) =	ssettm $0x1  }
0x97: {  	s18 =	sld [smem:$0x3FFB];
	_ =	sdelay $0x3  }
0x98: {  	_ =	strace s18  }
0x99: {  	s2 =	sld [smem:$0x3FFC];
	_ =	sdelay $0x3  }
0x9a: {  	_ =	strace s2  }
0x9b: {  	s2 =	sld [smem:$0x3FFD];
	_ =	sdelay $0x3  }
0x9c: {  	_ =	strace s2  }
0x9d: {  	_ =	strace $0x8FFFFFFF  }
0x9e: {  	s19 =	sld [smem:$0x3FDB];
	_ =	sdelay $0x1  }
0x9f: {  	s20 =	simm.s32 $_scs_section_size  }
0xa0: {  	s5 =	simm.s32 $_size__tile_overlayer_lowered;
	s6 =	simm.s32 $_tile_overlayer_lowered  }
0xa1: {  	s7 =	simm.s32 $0x1BFF;
	s21 =	sshll.u32 s6, $0x1;
	s4 =	sadd.s32 s20, s19  }
0xa2: {  	s22 =	simm.s32 $0x0;
	s5 =	sshll.u32 s5, $0x1;
	s6 =	sadd.s32 s21, s4  }
0xa3: {  	[timem:s22], [sflag:s7] =	dma.local [hbm:s6], s5  }
0xa4: {  	_ =	swait.ge [sflag:s7], s5  }
0xa5: {  	s5 =	ssub.s32 $0x0, s5;
	[sflag:s7] =	ssyncset.done $0x0  }
0xa6: {  	[sflag:s7] =	ssyncadd.s32 s5;
	_ =	sdelay $0x1  }
0xa7: {  	s23 =	simm.s32 $0x1B8B  }
0xa8: {  	_ =	swait.ge [sflag:s23], $0x1  }
0xa9: {  	[sflag:s23] =	ssyncset.done $0x0  }
0xaa: {  	[sflag:s23] =	ssyncadd.s32 $0xFFFFFFFF  }
0xab: {  	s5 =	sld [smem:$0x0]  }
0xac: {  	s6 =	sand.u32 $0xFFFFFFFE, s1  }
0xad: {  	p0 =	sne.s32 s1, s6  }
0xae: {  	s6 =	sshll.u32 @p0 s6, $0xE  }
0xaf: {  	s6 =	sadd.s32 @p0 $0x11B8D, s6;
	s7 =	sshll.u32 @p0 s5, $0x11  }
0xb0: {  	s6 =	sor.u32 @p0 s7, s6  }
0xb1: {  	[sflag:s6] =	ssyncadd.remote.s32 @p0 $0x1;
	_ =	sdelay $0x1  }
0xb2: {  	s6 =	simm.s32 @p0 $0x1B8D  }
0xb3: {  	_ =	swait.eq @p0 [sflag:s6], $0x1  }
0xb4: {  	[sflag:s6] =	ssyncadd.s32 @p0 $0xFFFFFFFF  }
0xb5: {  	s7 =	sshll.u32 @!p0 s1, $0xE  }
0xb6: {  	s7 =	sor.u32 @!p0 $0x4000, s7;
	s6 =	simm.s32 @!p0 $0x1B8D  }
0xb7: {  	s5 =	sshll.u32 @!p0 s5, $0x11;
	s7 =	sadd.s32 @!p0 $0x11B8D, s7;
	_ =	swait.eq @!p0 [sflag:s6], $0x1  }
0xb8: {  	s5 =	sor.u32 @!p0 s5, s7;
	[sflag:s6] =	ssyncadd.s32 @!p0 $0xFFFFFFFF  }
0xb9: {  	s25 =	simm.s32 $0x1B8E;
	s24 =	sld [smem:$0x3FFE];
	[sflag:s5] =	ssyncadd.remote.s32 @!p0 $0x1  }
0xba: {  	s26 =	simm.s32 $execute0_lowered;
	[smem:$0x3FD2] =	sst s25  }
0xbb: {  	s6 =	sshll.u32 s26, $0x1;
	_ =	strace $0x80000049;
	[dreg:$0x1] =	wrdreg $0xFFFFFFFF  }
0xbc: {  	s28 =	simm.s32 $_size_execute0_lowered;
	s4 =	sadd.s32 s4, s6;
	[dreg:$0x0] =	wrdreg $0x0  }
0xbd: {  	s6 =	sshll.u32 s28, $0x1;
	[dreg:$0x2] =	wrdreg s4  }
0xbe: {  	[dreg:$0x3] =	wrdreg s6  }
0xbf: {  	[dreg:$0x4] =	wrdreg $0xC0  }
0xc0: {  	_ =	task [dreg:s22], $0x5FFFF  }
0xc1: {  	[dreg:$0x1] =	wrdreg $0xFFFFFFFF  }
0xc2: {  	[dreg:$0x0] =	wrdreg $0x60  }
0xc3: {  	[dreg:$0x2] =	wrdreg s17  }
0xc4: {  	[dreg:$0x3] =	wrdreg s24  }
0xc5: {  	[dreg:$0x4] =	wrdreg $0x48000  }
0xc6: {  	[dreg:$0x5] =	wrdreg $0x9  }
0xc7: {  	_ =	task.clear_ibuf [dreg:s22], $0x6FFFF;
	_ =	strace $0x90000049  }
0xc8: {  	s29 =	simm.s32 $0x9;
	_ =	strace $0x8000004B  }
0xc9: {  	_ =	swait.ge [sflag:s29], $0x1  }
0xca: {  	[sflag:s29] =	ssyncadd.s32 $0xFFFFFFFF  }
0xcb: {  	_ =	strace $0x9000004B  }
0xcc: {  	_ =	sfence  }
0xcd: {  	s30 =	sld [smem:$0x0];
	_ =	sdelay $0x2  }
0xce: {  	s31 =	sshll.u32 s1, $0xD;
	s1 =	sshrl.u32 s1, $0x2  }
0xcf: {  	s4 =	sand.u32 $0x4000, s31;
	s1 =	sadd.s32 s1, s30  }
0xd0: {  	s0 =	sor.u32 s4, s0;
	s1 =	sshll.u32 s1, $0x11  }
0xd1: {  	s0 =	sor.u32 s1, s0  }
0xd2: {  	s0 =	sadd.s32 $0x8F2B, s0  }
0xd3: {  	[sflag:s0] =	ssyncadd.remote.s32 $0x1  }
0xd4: {  	_ =	sfence.sel $0xFFFF  }
0xd5: {  	[dreg:$0x0] =	wrdreg $0xFFFFFFFF;
	(pc) =	sbr.abs _section_cstart, $3  }
0xd6: {  	[dreg:$0x1] =	wrdreg $0xFFFFFFFF  }
0xd7: {  	_ =	task.clear_ibuf [dreg:s22], $0x2FFFF;
	_ =	strace $0x9FFFFFFF  }
0xd8: {  	(tm) =	ssettm $0x7FFFFFFF  }
0xd9: {  	_ =	shalt  }
tec
execute0_lowered:
.L_overlay_start_1:
0x0: {  	(tag) =	ssettag $0x1  }
0x1: {  	s0 =	rddreg [dreg:$0x0]  }
0x2: {  	s1 =	rddreg [dreg:$0x1]  }
0x3: {  	s2 =	rddreg [dreg:$0x2];
	s3 =	simm.s32 $0x0  }
0x4: {  	s17 =	stileid.u32;
	s4 =	srdreg.scid;
	s18 =	simm.s32 $0x800  }
0x5: {  	s28 =	simm.s32 $0x400;
	s29 =	simm.s32 $0x480;
	s30 =	simm.s32 $0x500  }
0x6: {  	s31 =	simm.s32 $0x580;
	[smem:$0x7FF] =	sst s3;
	s5 =	smul.u32 $0x50000, s17  }
0x7: {  	s6 =	sadd.s32 $0x3600, s1;
	s4 =	sand.u32 $0x1, s4;
	s11 =	smul.u32 $0x14000, s17  }
0x8: {  	s19 =	sadd.s32 $0x53E00, s1;
	s1 =	sadd.s32 $0x54600, s1;
	s24 =	smul.u32 $0xA00, s17  }
0x9: {  	_ =	strace $0x8000004A;
	[dreg:$0x4] =	wrdreg s6;
	s15 =	smul.u32 $0x140000, s4  }
0xa: {  	[dreg:$0x5] =	wrdreg s19;
	s20 =	ssub.s32 $0x2, s4;
	s4 =	smul.u32 $0x500, s4  }
0xb: {  	s19 =	simm.s32 $0x1;
	s7 =	sshrl.u32 s20, $0x1;
	s5 =	sshrl.u32 s5, $0x2  }
0xc: {  	s12 =	sadd.s32 $0x4000, s11;
	s21 =	sadd.s32 $0x8000, s11;
	s14 =	sadd.s32 $0xC000, s11  }
0xd: {  	s16 =	sadd.s32 $0x10000, s11;
	s0 =	sadd.s32 s24, s0;
	s24 =	simm.s32 $0x280  }
0xe: {  	s13 =	ssub.s32 s20, s7;
	s6 =	sadd.s32 s5, s2;
	s7 =	sadd.s32 s12, s2  }
0xf: {  	s8 =	sadd.s32 s21, s2;
	s9 =	sadd.s32 s14, s2;
	s10 =	sadd.s32 s16, s2  }
0x10: {  	s11 =	sadd.s32 s11, s15;
	s12 =	sadd.s32 s15, s12;
	s5 =	sadd.s32 s15, s21  }
0x11: {  	s23 =	sadd.s32 s15, s14;
	s25 =	sadd.s32 s15, s16;
	s17 =	sadd.s32 s4, s0  }
0x12: {  	s20 =	simm.s32 $0x80;
	s21 =	simm.s32 $0x100;
	s0 =	simm.s32 $0x600  }
0x13: {  	s4 =	simm.s32 $0x700;
	s11 =	sshrl.u32 s11, $0x3;
	s12 =	sshrl.u32 s12, $0x3  }
0x14: {  	s5 =	sshrl.u32 s5, $0x3;
	s26 =	sshrl.u32 s25, $0x3;
	s11 =	sadd.s32 s1, s11  }
0x15: {  	s16 =	smax.u32 s13, $0x1;
	s22 =	sadd.s32 s1, s12;
	[dreg:$0x6] =	wrdreg s11  }
0x16: {  	s25 =	simm.s32 $0x300;
	s5 =	sadd.s32 s1, s5;
	[dreg:$0x7] =	wrdreg s22  }
0x17: {  	[dreg:$0x8] =	wrdreg s5;
	s5 =	sshrl.u32 s23, $0x3;
	s22 =	simm.s32 $0x180  }
0x18: {  	s23 =	simm.s32 $0x200;
	s11 =	simm.s32 $0x0;
	s5 =	sadd.s32 s1, s5  }
0x19: {  	s1 =	sadd.s32 s1, s26;
	s26 =	simm.s32 $0x380;
	[dreg:$0x9] =	wrdreg s5  }
0x1a: {  	[dreg:$0xa] =	wrdreg s1;
	s1 =	simm.s32 $0x680;
	s5 =	simm.s32 $0x780  }
.LBB2_1:
0x1b: {  	s12 =	rddreg [dreg:$0x4]  }
0x1c: {  	[tilespmem:s18], [sflag:$0x1] =	stream.linear.gather [hbm4b:s12+s3], $0x4000, $0x38;
	[tilespmem:$0x18800] =	vst v63  }
0x1d: {  	_ =	swait.ge [sflag:s19], $0x4000  }
0x1e: {  	[sflag:s19] =	ssyncset.done $0x0  }
0x1f: {  	[sflag:s19] =	ssyncadd.s32 $0xFFFFC000  }
0x20: {  	[spmem:s6] =	stream.linear.scatter [tilespmem:s18], [sflag:$0x1], $0x4000, $0x38;
	[tilespmem:$0x18800] =	vst v63  }
0x21: {  	_ =	swait.ge [sflag:s19], $0x4000  }
0x22: {  	[sflag:s19] =	ssyncset.done $0x0  }
0x23: {  	[sflag:s19] =	ssyncadd.s32 $0xFFFFC000  }
0x24: {  	[spmem:s7] =	stream.linear.scatter [tilespmem:s18], [sflag:$0x1], $0x4000, $0x38;
	[tilespmem:$0x18800] =	vst v63  }
0x25: {  	_ =	swait.ge [sflag:s19], $0x4000  }
0x26: {  	[sflag:s19] =	ssyncset.done $0x0  }
0x27: {  	[sflag:s19] =	ssyncadd.s32 $0xFFFFC000  }
0x28: {  	[spmem:s8] =	stream.linear.scatter [tilespmem:s18], [sflag:$0x1], $0x4000, $0x38;
	[tilespmem:$0x18800] =	vst v63  }
0x29: {  	_ =	swait.ge [sflag:s19], $0x4000  }
0x2a: {  	[sflag:s19] =	ssyncset.done $0x0  }
0x2b: {  	[sflag:s19] =	ssyncadd.s32 $0xFFFFC000  }
0x2c: {  	[spmem:s9] =	stream.linear.scatter [tilespmem:s18], [sflag:$0x1], $0x4000, $0x38;
	[tilespmem:$0x18800] =	vst v63  }
0x2d: {  	_ =	swait.ge [sflag:s19], $0x4000  }
0x2e: {  	[sflag:s19] =	ssyncset.done $0x0  }
0x2f: {  	[sflag:s19] =	ssyncadd.s32 $0xFFFFC000  }
0x30: {  	[spmem:s10] =	stream.linear.scatter [tilespmem:s18], [sflag:$0x1], $0x4000, $0x38;
	[tilespmem:$0x18800] =	vst v63  }
0x31: {  	_ =	swait.ge [sflag:s19], $0x4000  }
0x32: {  	[sflag:s19] =	ssyncset.done $0x0  }
0x33: {  	s14 =	rddreg [dreg:$0x5];
	[sflag:s19] =	ssyncadd.s32 $0xFFFFC000  }
0x34: {  	[tilespmem:s18], [sflag:$0x1] =	stream.linear.gather [hbm4b:s14+s3], $0x4000, $0x38;
	[tilespmem:$0x18800] =	vst v63  }
0x35: {  	_ =	swait.ge [sflag:s19], $0x4000  }
0x36: {  	[sflag:s19] =	ssyncset.done $0x0  }
0x37: {  	[sflag:s19] =	ssyncadd.s32 $0xFFFFC000  }
0x38: {  	s15 =	sadd.s32 $0x0, s17;
	[bflag:$0x0] =	sbarrier.arrive $0xFFFF  }
0x39: {  	[tilespmem:s3], [sflag:$0x1] =	stream.linear.gather [hbm4b:s15+s3], $0x800, $0x38;
	[tilespmem:$0x18800] =	vst v63  }
0x3a: {  	_ =	swait.ge [sflag:s19], $0x800  }
0x3b: {  	[sflag:s19] =	ssyncset.done $0x0  }
0x3c: {  	[sflag:s19] =	ssyncadd.s32 $0xFFFFF800  }
0x3d: {  	[spmem:s2] =	stream.indirect.scatter.add.f32 [tilespmem:s18], [sflag:$0x1], $0x80, s3, s20, $0xb8;
	[tilespmem:$0x18800] =	vst v63  }
0x3e: {  	_ =	swait.ge [sflag:s19], $0x4000  }
0x3f: {  	[sflag:s19] =	ssyncset.done $0x0  }
0x40: {  	[sflag:s19] =	ssyncadd.s32 $0xFFFFC000  }
0x41: {  	[spmem:s2] =	stream.indirect.scatter.add.f32 [tilespmem:s18], [sflag:$0x1], $0x80, s20, s20, $0xb8;
	[tilespmem:$0x18800] =	vst v63  }
0x42: {  	_ =	swait.ge [sflag:s19], $0x4000  }
0x43: {  	[sflag:s19] =	ssyncset.done $0x0  }
0x44: {  	[sflag:s19] =	ssyncadd.s32 $0xFFFFC000  }
0x45: {  	[spmem:s2] =	stream.indirect.scatter.add.f32 [tilespmem:s18], [sflag:$0x1], $0x80, s21, s20, $0xb8;
	[tilespmem:$0x18800] =	vst v63  }
0x46: {  	_ =	swait.ge [sflag:s19], $0x4000  }
0x47: {  	[sflag:s19] =	ssyncset.done $0x0  }
0x48: {  	[sflag:s19] =	ssyncadd.s32 $0xFFFFC000  }
0x49: {  	[spmem:s2] =	stream.indirect.scatter.add.f32 [tilespmem:s18], [sflag:$0x1], $0x80, s22, s20, $0xb8;
	[tilespmem:$0x18800] =	vst v63  }
0x4a: {  	_ =	swait.ge [sflag:s19], $0x4000  }
0x4b: {  	[sflag:s19] =	ssyncset.done $0x0  }
0x4c: {  	[sflag:s19] =	ssyncadd.s32 $0xFFFFC000  }
0x4d: {  	[spmem:s2] =	stream.indirect.scatter.add.f32 [tilespmem:s18], [sflag:$0x1], $0x80, s23, s20, $0xb8;
	[tilespmem:$0x18800] =	vst v63  }
0x4e: {  	_ =	swait.ge [sflag:s19], $0x4000  }
0x4f: {  	[sflag:s19] =	ssyncset.done $0x0  }
0x50: {  	[sflag:s19] =	ssyncadd.s32 $0xFFFFC000  }
0x51: {  	[spmem:s2] =	stream.indirect.scatter.add.f32 [tilespmem:s18], [sflag:$0x1], $0x80, s24, s20, $0xb8;
	[tilespmem:$0x18800] =	vst v63  }
0x52: {  	_ =	swait.ge [sflag:s19], $0x4000  }
0x53: {  	[sflag:s19] =	ssyncset.done $0x0  }
0x54: {  	[sflag:s19] =	ssyncadd.s32 $0xFFFFC000  }
0x55: {  	[spmem:s2] =	stream.indirect.scatter.add.f32 [tilespmem:s18], [sflag:$0x1], $0x80, s25, s20, $0xb8;
	[tilespmem:$0x18800] =	vst v63  }
0x56: {  	_ =	swait.ge [sflag:s19], $0x4000  }
0x57: {  	[sflag:s19] =	ssyncset.done $0x0  }
0x58: {  	[sflag:s19] =	ssyncadd.s32 $0xFFFFC000  }
0x59: {  	[spmem:s2] =	stream.indirect.scatter.add.f32 [tilespmem:s18], [sflag:$0x1], $0x80, s26, s20, $0xb8;
	[tilespmem:$0x18800] =	vst v63  }
0x5a: {  	_ =	swait.ge [sflag:s19], $0x4000  }
0x5b: {  	[sflag:s19] =	ssyncset.done $0x0  }
0x5c: {  	[sflag:s19] =	ssyncadd.s32 $0xFFFFC000  }
0x5d: {  	[spmem:s2] =	stream.indirect.scatter.add.f32 [tilespmem:s18], [sflag:$0x1], $0x80, s28, s20, $0xb8;
	[tilespmem:$0x18800] =	vst v63  }
0x5e: {  	_ =	swait.ge [sflag:s19], $0x4000  }
0x5f: {  	[sflag:s19] =	ssyncset.done $0x0  }
0x60: {  	[sflag:s19] =	ssyncadd.s32 $0xFFFFC000  }
0x61: {  	[spmem:s2] =	stream.indirect.scatter.add.f32 [tilespmem:s18], [sflag:$0x1], $0x80, s29, s20, $0xb8;
	[tilespmem:$0x18800] =	vst v63  }
0x62: {  	_ =	swait.ge [sflag:s19], $0x4000  }
0x63: {  	[sflag:s19] =	ssyncset.done $0x0  }
0x64: {  	[sflag:s19] =	ssyncadd.s32 $0xFFFFC000  }
0x65: {  	[spmem:s2] =	stream.indirect.scatter.add.f32 [tilespmem:s18], [sflag:$0x1], $0x80, s30, s20, $0xb8;
	[tilespmem:$0x18800] =	vst v63  }
0x66: {  	_ =	swait.ge [sflag:s19], $0x4000  }
0x67: {  	[sflag:s19] =	ssyncset.done $0x0  }
0x68: {  	[sflag:s19] =	ssyncadd.s32 $0xFFFFC000  }
0x69: {  	[spmem:s2] =	stream.indirect.scatter.add.f32 [tilespmem:s18], [sflag:$0x1], $0x80, s31, s20, $0xb8;
	[tilespmem:$0x18800] =	vst v63  }
0x6a: {  	_ =	swait.ge [sflag:s19], $0x4000  }
0x6b: {  	[sflag:s19] =	ssyncset.done $0x0  }
0x6c: {  	[sflag:s19] =	ssyncadd.s32 $0xFFFFC000  }
0x6d: {  	[spmem:s2] =	stream.indirect.scatter.add.f32 [tilespmem:s18], [sflag:$0x1], $0x80, s0, s20, $0xb8;
	[tilespmem:$0x18800] =	vst v63  }
0x6e: {  	_ =	swait.ge [sflag:s19], $0x4000  }
0x6f: {  	[sflag:s19] =	ssyncset.done $0x0  }
0x70: {  	[sflag:s19] =	ssyncadd.s32 $0xFFFFC000  }
0x71: {  	[spmem:s2] =	stream.indirect.scatter.add.f32 [tilespmem:s18], [sflag:$0x1], $0x80, s1, s20, $0xb8;
	[tilespmem:$0x18800] =	vst v63  }
0x72: {  	_ =	swait.ge [sflag:s19], $0x4000  }
0x73: {  	[sflag:s19] =	ssyncset.done $0x0  }
0x74: {  	[sflag:s19] =	ssyncadd.s32 $0xFFFFC000  }
0x75: {  	[spmem:s2] =	stream.indirect.scatter.add.f32 [tilespmem:s18], [sflag:$0x1], $0x80, s4, s20, $0xb8;
	[tilespmem:$0x18800] =	vst v63  }
0x76: {  	_ =	swait.ge [sflag:s19], $0x4000  }
0x77: {  	[sflag:s19] =	ssyncset.done $0x0  }
0x78: {  	[sflag:s19] =	ssyncadd.s32 $0xFFFFC000  }
0x79: {  	[spmem:s2] =	stream.indirect.scatter.add.f32 [tilespmem:s18], [sflag:$0x1], $0x80, s5, s20, $0xb8;
	[tilespmem:$0x18800] =	vst v63  }
0x7a: {  	_ =	swait.ge [sflag:s19], $0x4000  }
0x7b: {  	s13 =	simm.s32 $0x200;
	s12 =	simm.s32 $0x100;
	[sflag:s19] =	ssyncset.done $0x0  }
.LBB2_2:
0x7c: {  	s15 =	sadd.s32 s12, s17  }
0x7d: {  	[sflag:s19] =	ssyncadd.s32 $0xFFFFC000;
	s12 =	smov.u32 s13;
	s14 =	sadd.s32 $0x100, s13  }
0x7e: {  	[tilespmem:s3], [sflag:$0x1] =	stream.linear.gather [hbm4b:s15+s3], $0x800, $0x38;
	[tilespmem:$0x18800] =	vst v63  }
0x7f: {  	p0 =	sne.s32 s13, $0x400;
	_ =	swait.ge [sflag:s19], $0x800  }
0x80: {  	[sflag:s19] =	ssyncset.done $0x0  }
0x81: {  	[sflag:s19] =	ssyncadd.s32 $0xFFFFF800  }
0x82: {  	[spmem:s2] =	stream.indirect.scatter.add.f32 [tilespmem:s18], [sflag:$0x1], $0x80, s3, s20, $0xb8;
	[tilespmem:$0x18800] =	vst v63  }
0x83: {  	_ =	swait.ge [sflag:s19], $0x4000  }
0x84: {  	[sflag:s19] =	ssyncset.done $0x0  }
0x85: {  	[sflag:s19] =	ssyncadd.s32 $0xFFFFC000  }
0x86: {  	[spmem:s2] =	stream.indirect.scatter.add.f32 [tilespmem:s18], [sflag:$0x1], $0x80, s20, s20, $0xb8;
	[tilespmem:$0x18800] =	vst v63  }
0x87: {  	_ =	swait.ge [sflag:s19], $0x4000  }
0x88: {  	[sflag:s19] =	ssyncset.done $0x0  }
0x89: {  	[sflag:s19] =	ssyncadd.s32 $0xFFFFC000  }
0x8a: {  	[spmem:s2] =	stream.indirect.scatter.add.f32 [tilespmem:s18], [sflag:$0x1], $0x80, s21, s20, $0xb8;
	[tilespmem:$0x18800] =	vst v63  }
0x8b: {  	_ =	swait.ge [sflag:s19], $0x4000  }
0x8c: {  	[sflag:s19] =	ssyncset.done $0x0  }
0x8d: {  	[sflag:s19] =	ssyncadd.s32 $0xFFFFC000  }
0x8e: {  	[spmem:s2] =	stream.indirect.scatter.add.f32 [tilespmem:s18], [sflag:$0x1], $0x80, s22, s20, $0xb8;
	[tilespmem:$0x18800] =	vst v63  }
0x8f: {  	_ =	swait.ge [sflag:s19], $0x4000  }
0x90: {  	[sflag:s19] =	ssyncset.done $0x0  }
0x91: {  	[sflag:s19] =	ssyncadd.s32 $0xFFFFC000  }
0x92: {  	[spmem:s2] =	stream.indirect.scatter.add.f32 [tilespmem:s18], [sflag:$0x1], $0x80, s23, s20, $0xb8;
	[tilespmem:$0x18800] =	vst v63  }
0x93: {  	_ =	swait.ge [sflag:s19], $0x4000  }
0x94: {  	[sflag:s19] =	ssyncset.done $0x0  }
0x95: {  	[sflag:s19] =	ssyncadd.s32 $0xFFFFC000  }
0x96: {  	[spmem:s2] =	stream.indirect.scatter.add.f32 [tilespmem:s18], [sflag:$0x1], $0x80, s24, s20, $0xb8;
	[tilespmem:$0x18800] =	vst v63  }
0x97: {  	_ =	swait.ge [sflag:s19], $0x4000  }
0x98: {  	[sflag:s19] =	ssyncset.done $0x0  }
0x99: {  	[sflag:s19] =	ssyncadd.s32 $0xFFFFC000  }
0x9a: {  	[spmem:s2] =	stream.indirect.scatter.add.f32 [tilespmem:s18], [sflag:$0x1], $0x80, s25, s20, $0xb8;
	[tilespmem:$0x18800] =	vst v63  }
0x9b: {  	_ =	swait.ge [sflag:s19], $0x4000  }
0x9c: {  	[sflag:s19] =	ssyncset.done $0x0  }
0x9d: {  	[sflag:s19] =	ssyncadd.s32 $0xFFFFC000  }
0x9e: {  	[spmem:s2] =	stream.indirect.scatter.add.f32 [tilespmem:s18], [sflag:$0x1], $0x80, s26, s20, $0xb8;
	[tilespmem:$0x18800] =	vst v63  }
0x9f: {  	_ =	swait.ge [sflag:s19], $0x4000  }
0xa0: {  	[sflag:s19] =	ssyncset.done $0x0  }
0xa1: {  	[sflag:s19] =	ssyncadd.s32 $0xFFFFC000  }
0xa2: {  	[spmem:s2] =	stream.indirect.scatter.add.f32 [tilespmem:s18], [sflag:$0x1], $0x80, s28, s20, $0xb8;
	[tilespmem:$0x18800] =	vst v63  }
0xa3: {  	_ =	swait.ge [sflag:s19], $0x4000  }
0xa4: {  	[sflag:s19] =	ssyncset.done $0x0  }
0xa5: {  	[sflag:s19] =	ssyncadd.s32 $0xFFFFC000  }
0xa6: {  	[spmem:s2] =	stream.indirect.scatter.add.f32 [tilespmem:s18], [sflag:$0x1], $0x80, s29, s20, $0xb8;
	[tilespmem:$0x18800] =	vst v63  }
0xa7: {  	_ =	swait.ge [sflag:s19], $0x4000  }
0xa8: {  	[sflag:s19] =	ssyncset.done $0x0  }
0xa9: {  	[sflag:s19] =	ssyncadd.s32 $0xFFFFC000  }
0xaa: {  	[spmem:s2] =	stream.indirect.scatter.add.f32 [tilespmem:s18], [sflag:$0x1], $0x80, s30, s20, $0xb8;
	[tilespmem:$0x18800] =	vst v63  }
0xab: {  	_ =	swait.ge [sflag:s19], $0x4000  }
0xac: {  	[sflag:s19] =	ssyncset.done $0x0  }
0xad: {  	[sflag:s19] =	ssyncadd.s32 $0xFFFFC000  }
0xae: {  	[spmem:s2] =	stream.indirect.scatter.add.f32 [tilespmem:s18], [sflag:$0x1], $0x80, s31, s20, $0xb8;
	[tilespmem:$0x18800] =	vst v63  }
0xaf: {  	_ =	swait.ge [sflag:s19], $0x4000  }
0xb0: {  	[sflag:s19] =	ssyncset.done $0x0  }
0xb1: {  	[sflag:s19] =	ssyncadd.s32 $0xFFFFC000  }
0xb2: {  	[spmem:s2] =	stream.indirect.scatter.add.f32 [tilespmem:s18], [sflag:$0x1], $0x80, s0, s20, $0xb8;
	[tilespmem:$0x18800] =	vst v63  }
0xb3: {  	_ =	swait.ge [sflag:s19], $0x4000  }
0xb4: {  	[sflag:s19] =	ssyncset.done $0x0  }
0xb5: {  	[sflag:s19] =	ssyncadd.s32 $0xFFFFC000  }
0xb6: {  	[spmem:s2] =	stream.indirect.scatter.add.f32 [tilespmem:s18], [sflag:$0x1], $0x80, s1, s20, $0xb8;
	[tilespmem:$0x18800] =	vst v63  }
0xb7: {  	_ =	swait.ge [sflag:s19], $0x4000  }
0xb8: {  	[sflag:s19] =	ssyncset.done $0x0  }
0xb9: {  	[sflag:s19] =	ssyncadd.s32 $0xFFFFC000  }
0xba: {  	[spmem:s2] =	stream.indirect.scatter.add.f32 [tilespmem:s18], [sflag:$0x1], $0x80, s4, s20, $0xb8;
	[tilespmem:$0x18800] =	vst v63  }
0xbb: {  	_ =	swait.ge [sflag:s19], $0x4000  }
.Ltmp0:
0xbc: {  	[sflag:s19] =	ssyncset.done $0x0;
	(pc) =	sbr.rel @p0 .LBB2_2-.Ltmp0, $4  }
0xbd: {  	[sflag:s19] =	ssyncadd.s32 $0xFFFFC000  }
0xbe: {  	[spmem:s2] =	stream.indirect.scatter.add.f32 [tilespmem:s18], [sflag:$0x1], $0x80, s5, s20, $0xb8;
	[tilespmem:$0x18800] =	vst v63  }
0xbf: {  	_ =	swait.ge [sflag:s19], $0x4000  }
0xc0: {  	s13 =	smov.u32 s14;
	[sflag:s19] =	ssyncset.done $0x0  }
0xc1: {  	s12 =	sadd.s32 s12, s17;
	[sflag:s19] =	ssyncadd.s32 $0xFFFFC000  }
0xc2: {  	[tilespmem:s3], [sflag:$0x1] =	stream.linear.gather [hbm4b:s12+s3], $0x800, $0x38;
	[tilespmem:$0x18800] =	vst v63  }
0xc3: {  	_ =	swait.ge [sflag:s19], $0x800  }
0xc4: {  	[sflag:s19] =	ssyncset.done $0x0  }
0xc5: {  	[sflag:s19] =	ssyncadd.s32 $0xFFFFF800  }
0xc6: {  	[spmem:s2] =	stream.indirect.scatter.add.f32 [tilespmem:s18], [sflag:$0x1], $0x80, s3, s20, $0xb8;
	[tilespmem:$0x18800] =	vst v63  }
0xc7: {  	_ =	swait.ge [sflag:s19], $0x4000  }
0xc8: {  	[sflag:s19] =	ssyncset.done $0x0  }
0xc9: {  	[sflag:s19] =	ssyncadd.s32 $0xFFFFC000  }
0xca: {  	[spmem:s2] =	stream.indirect.scatter.add.f32 [tilespmem:s18], [sflag:$0x1], $0x80, s20, s20, $0xb8;
	[tilespmem:$0x18800] =	vst v63  }
0xcb: {  	_ =	swait.ge [sflag:s19], $0x4000  }
0xcc: {  	[sflag:s19] =	ssyncset.done $0x0  }
0xcd: {  	[sflag:s19] =	ssyncadd.s32 $0xFFFFC000  }
0xce: {  	[spmem:s2] =	stream.indirect.scatter.add.f32 [tilespmem:s18], [sflag:$0x1], $0x80, s21, s20, $0xb8;
	[tilespmem:$0x18800] =	vst v63  }
0xcf: {  	_ =	swait.ge [sflag:s19], $0x4000  }
0xd0: {  	[sflag:s19] =	ssyncset.done $0x0  }
0xd1: {  	[sflag:s19] =	ssyncadd.s32 $0xFFFFC000  }
0xd2: {  	[spmem:s2] =	stream.indirect.scatter.add.f32 [tilespmem:s18], [sflag:$0x1], $0x80, s22, s20, $0xb8;
	[tilespmem:$0x18800] =	vst v63  }
0xd3: {  	_ =	swait.ge [sflag:s19], $0x4000  }
0xd4: {  	[sflag:s19] =	ssyncset.done $0x0  }
0xd5: {  	[sflag:s19] =	ssyncadd.s32 $0xFFFFC000  }
0xd6: {  	[spmem:s2] =	stream.indirect.scatter.add.f32 [tilespmem:s18], [sflag:$0x1], $0x80, s23, s20, $0xb8;
	[tilespmem:$0x18800] =	vst v63  }
0xd7: {  	_ =	swait.ge [sflag:s19], $0x4000  }
0xd8: {  	[sflag:s19] =	ssyncset.done $0x0  }
0xd9: {  	[sflag:s19] =	ssyncadd.s32 $0xFFFFC000  }
0xda: {  	[spmem:s2] =	stream.indirect.scatter.add.f32 [tilespmem:s18], [sflag:$0x1], $0x80, s24, s20, $0xb8;
	[tilespmem:$0x18800] =	vst v63  }
0xdb: {  	_ =	swait.ge [sflag:s19], $0x4000  }
0xdc: {  	[sflag:s19] =	ssyncset.done $0x0  }
0xdd: {  	[sflag:s19] =	ssyncadd.s32 $0xFFFFC000  }
0xde: {  	[spmem:s2] =	stream.indirect.scatter.add.f32 [tilespmem:s18], [sflag:$0x1], $0x80, s25, s20, $0xb8;
	[tilespmem:$0x18800] =	vst v63  }
0xdf: {  	_ =	swait.ge [sflag:s19], $0x4000  }
0xe0: {  	[sflag:s19] =	ssyncset.done $0x0  }
0xe1: {  	[sflag:s19] =	ssyncadd.s32 $0xFFFFC000  }
0xe2: {  	[spmem:s2] =	stream.indirect.scatter.add.f32 [tilespmem:s18], [sflag:$0x1], $0x80, s26, s20, $0xb8;
	[tilespmem:$0x18800] =	vst v63  }
0xe3: {  	_ =	swait.ge [sflag:s19], $0x4000  }
0xe4: {  	[sflag:s19] =	ssyncset.done $0x0  }
0xe5: {  	[sflag:s19] =	ssyncadd.s32 $0xFFFFC000  }
0xe6: {  	[spmem:s2] =	stream.indirect.scatter.add.f32 [tilespmem:s18], [sflag:$0x1], $0x80, s28, s20, $0xb8;
	[tilespmem:$0x18800] =	vst v63  }
0xe7: {  	_ =	swait.ge [sflag:s19], $0x4000  }
0xe8: {  	[sflag:s19] =	ssyncset.done $0x0  }
0xe9: {  	[sflag:s19] =	ssyncadd.s32 $0xFFFFC000  }
0xea: {  	[spmem:s2] =	stream.indirect.scatter.add.f32 [tilespmem:s18], [sflag:$0x1], $0x80, s29, s20, $0xb8;
	[tilespmem:$0x18800] =	vst v63  }
0xeb: {  	_ =	swait.ge [sflag:s19], $0x4000  }
0xec: {  	[sflag:s19] =	ssyncset.done $0x0  }
0xed: {  	[sflag:s19] =	ssyncadd.s32 $0xFFFFC000  }
0xee: {  	[spmem:s2] =	stream.indirect.scatter.add.f32 [tilespmem:s18], [sflag:$0x1], $0x80, s30, s20, $0xb8;
	[tilespmem:$0x18800] =	vst v63  }
0xef: {  	_ =	swait.ge [sflag:s19], $0x4000  }
0xf0: {  	[sflag:s19] =	ssyncset.done $0x0  }
0xf1: {  	[sflag:s19] =	ssyncadd.s32 $0xFFFFC000  }
0xf2: {  	[spmem:s2] =	stream.indirect.scatter.add.f32 [tilespmem:s18], [sflag:$0x1], $0x80, s31, s20, $0xb8;
	[tilespmem:$0x18800] =	vst v63  }
0xf3: {  	_ =	swait.ge [sflag:s19], $0x4000  }
0xf4: {  	[sflag:s19] =	ssyncset.done $0x0  }
0xf5: {  	[sflag:s19] =	ssyncadd.s32 $0xFFFFC000  }
0xf6: {  	[spmem:s2] =	stream.indirect.scatter.add.f32 [tilespmem:s18], [sflag:$0x1], $0x80, s0, s20, $0xb8;
	[tilespmem:$0x18800] =	vst v63  }
0xf7: {  	_ =	swait.ge [sflag:s19], $0x4000  }
0xf8: {  	[sflag:s19] =	ssyncset.done $0x0  }
0xf9: {  	[sflag:s19] =	ssyncadd.s32 $0xFFFFC000  }
0xfa: {  	[spmem:s2] =	stream.indirect.scatter.add.f32 [tilespmem:s18], [sflag:$0x1], $0x80, s1, s20, $0xb8;
	[tilespmem:$0x18800] =	vst v63  }
0xfb: {  	_ =	swait.ge [sflag:s19], $0x4000  }
0xfc: {  	[sflag:s19] =	ssyncset.done $0x0  }
0xfd: {  	[sflag:s19] =	ssyncadd.s32 $0xFFFFC000  }
0xfe: {  	[spmem:s2] =	stream.indirect.scatter.add.f32 [tilespmem:s18], [sflag:$0x1], $0x80, s4, s20, $0xb8;
	[tilespmem:$0x18800] =	vst v63  }
0xff: {  	_ =	swait.ge [sflag:s19], $0x4000  }
0x100: {  	[sflag:s19] =	ssyncset.done $0x0  }
0x101: {  	[sflag:s19] =	ssyncadd.s32 $0xFFFFC000  }
0x102: {  	[spmem:s2] =	stream.indirect.scatter.add.f32 [tilespmem:s18], [sflag:$0x1], $0x80, s5, s20, $0xb8;
	[tilespmem:$0x18800] =	vst v63  }
0x103: {  	_ =	swait.ge [sflag:s19], $0x4000  }
0x104: {  	[sflag:s19] =	ssyncset.done $0x0  }
0x105: {  	[sflag:s19] =	ssyncadd.s32 $0xFFFFC000  }
0x106: {  	[bflag:$0x0] =	sbarrier.arrive $0xFFFF  }
0x107: {  	[tilespmem:s18], [sflag:$0x1] =	stream.linear.gather [spmem:s6], $0x4000, $0x38;
	[tilespmem:$0x18800] =	vst v63  }
0x108: {  	_ =	swait.ge [sflag:s19], $0x4000  }
0x109: {  	[sflag:s19] =	ssyncset.done $0x0  }
0x10a: {  	s14 =	rddreg [dreg:$0x6];
	[sflag:s19] =	ssyncadd.s32 $0xFFFFC000  }
0x10b: {  	[hbm4b:s14+s3] =	stream.linear.scatter [tilespmem:s18], [sflag:$0x1], $0x4000, $0x38;
	[tilespmem:$0x18800] =	vst v63  }
0x10c: {  	_ =	swait.ge [sflag:s19], $0x4000  }
0x10d: {  	[sflag:s19] =	ssyncset.done $0x0  }
0x10e: {  	[sflag:s19] =	ssyncadd.s32 $0xFFFFC000  }
0x10f: {  	[tilespmem:s18], [sflag:$0x1] =	stream.linear.gather [spmem:s7], $0x4000, $0x38;
	[tilespmem:$0x18800] =	vst v63  }
0x110: {  	_ =	swait.ge [sflag:s19], $0x4000  }
0x111: {  	[sflag:s19] =	ssyncset.done $0x0  }
0x112: {  	s15 =	rddreg [dreg:$0x7];
	[sflag:s19] =	ssyncadd.s32 $0xFFFFC000  }
0x113: {  	[hbm4b:s15+s3] =	stream.linear.scatter [tilespmem:s18], [sflag:$0x1], $0x4000, $0x38;
	[tilespmem:$0x18800] =	vst v63  }
0x114: {  	_ =	swait.ge [sflag:s19], $0x4000  }
0x115: {  	[sflag:s19] =	ssyncset.done $0x0  }
0x116: {  	[sflag:s19] =	ssyncadd.s32 $0xFFFFC000  }
0x117: {  	[tilespmem:s18], [sflag:$0x1] =	stream.linear.gather [spmem:s8], $0x4000, $0x38;
	[tilespmem:$0x18800] =	vst v63  }
0x118: {  	_ =	swait.ge [sflag:s19], $0x4000  }
0x119: {  	[sflag:s19] =	ssyncset.done $0x0  }
0x11a: {  	s13 =	rddreg [dreg:$0x8];
	[sflag:s19] =	ssyncadd.s32 $0xFFFFC000  }
0x11b: {  	[hbm4b:s13+s3] =	stream.linear.scatter [tilespmem:s18], [sflag:$0x1], $0x4000, $0x38;
	[tilespmem:$0x18800] =	vst v63  }
0x11c: {  	_ =	swait.ge [sflag:s19], $0x4000  }
0x11d: {  	[sflag:s19] =	ssyncset.done $0x0  }
0x11e: {  	[sflag:s19] =	ssyncadd.s32 $0xFFFFC000  }
0x11f: {  	[tilespmem:s18], [sflag:$0x1] =	stream.linear.gather [spmem:s9], $0x4000, $0x38;
	[tilespmem:$0x18800] =	vst v63  }
0x120: {  	_ =	swait.ge [sflag:s19], $0x4000  }
0x121: {  	[sflag:s19] =	ssyncset.done $0x0  }
0x122: {  	s14 =	rddreg [dreg:$0x9];
	[sflag:s19] =	ssyncadd.s32 $0xFFFFC000  }
0x123: {  	[hbm4b:s14+s3] =	stream.linear.scatter [tilespmem:s18], [sflag:$0x1], $0x4000, $0x38;
	[tilespmem:$0x18800] =	vst v63  }
0x124: {  	_ =	swait.ge [sflag:s19], $0x4000  }
0x125: {  	[sflag:s19] =	ssyncset.done $0x0  }
0x126: {  	[sflag:s19] =	ssyncadd.s32 $0xFFFFC000  }
0x127: {  	[tilespmem:s18], [sflag:$0x1] =	stream.linear.gather [spmem:s10], $0x4000, $0x38;
	[tilespmem:$0x18800] =	vst v63  }
0x128: {  	s11 =	sadd.s32 $0x1, s11;
	_ =	swait.ge [sflag:s19], $0x4000  }
0x129: {  	p0 =	sne.s32 s11, s16;
	[sflag:s19] =	ssyncset.done $0x0  }
.Ltmp1:
0x12a: {  	s15 =	rddreg [dreg:$0xa];
	[sflag:s19] =	ssyncadd.s32 $0xFFFFC000;
	(pc) =	sbr.rel @p0 .LBB2_1-.Ltmp1, $4  }
0x12b: {  	[hbm4b:s15+s3] =	stream.linear.scatter [tilespmem:s18], [sflag:$0x1], $0x4000, $0x38;
	[tilespmem:$0x18800] =	vst v63  }
0x12c: {  	_ =	swait.ge [sflag:s19], $0x4000  }
0x12d: {  	[sflag:s19] =	ssyncset.done $0x0  }
0x12e: {  	[sflag:s19] =	ssyncadd.s32 $0xFFFFC000  }
0x12f: {  	_ =	sfence.sel $0x180000  }
0x130: {  	[bflag:$0x0] =	sbarrier.arrive $0xFFFF  }
0x131: {  	_ =	strace $0x9000004A  }
0x132: {  	s0 =	stileid.u32;
	[bflag:$0x2] =	sbarrier.arrive $0xFFFF  }
0x133: {  	p0 =	sne.s32 s0, $0x0;
	s0 =	rddreg [dreg:$0x3]  }
0x134: {  	s0 =	sadd.s32 @!p0 $0x100000, s0  }
0x135: {  	[sflag:s0] =	ssyncadd.tile.s32 @!p0 $0x1;
	_ =	shalt  }
.Lfunc_end2:
_tile_overlayer_lowered:
.L_overlay_start_2:
0x136: {  	(tag) =	ssettag $0x2  }
0x137: {  	s0 =	rddreg [dreg:$0x0];
	s2 =	stileid.u32  }
0x138: {  	s1 =	rddreg [dreg:$0x1];
	p0 =	sne.s32 s2, $0x0  }
0x139: {  	s3 =	rddreg [dreg:$0x2];
	[bflag:$0x3] =	sbarrier.arrive $0xFFFF;
	s2 =	simm.s32 @!p0 $0x1C01  }
0x13a: {  	[timem:s3], [sflag:s2] =	dma.local @!p0 [hbm:s0], s1  }
0x13b: {  	s0 =	simm.s32 @!p0 $0x1  }
0x13c: {  	_ =	swait.ge @!p0 [sflag:s0], s1  }
0x13d: {  	s1 =	ssub.s32 @!p0 $0x0, s1;
	[sflag:s0] =	ssyncset.done @!p0 $0x0  }
0x13e: {  	[sflag:s0] =	ssyncadd.s32 @!p0 s1  }
0x13f: {  	[bflag:$0x3] =	sbarrier.arrive $0xFFFF  }
0x140: {  	_ =	shalt  }

</sc_bundles>
